<compile_context>
chip_gen: v7x
topology: tpu7x:2x2x1
jax: 0.10.2.dev20260603
libtpu: 0.0.44.dev20260713+nightly
codegen_flags: <defaults>
</compile_context>

<pallas_src>
import numpy as np
import jax
import jax.numpy as jnp
from jax import lax
from jax.experimental import pallas as pl
from jax.experimental.pallas import tpu as pltpu
from jax.experimental.pallas import tpu_sc as plsc

NC = 2
NS = 16
NWORK = NC * NS
WVE = 200
FH = 64

_SC_PARAMS = pltpu.CompilerParams(use_tc_tiling_on_sc=False)
_BN_K = float(1.0 / np.sqrt(1.0 + 1e-5))


def _segsum_sc(feat, src3, dst3, n_nodes, with_deg):
  dt = feat.dtype
  VL = 32 if dt == jnp.bfloat16 else 16
  F = feat.shape[1]
  NWIN = src3.shape[-2]
  ZCH = n_nodes // NS

  out_types = [jax.ShapeDtypeStruct((NC, n_nodes, F), dt)]
  if with_deg:
    out_types.append(jax.ShapeDtypeStruct((NC, n_nodes), jnp.float32))

  scratch = [
      pltpu.VMEM((NWIN, WVE), jnp.int32),
      pltpu.VMEM((NWIN, WVE), jnp.int32),
      pltpu.VMEM((WVE, F), dt),
      pltpu.VMEM((WVE, F), dt),
      pltpu.VMEM((WVE, F), dt),
      pltpu.VMEM((WVE, F), dt),
      pltpu.VMEM_SHARED((n_nodes, F), dt),
      pltpu.SemaphoreType.DMA,
      pltpu.SemaphoreType.DMA,
  ]
  DCH = 640
  if with_deg:
    scratch.append(pltpu.VMEM((DCH,), jnp.float32))
    scratch.append(pltpu.VMEM_SHARED((n_nodes,), jnp.float32))

  mesh = plsc.VectorSubcoreMesh(core_axis_name="c", subcore_axis_name="s")

  def body(feat_hbm, src_hbm, dst_hbm, *rest):
    if with_deg:
      (out_hbm, deg_hbm, src_v, dst_v, buf0, buf1, buf2, buf3, acc, gsem,
       ssem, ones_v, dacc) = rest
    else:
      out_hbm, src_v, dst_v, buf0, buf1, buf2, buf3, acc, gsem, ssem = rest
    bufs = (buf0, buf1, buf2, buf3)
    cid = lax.axis_index("c")
    tid = lax.axis_index("s")

    wid = tid * NC + cid
    pltpu.sync_copy(src_hbm.at[wid], src_v)
    pltpu.sync_copy(dst_hbm.at[wid], dst_v)

    @pl.loop(0, WVE)
    def _(r):
      for cc in range(F // VL):
        buf0[r, pl.ds(cc * VL, VL)] = jnp.zeros((VL,), dt)

    base = tid * ZCH
    nfull, rem = ZCH // WVE, ZCH % WVE
    for k in range(nfull):
      pltpu.sync_copy(buf0, acc.at[pl.ds(base + k * WVE, WVE)])
    if rem:
      pltpu.sync_copy(buf0.at[pl.ds(0, rem)],
                      acc.at[pl.ds(base + nfull * WVE, rem)])

    if with_deg:
      dlast = n_nodes - (NS - 1) * DCH

      @pl.loop(0, DCH // 16)
      def _(r):
        ones_v[pl.ds(r * 16, 16)] = jnp.zeros((16,), jnp.float32)

      @pl.when(tid < NS - 1)
      def _():
        pltpu.sync_copy(ones_v, dacc.at[pl.ds(tid * DCH, DCH)])

      @pl.when(tid == NS - 1)
      def _():
        pltpu.sync_copy(ones_v.at[pl.ds(0, dlast)],
                        dacc.at[pl.ds((NS - 1) * DCH, dlast)])

      @pl.loop(0, DCH // 16)
      def _(r):
        ones_v[pl.ds(r * 16, 16)] = jnp.ones((16,), jnp.float32)

    plsc.subcore_barrier()

    def gstart(w, b):
      pltpu.async_copy(feat_hbm.at[src_v.at[w]], bufs[b], gsem)

    def gwait(b):
      pltpu.make_async_copy(feat_hbm.at[src_v.at[0]], bufs[b], gsem).wait()

    def sstart(w, b):
      pltpu.async_copy(bufs[b], acc.at[dst_v.at[w]], ssem, add=True)
      if with_deg:
        pltpu.sync_copy(ones_v.at[pl.ds(0, WVE)], dacc.at[dst_v.at[w]],
                        add=True)

    def swait(b):
      pltpu.make_async_copy(bufs[b], acc.at[dst_v.at[0]], ssem).wait()

    assert NWIN >= 8
    K = (NWIN - 8) // 4
    post0 = 4 + 4 * K

    gstart(0, 0)
    gstart(1, 1)
    for w in range(4):
      b = w % 4
      gwait(b)
      if w >= 2:
        swait(w - 2)
      sstart(w, b)
      gstart(w + 2, (w + 2) % 4)

    @pl.loop(4, post0, step=4)
    def _(j):
      for u in range(4):
        gwait(u)
        swait((u + 2) % 4)
        sstart(j + u, u)
        gstart(j + u + 2, (u + 2) % 4)

    for w in range(post0, NWIN):
      b = w % 4
      gwait(b)
      swait((w - 2) % 4)
      sstart(w, b)
      if w + 2 < NWIN:
        gstart(w + 2, (w + 2) % 4)
    swait((NWIN - 2) % 4)
    swait((NWIN - 1) % 4)

    plsc.subcore_barrier()

    pltpu.sync_copy(acc.at[pl.ds(base, ZCH)],
                    out_hbm.at[cid, pl.ds(base, ZCH)])
    if with_deg:
      @pl.when(tid == 0)
      def _():
        pltpu.sync_copy(dacc, deg_hbm.at[cid])

  k = pl.kernel(body, out_type=tuple(out_types), mesh=mesh,
                scratch_types=scratch, compiler_params=_SC_PARAMS)
  res = k(feat, src3, dst3)
  return res if with_deg else (res[0],)


def _tc_l0_pre(x, plm, ws, b, g, bb, BR=1000):
  n, F = x.shape

  def body(xr, pr, wsr, br, gr, bbr, outr):
    f32 = jnp.float32
    t = (jnp.dot(xr[...].astype(f32), wsr[...], preferred_element_type=f32)
         + br[...])
    outr[...] = ((t + pr[...]) * gr[...] * _BN_K + 2.0 * bbr[...])

  return pl.pallas_call(
      body, grid=(n // BR,),
      in_specs=[
          pl.BlockSpec((BR, F), lambda i: (i, 0)),
          pl.BlockSpec((BR, F), lambda i: (i, 0)),
          pl.BlockSpec((F, F), lambda i: (0, 0)),
          pl.BlockSpec((1, F), lambda i: (0, 0)),
          pl.BlockSpec((1, F), lambda i: (0, 0)),
          pl.BlockSpec((1, F), lambda i: (0, 0)),
      ],
      out_specs=pl.BlockSpec((BR, F), lambda i: (i, 0)),
      out_shape=jax.ShapeDtypeStruct((n, F), jnp.float32),
  )(x, plm, ws, b, g, bb)


def _tc_l0_post(u, p, dg, wn, g, BR=1000):
  n, F = u.shape

  def body(ur, ppr, dgr, wnr, gr, outr):
    f32 = jnp.float32
    dm = jnp.maximum(dgr[0] + dgr[1], 1.0)
    pm = (ppr[0].astype(f32) + ppr[1].astype(f32)) / dm
    v = jnp.dot(pm, wnr[...], preferred_element_type=f32) * gr[...] * _BN_K
    outr[...] = jnp.maximum(ur[...] + v, 0.0).astype(outr.dtype)

  return pl.pallas_call(
      body, grid=(n // BR,),
      in_specs=[
          pl.BlockSpec((BR, F), lambda i: (i, 0)),
          pl.BlockSpec((NC, BR, F), lambda i: (0, i, 0)),
          pl.BlockSpec((NC, BR, 1), lambda i: (0, i, 0)),
          pl.BlockSpec((F, F), lambda i: (0, 0)),
          pl.BlockSpec((1, F), lambda i: (0, 0)),
      ],
      out_specs=pl.BlockSpec((BR, F), lambda i: (i, 0)),
      out_shape=jax.ShapeDtypeStruct((n, F), jnp.bfloat16),
  )(u, p, dg, wn, g)


def _tc_layer01(x, plm, p, dg, ws, wn, b, g, bb, BR=1000):
  n, F = x.shape
  Fo = ws.shape[1]
  have_plm = plm is not None

  def body(*refs):
    if have_plm:
      xr, pr, ppr, dgr, wsr, wnr, br, gr, bbr, outr = refs
    else:
      xr, ppr, dgr, wsr, wnr, br, gr, bbr, outr = refs
    f32 = jnp.float32
    dm = jnp.maximum(dgr[0] + dgr[1], 1.0)
    pm = (ppr[0].astype(f32) + ppr[1].astype(f32)) / dm
    t = (jnp.dot(xr[...].astype(f32), wsr[...], preferred_element_type=f32)
         + jnp.dot(pm, wnr[...], preferred_element_type=f32)
         + br[...])
    t = t * gr[...] * _BN_K + bbr[...]
    if have_plm:
      t = t + pr[...] * gr[...] * _BN_K + bbr[...]
    outr[...] = jnp.maximum(t, 0.0).astype(outr.dtype)

  in_specs = [pl.BlockSpec((BR, F), lambda i: (i, 0))]
  if have_plm:
    in_specs.append(pl.BlockSpec((BR, F), lambda i: (i, 0)))
  in_specs += [
      pl.BlockSpec((NC, BR, F), lambda i: (0, i, 0)),
      pl.BlockSpec((NC, BR, 1), lambda i: (0, i, 0)),
      pl.BlockSpec((F, Fo), lambda i: (0, 0)),
      pl.BlockSpec((F, Fo), lambda i: (0, 0)),
      pl.BlockSpec((1, Fo), lambda i: (0, 0)),
      pl.BlockSpec((1, Fo), lambda i: (0, 0)),
      pl.BlockSpec((1, Fo), lambda i: (0, 0)),
  ]
  args = [x] + ([plm] if have_plm else []) + [p, dg, ws, wn, b, g, bb]
  return pl.pallas_call(
      body, grid=(n // BR,), in_specs=in_specs,
      out_specs=pl.BlockSpec((BR, Fo), lambda i: (i, 0)),
      out_shape=jax.ShapeDtypeStruct((n, Fo), x.dtype),
  )(*args)


def _tc_layer12a(x, p, dg, ws, wn, b, g, bb, wsp, wnp, bp, BR=1000):
  n, F = x.shape
  Fo = wsp.shape[1]

  def body(xr, ppr, dgr, wsr, wnr, br, gr, bbr, wspr, wnpr, bpr, sr, yr):
    f32 = jnp.float32
    dm = jnp.maximum(dgr[0] + dgr[1], 1.0)
    pm = (ppr[0].astype(f32) + ppr[1].astype(f32)) / dm
    t = (jnp.dot(xr[...].astype(f32), wsr[...], preferred_element_type=f32)
         + jnp.dot(pm, wnr[...], preferred_element_type=f32)
         + br[...])
    h2 = jnp.maximum(t * gr[...] * _BN_K + bbr[...], 0.0)
    sr[...] = (jnp.dot(h2, wspr[...], preferred_element_type=f32) + bpr[...])
    yr[...] = jnp.dot(h2, wnpr[...],
                      preferred_element_type=f32).astype(yr.dtype)

  full = lambda shape: pl.BlockSpec(shape, lambda i: tuple(0 for _ in shape))
  return pl.pallas_call(
      body, grid=(n // BR,),
      in_specs=[
          pl.BlockSpec((BR, F), lambda i: (i, 0)),
          pl.BlockSpec((NC, BR, F), lambda i: (0, i, 0)),
          pl.BlockSpec((NC, BR, 1), lambda i: (0, i, 0)),
          full((F, F)), full((F, F)), full((1, F)), full((1, F)),
          full((1, F)), full((F, Fo)), full((F, Fo)), full((1, Fo)),
      ],
      out_specs=[pl.BlockSpec((BR, Fo), lambda i: (i, 0)),
                 pl.BlockSpec((BR, Fo), lambda i: (i, 0))],
      out_shape=[jax.ShapeDtypeStruct((n, Fo), jnp.float32),
                 jax.ShapeDtypeStruct((n, Fo), x.dtype)],
  )(x, p, dg, ws, wn, b, g, bb, wsp, wnp, bp)


def _tc_layer2b(s, p, dg, BR=1000):
  n, Fo = s.shape

  def body(sr, ppr, dgr, outr):
    dm = jnp.maximum(dgr[0] + dgr[1], 1.0)
    outr[...] = sr[...] + (ppr[0].astype(jnp.float32)
                           + ppr[1].astype(jnp.float32)) / dm

  return pl.pallas_call(
      body, grid=(n // BR,),
      in_specs=[
          pl.BlockSpec((BR, Fo), lambda i: (i, 0)),
          pl.BlockSpec((NC, BR, Fo), lambda i: (0, i, 0)),
          pl.BlockSpec((NC, BR, 1), lambda i: (0, i, 0)),
      ],
      out_specs=pl.BlockSpec((BR, Fo), lambda i: (i, 0)),
      out_shape=jax.ShapeDtypeStruct((n, Fo), jnp.float32),
  )(s, p, dg)


def kernel(edge_index, LLM_feat, PLM_feat, W_self0, W_neigh0, b0,
           W_self1, W_neigh1, b1, W_self2, W_neigh2, b2,
           bn0_g, bn0_b, bn1_g, bn1_b):
  n, D = LLM_feat.shape
  E = edge_index.shape[1]
  C = W_self2.shape[1]
  EPW = E // NWORK
  NWIN = EPW // WVE
  assert E == NWORK * NWIN * WVE and n % NS == 0

  src1 = edge_index[0].astype(jnp.int32).reshape(NWORK, NWIN, WVE)
  dst1 = edge_index[1].astype(jnp.int32).reshape(NWORK, NWIN, WVE)

  row = lambda v: v.reshape(1, -1)

  llm_b = LLM_feat.astype(jnp.bfloat16)
  P0, Dg = _segsum_sc(llm_b, src1, dst1, n, True)
  dgc = Dg.reshape(NC, n, 1)
  U = _tc_l0_pre(llm_b, PLM_feat, W_self0, row(b0), row(bn0_g), row(bn0_b))
  h1 = _tc_l0_post(U, P0, dgc, W_neigh0, row(bn0_g))
  (P1,) = _segsum_sc(h1, src1, dst1, n, False)
  S, Y = _tc_layer12a(h1, P1, dgc, W_self1, W_neigh1,
                      row(b1), row(bn1_g), row(bn1_b),
                      jnp.pad(W_self2, ((0, 0), (0, FH - C))),
                      jnp.pad(W_neigh2, ((0, 0), (0, FH - C))),
                      row(jnp.pad(b2, (0, FH - C))))
  (P2,) = _segsum_sc(Y, src1, dst1, n, False)
  out64 = _tc_layer2b(S, P2, dgc)
  return out64[:, :C]

# --- scband reference (transcript-rebuilt; emitter-appended) ---
"""Pipeline reference for scband-lpsage-26113401160265 (READ-ONLY COPY).

The authoritative reference and input builder live on the scoring server;
editing this copy changes nothing except your own understanding.
"""

import jax, jax.numpy as jnp
import numpy as np

N = 10000
E = 320000
D = 128
H = 128
C = 40


def setup_inputs(seed: int = 0) -> dict:
    key = jax.random.key(seed)
    ks = jax.random.split(key, 12)

    def nrm(k, shape, scale=1.0):
        return jax.random.normal(k, shape, dtype=jnp.float32) * scale

    s = 1.0 / np.sqrt(D)
    sh = 1.0 / np.sqrt(H)
    return {
        "edge_index": jax.random.randint(ks[0], (2, E), 0, N),
        "LLM_feat": nrm(ks[1], (N, D)),
        "PLM_feat": nrm(ks[2], (N, D)),
        "W_self0": nrm(ks[3], (D, D), s),
        "W_neigh0": nrm(ks[4], (D, D), s),
        "b0": jnp.zeros((D,), jnp.float32),
        "W_self1": nrm(ks[5], (D, H), s),
        "W_neigh1": nrm(ks[6], (D, H), s),
        "b1": jnp.zeros((H,), jnp.float32),
        "W_self2": nrm(ks[7], (H, C), sh),
        "W_neigh2": nrm(ks[8], (H, C), sh),
        "b2": jnp.zeros((C,), jnp.float32),
        "bn0_g": jnp.ones((D,), jnp.float32),
        "bn0_b": jnp.zeros((D,), jnp.float32),
        "bn1_g": jnp.ones((H,), jnp.float32),
        "bn1_b": jnp.zeros((H,), jnp.float32),
    }


def _sage(h, src, dst, Ws, Wn, b):
    # DGL SAGEConv, aggregator_type='mean':
    # rst = fc_self(h_dst) + fc_neigh(mean_{src->dst} h_src) + bias
    msg = jnp.take(h, src, axis=0)
    agg = jax.ops.segment_sum(msg, dst, num_segments=N)
    deg = jax.ops.segment_sum(jnp.ones((src.shape[0], 1), h.dtype), dst, num_segments=N)
    h_neigh = agg / jnp.maximum(deg, 1.0)
    return h @ Ws + h_neigh @ Wn + b


def _bn(x, g, b):
    # BatchNorm1d in eval mode with running_mean=0, running_var=1, eps=1e-5
    return x * (g / jnp.sqrt(1.0 + 1e-5)) + b


def reference(edge_index, LLM_feat, PLM_feat, W_self0, W_neigh0, b0,
              W_self1, W_neigh1, b1, W_self2, W_neigh2, b2,
              bn0_g, bn0_b, bn1_g, bn1_b):
    src = edge_index[0]
    dst = edge_index[1]
    # layer 0: in_LLM_feats -> in_PLM_feats
    h = _sage(LLM_feat, src, dst, W_self0, W_neigh0, b0)
    h = _bn(h, bn0_g, bn0_b)
    h = h + _bn(PLM_feat, bn0_g, bn0_b)
    h = jax.nn.relu(h)
    # dropout is identity in eval mode
    # layer 1: in_PLM_feats -> n_hidden
    h = _sage(h, src, dst, W_self1, W_neigh1, b1)
    h = _bn(h, bn1_g, bn1_b)
    h = jax.nn.relu(h)
    # layer 2: n_hidden -> n_classes
    h = _sage(h, src, dst, W_self2, W_neigh2, b2)
    return h

if __name__ == "__main__":
    import jax
    _d = setup_inputs()
    print(jax.jit(kernel)(*tuple(_d.values())))

</pallas_src>

<mosaic_0001>
#map = affine_map<(d0, d1) -> (0, 0)>
#map1 = affine_map<(d0, d1) -> (0, 0, 0)>
module attributes {stable_mosaic.version = 14 : i64} {
  func.func @body(%arg0: i32, %arg1: i32, %arg2: memref<10000x64xbf16, #tpu.memory_space<hbm>>, %arg3: memref<32x50x200xi32, #tpu.memory_space<hbm>>, %arg4: memref<32x50x200xi32, #tpu.memory_space<hbm>>, %arg5: memref<2x10000x64xbf16, #tpu.memory_space<hbm>>, %arg6: memref<50x200xi32, #tpu.memory_space<vmem>>, %arg7: memref<50x200xi32, #tpu.memory_space<vmem>>, %arg8: memref<200x64xbf16, #tpu.memory_space<vmem>>, %arg9: memref<200x64xbf16, #tpu.memory_space<vmem>>, %arg10: memref<200x64xbf16, #tpu.memory_space<vmem>>, %arg11: memref<200x64xbf16, #tpu.memory_space<vmem>>, %arg12: memref<10000x64xbf16, #tpu.memory_space<vmem_shared>>, %arg13: memref<!tpu.dma_semaphore, #tpu.memory_space<semaphore_mem>>, %arg14: memref<!tpu.dma_semaphore, #tpu.memory_space<semaphore_mem>>) attributes {dimension_semantics = [#tpu.dimension_semantics<core_parallel>, #tpu.dimension_semantics<subcore_parallel>], iteration_bounds = array<i64: 2, 16>, scalar_prefetch = 0 : i64, scratch_operands = 9 : i64, tpu.core_type = #tpu.core_type<sc_vector_subcore>, window_params = [{transform_indices = #map}, {transform_indices = #map1}, {transform_indices = #map1}, {transform_indices = #map1}]} {
    %mul3A = arith.constant 2 : i32
    %mul3A_0 = arith.muli %arg1, %mul3A : i32
    %add3A = arith.addi %mul3A_0, %arg0 : i32
    "tpu.region"() ({
      %run_scoped3A = tpu.sem_alloc : memref<!tpu.dma_semaphore, #tpu.memory_space<semaphore_mem>>
      %dma_start3A_299 = arith.constant 0 : i32
      %dma_start3A_300 = arith.constant 0 : i32
      %dma_start3A_301 = tpu.memref_slice %arg3[%add3A, %dma_start3A_299, %dma_start3A_300] : memref<32x50x200xi32, #tpu.memory_space<hbm>> -> memref<1x50x200xi32, #tpu.memory_space<hbm>>
      %dma_start3A_302 = tpu.memref_squeeze %dma_start3A_301 : memref<1x50x200xi32, #tpu.memory_space<hbm>> -> memref<50x200xi32, #tpu.memory_space<hbm>>
      %dma_start3A_303 = arith.constant 0 : i32
      %dma_start3A_304 = arith.constant 0 : i32
      %dma_start3A_305 = tpu.memref_slice %arg3[%add3A, %dma_start3A_303, %dma_start3A_304] : memref<32x50x200xi32, #tpu.memory_space<hbm>> -> memref<1x50x200xi32, #tpu.memory_space<hbm>>
      %dma_start3A_306 = tpu.memref_squeeze %dma_start3A_305 : memref<1x50x200xi32, #tpu.memory_space<hbm>> -> memref<50x200xi32, #tpu.memory_space<hbm>>
      tpu.enqueue_dma source(%dma_start3A_306 : memref<50x200xi32, #tpu.memory_space<hbm>>) target(%arg6 : memref<50x200xi32, #tpu.memory_space<vmem>>) target_semaphore(%run_scoped3A : memref<!tpu.dma_semaphore, #tpu.memory_space<semaphore_mem>>)
      %dma_wait3A_307 = arith.constant 0 : i32
      %dma_wait3A_308 = arith.constant 0 : i32
      %dma_wait3A_309 = tpu.memref_slice %arg3[%add3A, %dma_wait3A_307, %dma_wait3A_308] : memref<32x50x200xi32, #tpu.memory_space<hbm>> -> memref<1x50x200xi32, #tpu.memory_space<hbm>>
      %dma_wait3A_310 = tpu.memref_squeeze %dma_wait3A_309 : memref<1x50x200xi32, #tpu.memory_space<hbm>> -> memref<50x200xi32, #tpu.memory_space<hbm>>
      %dma_wait3A_311 = arith.constant 0 : i32
      %dma_wait3A_312 = arith.constant 0 : i32
      %dma_wait3A_313 = tpu.memref_slice %arg3[%add3A, %dma_wait3A_311, %dma_wait3A_312] : memref<32x50x200xi32, #tpu.memory_space<hbm>> -> memref<1x50x200xi32, #tpu.memory_space<hbm>>
      %dma_wait3A_314 = tpu.memref_squeeze %dma_wait3A_313 : memref<1x50x200xi32, #tpu.memory_space<hbm>> -> memref<50x200xi32, #tpu.memory_space<hbm>>
      tpu.wait_dma2 semaphore(%run_scoped3A : memref<!tpu.dma_semaphore, #tpu.memory_space<semaphore_mem>>) src(%dma_wait3A_314 : memref<50x200xi32, #tpu.memory_space<hbm>>) dst(%arg6 : memref<50x200xi32, #tpu.memory_space<vmem>>)
      tpu.yield
    }) : () -> ()
    "tpu.region"() ({
      %run_scoped3A = tpu.sem_alloc : memref<!tpu.dma_semaphore, #tpu.memory_space<semaphore_mem>>
      %dma_start3A_299 = arith.constant 0 : i32
      %dma_start3A_300 = arith.constant 0 : i32
      %dma_start3A_301 = tpu.memref_slice %arg4[%add3A, %dma_start3A_299, %dma_start3A_300] : memref<32x50x200xi32, #tpu.memory_space<hbm>> -> memref<1x50x200xi32, #tpu.memory_space<hbm>>
      %dma_start3A_302 = tpu.memref_squeeze %dma_start3A_301 : memref<1x50x200xi32, #tpu.memory_space<hbm>> -> memref<50x200xi32, #tpu.memory_space<hbm>>
      %dma_start3A_303 = arith.constant 0 : i32
      %dma_start3A_304 = arith.constant 0 : i32
      %dma_start3A_305 = tpu.memref_slice %arg4[%add3A, %dma_start3A_303, %dma_start3A_304] : memref<32x50x200xi32, #tpu.memory_space<hbm>> -> memref<1x50x200xi32, #tpu.memory_space<hbm>>
      %dma_start3A_306 = tpu.memref_squeeze %dma_start3A_305 : memref<1x50x200xi32, #tpu.memory_space<hbm>> -> memref<50x200xi32, #tpu.memory_space<hbm>>
      tpu.enqueue_dma source(%dma_start3A_306 : memref<50x200xi32, #tpu.memory_space<hbm>>) target(%arg7 : memref<50x200xi32, #tpu.memory_space<vmem>>) target_semaphore(%run_scoped3A : memref<!tpu.dma_semaphore, #tpu.memory_space<semaphore_mem>>)
      %dma_wait3A_307 = arith.constant 0 : i32
      %dma_wait3A_308 = arith.constant 0 : i32
      %dma_wait3A_309 = tpu.memref_slice %arg4[%add3A, %dma_wait3A_307, %dma_wait3A_308] : memref<32x50x200xi32, #tpu.memory_space<hbm>> -> memref<1x50x200xi32, #tpu.memory_space<hbm>>
      %dma_wait3A_310 = tpu.memref_squeeze %dma_wait3A_309 : memref<1x50x200xi32, #tpu.memory_space<hbm>> -> memref<50x200xi32, #tpu.memory_space<hbm>>
      %dma_wait3A_311 = arith.constant 0 : i32
      %dma_wait3A_312 = arith.constant 0 : i32
      %dma_wait3A_313 = tpu.memref_slice %arg4[%add3A, %dma_wait3A_311, %dma_wait3A_312] : memref<32x50x200xi32, #tpu.memory_space<hbm>> -> memref<1x50x200xi32, #tpu.memory_space<hbm>>
      %dma_wait3A_314 = tpu.memref_squeeze %dma_wait3A_313 : memref<1x50x200xi32, #tpu.memory_space<hbm>> -> memref<50x200xi32, #tpu.memory_space<hbm>>
      tpu.wait_dma2 semaphore(%run_scoped3A : memref<!tpu.dma_semaphore, #tpu.memory_space<semaphore_mem>>) src(%dma_wait3A_314 : memref<50x200xi32, #tpu.memory_space<hbm>>) dst(%arg7 : memref<50x200xi32, #tpu.memory_space<vmem>>)
      tpu.yield
    }) : () -> ()
    %scan3A = arith.constant 0 : i32
    %scan3A_1 = arith.constant 200 : i32
    %scan3A_2 = arith.addi %scan3A, %scan3A_1 : i32
    %scan3A_3 = arith.constant 1 : i32
    scf.for %scan3A_299 = %scan3A to %scan3A_2 step %scan3A_3  : i32 {
      %mul3A_300 = arith.constant 1 : i32
      %mul3A_301 = arith.muli %scan3A_299, %mul3A_300 : i32
      %add3A_302 = arith.constant 0 : i32
      %add3A_303 = arith.addi %add3A_302, %mul3A_301 : i32
      %broadcast_in_dim3A = arith.constant 0.000000e+00 : bf16
      %broadcast_in_dim3A_304 = vector.broadcast %broadcast_in_dim3A : bf16 to vector<32xbf16>
      %swap3A = arith.index_cast %add3A_303 : i32 to index
      %swap3A_305 = arith.constant 0 : index
      %swap3A_306 = tpu.vector_load %arg8[%swap3A, %swap3A_305] {strides = array<i32>} : memref<200x64xbf16, #tpu.memory_space<vmem>>, vector<1x32xbf16>,
      %swap3A_307 = vector.shape_cast %swap3A_306 : vector<1x32xbf16> to vector<32xbf16>
      %swap3A_308 = vector.shape_cast %broadcast_in_dim3A_304 : vector<32xbf16> to vector<1x32xbf16>
      tpu.vector_store %arg8[%swap3A, %swap3A_305], %swap3A_308 {strides = array<i32>} : memref<200x64xbf16, #tpu.memory_space<vmem>>, vector<1x32xbf16>,
      %broadcast_in_dim3A_309 = arith.constant 0.000000e+00 : bf16
      %broadcast_in_dim3A_310 = vector.broadcast %broadcast_in_dim3A_309 : bf16 to vector<32xbf16>
      %swap3A_311 = arith.index_cast %add3A_303 : i32 to index
      %swap3A_312 = arith.constant 32 : index
      %swap3A_313 = tpu.vector_load %arg8[%swap3A_311, %swap3A_312] {strides = array<i32>} : memref<200x64xbf16, #tpu.memory_space<vmem>>, vector<1x32xbf16>,
      %swap3A_314 = vector.shape_cast %swap3A_313 : vector<1x32xbf16> to vector<32xbf16>
      %swap3A_315 = vector.shape_cast %broadcast_in_dim3A_310 : vector<32xbf16> to vector<1x32xbf16>
      tpu.vector_store %arg8[%swap3A_311, %swap3A_312], %swap3A_315 {strides = array<i32>} : memref<200x64xbf16, #tpu.memory_space<vmem>>, vector<1x32xbf16>,
    }
    %scan3A_4 = arith.constant 200 : i32
    %mul3A_5 = arith.constant 625 : i32
    %mul3A_6 = arith.muli %arg1, %mul3A_5 : i32
    %add3A_7 = arith.constant 0 : i32
    %add3A_8 = arith.addi %mul3A_6, %add3A_7 : i32
    "tpu.region"() ({
      %run_scoped3A = tpu.sem_alloc : memref<!tpu.dma_semaphore, #tpu.memory_space<semaphore_mem>>
      %dma_start3A_299 = arith.constant 0 : i32
      %dma_start3A_300 = tpu.memref_slice %arg12[%add3A_8, %dma_start3A_299] : memref<10000x64xbf16, #tpu.memory_space<vmem_shared>> -> memref<200x64xbf16, #tpu.memory_space<vmem_shared>>
      %dma_start3A_301 = arith.constant 0 : i32
      %dma_start3A_302 = tpu.memref_slice %arg12[%add3A_8, %dma_start3A_301] : memref<10000x64xbf16, #tpu.memory_space<vmem_shared>> -> memref<200x64xbf16, #tpu.memory_space<vmem_shared>>
      tpu.enqueue_dma source(%arg8 : memref<200x64xbf16, #tpu.memory_space<vmem>>) target(%dma_start3A_302 : memref<200x64xbf16, #tpu.memory_space<vmem_shared>>) target_semaphore(%run_scoped3A : memref<!tpu.dma_semaphore, #tpu.memory_space<semaphore_mem>>)
      %dma_wait3A_303 = arith.constant 0 : i32
      %dma_wait3A_304 = tpu.memref_slice %arg12[%add3A_8, %dma_wait3A_303] : memref<10000x64xbf16, #tpu.memory_space<vmem_shared>> -> memref<200x64xbf16, #tpu.memory_space<vmem_shared>>
      %dma_wait3A_305 = arith.constant 0 : i32
      %dma_wait3A_306 = tpu.memref_slice %arg12[%add3A_8, %dma_wait3A_305] : memref<10000x64xbf16, #tpu.memory_space<vmem_shared>> -> memref<200x64xbf16, #tpu.memory_space<vmem_shared>>
      tpu.wait_dma2 semaphore(%run_scoped3A : memref<!tpu.dma_semaphore, #tpu.memory_space<semaphore_mem>>) src(%arg8 : memref<200x64xbf16, #tpu.memory_space<vmem>>) dst(%dma_wait3A_306 : memref<200x64xbf16, #tpu.memory_space<vmem_shared>>)
      tpu.yield
    }) : () -> ()
    %add3A_9 = arith.constant 200 : i32
    %add3A_10 = arith.addi %mul3A_6, %add3A_9 : i32
    "tpu.region"() ({
      %run_scoped3A = tpu.sem_alloc : memref<!tpu.dma_semaphore, #tpu.memory_space<semaphore_mem>>
      %dma_start3A_299 = arith.constant 0 : i32
      %dma_start3A_300 = tpu.memref_slice %arg12[%add3A_10, %dma_start3A_299] : memref<10000x64xbf16, #tpu.memory_space<vmem_shared>> -> memref<200x64xbf16, #tpu.memory_space<vmem_shared>>
      %dma_start3A_301 = arith.constant 0 : i32
      %dma_start3A_302 = tpu.memref_slice %arg12[%add3A_10, %dma_start3A_301] : memref<10000x64xbf16, #tpu.memory_space<vmem_shared>> -> memref<200x64xbf16, #tpu.memory_space<vmem_shared>>
      tpu.enqueue_dma source(%arg8 : memref<200x64xbf16, #tpu.memory_space<vmem>>) target(%dma_start3A_302 : memref<200x64xbf16, #tpu.memory_space<vmem_shared>>) target_semaphore(%run_scoped3A : memref<!tpu.dma_semaphore, #tpu.memory_space<semaphore_mem>>)
      %dma_wait3A_303 = arith.constant 0 : i32
      %dma_wait3A_304 = tpu.memref_slice %arg12[%add3A_10, %dma_wait3A_303] : memref<10000x64xbf16, #tpu.memory_space<vmem_shared>> -> memref<200x64xbf16, #tpu.memory_space<vmem_shared>>
      %dma_wait3A_305 = arith.constant 0 : i32
      %dma_wait3A_306 = tpu.memref_slice %arg12[%add3A_10, %dma_wait3A_305] : memref<10000x64xbf16, #tpu.memory_space<vmem_shared>> -> memref<200x64xbf16, #tpu.memory_space<vmem_shared>>
      tpu.wait_dma2 semaphore(%run_scoped3A : memref<!tpu.dma_semaphore, #tpu.memory_space<semaphore_mem>>) src(%arg8 : memref<200x64xbf16, #tpu.memory_space<vmem>>) dst(%dma_wait3A_306 : memref<200x64xbf16, #tpu.memory_space<vmem_shared>>)
      tpu.yield
    }) : () -> ()
    %add3A_11 = arith.constant 400 : i32
    %add3A_12 = arith.addi %mul3A_6, %add3A_11 : i32
    "tpu.region"() ({
      %run_scoped3A = tpu.sem_alloc : memref<!tpu.dma_semaphore, #tpu.memory_space<semaphore_mem>>
      %dma_start3A_299 = arith.constant 0 : i32
      %dma_start3A_300 = tpu.memref_slice %arg12[%add3A_12, %dma_start3A_299] : memref<10000x64xbf16, #tpu.memory_space<vmem_shared>> -> memref<200x64xbf16, #tpu.memory_space<vmem_shared>>
      %dma_start3A_301 = arith.constant 0 : i32
      %dma_start3A_302 = tpu.memref_slice %arg12[%add3A_12, %dma_start3A_301] : memref<10000x64xbf16, #tpu.memory_space<vmem_shared>> -> memref<200x64xbf16, #tpu.memory_space<vmem_shared>>
      tpu.enqueue_dma source(%arg8 : memref<200x64xbf16, #tpu.memory_space<vmem>>) target(%dma_start3A_302 : memref<200x64xbf16, #tpu.memory_space<vmem_shared>>) target_semaphore(%run_scoped3A : memref<!tpu.dma_semaphore, #tpu.memory_space<semaphore_mem>>)
      %dma_wait3A_303 = arith.constant 0 : i32
      %dma_wait3A_304 = tpu.memref_slice %arg12[%add3A_12, %dma_wait3A_303] : memref<10000x64xbf16, #tpu.memory_space<vmem_shared>> -> memref<200x64xbf16, #tpu.memory_space<vmem_shared>>
      %dma_wait3A_305 = arith.constant 0 : i32
      %dma_wait3A_306 = tpu.memref_slice %arg12[%add3A_12, %dma_wait3A_305] : memref<10000x64xbf16, #tpu.memory_space<vmem_shared>> -> memref<200x64xbf16, #tpu.memory_space<vmem_shared>>
      tpu.wait_dma2 semaphore(%run_scoped3A : memref<!tpu.dma_semaphore, #tpu.memory_space<semaphore_mem>>) src(%arg8 : memref<200x64xbf16, #tpu.memory_space<vmem>>) dst(%dma_wait3A_306 : memref<200x64xbf16, #tpu.memory_space<vmem_shared>>)
      tpu.yield
    }) : () -> ()
    %add3A_13 = arith.constant 600 : i32
    %add3A_14 = arith.addi %mul3A_6, %add3A_13 : i32
    "tpu.region"() ({
      %run_scoped3A = tpu.sem_alloc : memref<!tpu.dma_semaphore, #tpu.memory_space<semaphore_mem>>
      %dma_start3A_299 = arith.constant 0 : i32
      %dma_start3A_300 = arith.constant 0 : i32
      %dma_start3A_301 = tpu.memref_slice %arg8[%dma_start3A_299, %dma_start3A_300] : memref<200x64xbf16, #tpu.memory_space<vmem>> -> memref<25x64xbf16, #tpu.memory_space<vmem>>
      %dma_start3A_302 = arith.constant 0 : i32
      %dma_start3A_303 = tpu.memref_slice %arg12[%add3A_14, %dma_start3A_302] : memref<10000x64xbf16, #tpu.memory_space<vmem_shared>> -> memref<25x64xbf16, #tpu.memory_space<vmem_shared>>
      %dma_start3A_304 = arith.constant 0 : i32
      %dma_start3A_305 = tpu.memref_slice %arg12[%add3A_14, %dma_start3A_304] : memref<10000x64xbf16, #tpu.memory_space<vmem_shared>> -> memref<25x64xbf16, #tpu.memory_space<vmem_shared>>
      %dma_start3A_306 = arith.constant 0 : i32
      %dma_start3A_307 = arith.constant 0 : i32
      %dma_start3A_308 = tpu.memref_slice %arg8[%dma_start3A_306, %dma_start3A_307] : memref<200x64xbf16, #tpu.memory_space<vmem>> -> memref<25x64xbf16, #tpu.memory_space<vmem>>
      tpu.enqueue_dma source(%dma_start3A_308 : memref<25x64xbf16, #tpu.memory_space<vmem>>) target(%dma_start3A_305 : memref<25x64xbf16, #tpu.memory_space<vmem_shared>>) target_semaphore(%run_scoped3A : memref<!tpu.dma_semaphore, #tpu.memory_space<semaphore_mem>>)
      %dma_wait3A_309 = arith.constant 0 : i32
      %dma_wait3A_310 = arith.constant 0 : i32
      %dma_wait3A_311 = tpu.memref_slice %arg8[%dma_wait3A_309, %dma_wait3A_310] : memref<200x64xbf16, #tpu.memory_space<vmem>> -> memref<25x64xbf16, #tpu.memory_space<vmem>>
      %dma_wait3A_312 = arith.constant 0 : i32
      %dma_wait3A_313 = tpu.memref_slice %arg12[%add3A_14, %dma_wait3A_312] : memref<10000x64xbf16, #tpu.memory_space<vmem_shared>> -> memref<25x64xbf16, #tpu.memory_space<vmem_shared>>
      %dma_wait3A_314 = arith.constant 0 : i32
      %dma_wait3A_315 = tpu.memref_slice %arg12[%add3A_14, %dma_wait3A_314] : memref<10000x64xbf16, #tpu.memory_space<vmem_shared>> -> memref<25x64xbf16, #tpu.memory_space<vmem_shared>>
      %dma_wait3A_316 = arith.constant 0 : i32
      %dma_wait3A_317 = arith.constant 0 : i32
      %dma_wait3A_318 = tpu.memref_slice %arg8[%dma_wait3A_316, %dma_wait3A_317] : memref<200x64xbf16, #tpu.memory_space<vmem>> -> memref<25x64xbf16, #tpu.memory_space<vmem>>
      tpu.wait_dma2 semaphore(%run_scoped3A : memref<!tpu.dma_semaphore, #tpu.memory_space<semaphore_mem>>) src(%dma_wait3A_318 : memref<25x64xbf16, #tpu.memory_space<vmem>>) dst(%dma_wait3A_315 : memref<25x64xbf16, #tpu.memory_space<vmem_shared>>)
      tpu.yield
    }) : () -> ()
    %barrier3A = arith.constant 0 : index
    tpu.barrier barrier_id(%barrier3A)
    %dma_start3A = arith.constant 0 : i32
    %dma_start3A_15 = arith.constant 0 : i32
    %dma_start3A_16 = tpu.memref_slice %arg6[%dma_start3A, %dma_start3A_15] : memref<50x200xi32, #tpu.memory_space<vmem>> -> memref<1x200xi32, #tpu.memory_space<vmem>>
    %dma_start3A_17 = tpu.memref_squeeze %dma_start3A_16 : memref<1x200xi32, #tpu.memory_space<vmem>> -> memref<200xi32, #tpu.memory_space<vmem>>
    %dma_start3A_18 = arith.constant 0 : i32
    %dma_start3A_19 = arith.constant 0 : i32
    %dma_start3A_20 = tpu.memref_slice %arg2[%dma_start3A_18, %dma_start3A_19] : memref<10000x64xbf16, #tpu.memory_space<hbm>> -> memref<10000x64xbf16, #tpu.memory_space<hbm>>
    tpu.enqueue_indirect_dma source(%dma_start3A_20 : memref<10000x64xbf16, #tpu.memory_space<hbm>>) target(%arg8 : memref<200x64xbf16, #tpu.memory_space<vmem>>) offsets(%dma_start3A_17 : memref<200xi32, #tpu.memory_space<vmem>>) semaphore(%arg13 : memref<!tpu.dma_semaphore, #tpu.memory_space<semaphore_mem>>)
    %dma_start3A_21 = arith.constant 1 : i32
    %dma_start3A_22 = arith.constant 0 : i32
    %dma_start3A_23 = tpu.memref_slice %arg6[%dma_start3A_21, %dma_start3A_22] : memref<50x200xi32, #tpu.memory_space<vmem>> -> memref<1x200xi32, #tpu.memory_space<vmem>>
    %dma_start3A_24 = tpu.memref_squeeze %dma_start3A_23 : memref<1x200xi32, #tpu.memory_space<vmem>> -> memref<200xi32, #tpu.memory_space<vmem>>
    %dma_start3A_25 = arith.constant 0 : i32
    %dma_start3A_26 = arith.constant 0 : i32
    %dma_start3A_27 = tpu.memref_slice %arg2[%dma_start3A_25, %dma_start3A_26] : memref<10000x64xbf16, #tpu.memory_space<hbm>> -> memref<10000x64xbf16, #tpu.memory_space<hbm>>
    tpu.enqueue_indirect_dma source(%dma_start3A_27 : memref<10000x64xbf16, #tpu.memory_space<hbm>>) target(%arg9 : memref<200x64xbf16, #tpu.memory_space<vmem>>) offsets(%dma_start3A_24 : memref<200xi32, #tpu.memory_space<vmem>>) semaphore(%arg13 : memref<!tpu.dma_semaphore, #tpu.memory_space<semaphore_mem>>)
    %dma_wait3A = arith.constant 0 : i32
    %dma_wait3A_28 = arith.constant 0 : i32
    %dma_wait3A_29 = tpu.memref_slice %arg6[%dma_wait3A, %dma_wait3A_28] : memref<50x200xi32, #tpu.memory_space<vmem>> -> memref<1x200xi32, #tpu.memory_space<vmem>>
    %dma_wait3A_30 = tpu.memref_squeeze %dma_wait3A_29 : memref<1x200xi32, #tpu.memory_space<vmem>> -> memref<200xi32, #tpu.memory_space<vmem>>
    %dma_wait3A_31 = arith.constant 0 : i32
    %dma_wait3A_32 = arith.constant 0 : i32
    %dma_wait3A_33 = tpu.memref_slice %arg2[%dma_wait3A_31, %dma_wait3A_32] : memref<10000x64xbf16, #tpu.memory_space<hbm>> -> memref<10000x64xbf16, #tpu.memory_space<hbm>>
    tpu.wait_indirect_dma semaphore(%arg13 : memref<!tpu.dma_semaphore, #tpu.memory_space<semaphore_mem>>) src(%dma_wait3A_33 : memref<10000x64xbf16, #tpu.memory_space<hbm>>) dst(%arg8 : memref<200x64xbf16, #tpu.memory_space<vmem>>)
    %dma_start3A_34 = arith.constant 0 : i32
    %dma_start3A_35 = arith.constant 0 : i32
    %dma_start3A_36 = tpu.memref_slice %arg7[%dma_start3A_34, %dma_start3A_35] : memref<50x200xi32, #tpu.memory_space<vmem>> -> memref<1x200xi32, #tpu.memory_space<vmem>>
    %dma_start3A_37 = tpu.memref_squeeze %dma_start3A_36 : memref<1x200xi32, #tpu.memory_space<vmem>> -> memref<200xi32, #tpu.memory_space<vmem>>
    %dma_start3A_38 = arith.constant 0 : i32
    %dma_start3A_39 = arith.constant 0 : i32
    %dma_start3A_40 = tpu.memref_slice %arg12[%dma_start3A_38, %dma_start3A_39] : memref<10000x64xbf16, #tpu.memory_space<vmem_shared>> -> memref<10000x64xbf16, #tpu.memory_space<vmem_shared>>
    tpu.enqueue_indirect_dma source(%arg8 : memref<200x64xbf16, #tpu.memory_space<vmem>>) target(%dma_start3A_40 : memref<10000x64xbf16, #tpu.memory_space<vmem_shared>>) offsets(%dma_start3A_37 : memref<200xi32, #tpu.memory_space<vmem>>) semaphore(%arg14 : memref<!tpu.dma_semaphore, #tpu.memory_space<semaphore_mem>>) {add = true}
    %dma_start3A_41 = arith.constant 2 : i32
    %dma_start3A_42 = arith.constant 0 : i32
    %dma_start3A_43 = tpu.memref_slice %arg6[%dma_start3A_41, %dma_start3A_42] : memref<50x200xi32, #tpu.memory_space<vmem>> -> memref<1x200xi32, #tpu.memory_space<vmem>>
    %dma_start3A_44 = tpu.memref_squeeze %dma_start3A_43 : memref<1x200xi32, #tpu.memory_space<vmem>> -> memref<200xi32, #tpu.memory_space<vmem>>
    %dma_start3A_45 = arith.constant 0 : i32
    %dma_start3A_46 = arith.constant 0 : i32
    %dma_start3A_47 = tpu.memref_slice %arg2[%dma_start3A_45, %dma_start3A_46] : memref<10000x64xbf16, #tpu.memory_space<hbm>> -> memref<10000x64xbf16, #tpu.memory_space<hbm>>
    tpu.enqueue_indirect_dma source(%dma_start3A_47 : memref<10000x64xbf16, #tpu.memory_space<hbm>>) target(%arg10 : memref<200x64xbf16, #tpu.memory_space<vmem>>) offsets(%dma_start3A_44 : memref<200xi32, #tpu.memory_space<vmem>>) semaphore(%arg13 : memref<!tpu.dma_semaphore, #tpu.memory_space<semaphore_mem>>)
    %dma_wait3A_48 = arith.constant 0 : i32
    %dma_wait3A_49 = arith.constant 0 : i32
    %dma_wait3A_50 = tpu.memref_slice %arg6[%dma_wait3A_48, %dma_wait3A_49] : memref<50x200xi32, #tpu.memory_space<vmem>> -> memref<1x200xi32, #tpu.memory_space<vmem>>
    %dma_wait3A_51 = tpu.memref_squeeze %dma_wait3A_50 : memref<1x200xi32, #tpu.memory_space<vmem>> -> memref<200xi32, #tpu.memory_space<vmem>>
    %dma_wait3A_52 = arith.constant 0 : i32
    %dma_wait3A_53 = arith.constant 0 : i32
    %dma_wait3A_54 = tpu.memref_slice %arg2[%dma_wait3A_52, %dma_wait3A_53] : memref<10000x64xbf16, #tpu.memory_space<hbm>> -> memref<10000x64xbf16, #tpu.memory_space<hbm>>
    tpu.wait_indirect_dma semaphore(%arg13 : memref<!tpu.dma_semaphore, #tpu.memory_space<semaphore_mem>>) src(%dma_wait3A_54 : memref<10000x64xbf16, #tpu.memory_space<hbm>>) dst(%arg9 : memref<200x64xbf16, #tpu.memory_space<vmem>>)
    %dma_start3A_55 = arith.constant 1 : i32
    %dma_start3A_56 = arith.constant 0 : i32
    %dma_start3A_57 = tpu.memref_slice %arg7[%dma_start3A_55, %dma_start3A_56] : memref<50x200xi32, #tpu.memory_space<vmem>> -> memref<1x200xi32, #tpu.memory_space<vmem>>
    %dma_start3A_58 = tpu.memref_squeeze %dma_start3A_57 : memref<1x200xi32, #tpu.memory_space<vmem>> -> memref<200xi32, #tpu.memory_space<vmem>>
    %dma_start3A_59 = arith.constant 0 : i32
    %dma_start3A_60 = arith.constant 0 : i32
    %dma_start3A_61 = tpu.memref_slice %arg12[%dma_start3A_59, %dma_start3A_60] : memref<10000x64xbf16, #tpu.memory_space<vmem_shared>> -> memref<10000x64xbf16, #tpu.memory_space<vmem_shared>>
    tpu.enqueue_indirect_dma source(%arg9 : memref<200x64xbf16, #tpu.memory_space<vmem>>) target(%dma_start3A_61 : memref<10000x64xbf16, #tpu.memory_space<vmem_shared>>) offsets(%dma_start3A_58 : memref<200xi32, #tpu.memory_space<vmem>>) semaphore(%arg14 : memref<!tpu.dma_semaphore, #tpu.memory_space<semaphore_mem>>) {add = true}
    %dma_start3A_62 = arith.constant 3 : i32
    %dma_start3A_63 = arith.constant 0 : i32
    %dma_start3A_64 = tpu.memref_slice %arg6[%dma_start3A_62, %dma_start3A_63] : memref<50x200xi32, #tpu.memory_space<vmem>> -> memref<1x200xi32, #tpu.memory_space<vmem>>
    %dma_start3A_65 = tpu.memref_squeeze %dma_start3A_64 : memref<1x200xi32, #tpu.memory_space<vmem>> -> memref<200xi32, #tpu.memory_space<vmem>>
    %dma_start3A_66 = arith.constant 0 : i32
    %dma_start3A_67 = arith.constant 0 : i32
    %dma_start3A_68 = tpu.memref_slice %arg2[%dma_start3A_66, %dma_start3A_67] : memref<10000x64xbf16, #tpu.memory_space<hbm>> -> memref<10000x64xbf16, #tpu.memory_space<hbm>>
    tpu.enqueue_indirect_dma source(%dma_start3A_68 : memref<10000x64xbf16, #tpu.memory_space<hbm>>) target(%arg11 : memref<200x64xbf16, #tpu.memory_space<vmem>>) offsets(%dma_start3A_65 : memref<200xi32, #tpu.memory_space<vmem>>) semaphore(%arg13 : memref<!tpu.dma_semaphore, #tpu.memory_space<semaphore_mem>>)
    %dma_wait3A_69 = arith.constant 0 : i32
    %dma_wait3A_70 = arith.constant 0 : i32
    %dma_wait3A_71 = tpu.memref_slice %arg6[%dma_wait3A_69, %dma_wait3A_70] : memref<50x200xi32, #tpu.memory_space<vmem>> -> memref<1x200xi32, #tpu.memory_space<vmem>>
    %dma_wait3A_72 = tpu.memref_squeeze %dma_wait3A_71 : memref<1x200xi32, #tpu.memory_space<vmem>> -> memref<200xi32, #tpu.memory_space<vmem>>
    %dma_wait3A_73 = arith.constant 0 : i32
    %dma_wait3A_74 = arith.constant 0 : i32
    %dma_wait3A_75 = tpu.memref_slice %arg2[%dma_wait3A_73, %dma_wait3A_74] : memref<10000x64xbf16, #tpu.memory_space<hbm>> -> memref<10000x64xbf16, #tpu.memory_space<hbm>>
    tpu.wait_indirect_dma semaphore(%arg13 : memref<!tpu.dma_semaphore, #tpu.memory_space<semaphore_mem>>) src(%dma_wait3A_75 : memref<10000x64xbf16, #tpu.memory_space<hbm>>) dst(%arg10 : memref<200x64xbf16, #tpu.memory_space<vmem>>)
    %dma_wait3A_76 = arith.constant 0 : i32
    %dma_wait3A_77 = arith.constant 0 : i32
    %dma_wait3A_78 = tpu.memref_slice %arg7[%dma_wait3A_76, %dma_wait3A_77] : memref<50x200xi32, #tpu.memory_space<vmem>> -> memref<1x200xi32, #tpu.memory_space<vmem>>
    %dma_wait3A_79 = tpu.memref_squeeze %dma_wait3A_78 : memref<1x200xi32, #tpu.memory_space<vmem>> -> memref<200xi32, #tpu.memory_space<vmem>>
    %dma_wait3A_80 = arith.constant 0 : i32
    %dma_wait3A_81 = arith.constant 0 : i32
    %dma_wait3A_82 = tpu.memref_slice %arg12[%dma_wait3A_80, %dma_wait3A_81] : memref<10000x64xbf16, #tpu.memory_space<vmem_shared>> -> memref<10000x64xbf16, #tpu.memory_space<vmem_shared>>
    tpu.wait_indirect_dma semaphore(%arg14 : memref<!tpu.dma_semaphore, #tpu.memory_space<semaphore_mem>>) src(%arg8 : memref<200x64xbf16, #tpu.memory_space<vmem>>) dst(%dma_wait3A_82 : memref<10000x64xbf16, #tpu.memory_space<vmem_shared>>)
    %dma_start3A_83 = arith.constant 2 : i32
    %dma_start3A_84 = arith.constant 0 : i32
    %dma_start3A_85 = tpu.memref_slice %arg7[%dma_start3A_83, %dma_start3A_84] : memref<50x200xi32, #tpu.memory_space<vmem>> -> memref<1x200xi32, #tpu.memory_space<vmem>>
    %dma_start3A_86 = tpu.memref_squeeze %dma_start3A_85 : memref<1x200xi32, #tpu.memory_space<vmem>> -> memref<200xi32, #tpu.memory_space<vmem>>
    %dma_start3A_87 = arith.constant 0 : i32
    %dma_start3A_88 = arith.constant 0 : i32
    %dma_start3A_89 = tpu.memref_slice %arg12[%dma_start3A_87, %dma_start3A_88] : memref<10000x64xbf16, #tpu.memory_space<vmem_shared>> -> memref<10000x64xbf16, #tpu.memory_space<vmem_shared>>
    tpu.enqueue_indirect_dma source(%arg10 : memref<200x64xbf16, #tpu.memory_space<vmem>>) target(%dma_start3A_89 : memref<10000x64xbf16, #tpu.memory_space<vmem_shared>>) offsets(%dma_start3A_86 : memref<200xi32, #tpu.memory_space<vmem>>) semaphore(%arg14 : memref<!tpu.dma_semaphore, #tpu.memory_space<semaphore_mem>>) {add = true}
    %dma_start3A_90 = arith.constant 4 : i32
    %dma_start3A_91 = arith.constant 0 : i32
    %dma_start3A_92 = tpu.memref_slice %arg6[%dma_start3A_90, %dma_start3A_91] : memref<50x200xi32, #tpu.memory_space<vmem>> -> memref<1x200xi32, #tpu.memory_space<vmem>>
    %dma_start3A_93 = tpu.memref_squeeze %dma_start3A_92 : memref<1x200xi32, #tpu.memory_space<vmem>> -> memref<200xi32, #tpu.memory_space<vmem>>
    %dma_start3A_94 = arith.constant 0 : i32
    %dma_start3A_95 = arith.constant 0 : i32
    %dma_start3A_96 = tpu.memref_slice %arg2[%dma_start3A_94, %dma_start3A_95] : memref<10000x64xbf16, #tpu.memory_space<hbm>> -> memref<10000x64xbf16, #tpu.memory_space<hbm>>
    tpu.enqueue_indirect_dma source(%dma_start3A_96 : memref<10000x64xbf16, #tpu.memory_space<hbm>>) target(%arg8 : memref<200x64xbf16, #tpu.memory_space<vmem>>) offsets(%dma_start3A_93 : memref<200xi32, #tpu.memory_space<vmem>>) semaphore(%arg13 : memref<!tpu.dma_semaphore, #tpu.memory_space<semaphore_mem>>)
    %dma_wait3A_97 = arith.constant 0 : i32
    %dma_wait3A_98 = arith.constant 0 : i32
    %dma_wait3A_99 = tpu.memref_slice %arg6[%dma_wait3A_97, %dma_wait3A_98] : memref<50x200xi32, #tpu.memory_space<vmem>> -> memref<1x200xi32, #tpu.memory_space<vmem>>
    %dma_wait3A_100 = tpu.memref_squeeze %dma_wait3A_99 : memref<1x200xi32, #tpu.memory_space<vmem>> -> memref<200xi32, #tpu.memory_space<vmem>>
    %dma_wait3A_101 = arith.constant 0 : i32
    %dma_wait3A_102 = arith.constant 0 : i32
    %dma_wait3A_103 = tpu.memref_slice %arg2[%dma_wait3A_101, %dma_wait3A_102] : memref<10000x64xbf16, #tpu.memory_space<hbm>> -> memref<10000x64xbf16, #tpu.memory_space<hbm>>
    tpu.wait_indirect_dma semaphore(%arg13 : memref<!tpu.dma_semaphore, #tpu.memory_space<semaphore_mem>>) src(%dma_wait3A_103 : memref<10000x64xbf16, #tpu.memory_space<hbm>>) dst(%arg11 : memref<200x64xbf16, #tpu.memory_space<vmem>>)
    %dma_wait3A_104 = arith.constant 0 : i32
    %dma_wait3A_105 = arith.constant 0 : i32
    %dma_wait3A_106 = tpu.memref_slice %arg7[%dma_wait3A_104, %dma_wait3A_105] : memref<50x200xi32, #tpu.memory_space<vmem>> -> memref<1x200xi32, #tpu.memory_space<vmem>>
    %dma_wait3A_107 = tpu.memref_squeeze %dma_wait3A_106 : memref<1x200xi32, #tpu.memory_space<vmem>> -> memref<200xi32, #tpu.memory_space<vmem>>
    %dma_wait3A_108 = arith.constant 0 : i32
    %dma_wait3A_109 = arith.constant 0 : i32
    %dma_wait3A_110 = tpu.memref_slice %arg12[%dma_wait3A_108, %dma_wait3A_109] : memref<10000x64xbf16, #tpu.memory_space<vmem_shared>> -> memref<10000x64xbf16, #tpu.memory_space<vmem_shared>>
    tpu.wait_indirect_dma semaphore(%arg14 : memref<!tpu.dma_semaphore, #tpu.memory_space<semaphore_mem>>) src(%arg9 : memref<200x64xbf16, #tpu.memory_space<vmem>>) dst(%dma_wait3A_110 : memref<10000x64xbf16, #tpu.memory_space<vmem_shared>>)
    %dma_start3A_111 = arith.constant 3 : i32
    %dma_start3A_112 = arith.constant 0 : i32
    %dma_start3A_113 = tpu.memref_slice %arg7[%dma_start3A_111, %dma_start3A_112] : memref<50x200xi32, #tpu.memory_space<vmem>> -> memref<1x200xi32, #tpu.memory_space<vmem>>
    %dma_start3A_114 = tpu.memref_squeeze %dma_start3A_113 : memref<1x200xi32, #tpu.memory_space<vmem>> -> memref<200xi32, #tpu.memory_space<vmem>>
    %dma_start3A_115 = arith.constant 0 : i32
    %dma_start3A_116 = arith.constant 0 : i32
    %dma_start3A_117 = tpu.memref_slice %arg12[%dma_start3A_115, %dma_start3A_116] : memref<10000x64xbf16, #tpu.memory_space<vmem_shared>> -> memref<10000x64xbf16, #tpu.memory_space<vmem_shared>>
    tpu.enqueue_indirect_dma source(%arg11 : memref<200x64xbf16, #tpu.memory_space<vmem>>) target(%dma_start3A_117 : memref<10000x64xbf16, #tpu.memory_space<vmem_shared>>) offsets(%dma_start3A_114 : memref<200xi32, #tpu.memory_space<vmem>>) semaphore(%arg14 : memref<!tpu.dma_semaphore, #tpu.memory_space<semaphore_mem>>) {add = true}
    %dma_start3A_118 = arith.constant 5 : i32
    %dma_start3A_119 = arith.constant 0 : i32
    %dma_start3A_120 = tpu.memref_slice %arg6[%dma_start3A_118, %dma_start3A_119] : memref<50x200xi32, #tpu.memory_space<vmem>> -> memref<1x200xi32, #tpu.memory_space<vmem>>
    %dma_start3A_121 = tpu.memref_squeeze %dma_start3A_120 : memref<1x200xi32, #tpu.memory_space<vmem>> -> memref<200xi32, #tpu.memory_space<vmem>>
    %dma_start3A_122 = arith.constant 0 : i32
    %dma_start3A_123 = arith.constant 0 : i32
    %dma_start3A_124 = tpu.memref_slice %arg2[%dma_start3A_122, %dma_start3A_123] : memref<10000x64xbf16, #tpu.memory_space<hbm>> -> memref<10000x64xbf16, #tpu.memory_space<hbm>>
    tpu.enqueue_indirect_dma source(%dma_start3A_124 : memref<10000x64xbf16, #tpu.memory_space<hbm>>) target(%arg9 : memref<200x64xbf16, #tpu.memory_space<vmem>>) offsets(%dma_start3A_121 : memref<200xi32, #tpu.memory_space<vmem>>) semaphore(%arg13 : memref<!tpu.dma_semaphore, #tpu.memory_space<semaphore_mem>>)
    %scan3A_125 = arith.constant 0 : i32
    %scan3A_126 = arith.constant 10 : i32
    %scan3A_127 = arith.addi %scan3A_125, %scan3A_126 : i32
    %scan3A_128 = arith.constant 1 : i32
    scf.for %scan3A_299 = %scan3A_125 to %scan3A_127 step %scan3A_128  : i32 {
      %mul3A_300 = arith.constant 4 : i32
      %mul3A_301 = arith.muli %scan3A_299, %mul3A_300 : i32
      %add3A_302 = arith.constant 4 : i32
      %add3A_303 = arith.addi %add3A_302, %mul3A_301 : i32
      %dma_wait3A_304 = arith.constant 0 : i32
      %dma_wait3A_305 = arith.constant 0 : i32
      %dma_wait3A_306 = tpu.memref_slice %arg6[%dma_wait3A_304, %dma_wait3A_305] : memref<50x200xi32, #tpu.memory_space<vmem>> -> memref<1x200xi32, #tpu.memory_space<vmem>>
      %dma_wait3A_307 = tpu.memref_squeeze %dma_wait3A_306 : memref<1x200xi32, #tpu.memory_space<vmem>> -> memref<200xi32, #tpu.memory_space<vmem>>
      %dma_wait3A_308 = arith.constant 0 : i32
      %dma_wait3A_309 = arith.constant 0 : i32
      %dma_wait3A_310 = tpu.memref_slice %arg2[%dma_wait3A_308, %dma_wait3A_309] : memref<10000x64xbf16, #tpu.memory_space<hbm>> -> memref<10000x64xbf16, #tpu.memory_space<hbm>>
      tpu.wait_indirect_dma semaphore(%arg13 : memref<!tpu.dma_semaphore, #tpu.memory_space<semaphore_mem>>) src(%dma_wait3A_310 : memref<10000x64xbf16, #tpu.memory_space<hbm>>) dst(%arg8 : memref<200x64xbf16, #tpu.memory_space<vmem>>)
      %dma_wait3A_311 = arith.constant 0 : i32
      %dma_wait3A_312 = arith.constant 0 : i32
      %dma_wait3A_313 = tpu.memref_slice %arg7[%dma_wait3A_311, %dma_wait3A_312] : memref<50x200xi32, #tpu.memory_space<vmem>> -> memref<1x200xi32, #tpu.memory_space<vmem>>
      %dma_wait3A_314 = tpu.memref_squeeze %dma_wait3A_313 : memref<1x200xi32, #tpu.memory_space<vmem>> -> memref<200xi32, #tpu.memory_space<vmem>>
      %dma_wait3A_315 = arith.constant 0 : i32
      %dma_wait3A_316 = arith.constant 0 : i32
      %dma_wait3A_317 = tpu.memref_slice %arg12[%dma_wait3A_315, %dma_wait3A_316] : memref<10000x64xbf16, #tpu.memory_space<vmem_shared>> -> memref<10000x64xbf16, #tpu.memory_space<vmem_shared>>
      tpu.wait_indirect_dma semaphore(%arg14 : memref<!tpu.dma_semaphore, #tpu.memory_space<semaphore_mem>>) src(%arg10 : memref<200x64xbf16, #tpu.memory_space<vmem>>) dst(%dma_wait3A_317 : memref<10000x64xbf16, #tpu.memory_space<vmem_shared>>)
      %add3A_318 = arith.constant 0 : i32
      %add3A_319 = arith.addi %add3A_303, %add3A_318 : i32
      %dma_start3A_320 = arith.constant 0 : i32
      %dma_start3A_321 = tpu.memref_slice %arg7[%add3A_319, %dma_start3A_320] : memref<50x200xi32, #tpu.memory_space<vmem>> -> memref<1x200xi32, #tpu.memory_space<vmem>>
      %dma_start3A_322 = tpu.memref_squeeze %dma_start3A_321 : memref<1x200xi32, #tpu.memory_space<vmem>> -> memref<200xi32, #tpu.memory_space<vmem>>
      %dma_start3A_323 = arith.constant 0 : i32
      %dma_start3A_324 = arith.constant 0 : i32
      %dma_start3A_325 = tpu.memref_slice %arg12[%dma_start3A_323, %dma_start3A_324] : memref<10000x64xbf16, #tpu.memory_space<vmem_shared>> -> memref<10000x64xbf16, #tpu.memory_space<vmem_shared>>
      tpu.enqueue_indirect_dma source(%arg8 : memref<200x64xbf16, #tpu.memory_space<vmem>>) target(%dma_start3A_325 : memref<10000x64xbf16, #tpu.memory_space<vmem_shared>>) offsets(%dma_start3A_322 : memref<200xi32, #tpu.memory_space<vmem>>) semaphore(%arg14 : memref<!tpu.dma_semaphore, #tpu.memory_space<semaphore_mem>>) {add = true}
      %add3A_326 = arith.constant 0 : i32
      %add3A_327 = arith.addi %add3A_303, %add3A_326 : i32
      %add3A_328 = arith.constant 2 : i32
      %add3A_329 = arith.addi %add3A_327, %add3A_328 : i32
      %dma_start3A_330 = arith.constant 0 : i32
      %dma_start3A_331 = tpu.memref_slice %arg6[%add3A_329, %dma_start3A_330] : memref<50x200xi32, #tpu.memory_space<vmem>> -> memref<1x200xi32, #tpu.memory_space<vmem>>
      %dma_start3A_332 = tpu.memref_squeeze %dma_start3A_331 : memref<1x200xi32, #tpu.memory_space<vmem>> -> memref<200xi32, #tpu.memory_space<vmem>>
      %dma_start3A_333 = arith.constant 0 : i32
      %dma_start3A_334 = arith.constant 0 : i32
      %dma_start3A_335 = tpu.memref_slice %arg2[%dma_start3A_333, %dma_start3A_334] : memref<10000x64xbf16, #tpu.memory_space<hbm>> -> memref<10000x64xbf16, #tpu.memory_space<hbm>>
      tpu.enqueue_indirect_dma source(%dma_start3A_335 : memref<10000x64xbf16, #tpu.memory_space<hbm>>) target(%arg10 : memref<200x64xbf16, #tpu.memory_space<vmem>>) offsets(%dma_start3A_332 : memref<200xi32, #tpu.memory_space<vmem>>) semaphore(%arg13 : memref<!tpu.dma_semaphore, #tpu.memory_space<semaphore_mem>>)
      %dma_wait3A_336 = arith.constant 0 : i32
      %dma_wait3A_337 = arith.constant 0 : i32
      %dma_wait3A_338 = tpu.memref_slice %arg6[%dma_wait3A_336, %dma_wait3A_337] : memref<50x200xi32, #tpu.memory_space<vmem>> -> memref<1x200xi32, #tpu.memory_space<vmem>>
      %dma_wait3A_339 = tpu.memref_squeeze %dma_wait3A_338 : memref<1x200xi32, #tpu.memory_space<vmem>> -> memref<200xi32, #tpu.memory_space<vmem>>
      %dma_wait3A_340 = arith.constant 0 : i32
      %dma_wait3A_341 = arith.constant 0 : i32
      %dma_wait3A_342 = tpu.memref_slice %arg2[%dma_wait3A_340, %dma_wait3A_341] : memref<10000x64xbf16, #tpu.memory_space<hbm>> -> memref<10000x64xbf16, #tpu.memory_space<hbm>>
      tpu.wait_indirect_dma semaphore(%arg13 : memref<!tpu.dma_semaphore, #tpu.memory_space<semaphore_mem>>) src(%dma_wait3A_342 : memref<10000x64xbf16, #tpu.memory_space<hbm>>) dst(%arg9 : memref<200x64xbf16, #tpu.memory_space<vmem>>)
      %dma_wait3A_343 = arith.constant 0 : i32
      %dma_wait3A_344 = arith.constant 0 : i32
      %dma_wait3A_345 = tpu.memref_slice %arg7[%dma_wait3A_343, %dma_wait3A_344] : memref<50x200xi32, #tpu.memory_space<vmem>> -> memref<1x200xi32, #tpu.memory_space<vmem>>
      %dma_wait3A_346 = tpu.memref_squeeze %dma_wait3A_345 : memref<1x200xi32, #tpu.memory_space<vmem>> -> memref<200xi32, #tpu.memory_space<vmem>>
      %dma_wait3A_347 = arith.constant 0 : i32
      %dma_wait3A_348 = arith.constant 0 : i32
      %dma_wait3A_349 = tpu.memref_slice %arg12[%dma_wait3A_347, %dma_wait3A_348] : memref<10000x64xbf16, #tpu.memory_space<vmem_shared>> -> memref<10000x64xbf16, #tpu.memory_space<vmem_shared>>
      tpu.wait_indirect_dma semaphore(%arg14 : memref<!tpu.dma_semaphore, #tpu.memory_space<semaphore_mem>>) src(%arg11 : memref<200x64xbf16, #tpu.memory_space<vmem>>) dst(%dma_wait3A_349 : memref<10000x64xbf16, #tpu.memory_space<vmem_shared>>)
      %add3A_350 = arith.constant 1 : i32
      %add3A_351 = arith.addi %add3A_303, %add3A_350 : i32
      %dma_start3A_352 = arith.constant 0 : i32
      %dma_start3A_353 = tpu.memref_slice %arg7[%add3A_351, %dma_start3A_352] : memref<50x200xi32, #tpu.memory_space<vmem>> -> memref<1x200xi32, #tpu.memory_space<vmem>>
      %dma_start3A_354 = tpu.memref_squeeze %dma_start3A_353 : memref<1x200xi32, #tpu.memory_space<vmem>> -> memref<200xi32, #tpu.memory_space<vmem>>
      %dma_start3A_355 = arith.constant 0 : i32
      %dma_start3A_356 = arith.constant 0 : i32
      %dma_start3A_357 = tpu.memref_slice %arg12[%dma_start3A_355, %dma_start3A_356] : memref<10000x64xbf16, #tpu.memory_space<vmem_shared>> -> memref<10000x64xbf16, #tpu.memory_space<vmem_shared>>
      tpu.enqueue_indirect_dma source(%arg9 : memref<200x64xbf16, #tpu.memory_space<vmem>>) target(%dma_start3A_357 : memref<10000x64xbf16, #tpu.memory_space<vmem_shared>>) offsets(%dma_start3A_354 : memref<200xi32, #tpu.memory_space<vmem>>) semaphore(%arg14 : memref<!tpu.dma_semaphore, #tpu.memory_space<semaphore_mem>>) {add = true}
      %add3A_358 = arith.constant 1 : i32
      %add3A_359 = arith.addi %add3A_303, %add3A_358 : i32
      %add3A_360 = arith.constant 2 : i32
      %add3A_361 = arith.addi %add3A_359, %add3A_360 : i32
      %dma_start3A_362 = arith.constant 0 : i32
      %dma_start3A_363 = tpu.memref_slice %arg6[%add3A_361, %dma_start3A_362] : memref<50x200xi32, #tpu.memory_space<vmem>> -> memref<1x200xi32, #tpu.memory_space<vmem>>
      %dma_start3A_364 = tpu.memref_squeeze %dma_start3A_363 : memref<1x200xi32, #tpu.memory_space<vmem>> -> memref<200xi32, #tpu.memory_space<vmem>>
      %dma_start3A_365 = arith.constant 0 : i32
      %dma_start3A_366 = arith.constant 0 : i32
      %dma_start3A_367 = tpu.memref_slice %arg2[%dma_start3A_365, %dma_start3A_366] : memref<10000x64xbf16, #tpu.memory_space<hbm>> -> memref<10000x64xbf16, #tpu.memory_space<hbm>>
      tpu.enqueue_indirect_dma source(%dma_start3A_367 : memref<10000x64xbf16, #tpu.memory_space<hbm>>) target(%arg11 : memref<200x64xbf16, #tpu.memory_space<vmem>>) offsets(%dma_start3A_364 : memref<200xi32, #tpu.memory_space<vmem>>) semaphore(%arg13 : memref<!tpu.dma_semaphore, #tpu.memory_space<semaphore_mem>>)
      %dma_wait3A_368 = arith.constant 0 : i32
      %dma_wait3A_369 = arith.constant 0 : i32
      %dma_wait3A_370 = tpu.memref_slice %arg6[%dma_wait3A_368, %dma_wait3A_369] : memref<50x200xi32, #tpu.memory_space<vmem>> -> memref<1x200xi32, #tpu.memory_space<vmem>>
      %dma_wait3A_371 = tpu.memref_squeeze %dma_wait3A_370 : memref<1x200xi32, #tpu.memory_space<vmem>> -> memref<200xi32, #tpu.memory_space<vmem>>
      %dma_wait3A_372 = arith.constant 0 : i32
      %dma_wait3A_373 = arith.constant 0 : i32
      %dma_wait3A_374 = tpu.memref_slice %arg2[%dma_wait3A_372, %dma_wait3A_373] : memref<10000x64xbf16, #tpu.memory_space<hbm>> -> memref<10000x64xbf16, #tpu.memory_space<hbm>>
      tpu.wait_indirect_dma semaphore(%arg13 : memref<!tpu.dma_semaphore, #tpu.memory_space<semaphore_mem>>) src(%dma_wait3A_374 : memref<10000x64xbf16, #tpu.memory_space<hbm>>) dst(%arg10 : memref<200x64xbf16, #tpu.memory_space<vmem>>)
      %dma_wait3A_375 = arith.constant 0 : i32
      %dma_wait3A_376 = arith.constant 0 : i32
      %dma_wait3A_377 = tpu.memref_slice %arg7[%dma_wait3A_375, %dma_wait3A_376] : memref<50x200xi32, #tpu.memory_space<vmem>> -> memref<1x200xi32, #tpu.memory_space<vmem>>
      %dma_wait3A_378 = tpu.memref_squeeze %dma_wait3A_377 : memref<1x200xi32, #tpu.memory_space<vmem>> -> memref<200xi32, #tpu.memory_space<vmem>>
      %dma_wait3A_379 = arith.constant 0 : i32
      %dma_wait3A_380 = arith.constant 0 : i32
      %dma_wait3A_381 = tpu.memref_slice %arg12[%dma_wait3A_379, %dma_wait3A_380] : memref<10000x64xbf16, #tpu.memory_space<vmem_shared>> -> memref<10000x64xbf16, #tpu.memory_space<vmem_shared>>
      tpu.wait_indirect_dma semaphore(%arg14 : memref<!tpu.dma_semaphore, #tpu.memory_space<semaphore_mem>>) src(%arg8 : memref<200x64xbf16, #tpu.memory_space<vmem>>) dst(%dma_wait3A_381 : memref<10000x64xbf16, #tpu.memory_space<vmem_shared>>)
      %add3A_382 = arith.constant 2 : i32
      %add3A_383 = arith.addi %add3A_303, %add3A_382 : i32
      %dma_start3A_384 = arith.constant 0 : i32
      %dma_start3A_385 = tpu.memref_slice %arg7[%add3A_383, %dma_start3A_384] : memref<50x200xi32, #tpu.memory_space<vmem>> -> memref<1x200xi32, #tpu.memory_space<vmem>>
      %dma_start3A_386 = tpu.memref_squeeze %dma_start3A_385 : memref<1x200xi32, #tpu.memory_space<vmem>> -> memref<200xi32, #tpu.memory_space<vmem>>
      %dma_start3A_387 = arith.constant 0 : i32
      %dma_start3A_388 = arith.constant 0 : i32
      %dma_start3A_389 = tpu.memref_slice %arg12[%dma_start3A_387, %dma_start3A_388] : memref<10000x64xbf16, #tpu.memory_space<vmem_shared>> -> memref<10000x64xbf16, #tpu.memory_space<vmem_shared>>
      tpu.enqueue_indirect_dma source(%arg10 : memref<200x64xbf16, #tpu.memory_space<vmem>>) target(%dma_start3A_389 : memref<10000x64xbf16, #tpu.memory_space<vmem_shared>>) offsets(%dma_start3A_386 : memref<200xi32, #tpu.memory_space<vmem>>) semaphore(%arg14 : memref<!tpu.dma_semaphore, #tpu.memory_space<semaphore_mem>>) {add = true}
      %add3A_390 = arith.constant 2 : i32
      %add3A_391 = arith.addi %add3A_303, %add3A_390 : i32
      %add3A_392 = arith.constant 2 : i32
      %add3A_393 = arith.addi %add3A_391, %add3A_392 : i32
      %dma_start3A_394 = arith.constant 0 : i32
      %dma_start3A_395 = tpu.memref_slice %arg6[%add3A_393, %dma_start3A_394] : memref<50x200xi32, #tpu.memory_space<vmem>> -> memref<1x200xi32, #tpu.memory_space<vmem>>
      %dma_start3A_396 = tpu.memref_squeeze %dma_start3A_395 : memref<1x200xi32, #tpu.memory_space<vmem>> -> memref<200xi32, #tpu.memory_space<vmem>>
      %dma_start3A_397 = arith.constant 0 : i32
      %dma_start3A_398 = arith.constant 0 : i32
      %dma_start3A_399 = tpu.memref_slice %arg2[%dma_start3A_397, %dma_start3A_398] : memref<10000x64xbf16, #tpu.memory_space<hbm>> -> memref<10000x64xbf16, #tpu.memory_space<hbm>>
      tpu.enqueue_indirect_dma source(%dma_start3A_399 : memref<10000x64xbf16, #tpu.memory_space<hbm>>) target(%arg8 : memref<200x64xbf16, #tpu.memory_space<vmem>>) offsets(%dma_start3A_396 : memref<200xi32, #tpu.memory_space<vmem>>) semaphore(%arg13 : memref<!tpu.dma_semaphore, #tpu.memory_space<semaphore_mem>>)
      %dma_wait3A_400 = arith.constant 0 : i32
      %dma_wait3A_401 = arith.constant 0 : i32
      %dma_wait3A_402 = tpu.memref_slice %arg6[%dma_wait3A_400, %dma_wait3A_401] : memref<50x200xi32, #tpu.memory_space<vmem>> -> memref<1x200xi32, #tpu.memory_space<vmem>>
      %dma_wait3A_403 = tpu.memref_squeeze %dma_wait3A_402 : memref<1x200xi32, #tpu.memory_space<vmem>> -> memref<200xi32, #tpu.memory_space<vmem>>
      %dma_wait3A_404 = arith.constant 0 : i32
      %dma_wait3A_405 = arith.constant 0 : i32
      %dma_wait3A_406 = tpu.memref_slice %arg2[%dma_wait3A_404, %dma_wait3A_405] : memref<10000x64xbf16, #tpu.memory_space<hbm>> -> memref<10000x64xbf16, #tpu.memory_space<hbm>>
      tpu.wait_indirect_dma semaphore(%arg13 : memref<!tpu.dma_semaphore, #tpu.memory_space<semaphore_mem>>) src(%dma_wait3A_406 : memref<10000x64xbf16, #tpu.memory_space<hbm>>) dst(%arg11 : memref<200x64xbf16, #tpu.memory_space<vmem>>)
      %dma_wait3A_407 = arith.constant 0 : i32
      %dma_wait3A_408 = arith.constant 0 : i32
      %dma_wait3A_409 = tpu.memref_slice %arg7[%dma_wait3A_407, %dma_wait3A_408] : memref<50x200xi32, #tpu.memory_space<vmem>> -> memref<1x200xi32, #tpu.memory_space<vmem>>
      %dma_wait3A_410 = tpu.memref_squeeze %dma_wait3A_409 : memref<1x200xi32, #tpu.memory_space<vmem>> -> memref<200xi32, #tpu.memory_space<vmem>>
      %dma_wait3A_411 = arith.constant 0 : i32
      %dma_wait3A_412 = arith.constant 0 : i32
      %dma_wait3A_413 = tpu.memref_slice %arg12[%dma_wait3A_411, %dma_wait3A_412] : memref<10000x64xbf16, #tpu.memory_space<vmem_shared>> -> memref<10000x64xbf16, #tpu.memory_space<vmem_shared>>
      tpu.wait_indirect_dma semaphore(%arg14 : memref<!tpu.dma_semaphore, #tpu.memory_space<semaphore_mem>>) src(%arg9 : memref<200x64xbf16, #tpu.memory_space<vmem>>) dst(%dma_wait3A_413 : memref<10000x64xbf16, #tpu.memory_space<vmem_shared>>)
      %add3A_414 = arith.constant 3 : i32
      %add3A_415 = arith.addi %add3A_303, %add3A_414 : i32
      %dma_start3A_416 = arith.constant 0 : i32
      %dma_start3A_417 = tpu.memref_slice %arg7[%add3A_415, %dma_start3A_416] : memref<50x200xi32, #tpu.memory_space<vmem>> -> memref<1x200xi32, #tpu.memory_space<vmem>>
      %dma_start3A_418 = tpu.memref_squeeze %dma_start3A_417 : memref<1x200xi32, #tpu.memory_space<vmem>> -> memref<200xi32, #tpu.memory_space<vmem>>
      %dma_start3A_419 = arith.constant 0 : i32
      %dma_start3A_420 = arith.constant 0 : i32
      %dma_start3A_421 = tpu.memref_slice %arg12[%dma_start3A_419, %dma_start3A_420] : memref<10000x64xbf16, #tpu.memory_space<vmem_shared>> -> memref<10000x64xbf16, #tpu.memory_space<vmem_shared>>
      tpu.enqueue_indirect_dma source(%arg11 : memref<200x64xbf16, #tpu.memory_space<vmem>>) target(%dma_start3A_421 : memref<10000x64xbf16, #tpu.memory_space<vmem_shared>>) offsets(%dma_start3A_418 : memref<200xi32, #tpu.memory_space<vmem>>) semaphore(%arg14 : memref<!tpu.dma_semaphore, #tpu.memory_space<semaphore_mem>>) {add = true}
      %add3A_422 = arith.constant 3 : i32
      %add3A_423 = arith.addi %add3A_303, %add3A_422 : i32
      %add3A_424 = arith.constant 2 : i32
      %add3A_425 = arith.addi %add3A_423, %add3A_424 : i32
      %dma_start3A_426 = arith.constant 0 : i32
      %dma_start3A_427 = tpu.memref_slice %arg6[%add3A_425, %dma_start3A_426] : memref<50x200xi32, #tpu.memory_space<vmem>> -> memref<1x200xi32, #tpu.memory_space<vmem>>
      %dma_start3A_428 = tpu.memref_squeeze %dma_start3A_427 : memref<1x200xi32, #tpu.memory_space<vmem>> -> memref<200xi32, #tpu.memory_space<vmem>>
      %dma_start3A_429 = arith.constant 0 : i32
      %dma_start3A_430 = arith.constant 0 : i32
      %dma_start3A_431 = tpu.memref_slice %arg2[%dma_start3A_429, %dma_start3A_430] : memref<10000x64xbf16, #tpu.memory_space<hbm>> -> memref<10000x64xbf16, #tpu.memory_space<hbm>>
      tpu.enqueue_indirect_dma source(%dma_start3A_431 : memref<10000x64xbf16, #tpu.memory_space<hbm>>) target(%arg9 : memref<200x64xbf16, #tpu.memory_space<vmem>>) offsets(%dma_start3A_428 : memref<200xi32, #tpu.memory_space<vmem>>) semaphore(%arg13 : memref<!tpu.dma_semaphore, #tpu.memory_space<semaphore_mem>>)
    }
    %scan3A_129 = arith.constant 10 : i32
    %dma_wait3A_130 = arith.constant 0 : i32
    %dma_wait3A_131 = arith.constant 0 : i32
    %dma_wait3A_132 = tpu.memref_slice %arg6[%dma_wait3A_130, %dma_wait3A_131] : memref<50x200xi32, #tpu.memory_space<vmem>> -> memref<1x200xi32, #tpu.memory_space<vmem>>
    %dma_wait3A_133 = tpu.memref_squeeze %dma_wait3A_132 : memref<1x200xi32, #tpu.memory_space<vmem>> -> memref<200xi32, #tpu.memory_space<vmem>>
    %dma_wait3A_134 = arith.constant 0 : i32
    %dma_wait3A_135 = arith.constant 0 : i32
    %dma_wait3A_136 = tpu.memref_slice %arg2[%dma_wait3A_134, %dma_wait3A_135] : memref<10000x64xbf16, #tpu.memory_space<hbm>> -> memref<10000x64xbf16, #tpu.memory_space<hbm>>
    tpu.wait_indirect_dma semaphore(%arg13 : memref<!tpu.dma_semaphore, #tpu.memory_space<semaphore_mem>>) src(%dma_wait3A_136 : memref<10000x64xbf16, #tpu.memory_space<hbm>>) dst(%arg8 : memref<200x64xbf16, #tpu.memory_space<vmem>>)
    %dma_wait3A_137 = arith.constant 0 : i32
    %dma_wait3A_138 = arith.constant 0 : i32
    %dma_wait3A_139 = tpu.memref_slice %arg7[%dma_wait3A_137, %dma_wait3A_138] : memref<50x200xi32, #tpu.memory_space<vmem>> -> memref<1x200xi32, #tpu.memory_space<vmem>>
    %dma_wait3A_140 = tpu.memref_squeeze %dma_wait3A_139 : memref<1x200xi32, #tpu.memory_space<vmem>> -> memref<200xi32, #tpu.memory_space<vmem>>
    %dma_wait3A_141 = arith.constant 0 : i32
    %dma_wait3A_142 = arith.constant 0 : i32
    %dma_wait3A_143 = tpu.memref_slice %arg12[%dma_wait3A_141, %dma_wait3A_142] : memref<10000x64xbf16, #tpu.memory_space<vmem_shared>> -> memref<10000x64xbf16, #tpu.memory_space<vmem_shared>>
    tpu.wait_indirect_dma semaphore(%arg14 : memref<!tpu.dma_semaphore, #tpu.memory_space<semaphore_mem>>) src(%arg10 : memref<200x64xbf16, #tpu.memory_space<vmem>>) dst(%dma_wait3A_143 : memref<10000x64xbf16, #tpu.memory_space<vmem_shared>>)
    %dma_start3A_144 = arith.constant 44 : i32
    %dma_start3A_145 = arith.constant 0 : i32
    %dma_start3A_146 = tpu.memref_slice %arg7[%dma_start3A_144, %dma_start3A_145] : memref<50x200xi32, #tpu.memory_space<vmem>> -> memref<1x200xi32, #tpu.memory_space<vmem>>
    %dma_start3A_147 = tpu.memref_squeeze %dma_start3A_146 : memref<1x200xi32, #tpu.memory_space<vmem>> -> memref<200xi32, #tpu.memory_space<vmem>>
    %dma_start3A_148 = arith.constant 0 : i32
    %dma_start3A_149 = arith.constant 0 : i32
    %dma_start3A_150 = tpu.memref_slice %arg12[%dma_start3A_148, %dma_start3A_149] : memref<10000x64xbf16, #tpu.memory_space<vmem_shared>> -> memref<10000x64xbf16, #tpu.memory_space<vmem_shared>>
    tpu.enqueue_indirect_dma source(%arg8 : memref<200x64xbf16, #tpu.memory_space<vmem>>) target(%dma_start3A_150 : memref<10000x64xbf16, #tpu.memory_space<vmem_shared>>) offsets(%dma_start3A_147 : memref<200xi32, #tpu.memory_space<vmem>>) semaphore(%arg14 : memref<!tpu.dma_semaphore, #tpu.memory_space<semaphore_mem>>) {add = true}
    %dma_start3A_151 = arith.constant 46 : i32
    %dma_start3A_152 = arith.constant 0 : i32
    %dma_start3A_153 = tpu.memref_slice %arg6[%dma_start3A_151, %dma_start3A_152] : memref<50x200xi32, #tpu.memory_space<vmem>> -> memref<1x200xi32, #tpu.memory_space<vmem>>
    %dma_start3A_154 = tpu.memref_squeeze %dma_start3A_153 : memref<1x200xi32, #tpu.memory_space<vmem>> -> memref<200xi32, #tpu.memory_space<vmem>>
    %dma_start3A_155 = arith.constant 0 : i32
    %dma_start3A_156 = arith.constant 0 : i32
    %dma_start3A_157 = tpu.memref_slice %arg2[%dma_start3A_155, %dma_start3A_156] : memref<10000x64xbf16, #tpu.memory_space<hbm>> -> memref<10000x64xbf16, #tpu.memory_space<hbm>>
    tpu.enqueue_indirect_dma source(%dma_start3A_157 : memref<10000x64xbf16, #tpu.memory_space<hbm>>) target(%arg10 : memref<200x64xbf16, #tpu.memory_space<vmem>>) offsets(%dma_start3A_154 : memref<200xi32, #tpu.memory_space<vmem>>) semaphore(%arg13 : memref<!tpu.dma_semaphore, #tpu.memory_space<semaphore_mem>>)
    %dma_wait3A_158 = arith.constant 0 : i32
    %dma_wait3A_159 = arith.constant 0 : i32
    %dma_wait3A_160 = tpu.memref_slice %arg6[%dma_wait3A_158, %dma_wait3A_159] : memref<50x200xi32, #tpu.memory_space<vmem>> -> memref<1x200xi32, #tpu.memory_space<vmem>>
    %dma_wait3A_161 = tpu.memref_squeeze %dma_wait3A_160 : memref<1x200xi32, #tpu.memory_space<vmem>> -> memref<200xi32, #tpu.memory_space<vmem>>
    %dma_wait3A_162 = arith.constant 0 : i32
    %dma_wait3A_163 = arith.constant 0 : i32
    %dma_wait3A_164 = tpu.memref_slice %arg2[%dma_wait3A_162, %dma_wait3A_163] : memref<10000x64xbf16, #tpu.memory_space<hbm>> -> memref<10000x64xbf16, #tpu.memory_space<hbm>>
    tpu.wait_indirect_dma semaphore(%arg13 : memref<!tpu.dma_semaphore, #tpu.memory_space<semaphore_mem>>) src(%dma_wait3A_164 : memref<10000x64xbf16, #tpu.memory_space<hbm>>) dst(%arg9 : memref<200x64xbf16, #tpu.memory_space<vmem>>)
    %dma_wait3A_165 = arith.constant 0 : i32
    %dma_wait3A_166 = arith.constant 0 : i32
    %dma_wait3A_167 = tpu.memref_slice %arg7[%dma_wait3A_165, %dma_wait3A_166] : memref<50x200xi32, #tpu.memory_space<vmem>> -> memref<1x200xi32, #tpu.memory_space<vmem>>
    %dma_wait3A_168 = tpu.memref_squeeze %dma_wait3A_167 : memref<1x200xi32, #tpu.memory_space<vmem>> -> memref<200xi32, #tpu.memory_space<vmem>>
    %dma_wait3A_169 = arith.constant 0 : i32
    %dma_wait3A_170 = arith.constant 0 : i32
    %dma_wait3A_171 = tpu.memref_slice %arg12[%dma_wait3A_169, %dma_wait3A_170] : memref<10000x64xbf16, #tpu.memory_space<vmem_shared>> -> memref<10000x64xbf16, #tpu.memory_space<vmem_shared>>
    tpu.wait_indirect_dma semaphore(%arg14 : memref<!tpu.dma_semaphore, #tpu.memory_space<semaphore_mem>>) src(%arg11 : memref<200x64xbf16, #tpu.memory_space<vmem>>) dst(%dma_wait3A_171 : memref<10000x64xbf16, #tpu.memory_space<vmem_shared>>)
    %dma_start3A_172 = arith.constant 45 : i32
    %dma_start3A_173 = arith.constant 0 : i32
    %dma_start3A_174 = tpu.memref_slice %arg7[%dma_start3A_172, %dma_start3A_173] : memref<50x200xi32, #tpu.memory_space<vmem>> -> memref<1x200xi32, #tpu.memory_space<vmem>>
    %dma_start3A_175 = tpu.memref_squeeze %dma_start3A_174 : memref<1x200xi32, #tpu.memory_space<vmem>> -> memref<200xi32, #tpu.memory_space<vmem>>
    %dma_start3A_176 = arith.constant 0 : i32
    %dma_start3A_177 = arith.constant 0 : i32
    %dma_start3A_178 = tpu.memref_slice %arg12[%dma_start3A_176, %dma_start3A_177] : memref<10000x64xbf16, #tpu.memory_space<vmem_shared>> -> memref<10000x64xbf16, #tpu.memory_space<vmem_shared>>
    tpu.enqueue_indirect_dma source(%arg9 : memref<200x64xbf16, #tpu.memory_space<vmem>>) target(%dma_start3A_178 : memref<10000x64xbf16, #tpu.memory_space<vmem_shared>>) offsets(%dma_start3A_175 : memref<200xi32, #tpu.memory_space<vmem>>) semaphore(%arg14 : memref<!tpu.dma_semaphore, #tpu.memory_space<semaphore_mem>>) {add = true}
    %dma_start3A_179 = arith.constant 47 : i32
    %dma_start3A_180 = arith.constant 0 : i32
    %dma_start3A_181 = tpu.memref_slice %arg6[%dma_start3A_179, %dma_start3A_180] : memref<50x200xi32, #tpu.memory_space<vmem>> -> memref<1x200xi32, #tpu.memory_space<vmem>>
    %dma_start3A_182 = tpu.memref_squeeze %dma_start3A_181 : memref<1x200xi32, #tpu.memory_space<vmem>> -> memref<200xi32, #tpu.memory_space<vmem>>
    %dma_start3A_183 = arith.constant 0 : i32
    %dma_start3A_184 = arith.constant 0 : i32
    %dma_start3A_185 = tpu.memref_slice %arg2[%dma_start3A_183, %dma_start3A_184] : memref<10000x64xbf16, #tpu.memory_space<hbm>> -> memref<10000x64xbf16, #tpu.memory_space<hbm>>
    tpu.enqueue_indirect_dma source(%dma_start3A_185 : memref<10000x64xbf16, #tpu.memory_space<hbm>>) target(%arg11 : memref<200x64xbf16, #tpu.memory_space<vmem>>) offsets(%dma_start3A_182 : memref<200xi32, #tpu.memory_space<vmem>>) semaphore(%arg13 : memref<!tpu.dma_semaphore, #tpu.memory_space<semaphore_mem>>)
    %dma_wait3A_186 = arith.constant 0 : i32
    %dma_wait3A_187 = arith.constant 0 : i32
    %dma_wait3A_188 = tpu.memref_slice %arg6[%dma_wait3A_186, %dma_wait3A_187] : memref<50x200xi32, #tpu.memory_space<vmem>> -> memref<1x200xi32, #tpu.memory_space<vmem>>
    %dma_wait3A_189 = tpu.memref_squeeze %dma_wait3A_188 : memref<1x200xi32, #tpu.memory_space<vmem>> -> memref<200xi32, #tpu.memory_space<vmem>>
    %dma_wait3A_190 = arith.constant 0 : i32
    %dma_wait3A_191 = arith.constant 0 : i32
    %dma_wait3A_192 = tpu.memref_slice %arg2[%dma_wait3A_190, %dma_wait3A_191] : memref<10000x64xbf16, #tpu.memory_space<hbm>> -> memref<10000x64xbf16, #tpu.memory_space<hbm>>
    tpu.wait_indirect_dma semaphore(%arg13 : memref<!tpu.dma_semaphore, #tpu.memory_space<semaphore_mem>>) src(%dma_wait3A_192 : memref<10000x64xbf16, #tpu.memory_space<hbm>>) dst(%arg10 : memref<200x64xbf16, #tpu.memory_space<vmem>>)
    %dma_wait3A_193 = arith.constant 0 : i32
    %dma_wait3A_194 = arith.constant 0 : i32
    %dma_wait3A_195 = tpu.memref_slice %arg7[%dma_wait3A_193, %dma_wait3A_194] : memref<50x200xi32, #tpu.memory_space<vmem>> -> memref<1x200xi32, #tpu.memory_space<vmem>>
    %dma_wait3A_196 = tpu.memref_squeeze %dma_wait3A_195 : memref<1x200xi32, #tpu.memory_space<vmem>> -> memref<200xi32, #tpu.memory_space<vmem>>
    %dma_wait3A_197 = arith.constant 0 : i32
    %dma_wait3A_198 = arith.constant 0 : i32
    %dma_wait3A_199 = tpu.memref_slice %arg12[%dma_wait3A_197, %dma_wait3A_198] : memref<10000x64xbf16, #tpu.memory_space<vmem_shared>> -> memref<10000x64xbf16, #tpu.memory_space<vmem_shared>>
    tpu.wait_indirect_dma semaphore(%arg14 : memref<!tpu.dma_semaphore, #tpu.memory_space<semaphore_mem>>) src(%arg8 : memref<200x64xbf16, #tpu.memory_space<vmem>>) dst(%dma_wait3A_199 : memref<10000x64xbf16, #tpu.memory_space<vmem_shared>>)
    %dma_start3A_200 = arith.constant 46 : i32
    %dma_start3A_201 = arith.constant 0 : i32
    %dma_start3A_202 = tpu.memref_slice %arg7[%dma_start3A_200, %dma_start3A_201] : memref<50x200xi32, #tpu.memory_space<vmem>> -> memref<1x200xi32, #tpu.memory_space<vmem>>
    %dma_start3A_203 = tpu.memref_squeeze %dma_start3A_202 : memref<1x200xi32, #tpu.memory_space<vmem>> -> memref<200xi32, #tpu.memory_space<vmem>>
    %dma_start3A_204 = arith.constant 0 : i32
    %dma_start3A_205 = arith.constant 0 : i32
    %dma_start3A_206 = tpu.memref_slice %arg12[%dma_start3A_204, %dma_start3A_205] : memref<10000x64xbf16, #tpu.memory_space<vmem_shared>> -> memref<10000x64xbf16, #tpu.memory_space<vmem_shared>>
    tpu.enqueue_indirect_dma source(%arg10 : memref<200x64xbf16, #tpu.memory_space<vmem>>) target(%dma_start3A_206 : memref<10000x64xbf16, #tpu.memory_space<vmem_shared>>) offsets(%dma_start3A_203 : memref<200xi32, #tpu.memory_space<vmem>>) semaphore(%arg14 : memref<!tpu.dma_semaphore, #tpu.memory_space<semaphore_mem>>) {add = true}
    %dma_start3A_207 = arith.constant 48 : i32
    %dma_start3A_208 = arith.constant 0 : i32
    %dma_start3A_209 = tpu.memref_slice %arg6[%dma_start3A_207, %dma_start3A_208] : memref<50x200xi32, #tpu.memory_space<vmem>> -> memref<1x200xi32, #tpu.memory_space<vmem>>
    %dma_start3A_210 = tpu.memref_squeeze %dma_start3A_209 : memref<1x200xi32, #tpu.memory_space<vmem>> -> memref<200xi32, #tpu.memory_space<vmem>>
    %dma_start3A_211 = arith.constant 0 : i32
    %dma_start3A_212 = arith.constant 0 : i32
    %dma_start3A_213 = tpu.memref_slice %arg2[%dma_start3A_211, %dma_start3A_212] : memref<10000x64xbf16, #tpu.memory_space<hbm>> -> memref<10000x64xbf16, #tpu.memory_space<hbm>>
    tpu.enqueue_indirect_dma source(%dma_start3A_213 : memref<10000x64xbf16, #tpu.memory_space<hbm>>) target(%arg8 : memref<200x64xbf16, #tpu.memory_space<vmem>>) offsets(%dma_start3A_210 : memref<200xi32, #tpu.memory_space<vmem>>) semaphore(%arg13 : memref<!tpu.dma_semaphore, #tpu.memory_space<semaphore_mem>>)
    %dma_wait3A_214 = arith.constant 0 : i32
    %dma_wait3A_215 = arith.constant 0 : i32
    %dma_wait3A_216 = tpu.memref_slice %arg6[%dma_wait3A_214, %dma_wait3A_215] : memref<50x200xi32, #tpu.memory_space<vmem>> -> memref<1x200xi32, #tpu.memory_space<vmem>>
    %dma_wait3A_217 = tpu.memref_squeeze %dma_wait3A_216 : memref<1x200xi32, #tpu.memory_space<vmem>> -> memref<200xi32, #tpu.memory_space<vmem>>
    %dma_wait3A_218 = arith.constant 0 : i32
    %dma_wait3A_219 = arith.constant 0 : i32
    %dma_wait3A_220 = tpu.memref_slice %arg2[%dma_wait3A_218, %dma_wait3A_219] : memref<10000x64xbf16, #tpu.memory_space<hbm>> -> memref<10000x64xbf16, #tpu.memory_space<hbm>>
    tpu.wait_indirect_dma semaphore(%arg13 : memref<!tpu.dma_semaphore, #tpu.memory_space<semaphore_mem>>) src(%dma_wait3A_220 : memref<10000x64xbf16, #tpu.memory_space<hbm>>) dst(%arg11 : memref<200x64xbf16, #tpu.memory_space<vmem>>)
    %dma_wait3A_221 = arith.constant 0 : i32
    %dma_wait3A_222 = arith.constant 0 : i32
    %dma_wait3A_223 = tpu.memref_slice %arg7[%dma_wait3A_221, %dma_wait3A_222] : memref<50x200xi32, #tpu.memory_space<vmem>> -> memref<1x200xi32, #tpu.memory_space<vmem>>
    %dma_wait3A_224 = tpu.memref_squeeze %dma_wait3A_223 : memref<1x200xi32, #tpu.memory_space<vmem>> -> memref<200xi32, #tpu.memory_space<vmem>>
    %dma_wait3A_225 = arith.constant 0 : i32
    %dma_wait3A_226 = arith.constant 0 : i32
    %dma_wait3A_227 = tpu.memref_slice %arg12[%dma_wait3A_225, %dma_wait3A_226] : memref<10000x64xbf16, #tpu.memory_space<vmem_shared>> -> memref<10000x64xbf16, #tpu.memory_space<vmem_shared>>
    tpu.wait_indirect_dma semaphore(%arg14 : memref<!tpu.dma_semaphore, #tpu.memory_space<semaphore_mem>>) src(%arg9 : memref<200x64xbf16, #tpu.memory_space<vmem>>) dst(%dma_wait3A_227 : memref<10000x64xbf16, #tpu.memory_space<vmem_shared>>)
    %dma_start3A_228 = arith.constant 47 : i32
    %dma_start3A_229 = arith.constant 0 : i32
    %dma_start3A_230 = tpu.memref_slice %arg7[%dma_start3A_228, %dma_start3A_229] : memref<50x200xi32, #tpu.memory_space<vmem>> -> memref<1x200xi32, #tpu.memory_space<vmem>>
    %dma_start3A_231 = tpu.memref_squeeze %dma_start3A_230 : memref<1x200xi32, #tpu.memory_space<vmem>> -> memref<200xi32, #tpu.memory_space<vmem>>
    %dma_start3A_232 = arith.constant 0 : i32
    %dma_start3A_233 = arith.constant 0 : i32
    %dma_start3A_234 = tpu.memref_slice %arg12[%dma_start3A_232, %dma_start3A_233] : memref<10000x64xbf16, #tpu.memory_space<vmem_shared>> -> memref<10000x64xbf16, #tpu.memory_space<vmem_shared>>
    tpu.enqueue_indirect_dma source(%arg11 : memref<200x64xbf16, #tpu.memory_space<vmem>>) target(%dma_start3A_234 : memref<10000x64xbf16, #tpu.memory_space<vmem_shared>>) offsets(%dma_start3A_231 : memref<200xi32, #tpu.memory_space<vmem>>) semaphore(%arg14 : memref<!tpu.dma_semaphore, #tpu.memory_space<semaphore_mem>>) {add = true}
    %dma_start3A_235 = arith.constant 49 : i32
    %dma_start3A_236 = arith.constant 0 : i32
    %dma_start3A_237 = tpu.memref_slice %arg6[%dma_start3A_235, %dma_start3A_236] : memref<50x200xi32, #tpu.memory_space<vmem>> -> memref<1x200xi32, #tpu.memory_space<vmem>>
    %dma_start3A_238 = tpu.memref_squeeze %dma_start3A_237 : memref<1x200xi32, #tpu.memory_space<vmem>> -> memref<200xi32, #tpu.memory_space<vmem>>
    %dma_start3A_239 = arith.constant 0 : i32
    %dma_start3A_240 = arith.constant 0 : i32
    %dma_start3A_241 = tpu.memref_slice %arg2[%dma_start3A_239, %dma_start3A_240] : memref<10000x64xbf16, #tpu.memory_space<hbm>> -> memref<10000x64xbf16, #tpu.memory_space<hbm>>
    tpu.enqueue_indirect_dma source(%dma_start3A_241 : memref<10000x64xbf16, #tpu.memory_space<hbm>>) target(%arg9 : memref<200x64xbf16, #tpu.memory_space<vmem>>) offsets(%dma_start3A_238 : memref<200xi32, #tpu.memory_space<vmem>>) semaphore(%arg13 : memref<!tpu.dma_semaphore, #tpu.memory_space<semaphore_mem>>)
    %dma_wait3A_242 = arith.constant 0 : i32
    %dma_wait3A_243 = arith.constant 0 : i32
    %dma_wait3A_244 = tpu.memref_slice %arg6[%dma_wait3A_242, %dma_wait3A_243] : memref<50x200xi32, #tpu.memory_space<vmem>> -> memref<1x200xi32, #tpu.memory_space<vmem>>
    %dma_wait3A_245 = tpu.memref_squeeze %dma_wait3A_244 : memref<1x200xi32, #tpu.memory_space<vmem>> -> memref<200xi32, #tpu.memory_space<vmem>>
    %dma_wait3A_246 = arith.constant 0 : i32
    %dma_wait3A_247 = arith.constant 0 : i32
    %dma_wait3A_248 = tpu.memref_slice %arg2[%dma_wait3A_246, %dma_wait3A_247] : memref<10000x64xbf16, #tpu.memory_space<hbm>> -> memref<10000x64xbf16, #tpu.memory_space<hbm>>
    tpu.wait_indirect_dma semaphore(%arg13 : memref<!tpu.dma_semaphore, #tpu.memory_space<semaphore_mem>>) src(%dma_wait3A_248 : memref<10000x64xbf16, #tpu.memory_space<hbm>>) dst(%arg8 : memref<200x64xbf16, #tpu.memory_space<vmem>>)
    %dma_wait3A_249 = arith.constant 0 : i32
    %dma_wait3A_250 = arith.constant 0 : i32
    %dma_wait3A_251 = tpu.memref_slice %arg7[%dma_wait3A_249, %dma_wait3A_250] : memref<50x200xi32, #tpu.memory_space<vmem>> -> memref<1x200xi32, #tpu.memory_space<vmem>>
    %dma_wait3A_252 = tpu.memref_squeeze %dma_wait3A_251 : memref<1x200xi32, #tpu.memory_space<vmem>> -> memref<200xi32, #tpu.memory_space<vmem>>
    %dma_wait3A_253 = arith.constant 0 : i32
    %dma_wait3A_254 = arith.constant 0 : i32
    %dma_wait3A_255 = tpu.memref_slice %arg12[%dma_wait3A_253, %dma_wait3A_254] : memref<10000x64xbf16, #tpu.memory_space<vmem_shared>> -> memref<10000x64xbf16, #tpu.memory_space<vmem_shared>>
    tpu.wait_indirect_dma semaphore(%arg14 : memref<!tpu.dma_semaphore, #tpu.memory_space<semaphore_mem>>) src(%arg10 : memref<200x64xbf16, #tpu.memory_space<vmem>>) dst(%dma_wait3A_255 : memref<10000x64xbf16, #tpu.memory_space<vmem_shared>>)
    %dma_start3A_256 = arith.constant 48 : i32
    %dma_start3A_257 = arith.constant 0 : i32
    %dma_start3A_258 = tpu.memref_slice %arg7[%dma_start3A_256, %dma_start3A_257] : memref<50x200xi32, #tpu.memory_space<vmem>> -> memref<1x200xi32, #tpu.memory_space<vmem>>
    %dma_start3A_259 = tpu.memref_squeeze %dma_start3A_258 : memref<1x200xi32, #tpu.memory_space<vmem>> -> memref<200xi32, #tpu.memory_space<vmem>>
    %dma_start3A_260 = arith.constant 0 : i32
    %dma_start3A_261 = arith.constant 0 : i32
    %dma_start3A_262 = tpu.memref_slice %arg12[%dma_start3A_260, %dma_start3A_261] : memref<10000x64xbf16, #tpu.memory_space<vmem_shared>> -> memref<10000x64xbf16, #tpu.memory_space<vmem_shared>>
    tpu.enqueue_indirect_dma source(%arg8 : memref<200x64xbf16, #tpu.memory_space<vmem>>) target(%dma_start3A_262 : memref<10000x64xbf16, #tpu.memory_space<vmem_shared>>) offsets(%dma_start3A_259 : memref<200xi32, #tpu.memory_space<vmem>>) semaphore(%arg14 : memref<!tpu.dma_semaphore, #tpu.memory_space<semaphore_mem>>) {add = true}
    %dma_wait3A_263 = arith.constant 0 : i32
    %dma_wait3A_264 = arith.constant 0 : i32
    %dma_wait3A_265 = tpu.memref_slice %arg6[%dma_wait3A_263, %dma_wait3A_264] : memref<50x200xi32, #tpu.memory_space<vmem>> -> memref<1x200xi32, #tpu.memory_space<vmem>>
    %dma_wait3A_266 = tpu.memref_squeeze %dma_wait3A_265 : memref<1x200xi32, #tpu.memory_space<vmem>> -> memref<200xi32, #tpu.memory_space<vmem>>
    %dma_wait3A_267 = arith.constant 0 : i32
    %dma_wait3A_268 = arith.constant 0 : i32
    %dma_wait3A_269 = tpu.memref_slice %arg2[%dma_wait3A_267, %dma_wait3A_268] : memref<10000x64xbf16, #tpu.memory_space<hbm>> -> memref<10000x64xbf16, #tpu.memory_space<hbm>>
    tpu.wait_indirect_dma semaphore(%arg13 : memref<!tpu.dma_semaphore, #tpu.memory_space<semaphore_mem>>) src(%dma_wait3A_269 : memref<10000x64xbf16, #tpu.memory_space<hbm>>) dst(%arg9 : memref<200x64xbf16, #tpu.memory_space<vmem>>)
    %dma_wait3A_270 = arith.constant 0 : i32
    %dma_wait3A_271 = arith.constant 0 : i32
    %dma_wait3A_272 = tpu.memref_slice %arg7[%dma_wait3A_270, %dma_wait3A_271] : memref<50x200xi32, #tpu.memory_space<vmem>> -> memref<1x200xi32, #tpu.memory_space<vmem>>
    %dma_wait3A_273 = tpu.memref_squeeze %dma_wait3A_272 : memref<1x200xi32, #tpu.memory_space<vmem>> -> memref<200xi32, #tpu.memory_space<vmem>>
    %dma_wait3A_274 = arith.constant 0 : i32
    %dma_wait3A_275 = arith.constant 0 : i32
    %dma_wait3A_276 = tpu.memref_slice %arg12[%dma_wait3A_274, %dma_wait3A_275] : memref<10000x64xbf16, #tpu.memory_space<vmem_shared>> -> memref<10000x64xbf16, #tpu.memory_space<vmem_shared>>
    tpu.wait_indirect_dma semaphore(%arg14 : memref<!tpu.dma_semaphore, #tpu.memory_space<semaphore_mem>>) src(%arg11 : memref<200x64xbf16, #tpu.memory_space<vmem>>) dst(%dma_wait3A_276 : memref<10000x64xbf16, #tpu.memory_space<vmem_shared>>)
    %dma_start3A_277 = arith.constant 49 : i32
    %dma_start3A_278 = arith.constant 0 : i32
    %dma_start3A_279 = tpu.memref_slice %arg7[%dma_start3A_277, %dma_start3A_278] : memref<50x200xi32, #tpu.memory_space<vmem>> -> memref<1x200xi32, #tpu.memory_space<vmem>>
    %dma_start3A_280 = tpu.memref_squeeze %dma_start3A_279 : memref<1x200xi32, #tpu.memory_space<vmem>> -> memref<200xi32, #tpu.memory_space<vmem>>
    %dma_start3A_281 = arith.constant 0 : i32
    %dma_start3A_282 = arith.constant 0 : i32
    %dma_start3A_283 = tpu.memref_slice %arg12[%dma_start3A_281, %dma_start3A_282] : memref<10000x64xbf16, #tpu.memory_space<vmem_shared>> -> memref<10000x64xbf16, #tpu.memory_space<vmem_shared>>
    tpu.enqueue_indirect_dma source(%arg9 : memref<200x64xbf16, #tpu.memory_space<vmem>>) target(%dma_start3A_283 : memref<10000x64xbf16, #tpu.memory_space<vmem_shared>>) offsets(%dma_start3A_280 : memref<200xi32, #tpu.memory_space<vmem>>) semaphore(%arg14 : memref<!tpu.dma_semaphore, #tpu.memory_space<semaphore_mem>>) {add = true}
    %dma_wait3A_284 = arith.constant 0 : i32
    %dma_wait3A_285 = arith.constant 0 : i32
    %dma_wait3A_286 = tpu.memref_slice %arg7[%dma_wait3A_284, %dma_wait3A_285] : memref<50x200xi32, #tpu.memory_space<vmem>> -> memref<1x200xi32, #tpu.memory_space<vmem>>
    %dma_wait3A_287 = tpu.memref_squeeze %dma_wait3A_286 : memref<1x200xi32, #tpu.memory_space<vmem>> -> memref<200xi32, #tpu.memory_space<vmem>>
    %dma_wait3A_288 = arith.constant 0 : i32
    %dma_wait3A_289 = arith.constant 0 : i32
    %dma_wait3A_290 = tpu.memref_slice %arg12[%dma_wait3A_288, %dma_wait3A_289] : memref<10000x64xbf16, #tpu.memory_space<vmem_shared>> -> memref<10000x64xbf16, #tpu.memory_space<vmem_shared>>
    tpu.wait_indirect_dma semaphore(%arg14 : memref<!tpu.dma_semaphore, #tpu.memory_space<semaphore_mem>>) src(%arg8 : memref<200x64xbf16, #tpu.memory_space<vmem>>) dst(%dma_wait3A_290 : memref<10000x64xbf16, #tpu.memory_space<vmem_shared>>)
    %dma_wait3A_291 = arith.constant 0 : i32
    %dma_wait3A_292 = arith.constant 0 : i32
    %dma_wait3A_293 = tpu.memref_slice %arg7[%dma_wait3A_291, %dma_wait3A_292] : memref<50x200xi32, #tpu.memory_space<vmem>> -> memref<1x200xi32, #tpu.memory_space<vmem>>
    %dma_wait3A_294 = tpu.memref_squeeze %dma_wait3A_293 : memref<1x200xi32, #tpu.memory_space<vmem>> -> memref<200xi32, #tpu.memory_space<vmem>>
    %dma_wait3A_295 = arith.constant 0 : i32
    %dma_wait3A_296 = arith.constant 0 : i32
    %dma_wait3A_297 = tpu.memref_slice %arg12[%dma_wait3A_295, %dma_wait3A_296] : memref<10000x64xbf16, #tpu.memory_space<vmem_shared>> -> memref<10000x64xbf16, #tpu.memory_space<vmem_shared>>
    tpu.wait_indirect_dma semaphore(%arg14 : memref<!tpu.dma_semaphore, #tpu.memory_space<semaphore_mem>>) src(%arg9 : memref<200x64xbf16, #tpu.memory_space<vmem>>) dst(%dma_wait3A_297 : memref<10000x64xbf16, #tpu.memory_space<vmem_shared>>)
    %barrier3A_298 = arith.constant 0 : index
    tpu.barrier barrier_id(%barrier3A_298)
    "tpu.region"() ({
      %run_scoped3A = tpu.sem_alloc : memref<!tpu.dma_semaphore, #tpu.memory_space<semaphore_mem>>
      %dma_start3A_299 = arith.constant 0 : i32
      %dma_start3A_300 = tpu.memref_slice %arg5[%arg0, %mul3A_6, %dma_start3A_299] : memref<2x10000x64xbf16, #tpu.memory_space<hbm>> -> memref<1x625x64xbf16, #tpu.memory_space<hbm>>
      %dma_start3A_301 = tpu.memref_squeeze %dma_start3A_300 : memref<1x625x64xbf16, #tpu.memory_space<hbm>> -> memref<625x64xbf16, #tpu.memory_space<hbm>>
      %dma_start3A_302 = arith.constant 0 : i32
      %dma_start3A_303 = tpu.memref_slice %arg12[%mul3A_6, %dma_start3A_302] : memref<10000x64xbf16, #tpu.memory_space<vmem_shared>> -> memref<625x64xbf16, #tpu.memory_space<vmem_shared>>
      tpu.enqueue_dma source(%dma_start3A_303 : memref<625x64xbf16, #tpu.memory_space<vmem_shared>>) target(%dma_start3A_301 : memref<625x64xbf16, #tpu.memory_space<hbm>>) target_semaphore(%run_scoped3A : memref<!tpu.dma_semaphore, #tpu.memory_space<semaphore_mem>>)
      %dma_wait3A_304 = arith.constant 0 : i32
      %dma_wait3A_305 = tpu.memref_slice %arg5[%arg0, %mul3A_6, %dma_wait3A_304] : memref<2x10000x64xbf16, #tpu.memory_space<hbm>> -> memref<1x625x64xbf16, #tpu.memory_space<hbm>>
      %dma_wait3A_306 = tpu.memref_squeeze %dma_wait3A_305 : memref<1x625x64xbf16, #tpu.memory_space<hbm>> -> memref<625x64xbf16, #tpu.memory_space<hbm>>
      %dma_wait3A_307 = arith.constant 0 : i32
      %dma_wait3A_308 = tpu.memref_slice %arg12[%mul3A_6, %dma_wait3A_307] : memref<10000x64xbf16, #tpu.memory_space<vmem_shared>> -> memref<625x64xbf16, #tpu.memory_space<vmem_shared>>
      tpu.wait_dma2 semaphore(%run_scoped3A : memref<!tpu.dma_semaphore, #tpu.memory_space<semaphore_mem>>) src(%dma_wait3A_308 : memref<625x64xbf16, #tpu.memory_space<vmem_shared>>) dst(%dma_wait3A_306 : memref<625x64xbf16, #tpu.memory_space<hbm>>)
      tpu.yield
    }) : () -> ()
    return
  }
}

#map = affine_map<(d0, d1) -> (0, 0)>
#map1 = affine_map<(d0, d1) -> (0, 0, 0)>
module attributes {stable_mosaic.version = 14 : i64} {
  func.func @body(%arg0: i32, %arg1: i32, %arg2: memref<10000x128xbf16, #tpu.memory_space<hbm>>, %arg3: memref<32x50x200xi32, #tpu.memory_space<hbm>>, %arg4: memref<32x50x200xi32, #tpu.memory_space<hbm>>, %arg5: memref<2x10000x128xbf16, #tpu.memory_space<hbm>>, %arg6: memref<2x10000xf32, #tpu.memory_space<hbm>>, %arg7: memref<50x200xi32, #tpu.memory_space<vmem>>, %arg8: memref<50x200xi32, #tpu.memory_space<vmem>>, %arg9: memref<200x128xbf16, #tpu.memory_space<vmem>>, %arg10: memref<200x128xbf16, #tpu.memory_space<vmem>>, %arg11: memref<200x128xbf16, #tpu.memory_space<vmem>>, %arg12: memref<200x128xbf16, #tpu.memory_space<vmem>>, %arg13: memref<10000x128xbf16, #tpu.memory_space<vmem_shared>>, %arg14: memref<!tpu.dma_semaphore, #tpu.memory_space<semaphore_mem>>, %arg15: memref<!tpu.dma_semaphore, #tpu.memory_space<semaphore_mem>>, %arg16: memref<640xf32, #tpu.memory_space<vmem>>, %arg17: memref<10000xf32, #tpu.memory_space<vmem_shared>>) attributes {dimension_semantics = [#tpu.dimension_semantics<core_parallel>, #tpu.dimension_semantics<subcore_parallel>], iteration_bounds = array<i64: 2, 16>, scalar_prefetch = 0 : i64, scratch_operands = 11 : i64, tpu.core_type = #tpu.core_type<sc_vector_subcore>, window_params = [{transform_indices = #map}, {transform_indices = #map1}, {transform_indices = #map1}, {transform_indices = #map1}, {transform_indices = #map}]} {
    %mul3A = arith.constant 2 : i32
    %mul3A_0 = arith.muli %arg1, %mul3A : i32
    %add3A = arith.addi %mul3A_0, %arg0 : i32
    "tpu.region"() ({
      %run_scoped3A_329 = tpu.sem_alloc : memref<!tpu.dma_semaphore, #tpu.memory_space<semaphore_mem>>
      %dma_start3A_330 = arith.constant 0 : i32
      %dma_start3A_331 = arith.constant 0 : i32
      %dma_start3A_332 = tpu.memref_slice %arg3[%add3A, %dma_start3A_330, %dma_start3A_331] : memref<32x50x200xi32, #tpu.memory_space<hbm>> -> memref<1x50x200xi32, #tpu.memory_space<hbm>>
      %dma_start3A_333 = tpu.memref_squeeze %dma_start3A_332 : memref<1x50x200xi32, #tpu.memory_space<hbm>> -> memref<50x200xi32, #tpu.memory_space<hbm>>
      %dma_start3A_334 = arith.constant 0 : i32
      %dma_start3A_335 = arith.constant 0 : i32
      %dma_start3A_336 = tpu.memref_slice %arg3[%add3A, %dma_start3A_334, %dma_start3A_335] : memref<32x50x200xi32, #tpu.memory_space<hbm>> -> memref<1x50x200xi32, #tpu.memory_space<hbm>>
      %dma_start3A_337 = tpu.memref_squeeze %dma_start3A_336 : memref<1x50x200xi32, #tpu.memory_space<hbm>> -> memref<50x200xi32, #tpu.memory_space<hbm>>
      tpu.enqueue_dma source(%dma_start3A_337 : memref<50x200xi32, #tpu.memory_space<hbm>>) target(%arg7 : memref<50x200xi32, #tpu.memory_space<vmem>>) target_semaphore(%run_scoped3A_329 : memref<!tpu.dma_semaphore, #tpu.memory_space<semaphore_mem>>)
      %dma_wait3A_338 = arith.constant 0 : i32
      %dma_wait3A_339 = arith.constant 0 : i32
      %dma_wait3A_340 = tpu.memref_slice %arg3[%add3A, %dma_wait3A_338, %dma_wait3A_339] : memref<32x50x200xi32, #tpu.memory_space<hbm>> -> memref<1x50x200xi32, #tpu.memory_space<hbm>>
      %dma_wait3A_341 = tpu.memref_squeeze %dma_wait3A_340 : memref<1x50x200xi32, #tpu.memory_space<hbm>> -> memref<50x200xi32, #tpu.memory_space<hbm>>
      %dma_wait3A_342 = arith.constant 0 : i32
      %dma_wait3A_343 = arith.constant 0 : i32
      %dma_wait3A_344 = tpu.memref_slice %arg3[%add3A, %dma_wait3A_342, %dma_wait3A_343] : memref<32x50x200xi32, #tpu.memory_space<hbm>> -> memref<1x50x200xi32, #tpu.memory_space<hbm>>
      %dma_wait3A_345 = tpu.memref_squeeze %dma_wait3A_344 : memref<1x50x200xi32, #tpu.memory_space<hbm>> -> memref<50x200xi32, #tpu.memory_space<hbm>>
      tpu.wait_dma2 semaphore(%run_scoped3A_329 : memref<!tpu.dma_semaphore, #tpu.memory_space<semaphore_mem>>) src(%dma_wait3A_345 : memref<50x200xi32, #tpu.memory_space<hbm>>) dst(%arg7 : memref<50x200xi32, #tpu.memory_space<vmem>>)
      tpu.yield
    }) : () -> ()
    "tpu.region"() ({
      %run_scoped3A_329 = tpu.sem_alloc : memref<!tpu.dma_semaphore, #tpu.memory_space<semaphore_mem>>
      %dma_start3A_330 = arith.constant 0 : i32
      %dma_start3A_331 = arith.constant 0 : i32
      %dma_start3A_332 = tpu.memref_slice %arg4[%add3A, %dma_start3A_330, %dma_start3A_331] : memref<32x50x200xi32, #tpu.memory_space<hbm>> -> memref<1x50x200xi32, #tpu.memory_space<hbm>>
      %dma_start3A_333 = tpu.memref_squeeze %dma_start3A_332 : memref<1x50x200xi32, #tpu.memory_space<hbm>> -> memref<50x200xi32, #tpu.memory_space<hbm>>
      %dma_start3A_334 = arith.constant 0 : i32
      %dma_start3A_335 = arith.constant 0 : i32
      %dma_start3A_336 = tpu.memref_slice %arg4[%add3A, %dma_start3A_334, %dma_start3A_335] : memref<32x50x200xi32, #tpu.memory_space<hbm>> -> memref<1x50x200xi32, #tpu.memory_space<hbm>>
      %dma_start3A_337 = tpu.memref_squeeze %dma_start3A_336 : memref<1x50x200xi32, #tpu.memory_space<hbm>> -> memref<50x200xi32, #tpu.memory_space<hbm>>
      tpu.enqueue_dma source(%dma_start3A_337 : memref<50x200xi32, #tpu.memory_space<hbm>>) target(%arg8 : memref<50x200xi32, #tpu.memory_space<vmem>>) target_semaphore(%run_scoped3A_329 : memref<!tpu.dma_semaphore, #tpu.memory_space<semaphore_mem>>)
      %dma_wait3A_338 = arith.constant 0 : i32
      %dma_wait3A_339 = arith.constant 0 : i32
      %dma_wait3A_340 = tpu.memref_slice %arg4[%add3A, %dma_wait3A_338, %dma_wait3A_339] : memref<32x50x200xi32, #tpu.memory_space<hbm>> -> memref<1x50x200xi32, #tpu.memory_space<hbm>>
      %dma_wait3A_341 = tpu.memref_squeeze %dma_wait3A_340 : memref<1x50x200xi32, #tpu.memory_space<hbm>> -> memref<50x200xi32, #tpu.memory_space<hbm>>
      %dma_wait3A_342 = arith.constant 0 : i32
      %dma_wait3A_343 = arith.constant 0 : i32
      %dma_wait3A_344 = tpu.memref_slice %arg4[%add3A, %dma_wait3A_342, %dma_wait3A_343] : memref<32x50x200xi32, #tpu.memory_space<hbm>> -> memref<1x50x200xi32, #tpu.memory_space<hbm>>
      %dma_wait3A_345 = tpu.memref_squeeze %dma_wait3A_344 : memref<1x50x200xi32, #tpu.memory_space<hbm>> -> memref<50x200xi32, #tpu.memory_space<hbm>>
      tpu.wait_dma2 semaphore(%run_scoped3A_329 : memref<!tpu.dma_semaphore, #tpu.memory_space<semaphore_mem>>) src(%dma_wait3A_345 : memref<50x200xi32, #tpu.memory_space<hbm>>) dst(%arg8 : memref<50x200xi32, #tpu.memory_space<vmem>>)
      tpu.yield
    }) : () -> ()
    %scan3A = arith.constant 0 : i32
    %scan3A_1 = arith.constant 200 : i32
    %scan3A_2 = arith.addi %scan3A, %scan3A_1 : i32
    %scan3A_3 = arith.constant 1 : i32
    scf.for %scan3A_329 = %scan3A to %scan3A_2 step %scan3A_3  : i32 {
      %mul3A_330 = arith.constant 1 : i32
      %mul3A_331 = arith.muli %scan3A_329, %mul3A_330 : i32
      %add3A_332 = arith.constant 0 : i32
      %add3A_333 = arith.addi %add3A_332, %mul3A_331 : i32
      %broadcast_in_dim3A = arith.constant 0.000000e+00 : bf16
      %broadcast_in_dim3A_334 = vector.broadcast %broadcast_in_dim3A : bf16 to vector<32xbf16>
      %swap3A = arith.index_cast %add3A_333 : i32 to index
      %swap3A_335 = arith.constant 0 : index
      %swap3A_336 = tpu.vector_load %arg9[%swap3A, %swap3A_335] {strides = array<i32>} : memref<200x128xbf16, #tpu.memory_space<vmem>>, vector<1x32xbf16>,
      %swap3A_337 = vector.shape_cast %swap3A_336 : vector<1x32xbf16> to vector<32xbf16>
      %swap3A_338 = vector.shape_cast %broadcast_in_dim3A_334 : vector<32xbf16> to vector<1x32xbf16>
      tpu.vector_store %arg9[%swap3A, %swap3A_335], %swap3A_338 {strides = array<i32>} : memref<200x128xbf16, #tpu.memory_space<vmem>>, vector<1x32xbf16>,
      %broadcast_in_dim3A_339 = arith.constant 0.000000e+00 : bf16
      %broadcast_in_dim3A_340 = vector.broadcast %broadcast_in_dim3A_339 : bf16 to vector<32xbf16>
      %swap3A_341 = arith.index_cast %add3A_333 : i32 to index
      %swap3A_342 = arith.constant 32 : index
      %swap3A_343 = tpu.vector_load %arg9[%swap3A_341, %swap3A_342] {strides = array<i32>} : memref<200x128xbf16, #tpu.memory_space<vmem>>, vector<1x32xbf16>,
      %swap3A_344 = vector.shape_cast %swap3A_343 : vector<1x32xbf16> to vector<32xbf16>
      %swap3A_345 = vector.shape_cast %broadcast_in_dim3A_340 : vector<32xbf16> to vector<1x32xbf16>
      tpu.vector_store %arg9[%swap3A_341, %swap3A_342], %swap3A_345 {strides = array<i32>} : memref<200x128xbf16, #tpu.memory_space<vmem>>, vector<1x32xbf16>,
      %broadcast_in_dim3A_346 = arith.constant 0.000000e+00 : bf16
      %broadcast_in_dim3A_347 = vector.broadcast %broadcast_in_dim3A_346 : bf16 to vector<32xbf16>
      %swap3A_348 = arith.index_cast %add3A_333 : i32 to index
      %swap3A_349 = arith.constant 64 : index
      %swap3A_350 = tpu.vector_load %arg9[%swap3A_348, %swap3A_349] {strides = array<i32>} : memref<200x128xbf16, #tpu.memory_space<vmem>>, vector<1x32xbf16>,
      %swap3A_351 = vector.shape_cast %swap3A_350 : vector<1x32xbf16> to vector<32xbf16>
      %swap3A_352 = vector.shape_cast %broadcast_in_dim3A_347 : vector<32xbf16> to vector<1x32xbf16>
      tpu.vector_store %arg9[%swap3A_348, %swap3A_349], %swap3A_352 {strides = array<i32>} : memref<200x128xbf16, #tpu.memory_space<vmem>>, vector<1x32xbf16>,
      %broadcast_in_dim3A_353 = arith.constant 0.000000e+00 : bf16
      %broadcast_in_dim3A_354 = vector.broadcast %broadcast_in_dim3A_353 : bf16 to vector<32xbf16>
      %swap3A_355 = arith.index_cast %add3A_333 : i32 to index
      %swap3A_356 = arith.constant 96 : index
      %swap3A_357 = tpu.vector_load %arg9[%swap3A_355, %swap3A_356] {strides = array<i32>} : memref<200x128xbf16, #tpu.memory_space<vmem>>, vector<1x32xbf16>,
      %swap3A_358 = vector.shape_cast %swap3A_357 : vector<1x32xbf16> to vector<32xbf16>
      %swap3A_359 = vector.shape_cast %broadcast_in_dim3A_354 : vector<32xbf16> to vector<1x32xbf16>
      tpu.vector_store %arg9[%swap3A_355, %swap3A_356], %swap3A_359 {strides = array<i32>} : memref<200x128xbf16, #tpu.memory_space<vmem>>, vector<1x32xbf16>,
    }
    %scan3A_4 = arith.constant 200 : i32
    %mul3A_5 = arith.constant 625 : i32
    %mul3A_6 = arith.muli %arg1, %mul3A_5 : i32
    %add3A_7 = arith.constant 0 : i32
    %add3A_8 = arith.addi %mul3A_6, %add3A_7 : i32
    "tpu.region"() ({
      %run_scoped3A_329 = tpu.sem_alloc : memref<!tpu.dma_semaphore, #tpu.memory_space<semaphore_mem>>
      %dma_start3A_330 = arith.constant 0 : i32
      %dma_start3A_331 = tpu.memref_slice %arg13[%add3A_8, %dma_start3A_330] : memref<10000x128xbf16, #tpu.memory_space<vmem_shared>> -> memref<200x128xbf16, #tpu.memory_space<vmem_shared>>
      %dma_start3A_332 = arith.constant 0 : i32
      %dma_start3A_333 = tpu.memref_slice %arg13[%add3A_8, %dma_start3A_332] : memref<10000x128xbf16, #tpu.memory_space<vmem_shared>> -> memref<200x128xbf16, #tpu.memory_space<vmem_shared>>
      tpu.enqueue_dma source(%arg9 : memref<200x128xbf16, #tpu.memory_space<vmem>>) target(%dma_start3A_333 : memref<200x128xbf16, #tpu.memory_space<vmem_shared>>) target_semaphore(%run_scoped3A_329 : memref<!tpu.dma_semaphore, #tpu.memory_space<semaphore_mem>>)
      %dma_wait3A_334 = arith.constant 0 : i32
      %dma_wait3A_335 = tpu.memref_slice %arg13[%add3A_8, %dma_wait3A_334] : memref<10000x128xbf16, #tpu.memory_space<vmem_shared>> -> memref<200x128xbf16, #tpu.memory_space<vmem_shared>>
      %dma_wait3A_336 = arith.constant 0 : i32
      %dma_wait3A_337 = tpu.memref_slice %arg13[%add3A_8, %dma_wait3A_336] : memref<10000x128xbf16, #tpu.memory_space<vmem_shared>> -> memref<200x128xbf16, #tpu.memory_space<vmem_shared>>
      tpu.wait_dma2 semaphore(%run_scoped3A_329 : memref<!tpu.dma_semaphore, #tpu.memory_space<semaphore_mem>>) src(%arg9 : memref<200x128xbf16, #tpu.memory_space<vmem>>) dst(%dma_wait3A_337 : memref<200x128xbf16, #tpu.memory_space<vmem_shared>>)
      tpu.yield
    }) : () -> ()
    %add3A_9 = arith.constant 200 : i32
    %add3A_10 = arith.addi %mul3A_6, %add3A_9 : i32
    "tpu.region"() ({
      %run_scoped3A_329 = tpu.sem_alloc : memref<!tpu.dma_semaphore, #tpu.memory_space<semaphore_mem>>
      %dma_start3A_330 = arith.constant 0 : i32
      %dma_start3A_331 = tpu.memref_slice %arg13[%add3A_10, %dma_start3A_330] : memref<10000x128xbf16, #tpu.memory_space<vmem_shared>> -> memref<200x128xbf16, #tpu.memory_space<vmem_shared>>
      %dma_start3A_332 = arith.constant 0 : i32
      %dma_start3A_333 = tpu.memref_slice %arg13[%add3A_10, %dma_start3A_332] : memref<10000x128xbf16, #tpu.memory_space<vmem_shared>> -> memref<200x128xbf16, #tpu.memory_space<vmem_shared>>
      tpu.enqueue_dma source(%arg9 : memref<200x128xbf16, #tpu.memory_space<vmem>>) target(%dma_start3A_333 : memref<200x128xbf16, #tpu.memory_space<vmem_shared>>) target_semaphore(%run_scoped3A_329 : memref<!tpu.dma_semaphore, #tpu.memory_space<semaphore_mem>>)
      %dma_wait3A_334 = arith.constant 0 : i32
      %dma_wait3A_335 = tpu.memref_slice %arg13[%add3A_10, %dma_wait3A_334] : memref<10000x128xbf16, #tpu.memory_space<vmem_shared>> -> memref<200x128xbf16, #tpu.memory_space<vmem_shared>>
      %dma_wait3A_336 = arith.constant 0 : i32
      %dma_wait3A_337 = tpu.memref_slice %arg13[%add3A_10, %dma_wait3A_336] : memref<10000x128xbf16, #tpu.memory_space<vmem_shared>> -> memref<200x128xbf16, #tpu.memory_space<vmem_shared>>
      tpu.wait_dma2 semaphore(%run_scoped3A_329 : memref<!tpu.dma_semaphore, #tpu.memory_space<semaphore_mem>>) src(%arg9 : memref<200x128xbf16, #tpu.memory_space<vmem>>) dst(%dma_wait3A_337 : memref<200x128xbf16, #tpu.memory_space<vmem_shared>>)
      tpu.yield
    }) : () -> ()
    %add3A_11 = arith.constant 400 : i32
    %add3A_12 = arith.addi %mul3A_6, %add3A_11 : i32
    "tpu.region"() ({
      %run_scoped3A_329 = tpu.sem_alloc : memref<!tpu.dma_semaphore, #tpu.memory_space<semaphore_mem>>
      %dma_start3A_330 = arith.constant 0 : i32
      %dma_start3A_331 = tpu.memref_slice %arg13[%add3A_12, %dma_start3A_330] : memref<10000x128xbf16, #tpu.memory_space<vmem_shared>> -> memref<200x128xbf16, #tpu.memory_space<vmem_shared>>
      %dma_start3A_332 = arith.constant 0 : i32
      %dma_start3A_333 = tpu.memref_slice %arg13[%add3A_12, %dma_start3A_332] : memref<10000x128xbf16, #tpu.memory_space<vmem_shared>> -> memref<200x128xbf16, #tpu.memory_space<vmem_shared>>
      tpu.enqueue_dma source(%arg9 : memref<200x128xbf16, #tpu.memory_space<vmem>>) target(%dma_start3A_333 : memref<200x128xbf16, #tpu.memory_space<vmem_shared>>) target_semaphore(%run_scoped3A_329 : memref<!tpu.dma_semaphore, #tpu.memory_space<semaphore_mem>>)
      %dma_wait3A_334 = arith.constant 0 : i32
      %dma_wait3A_335 = tpu.memref_slice %arg13[%add3A_12, %dma_wait3A_334] : memref<10000x128xbf16, #tpu.memory_space<vmem_shared>> -> memref<200x128xbf16, #tpu.memory_space<vmem_shared>>
      %dma_wait3A_336 = arith.constant 0 : i32
      %dma_wait3A_337 = tpu.memref_slice %arg13[%add3A_12, %dma_wait3A_336] : memref<10000x128xbf16, #tpu.memory_space<vmem_shared>> -> memref<200x128xbf16, #tpu.memory_space<vmem_shared>>
      tpu.wait_dma2 semaphore(%run_scoped3A_329 : memref<!tpu.dma_semaphore, #tpu.memory_space<semaphore_mem>>) src(%arg9 : memref<200x128xbf16, #tpu.memory_space<vmem>>) dst(%dma_wait3A_337 : memref<200x128xbf16, #tpu.memory_space<vmem_shared>>)
      tpu.yield
    }) : () -> ()
    %add3A_13 = arith.constant 600 : i32
    %add3A_14 = arith.addi %mul3A_6, %add3A_13 : i32
    "tpu.region"() ({
      %run_scoped3A_329 = tpu.sem_alloc : memref<!tpu.dma_semaphore, #tpu.memory_space<semaphore_mem>>
      %dma_start3A_330 = arith.constant 0 : i32
      %dma_start3A_331 = arith.constant 0 : i32
      %dma_start3A_332 = tpu.memref_slice %arg9[%dma_start3A_330, %dma_start3A_331] : memref<200x128xbf16, #tpu.memory_space<vmem>> -> memref<25x128xbf16, #tpu.memory_space<vmem>>
      %dma_start3A_333 = arith.constant 0 : i32
      %dma_start3A_334 = tpu.memref_slice %arg13[%add3A_14, %dma_start3A_333] : memref<10000x128xbf16, #tpu.memory_space<vmem_shared>> -> memref<25x128xbf16, #tpu.memory_space<vmem_shared>>
      %dma_start3A_335 = arith.constant 0 : i32
      %dma_start3A_336 = tpu.memref_slice %arg13[%add3A_14, %dma_start3A_335] : memref<10000x128xbf16, #tpu.memory_space<vmem_shared>> -> memref<25x128xbf16, #tpu.memory_space<vmem_shared>>
      %dma_start3A_337 = arith.constant 0 : i32
      %dma_start3A_338 = arith.constant 0 : i32
      %dma_start3A_339 = tpu.memref_slice %arg9[%dma_start3A_337, %dma_start3A_338] : memref<200x128xbf16, #tpu.memory_space<vmem>> -> memref<25x128xbf16, #tpu.memory_space<vmem>>
      tpu.enqueue_dma source(%dma_start3A_339 : memref<25x128xbf16, #tpu.memory_space<vmem>>) target(%dma_start3A_336 : memref<25x128xbf16, #tpu.memory_space<vmem_shared>>) target_semaphore(%run_scoped3A_329 : memref<!tpu.dma_semaphore, #tpu.memory_space<semaphore_mem>>)
      %dma_wait3A_340 = arith.constant 0 : i32
      %dma_wait3A_341 = arith.constant 0 : i32
      %dma_wait3A_342 = tpu.memref_slice %arg9[%dma_wait3A_340, %dma_wait3A_341] : memref<200x128xbf16, #tpu.memory_space<vmem>> -> memref<25x128xbf16, #tpu.memory_space<vmem>>
      %dma_wait3A_343 = arith.constant 0 : i32
      %dma_wait3A_344 = tpu.memref_slice %arg13[%add3A_14, %dma_wait3A_343] : memref<10000x128xbf16, #tpu.memory_space<vmem_shared>> -> memref<25x128xbf16, #tpu.memory_space<vmem_shared>>
      %dma_wait3A_345 = arith.constant 0 : i32
      %dma_wait3A_346 = tpu.memref_slice %arg13[%add3A_14, %dma_wait3A_345] : memref<10000x128xbf16, #tpu.memory_space<vmem_shared>> -> memref<25x128xbf16, #tpu.memory_space<vmem_shared>>
      %dma_wait3A_347 = arith.constant 0 : i32
      %dma_wait3A_348 = arith.constant 0 : i32
      %dma_wait3A_349 = tpu.memref_slice %arg9[%dma_wait3A_347, %dma_wait3A_348] : memref<200x128xbf16, #tpu.memory_space<vmem>> -> memref<25x128xbf16, #tpu.memory_space<vmem>>
      tpu.wait_dma2 semaphore(%run_scoped3A_329 : memref<!tpu.dma_semaphore, #tpu.memory_space<semaphore_mem>>) src(%dma_wait3A_349 : memref<25x128xbf16, #tpu.memory_space<vmem>>) dst(%dma_wait3A_346 : memref<25x128xbf16, #tpu.memory_space<vmem_shared>>)
      tpu.yield
    }) : () -> ()
    %scan3A_15 = arith.constant 0 : i32
    %scan3A_16 = arith.constant 40 : i32
    %scan3A_17 = arith.addi %scan3A_15, %scan3A_16 : i32
    %scan3A_18 = arith.constant 1 : i32
    scf.for %scan3A_329 = %scan3A_15 to %scan3A_17 step %scan3A_18  : i32 {
      %mul3A_330 = arith.constant 1 : i32
      %mul3A_331 = arith.muli %scan3A_329, %mul3A_330 : i32
      %add3A_332 = arith.constant 0 : i32
      %add3A_333 = arith.addi %add3A_332, %mul3A_331 : i32
      %broadcast_in_dim3A = arith.constant 0.000000e+00 : f32
      %broadcast_in_dim3A_334 = vector.broadcast %broadcast_in_dim3A : f32 to vector<16xf32>
      %mul3A_335 = arith.constant 16 : i32
      %mul3A_336 = arith.muli %add3A_333, %mul3A_335 : i32
      %swap3A = arith.index_cast %mul3A_336 : i32 to index
      %swap3A_337 = tpu.vector_load %arg16[%swap3A] {strides = array<i32>} : memref<640xf32, #tpu.memory_space<vmem>>, vector<16xf32>,
      %swap3A_338 = vector.shape_cast %swap3A_337 : vector<16xf32> to vector<16xf32>
      %swap3A_339 = vector.shape_cast %broadcast_in_dim3A_334 : vector<16xf32> to vector<16xf32>
      tpu.vector_store %arg16[%swap3A], %swap3A_339 {strides = array<i32>} : memref<640xf32, #tpu.memory_space<vmem>>, vector<16xf32>,
    }
    %scan3A_19 = arith.constant 40 : i32
    %lt3A = arith.constant 15 : i32
    %lt3A_20 = arith.cmpi slt, %arg1, %lt3A : i32
    %convert_element_type3A = arith.extui %lt3A_20 : i1 to i32
    %cond3A = arith.constant 0 : i32
    %cond3A_21 = arith.cmpi ne, %convert_element_type3A, %cond3A : i32
    scf.if %cond3A_21 {
      %mul3A_329 = arith.constant 640 : i32
      %mul3A_330 = arith.muli %arg1, %mul3A_329 : i32
      "tpu.region"() ({
        %run_scoped3A_331 = tpu.sem_alloc : memref<!tpu.dma_semaphore, #tpu.memory_space<semaphore_mem>>
        %dma_start3A_332 = tpu.memref_slice %arg17[%mul3A_330] : memref<10000xf32, #tpu.memory_space<vmem_shared>> -> memref<640xf32, #tpu.memory_space<vmem_shared>>
        %dma_start3A_333 = tpu.memref_slice %arg17[%mul3A_330] : memref<10000xf32, #tpu.memory_space<vmem_shared>> -> memref<640xf32, #tpu.memory_space<vmem_shared>>
        tpu.enqueue_dma source(%arg16 : memref<640xf32, #tpu.memory_space<vmem>>) target(%dma_start3A_333 : memref<640xf32, #tpu.memory_space<vmem_shared>>) target_semaphore(%run_scoped3A_331 : memref<!tpu.dma_semaphore, #tpu.memory_space<semaphore_mem>>)
        %dma_wait3A_334 = tpu.memref_slice %arg17[%mul3A_330] : memref<10000xf32, #tpu.memory_space<vmem_shared>> -> memref<640xf32, #tpu.memory_space<vmem_shared>>
        %dma_wait3A_335 = tpu.memref_slice %arg17[%mul3A_330] : memref<10000xf32, #tpu.memory_space<vmem_shared>> -> memref<640xf32, #tpu.memory_space<vmem_shared>>
        tpu.wait_dma2 semaphore(%run_scoped3A_331 : memref<!tpu.dma_semaphore, #tpu.memory_space<semaphore_mem>>) src(%arg16 : memref<640xf32, #tpu.memory_space<vmem>>) dst(%dma_wait3A_335 : memref<640xf32, #tpu.memory_space<vmem_shared>>)
        tpu.yield
      }) : () -> ()
    } else {
    }
    %eq3A = arith.constant 15 : i32
    %eq3A_22 = arith.cmpi eq, %arg1, %eq3A : i32
    %convert_element_type3A_23 = arith.extui %eq3A_22 : i1 to i32
    %cond3A_24 = arith.constant 0 : i32
    %cond3A_25 = arith.cmpi ne, %convert_element_type3A_23, %cond3A_24 : i32
    scf.if %cond3A_25 {
      "tpu.region"() ({
        %run_scoped3A_329 = tpu.sem_alloc : memref<!tpu.dma_semaphore, #tpu.memory_space<semaphore_mem>>
        %dma_start3A_330 = arith.constant 0 : i32
        %dma_start3A_331 = tpu.memref_slice %arg16[%dma_start3A_330] : memref<640xf32, #tpu.memory_space<vmem>> -> memref<400xf32, #tpu.memory_space<vmem>>
        %dma_start3A_332 = arith.constant 9600 : i32
        %dma_start3A_333 = tpu.memref_slice %arg17[%dma_start3A_332] : memref<10000xf32, #tpu.memory_space<vmem_shared>> -> memref<400xf32, #tpu.memory_space<vmem_shared>>
        %dma_start3A_334 = arith.constant 9600 : i32
        %dma_start3A_335 = tpu.memref_slice %arg17[%dma_start3A_334] : memref<10000xf32, #tpu.memory_space<vmem_shared>> -> memref<400xf32, #tpu.memory_space<vmem_shared>>
        %dma_start3A_336 = arith.constant 0 : i32
        %dma_start3A_337 = tpu.memref_slice %arg16[%dma_start3A_336] : memref<640xf32, #tpu.memory_space<vmem>> -> memref<400xf32, #tpu.memory_space<vmem>>
        tpu.enqueue_dma source(%dma_start3A_337 : memref<400xf32, #tpu.memory_space<vmem>>) target(%dma_start3A_335 : memref<400xf32, #tpu.memory_space<vmem_shared>>) target_semaphore(%run_scoped3A_329 : memref<!tpu.dma_semaphore, #tpu.memory_space<semaphore_mem>>)
        %dma_wait3A_338 = arith.constant 0 : i32
        %dma_wait3A_339 = tpu.memref_slice %arg16[%dma_wait3A_338] : memref<640xf32, #tpu.memory_space<vmem>> -> memref<400xf32, #tpu.memory_space<vmem>>
        %dma_wait3A_340 = arith.constant 9600 : i32
        %dma_wait3A_341 = tpu.memref_slice %arg17[%dma_wait3A_340] : memref<10000xf32, #tpu.memory_space<vmem_shared>> -> memref<400xf32, #tpu.memory_space<vmem_shared>>
        %dma_wait3A_342 = arith.constant 9600 : i32
        %dma_wait3A_343 = tpu.memref_slice %arg17[%dma_wait3A_342] : memref<10000xf32, #tpu.memory_space<vmem_shared>> -> memref<400xf32, #tpu.memory_space<vmem_shared>>
        %dma_wait3A_344 = arith.constant 0 : i32
        %dma_wait3A_345 = tpu.memref_slice %arg16[%dma_wait3A_344] : memref<640xf32, #tpu.memory_space<vmem>> -> memref<400xf32, #tpu.memory_space<vmem>>
        tpu.wait_dma2 semaphore(%run_scoped3A_329 : memref<!tpu.dma_semaphore, #tpu.memory_space<semaphore_mem>>) src(%dma_wait3A_345 : memref<400xf32, #tpu.memory_space<vmem>>) dst(%dma_wait3A_343 : memref<400xf32, #tpu.memory_space<vmem_shared>>)
        tpu.yield
      }) : () -> ()
    } else {
    }
    %scan3A_26 = arith.constant 0 : i32
    %scan3A_27 = arith.constant 40 : i32
    %scan3A_28 = arith.addi %scan3A_26, %scan3A_27 : i32
    %scan3A_29 = arith.constant 1 : i32
    scf.for %scan3A_329 = %scan3A_26 to %scan3A_28 step %scan3A_29  : i32 {
      %mul3A_330 = arith.constant 1 : i32
      %mul3A_331 = arith.muli %scan3A_329, %mul3A_330 : i32
      %add3A_332 = arith.constant 0 : i32
      %add3A_333 = arith.addi %add3A_332, %mul3A_331 : i32
      %broadcast_in_dim3A = arith.constant 1.000000e+00 : f32
      %broadcast_in_dim3A_334 = vector.broadcast %broadcast_in_dim3A : f32 to vector<16xf32>
      %mul3A_335 = arith.constant 16 : i32
      %mul3A_336 = arith.muli %add3A_333, %mul3A_335 : i32
      %swap3A = arith.index_cast %mul3A_336 : i32 to index
      %swap3A_337 = tpu.vector_load %arg16[%swap3A] {strides = array<i32>} : memref<640xf32, #tpu.memory_space<vmem>>, vector<16xf32>,
      %swap3A_338 = vector.shape_cast %swap3A_337 : vector<16xf32> to vector<16xf32>
      %swap3A_339 = vector.shape_cast %broadcast_in_dim3A_334 : vector<16xf32> to vector<16xf32>
      tpu.vector_store %arg16[%swap3A], %swap3A_339 {strides = array<i32>} : memref<640xf32, #tpu.memory_space<vmem>>, vector<16xf32>,
    }
    %scan3A_30 = arith.constant 40 : i32
    %barrier3A = arith.constant 0 : index
    tpu.barrier barrier_id(%barrier3A)
    %dma_start3A = arith.constant 0 : i32
    %dma_start3A_31 = arith.constant 0 : i32
    %dma_start3A_32 = tpu.memref_slice %arg7[%dma_start3A, %dma_start3A_31] : memref<50x200xi32, #tpu.memory_space<vmem>> -> memref<1x200xi32, #tpu.memory_space<vmem>>
    %dma_start3A_33 = tpu.memref_squeeze %dma_start3A_32 : memref<1x200xi32, #tpu.memory_space<vmem>> -> memref<200xi32, #tpu.memory_space<vmem>>
    %dma_start3A_34 = arith.constant 0 : i32
    %dma_start3A_35 = arith.constant 0 : i32
    %dma_start3A_36 = tpu.memref_slice %arg2[%dma_start3A_34, %dma_start3A_35] : memref<10000x128xbf16, #tpu.memory_space<hbm>> -> memref<10000x128xbf16, #tpu.memory_space<hbm>>
    tpu.enqueue_indirect_dma source(%dma_start3A_36 : memref<10000x128xbf16, #tpu.memory_space<hbm>>) target(%arg9 : memref<200x128xbf16, #tpu.memory_space<vmem>>) offsets(%dma_start3A_33 : memref<200xi32, #tpu.memory_space<vmem>>) semaphore(%arg14 : memref<!tpu.dma_semaphore, #tpu.memory_space<semaphore_mem>>)
    %dma_start3A_37 = arith.constant 1 : i32
    %dma_start3A_38 = arith.constant 0 : i32
    %dma_start3A_39 = tpu.memref_slice %arg7[%dma_start3A_37, %dma_start3A_38] : memref<50x200xi32, #tpu.memory_space<vmem>> -> memref<1x200xi32, #tpu.memory_space<vmem>>
    %dma_start3A_40 = tpu.memref_squeeze %dma_start3A_39 : memref<1x200xi32, #tpu.memory_space<vmem>> -> memref<200xi32, #tpu.memory_space<vmem>>
    %dma_start3A_41 = arith.constant 0 : i32
    %dma_start3A_42 = arith.constant 0 : i32
    %dma_start3A_43 = tpu.memref_slice %arg2[%dma_start3A_41, %dma_start3A_42] : memref<10000x128xbf16, #tpu.memory_space<hbm>> -> memref<10000x128xbf16, #tpu.memory_space<hbm>>
    tpu.enqueue_indirect_dma source(%dma_start3A_43 : memref<10000x128xbf16, #tpu.memory_space<hbm>>) target(%arg10 : memref<200x128xbf16, #tpu.memory_space<vmem>>) offsets(%dma_start3A_40 : memref<200xi32, #tpu.memory_space<vmem>>) semaphore(%arg14 : memref<!tpu.dma_semaphore, #tpu.memory_space<semaphore_mem>>)
    %dma_wait3A = arith.constant 0 : i32
    %dma_wait3A_44 = arith.constant 0 : i32
    %dma_wait3A_45 = tpu.memref_slice %arg7[%dma_wait3A, %dma_wait3A_44] : memref<50x200xi32, #tpu.memory_space<vmem>> -> memref<1x200xi32, #tpu.memory_space<vmem>>
    %dma_wait3A_46 = tpu.memref_squeeze %dma_wait3A_45 : memref<1x200xi32, #tpu.memory_space<vmem>> -> memref<200xi32, #tpu.memory_space<vmem>>
    %dma_wait3A_47 = arith.constant 0 : i32
    %dma_wait3A_48 = arith.constant 0 : i32
    %dma_wait3A_49 = tpu.memref_slice %arg2[%dma_wait3A_47, %dma_wait3A_48] : memref<10000x128xbf16, #tpu.memory_space<hbm>> -> memref<10000x128xbf16, #tpu.memory_space<hbm>>
    tpu.wait_indirect_dma semaphore(%arg14 : memref<!tpu.dma_semaphore, #tpu.memory_space<semaphore_mem>>) src(%dma_wait3A_49 : memref<10000x128xbf16, #tpu.memory_space<hbm>>) dst(%arg9 : memref<200x128xbf16, #tpu.memory_space<vmem>>)
    %dma_start3A_50 = arith.constant 0 : i32
    %dma_start3A_51 = arith.constant 0 : i32
    %dma_start3A_52 = tpu.memref_slice %arg8[%dma_start3A_50, %dma_start3A_51] : memref<50x200xi32, #tpu.memory_space<vmem>> -> memref<1x200xi32, #tpu.memory_space<vmem>>
    %dma_start3A_53 = tpu.memref_squeeze %dma_start3A_52 : memref<1x200xi32, #tpu.memory_space<vmem>> -> memref<200xi32, #tpu.memory_space<vmem>>
    %dma_start3A_54 = arith.constant 0 : i32
    %dma_start3A_55 = arith.constant 0 : i32
    %dma_start3A_56 = tpu.memref_slice %arg13[%dma_start3A_54, %dma_start3A_55] : memref<10000x128xbf16, #tpu.memory_space<vmem_shared>> -> memref<10000x128xbf16, #tpu.memory_space<vmem_shared>>
    tpu.enqueue_indirect_dma source(%arg9 : memref<200x128xbf16, #tpu.memory_space<vmem>>) target(%dma_start3A_56 : memref<10000x128xbf16, #tpu.memory_space<vmem_shared>>) offsets(%dma_start3A_53 : memref<200xi32, #tpu.memory_space<vmem>>) semaphore(%arg15 : memref<!tpu.dma_semaphore, #tpu.memory_space<semaphore_mem>>) {add = true}
    %run_scoped3A = arith.constant 0 : i32
    "tpu.region"() ({
      %run_scoped3A_329 = tpu.sem_alloc : memref<!tpu.dma_semaphore, #tpu.memory_space<semaphore_mem>>
      %dma_start3A_330 = arith.constant 0 : i32
      %dma_start3A_331 = tpu.memref_slice %arg16[%dma_start3A_330] : memref<640xf32, #tpu.memory_space<vmem>> -> memref<200xf32, #tpu.memory_space<vmem>>
      %dma_start3A_332 = arith.constant 0 : i32
      %dma_start3A_333 = tpu.memref_slice %arg8[%run_scoped3A, %dma_start3A_332] : memref<50x200xi32, #tpu.memory_space<vmem>> -> memref<1x200xi32, #tpu.memory_space<vmem>>
      %dma_start3A_334 = tpu.memref_squeeze %dma_start3A_333 : memref<1x200xi32, #tpu.memory_space<vmem>> -> memref<200xi32, #tpu.memory_space<vmem>>
      %dma_start3A_335 = arith.constant 0 : i32
      %dma_start3A_336 = tpu.memref_slice %arg17[%dma_start3A_335] : memref<10000xf32, #tpu.memory_space<vmem_shared>> -> memref<10000xf32, #tpu.memory_space<vmem_shared>>
      tpu.enqueue_indirect_dma source(%dma_start3A_331 : memref<200xf32, #tpu.memory_space<vmem>>) target(%dma_start3A_336 : memref<10000xf32, #tpu.memory_space<vmem_shared>>) offsets(%dma_start3A_334 : memref<200xi32, #tpu.memory_space<vmem>>) semaphore(%run_scoped3A_329 : memref<!tpu.dma_semaphore, #tpu.memory_space<semaphore_mem>>) {add = true}
      %dma_wait3A_337 = arith.constant 0 : i32
      %dma_wait3A_338 = tpu.memref_slice %arg16[%dma_wait3A_337] : memref<640xf32, #tpu.memory_space<vmem>> -> memref<200xf32, #tpu.memory_space<vmem>>
      %dma_wait3A_339 = arith.constant 0 : i32
      %dma_wait3A_340 = tpu.memref_slice %arg8[%run_scoped3A, %dma_wait3A_339] : memref<50x200xi32, #tpu.memory_space<vmem>> -> memref<1x200xi32, #tpu.memory_space<vmem>>
      %dma_wait3A_341 = tpu.memref_squeeze %dma_wait3A_340 : memref<1x200xi32, #tpu.memory_space<vmem>> -> memref<200xi32, #tpu.memory_space<vmem>>
      %dma_wait3A_342 = arith.constant 0 : i32
      %dma_wait3A_343 = tpu.memref_slice %arg17[%dma_wait3A_342] : memref<10000xf32, #tpu.memory_space<vmem_shared>> -> memref<10000xf32, #tpu.memory_space<vmem_shared>>
      tpu.wait_indirect_dma semaphore(%run_scoped3A_329 : memref<!tpu.dma_semaphore, #tpu.memory_space<semaphore_mem>>) src(%dma_wait3A_338 : memref<200xf32, #tpu.memory_space<vmem>>) dst(%dma_wait3A_343 : memref<10000xf32, #tpu.memory_space<vmem_shared>>)
      tpu.yield
    }) : () -> ()
    %dma_start3A_57 = arith.constant 2 : i32
    %dma_start3A_58 = arith.constant 0 : i32
    %dma_start3A_59 = tpu.memref_slice %arg7[%dma_start3A_57, %dma_start3A_58] : memref<50x200xi32, #tpu.memory_space<vmem>> -> memref<1x200xi32, #tpu.memory_space<vmem>>
    %dma_start3A_60 = tpu.memref_squeeze %dma_start3A_59 : memref<1x200xi32, #tpu.memory_space<vmem>> -> memref<200xi32, #tpu.memory_space<vmem>>
    %dma_start3A_61 = arith.constant 0 : i32
    %dma_start3A_62 = arith.constant 0 : i32
    %dma_start3A_63 = tpu.memref_slice %arg2[%dma_start3A_61, %dma_start3A_62] : memref<10000x128xbf16, #tpu.memory_space<hbm>> -> memref<10000x128xbf16, #tpu.memory_space<hbm>>
    tpu.enqueue_indirect_dma source(%dma_start3A_63 : memref<10000x128xbf16, #tpu.memory_space<hbm>>) target(%arg11 : memref<200x128xbf16, #tpu.memory_space<vmem>>) offsets(%dma_start3A_60 : memref<200xi32, #tpu.memory_space<vmem>>) semaphore(%arg14 : memref<!tpu.dma_semaphore, #tpu.memory_space<semaphore_mem>>)
    %dma_wait3A_64 = arith.constant 0 : i32
    %dma_wait3A_65 = arith.constant 0 : i32
    %dma_wait3A_66 = tpu.memref_slice %arg7[%dma_wait3A_64, %dma_wait3A_65] : memref<50x200xi32, #tpu.memory_space<vmem>> -> memref<1x200xi32, #tpu.memory_space<vmem>>
    %dma_wait3A_67 = tpu.memref_squeeze %dma_wait3A_66 : memref<1x200xi32, #tpu.memory_space<vmem>> -> memref<200xi32, #tpu.memory_space<vmem>>
    %dma_wait3A_68 = arith.constant 0 : i32
    %dma_wait3A_69 = arith.constant 0 : i32
    %dma_wait3A_70 = tpu.memref_slice %arg2[%dma_wait3A_68, %dma_wait3A_69] : memref<10000x128xbf16, #tpu.memory_space<hbm>> -> memref<10000x128xbf16, #tpu.memory_space<hbm>>
    tpu.wait_indirect_dma semaphore(%arg14 : memref<!tpu.dma_semaphore, #tpu.memory_space<semaphore_mem>>) src(%dma_wait3A_70 : memref<10000x128xbf16, #tpu.memory_space<hbm>>) dst(%arg10 : memref<200x128xbf16, #tpu.memory_space<vmem>>)
    %dma_start3A_71 = arith.constant 1 : i32
    %dma_start3A_72 = arith.constant 0 : i32
    %dma_start3A_73 = tpu.memref_slice %arg8[%dma_start3A_71, %dma_start3A_72] : memref<50x200xi32, #tpu.memory_space<vmem>> -> memref<1x200xi32, #tpu.memory_space<vmem>>
    %dma_start3A_74 = tpu.memref_squeeze %dma_start3A_73 : memref<1x200xi32, #tpu.memory_space<vmem>> -> memref<200xi32, #tpu.memory_space<vmem>>
    %dma_start3A_75 = arith.constant 0 : i32
    %dma_start3A_76 = arith.constant 0 : i32
    %dma_start3A_77 = tpu.memref_slice %arg13[%dma_start3A_75, %dma_start3A_76] : memref<10000x128xbf16, #tpu.memory_space<vmem_shared>> -> memref<10000x128xbf16, #tpu.memory_space<vmem_shared>>
    tpu.enqueue_indirect_dma source(%arg10 : memref<200x128xbf16, #tpu.memory_space<vmem>>) target(%dma_start3A_77 : memref<10000x128xbf16, #tpu.memory_space<vmem_shared>>) offsets(%dma_start3A_74 : memref<200xi32, #tpu.memory_space<vmem>>) semaphore(%arg15 : memref<!tpu.dma_semaphore, #tpu.memory_space<semaphore_mem>>) {add = true}
    %run_scoped3A_78 = arith.constant 1 : i32
    "tpu.region"() ({
      %run_scoped3A_329 = tpu.sem_alloc : memref<!tpu.dma_semaphore, #tpu.memory_space<semaphore_mem>>
      %dma_start3A_330 = arith.constant 0 : i32
      %dma_start3A_331 = tpu.memref_slice %arg16[%dma_start3A_330] : memref<640xf32, #tpu.memory_space<vmem>> -> memref<200xf32, #tpu.memory_space<vmem>>
      %dma_start3A_332 = arith.constant 0 : i32
      %dma_start3A_333 = tpu.memref_slice %arg8[%run_scoped3A_78, %dma_start3A_332] : memref<50x200xi32, #tpu.memory_space<vmem>> -> memref<1x200xi32, #tpu.memory_space<vmem>>
      %dma_start3A_334 = tpu.memref_squeeze %dma_start3A_333 : memref<1x200xi32, #tpu.memory_space<vmem>> -> memref<200xi32, #tpu.memory_space<vmem>>
      %dma_start3A_335 = arith.constant 0 : i32
      %dma_start3A_336 = tpu.memref_slice %arg17[%dma_start3A_335] : memref<10000xf32, #tpu.memory_space<vmem_shared>> -> memref<10000xf32, #tpu.memory_space<vmem_shared>>
      tpu.enqueue_indirect_dma source(%dma_start3A_331 : memref<200xf32, #tpu.memory_space<vmem>>) target(%dma_start3A_336 : memref<10000xf32, #tpu.memory_space<vmem_shared>>) offsets(%dma_start3A_334 : memref<200xi32, #tpu.memory_space<vmem>>) semaphore(%run_scoped3A_329 : memref<!tpu.dma_semaphore, #tpu.memory_space<semaphore_mem>>) {add = true}
      %dma_wait3A_337 = arith.constant 0 : i32
      %dma_wait3A_338 = tpu.memref_slice %arg16[%dma_wait3A_337] : memref<640xf32, #tpu.memory_space<vmem>> -> memref<200xf32, #tpu.memory_space<vmem>>
      %dma_wait3A_339 = arith.constant 0 : i32
      %dma_wait3A_340 = tpu.memref_slice %arg8[%run_scoped3A_78, %dma_wait3A_339] : memref<50x200xi32, #tpu.memory_space<vmem>> -> memref<1x200xi32, #tpu.memory_space<vmem>>
      %dma_wait3A_341 = tpu.memref_squeeze %dma_wait3A_340 : memref<1x200xi32, #tpu.memory_space<vmem>> -> memref<200xi32, #tpu.memory_space<vmem>>
      %dma_wait3A_342 = arith.constant 0 : i32
      %dma_wait3A_343 = tpu.memref_slice %arg17[%dma_wait3A_342] : memref<10000xf32, #tpu.memory_space<vmem_shared>> -> memref<10000xf32, #tpu.memory_space<vmem_shared>>
      tpu.wait_indirect_dma semaphore(%run_scoped3A_329 : memref<!tpu.dma_semaphore, #tpu.memory_space<semaphore_mem>>) src(%dma_wait3A_338 : memref<200xf32, #tpu.memory_space<vmem>>) dst(%dma_wait3A_343 : memref<10000xf32, #tpu.memory_space<vmem_shared>>)
      tpu.yield
    }) : () -> ()
    %dma_start3A_79 = arith.constant 3 : i32
    %dma_start3A_80 = arith.constant 0 : i32
    %dma_start3A_81 = tpu.memref_slice %arg7[%dma_start3A_79, %dma_start3A_80] : memref<50x200xi32, #tpu.memory_space<vmem>> -> memref<1x200xi32, #tpu.memory_space<vmem>>
    %dma_start3A_82 = tpu.memref_squeeze %dma_start3A_81 : memref<1x200xi32, #tpu.memory_space<vmem>> -> memref<200xi32, #tpu.memory_space<vmem>>
    %dma_start3A_83 = arith.constant 0 : i32
    %dma_start3A_84 = arith.constant 0 : i32
    %dma_start3A_85 = tpu.memref_slice %arg2[%dma_start3A_83, %dma_start3A_84] : memref<10000x128xbf16, #tpu.memory_space<hbm>> -> memref<10000x128xbf16, #tpu.memory_space<hbm>>
    tpu.enqueue_indirect_dma source(%dma_start3A_85 : memref<10000x128xbf16, #tpu.memory_space<hbm>>) target(%arg12 : memref<200x128xbf16, #tpu.memory_space<vmem>>) offsets(%dma_start3A_82 : memref<200xi32, #tpu.memory_space<vmem>>) semaphore(%arg14 : memref<!tpu.dma_semaphore, #tpu.memory_space<semaphore_mem>>)
    %dma_wait3A_86 = arith.constant 0 : i32
    %dma_wait3A_87 = arith.constant 0 : i32
    %dma_wait3A_88 = tpu.memref_slice %arg7[%dma_wait3A_86, %dma_wait3A_87] : memref<50x200xi32, #tpu.memory_space<vmem>> -> memref<1x200xi32, #tpu.memory_space<vmem>>
    %dma_wait3A_89 = tpu.memref_squeeze %dma_wait3A_88 : memref<1x200xi32, #tpu.memory_space<vmem>> -> memref<200xi32, #tpu.memory_space<vmem>>
    %dma_wait3A_90 = arith.constant 0 : i32
    %dma_wait3A_91 = arith.constant 0 : i32
    %dma_wait3A_92 = tpu.memref_slice %arg2[%dma_wait3A_90, %dma_wait3A_91] : memref<10000x128xbf16, #tpu.memory_space<hbm>> -> memref<10000x128xbf16, #tpu.memory_space<hbm>>
    tpu.wait_indirect_dma semaphore(%arg14 : memref<!tpu.dma_semaphore, #tpu.memory_space<semaphore_mem>>) src(%dma_wait3A_92 : memref<10000x128xbf16, #tpu.memory_space<hbm>>) dst(%arg11 : memref<200x128xbf16, #tpu.memory_space<vmem>>)
    %dma_wait3A_93 = arith.constant 0 : i32
    %dma_wait3A_94 = arith.constant 0 : i32
    %dma_wait3A_95 = tpu.memref_slice %arg8[%dma_wait3A_93, %dma_wait3A_94] : memref<50x200xi32, #tpu.memory_space<vmem>> -> memref<1x200xi32, #tpu.memory_space<vmem>>
    %dma_wait3A_96 = tpu.memref_squeeze %dma_wait3A_95 : memref<1x200xi32, #tpu.memory_space<vmem>> -> memref<200xi32, #tpu.memory_space<vmem>>
    %dma_wait3A_97 = arith.constant 0 : i32
    %dma_wait3A_98 = arith.constant 0 : i32
    %dma_wait3A_99 = tpu.memref_slice %arg13[%dma_wait3A_97, %dma_wait3A_98] : memref<10000x128xbf16, #tpu.memory_space<vmem_shared>> -> memref<10000x128xbf16, #tpu.memory_space<vmem_shared>>
    tpu.wait_indirect_dma semaphore(%arg15 : memref<!tpu.dma_semaphore, #tpu.memory_space<semaphore_mem>>) src(%arg9 : memref<200x128xbf16, #tpu.memory_space<vmem>>) dst(%dma_wait3A_99 : memref<10000x128xbf16, #tpu.memory_space<vmem_shared>>)
    %dma_start3A_100 = arith.constant 2 : i32
    %dma_start3A_101 = arith.constant 0 : i32
    %dma_start3A_102 = tpu.memref_slice %arg8[%dma_start3A_100, %dma_start3A_101] : memref<50x200xi32, #tpu.memory_space<vmem>> -> memref<1x200xi32, #tpu.memory_space<vmem>>
    %dma_start3A_103 = tpu.memref_squeeze %dma_start3A_102 : memref<1x200xi32, #tpu.memory_space<vmem>> -> memref<200xi32, #tpu.memory_space<vmem>>
    %dma_start3A_104 = arith.constant 0 : i32
    %dma_start3A_105 = arith.constant 0 : i32
    %dma_start3A_106 = tpu.memref_slice %arg13[%dma_start3A_104, %dma_start3A_105] : memref<10000x128xbf16, #tpu.memory_space<vmem_shared>> -> memref<10000x128xbf16, #tpu.memory_space<vmem_shared>>
    tpu.enqueue_indirect_dma source(%arg11 : memref<200x128xbf16, #tpu.memory_space<vmem>>) target(%dma_start3A_106 : memref<10000x128xbf16, #tpu.memory_space<vmem_shared>>) offsets(%dma_start3A_103 : memref<200xi32, #tpu.memory_space<vmem>>) semaphore(%arg15 : memref<!tpu.dma_semaphore, #tpu.memory_space<semaphore_mem>>) {add = true}
    %run_scoped3A_107 = arith.constant 2 : i32
    "tpu.region"() ({
      %run_scoped3A_329 = tpu.sem_alloc : memref<!tpu.dma_semaphore, #tpu.memory_space<semaphore_mem>>
      %dma_start3A_330 = arith.constant 0 : i32
      %dma_start3A_331 = tpu.memref_slice %arg16[%dma_start3A_330] : memref<640xf32, #tpu.memory_space<vmem>> -> memref<200xf32, #tpu.memory_space<vmem>>
      %dma_start3A_332 = arith.constant 0 : i32
      %dma_start3A_333 = tpu.memref_slice %arg8[%run_scoped3A_107, %dma_start3A_332] : memref<50x200xi32, #tpu.memory_space<vmem>> -> memref<1x200xi32, #tpu.memory_space<vmem>>
      %dma_start3A_334 = tpu.memref_squeeze %dma_start3A_333 : memref<1x200xi32, #tpu.memory_space<vmem>> -> memref<200xi32, #tpu.memory_space<vmem>>
      %dma_start3A_335 = arith.constant 0 : i32
      %dma_start3A_336 = tpu.memref_slice %arg17[%dma_start3A_335] : memref<10000xf32, #tpu.memory_space<vmem_shared>> -> memref<10000xf32, #tpu.memory_space<vmem_shared>>
      tpu.enqueue_indirect_dma source(%dma_start3A_331 : memref<200xf32, #tpu.memory_space<vmem>>) target(%dma_start3A_336 : memref<10000xf32, #tpu.memory_space<vmem_shared>>) offsets(%dma_start3A_334 : memref<200xi32, #tpu.memory_space<vmem>>) semaphore(%run_scoped3A_329 : memref<!tpu.dma_semaphore, #tpu.memory_space<semaphore_mem>>) {add = true}
      %dma_wait3A_337 = arith.constant 0 : i32
      %dma_wait3A_338 = tpu.memref_slice %arg16[%dma_wait3A_337] : memref<640xf32, #tpu.memory_space<vmem>> -> memref<200xf32, #tpu.memory_space<vmem>>
      %dma_wait3A_339 = arith.constant 0 : i32
      %dma_wait3A_340 = tpu.memref_slice %arg8[%run_scoped3A_107, %dma_wait3A_339] : memref<50x200xi32, #tpu.memory_space<vmem>> -> memref<1x200xi32, #tpu.memory_space<vmem>>
      %dma_wait3A_341 = tpu.memref_squeeze %dma_wait3A_340 : memref<1x200xi32, #tpu.memory_space<vmem>> -> memref<200xi32, #tpu.memory_space<vmem>>
      %dma_wait3A_342 = arith.constant 0 : i32
      %dma_wait3A_343 = tpu.memref_slice %arg17[%dma_wait3A_342] : memref<10000xf32, #tpu.memory_space<vmem_shared>> -> memref<10000xf32, #tpu.memory_space<vmem_shared>>
      tpu.wait_indirect_dma semaphore(%run_scoped3A_329 : memref<!tpu.dma_semaphore, #tpu.memory_space<semaphore_mem>>) src(%dma_wait3A_338 : memref<200xf32, #tpu.memory_space<vmem>>) dst(%dma_wait3A_343 : memref<10000xf32, #tpu.memory_space<vmem_shared>>)
      tpu.yield
    }) : () -> ()
    %dma_start3A_108 = arith.constant 4 : i32
    %dma_start3A_109 = arith.constant 0 : i32
    %dma_start3A_110 = tpu.memref_slice %arg7[%dma_start3A_108, %dma_start3A_109] : memref<50x200xi32, #tpu.memory_space<vmem>> -> memref<1x200xi32, #tpu.memory_space<vmem>>
    %dma_start3A_111 = tpu.memref_squeeze %dma_start3A_110 : memref<1x200xi32, #tpu.memory_space<vmem>> -> memref<200xi32, #tpu.memory_space<vmem>>
    %dma_start3A_112 = arith.constant 0 : i32
    %dma_start3A_113 = arith.constant 0 : i32
    %dma_start3A_114 = tpu.memref_slice %arg2[%dma_start3A_112, %dma_start3A_113] : memref<10000x128xbf16, #tpu.memory_space<hbm>> -> memref<10000x128xbf16, #tpu.memory_space<hbm>>
    tpu.enqueue_indirect_dma source(%dma_start3A_114 : memref<10000x128xbf16, #tpu.memory_space<hbm>>) target(%arg9 : memref<200x128xbf16, #tpu.memory_space<vmem>>) offsets(%dma_start3A_111 : memref<200xi32, #tpu.memory_space<vmem>>) semaphore(%arg14 : memref<!tpu.dma_semaphore, #tpu.memory_space<semaphore_mem>>)
    %dma_wait3A_115 = arith.constant 0 : i32
    %dma_wait3A_116 = arith.constant 0 : i32
    %dma_wait3A_117 = tpu.memref_slice %arg7[%dma_wait3A_115, %dma_wait3A_116] : memref<50x200xi32, #tpu.memory_space<vmem>> -> memref<1x200xi32, #tpu.memory_space<vmem>>
    %dma_wait3A_118 = tpu.memref_squeeze %dma_wait3A_117 : memref<1x200xi32, #tpu.memory_space<vmem>> -> memref<200xi32, #tpu.memory_space<vmem>>
    %dma_wait3A_119 = arith.constant 0 : i32
    %dma_wait3A_120 = arith.constant 0 : i32
    %dma_wait3A_121 = tpu.memref_slice %arg2[%dma_wait3A_119, %dma_wait3A_120] : memref<10000x128xbf16, #tpu.memory_space<hbm>> -> memref<10000x128xbf16, #tpu.memory_space<hbm>>
    tpu.wait_indirect_dma semaphore(%arg14 : memref<!tpu.dma_semaphore, #tpu.memory_space<semaphore_mem>>) src(%dma_wait3A_121 : memref<10000x128xbf16, #tpu.memory_space<hbm>>) dst(%arg12 : memref<200x128xbf16, #tpu.memory_space<vmem>>)
    %dma_wait3A_122 = arith.constant 0 : i32
    %dma_wait3A_123 = arith.constant 0 : i32
    %dma_wait3A_124 = tpu.memref_slice %arg8[%dma_wait3A_122, %dma_wait3A_123] : memref<50x200xi32, #tpu.memory_space<vmem>> -> memref<1x200xi32, #tpu.memory_space<vmem>>
    %dma_wait3A_125 = tpu.memref_squeeze %dma_wait3A_124 : memref<1x200xi32, #tpu.memory_space<vmem>> -> memref<200xi32, #tpu.memory_space<vmem>>
    %dma_wait3A_126 = arith.constant 0 : i32
    %dma_wait3A_127 = arith.constant 0 : i32
    %dma_wait3A_128 = tpu.memref_slice %arg13[%dma_wait3A_126, %dma_wait3A_127] : memref<10000x128xbf16, #tpu.memory_space<vmem_shared>> -> memref<10000x128xbf16, #tpu.memory_space<vmem_shared>>
    tpu.wait_indirect_dma semaphore(%arg15 : memref<!tpu.dma_semaphore, #tpu.memory_space<semaphore_mem>>) src(%arg10 : memref<200x128xbf16, #tpu.memory_space<vmem>>) dst(%dma_wait3A_128 : memref<10000x128xbf16, #tpu.memory_space<vmem_shared>>)
    %dma_start3A_129 = arith.constant 3 : i32
    %dma_start3A_130 = arith.constant 0 : i32
    %dma_start3A_131 = tpu.memref_slice %arg8[%dma_start3A_129, %dma_start3A_130] : memref<50x200xi32, #tpu.memory_space<vmem>> -> memref<1x200xi32, #tpu.memory_space<vmem>>
    %dma_start3A_132 = tpu.memref_squeeze %dma_start3A_131 : memref<1x200xi32, #tpu.memory_space<vmem>> -> memref<200xi32, #tpu.memory_space<vmem>>
    %dma_start3A_133 = arith.constant 0 : i32
    %dma_start3A_134 = arith.constant 0 : i32
    %dma_start3A_135 = tpu.memref_slice %arg13[%dma_start3A_133, %dma_start3A_134] : memref<10000x128xbf16, #tpu.memory_space<vmem_shared>> -> memref<10000x128xbf16, #tpu.memory_space<vmem_shared>>
    tpu.enqueue_indirect_dma source(%arg12 : memref<200x128xbf16, #tpu.memory_space<vmem>>) target(%dma_start3A_135 : memref<10000x128xbf16, #tpu.memory_space<vmem_shared>>) offsets(%dma_start3A_132 : memref<200xi32, #tpu.memory_space<vmem>>) semaphore(%arg15 : memref<!tpu.dma_semaphore, #tpu.memory_space<semaphore_mem>>) {add = true}
    %run_scoped3A_136 = arith.constant 3 : i32
    "tpu.region"() ({
      %run_scoped3A_329 = tpu.sem_alloc : memref<!tpu.dma_semaphore, #tpu.memory_space<semaphore_mem>>
      %dma_start3A_330 = arith.constant 0 : i32
      %dma_start3A_331 = tpu.memref_slice %arg16[%dma_start3A_330] : memref<640xf32, #tpu.memory_space<vmem>> -> memref<200xf32, #tpu.memory_space<vmem>>
      %dma_start3A_332 = arith.constant 0 : i32
      %dma_start3A_333 = tpu.memref_slice %arg8[%run_scoped3A_136, %dma_start3A_332] : memref<50x200xi32, #tpu.memory_space<vmem>> -> memref<1x200xi32, #tpu.memory_space<vmem>>
      %dma_start3A_334 = tpu.memref_squeeze %dma_start3A_333 : memref<1x200xi32, #tpu.memory_space<vmem>> -> memref<200xi32, #tpu.memory_space<vmem>>
      %dma_start3A_335 = arith.constant 0 : i32
      %dma_start3A_336 = tpu.memref_slice %arg17[%dma_start3A_335] : memref<10000xf32, #tpu.memory_space<vmem_shared>> -> memref<10000xf32, #tpu.memory_space<vmem_shared>>
      tpu.enqueue_indirect_dma source(%dma_start3A_331 : memref<200xf32, #tpu.memory_space<vmem>>) target(%dma_start3A_336 : memref<10000xf32, #tpu.memory_space<vmem_shared>>) offsets(%dma_start3A_334 : memref<200xi32, #tpu.memory_space<vmem>>) semaphore(%run_scoped3A_329 : memref<!tpu.dma_semaphore, #tpu.memory_space<semaphore_mem>>) {add = true}
      %dma_wait3A_337 = arith.constant 0 : i32
      %dma_wait3A_338 = tpu.memref_slice %arg16[%dma_wait3A_337] : memref<640xf32, #tpu.memory_space<vmem>> -> memref<200xf32, #tpu.memory_space<vmem>>
      %dma_wait3A_339 = arith.constant 0 : i32
      %dma_wait3A_340 = tpu.memref_slice %arg8[%run_scoped3A_136, %dma_wait3A_339] : memref<50x200xi32, #tpu.memory_space<vmem>> -> memref<1x200xi32, #tpu.memory_space<vmem>>
      %dma_wait3A_341 = tpu.memref_squeeze %dma_wait3A_340 : memref<1x200xi32, #tpu.memory_space<vmem>> -> memref<200xi32, #tpu.memory_space<vmem>>
      %dma_wait3A_342 = arith.constant 0 : i32
      %dma_wait3A_343 = tpu.memref_slice %arg17[%dma_wait3A_342] : memref<10000xf32, #tpu.memory_space<vmem_shared>> -> memref<10000xf32, #tpu.memory_space<vmem_shared>>
      tpu.wait_indirect_dma semaphore(%run_scoped3A_329 : memref<!tpu.dma_semaphore, #tpu.memory_space<semaphore_mem>>) src(%dma_wait3A_338 : memref<200xf32, #tpu.memory_space<vmem>>) dst(%dma_wait3A_343 : memref<10000xf32, #tpu.memory_space<vmem_shared>>)
      tpu.yield
    }) : () -> ()
    %dma_start3A_137 = arith.constant 5 : i32
    %dma_start3A_138 = arith.constant 0 : i32
    %dma_start3A_139 = tpu.memref_slice %arg7[%dma_start3A_137, %dma_start3A_138] : memref<50x200xi32, #tpu.memory_space<vmem>> -> memref<1x200xi32, #tpu.memory_space<vmem>>
    %dma_start3A_140 = tpu.memref_squeeze %dma_start3A_139 : memref<1x200xi32, #tpu.memory_space<vmem>> -> memref<200xi32, #tpu.memory_space<vmem>>
    %dma_start3A_141 = arith.constant 0 : i32
    %dma_start3A_142 = arith.constant 0 : i32
    %dma_start3A_143 = tpu.memref_slice %arg2[%dma_start3A_141, %dma_start3A_142] : memref<10000x128xbf16, #tpu.memory_space<hbm>> -> memref<10000x128xbf16, #tpu.memory_space<hbm>>
    tpu.enqueue_indirect_dma source(%dma_start3A_143 : memref<10000x128xbf16, #tpu.memory_space<hbm>>) target(%arg10 : memref<200x128xbf16, #tpu.memory_space<vmem>>) offsets(%dma_start3A_140 : memref<200xi32, #tpu.memory_space<vmem>>) semaphore(%arg14 : memref<!tpu.dma_semaphore, #tpu.memory_space<semaphore_mem>>)
    %scan3A_144 = arith.constant 0 : i32
    %scan3A_145 = arith.constant 10 : i32
    %scan3A_146 = arith.addi %scan3A_144, %scan3A_145 : i32
    %scan3A_147 = arith.constant 1 : i32
    scf.for %scan3A_329 = %scan3A_144 to %scan3A_146 step %scan3A_147  : i32 {
      %mul3A_330 = arith.constant 4 : i32
      %mul3A_331 = arith.muli %scan3A_329, %mul3A_330 : i32
      %add3A_332 = arith.constant 4 : i32
      %add3A_333 = arith.addi %add3A_332, %mul3A_331 : i32
      %dma_wait3A_334 = arith.constant 0 : i32
      %dma_wait3A_335 = arith.constant 0 : i32
      %dma_wait3A_336 = tpu.memref_slice %arg7[%dma_wait3A_334, %dma_wait3A_335] : memref<50x200xi32, #tpu.memory_space<vmem>> -> memref<1x200xi32, #tpu.memory_space<vmem>>
      %dma_wait3A_337 = tpu.memref_squeeze %dma_wait3A_336 : memref<1x200xi32, #tpu.memory_space<vmem>> -> memref<200xi32, #tpu.memory_space<vmem>>
      %dma_wait3A_338 = arith.constant 0 : i32
      %dma_wait3A_339 = arith.constant 0 : i32
      %dma_wait3A_340 = tpu.memref_slice %arg2[%dma_wait3A_338, %dma_wait3A_339] : memref<10000x128xbf16, #tpu.memory_space<hbm>> -> memref<10000x128xbf16, #tpu.memory_space<hbm>>
      tpu.wait_indirect_dma semaphore(%arg14 : memref<!tpu.dma_semaphore, #tpu.memory_space<semaphore_mem>>) src(%dma_wait3A_340 : memref<10000x128xbf16, #tpu.memory_space<hbm>>) dst(%arg9 : memref<200x128xbf16, #tpu.memory_space<vmem>>)
      %dma_wait3A_341 = arith.constant 0 : i32
      %dma_wait3A_342 = arith.constant 0 : i32
      %dma_wait3A_343 = tpu.memref_slice %arg8[%dma_wait3A_341, %dma_wait3A_342] : memref<50x200xi32, #tpu.memory_space<vmem>> -> memref<1x200xi32, #tpu.memory_space<vmem>>
      %dma_wait3A_344 = tpu.memref_squeeze %dma_wait3A_343 : memref<1x200xi32, #tpu.memory_space<vmem>> -> memref<200xi32, #tpu.memory_space<vmem>>
      %dma_wait3A_345 = arith.constant 0 : i32
      %dma_wait3A_346 = arith.constant 0 : i32
      %dma_wait3A_347 = tpu.memref_slice %arg13[%dma_wait3A_345, %dma_wait3A_346] : memref<10000x128xbf16, #tpu.memory_space<vmem_shared>> -> memref<10000x128xbf16, #tpu.memory_space<vmem_shared>>
      tpu.wait_indirect_dma semaphore(%arg15 : memref<!tpu.dma_semaphore, #tpu.memory_space<semaphore_mem>>) src(%arg11 : memref<200x128xbf16, #tpu.memory_space<vmem>>) dst(%dma_wait3A_347 : memref<10000x128xbf16, #tpu.memory_space<vmem_shared>>)
      %add3A_348 = arith.constant 0 : i32
      %add3A_349 = arith.addi %add3A_333, %add3A_348 : i32
      %dma_start3A_350 = arith.constant 0 : i32
      %dma_start3A_351 = tpu.memref_slice %arg8[%add3A_349, %dma_start3A_350] : memref<50x200xi32, #tpu.memory_space<vmem>> -> memref<1x200xi32, #tpu.memory_space<vmem>>
      %dma_start3A_352 = tpu.memref_squeeze %dma_start3A_351 : memref<1x200xi32, #tpu.memory_space<vmem>> -> memref<200xi32, #tpu.memory_space<vmem>>
      %dma_start3A_353 = arith.constant 0 : i32
      %dma_start3A_354 = arith.constant 0 : i32
      %dma_start3A_355 = tpu.memref_slice %arg13[%dma_start3A_353, %dma_start3A_354] : memref<10000x128xbf16, #tpu.memory_space<vmem_shared>> -> memref<10000x128xbf16, #tpu.memory_space<vmem_shared>>
      tpu.enqueue_indirect_dma source(%arg9 : memref<200x128xbf16, #tpu.memory_space<vmem>>) target(%dma_start3A_355 : memref<10000x128xbf16, #tpu.memory_space<vmem_shared>>) offsets(%dma_start3A_352 : memref<200xi32, #tpu.memory_space<vmem>>) semaphore(%arg15 : memref<!tpu.dma_semaphore, #tpu.memory_space<semaphore_mem>>) {add = true}
      "tpu.region"() ({
        %run_scoped3A_462 = tpu.sem_alloc : memref<!tpu.dma_semaphore, #tpu.memory_space<semaphore_mem>>
        %dma_start3A_463 = arith.constant 0 : i32
        %dma_start3A_464 = tpu.memref_slice %arg16[%dma_start3A_463] : memref<640xf32, #tpu.memory_space<vmem>> -> memref<200xf32, #tpu.memory_space<vmem>>
        %dma_start3A_465 = arith.constant 0 : i32
        %dma_start3A_466 = tpu.memref_slice %arg8[%add3A_349, %dma_start3A_465] : memref<50x200xi32, #tpu.memory_space<vmem>> -> memref<1x200xi32, #tpu.memory_space<vmem>>
        %dma_start3A_467 = tpu.memref_squeeze %dma_start3A_466 : memref<1x200xi32, #tpu.memory_space<vmem>> -> memref<200xi32, #tpu.memory_space<vmem>>
        %dma_start3A_468 = arith.constant 0 : i32
        %dma_start3A_469 = tpu.memref_slice %arg17[%dma_start3A_468] : memref<10000xf32, #tpu.memory_space<vmem_shared>> -> memref<10000xf32, #tpu.memory_space<vmem_shared>>
        tpu.enqueue_indirect_dma source(%dma_start3A_464 : memref<200xf32, #tpu.memory_space<vmem>>) target(%dma_start3A_469 : memref<10000xf32, #tpu.memory_space<vmem_shared>>) offsets(%dma_start3A_467 : memref<200xi32, #tpu.memory_space<vmem>>) semaphore(%run_scoped3A_462 : memref<!tpu.dma_semaphore, #tpu.memory_space<semaphore_mem>>) {add = true}
        %dma_wait3A_470 = arith.constant 0 : i32
        %dma_wait3A_471 = tpu.memref_slice %arg16[%dma_wait3A_470] : memref<640xf32, #tpu.memory_space<vmem>> -> memref<200xf32, #tpu.memory_space<vmem>>
        %dma_wait3A_472 = arith.constant 0 : i32
        %dma_wait3A_473 = tpu.memref_slice %arg8[%add3A_349, %dma_wait3A_472] : memref<50x200xi32, #tpu.memory_space<vmem>> -> memref<1x200xi32, #tpu.memory_space<vmem>>
        %dma_wait3A_474 = tpu.memref_squeeze %dma_wait3A_473 : memref<1x200xi32, #tpu.memory_space<vmem>> -> memref<200xi32, #tpu.memory_space<vmem>>
        %dma_wait3A_475 = arith.constant 0 : i32
        %dma_wait3A_476 = tpu.memref_slice %arg17[%dma_wait3A_475] : memref<10000xf32, #tpu.memory_space<vmem_shared>> -> memref<10000xf32, #tpu.memory_space<vmem_shared>>
        tpu.wait_indirect_dma semaphore(%run_scoped3A_462 : memref<!tpu.dma_semaphore, #tpu.memory_space<semaphore_mem>>) src(%dma_wait3A_471 : memref<200xf32, #tpu.memory_space<vmem>>) dst(%dma_wait3A_476 : memref<10000xf32, #tpu.memory_space<vmem_shared>>)
        tpu.yield
      }) : () -> ()
      %add3A_356 = arith.constant 0 : i32
      %add3A_357 = arith.addi %add3A_333, %add3A_356 : i32
      %add3A_358 = arith.constant 2 : i32
      %add3A_359 = arith.addi %add3A_357, %add3A_358 : i32
      %dma_start3A_360 = arith.constant 0 : i32
      %dma_start3A_361 = tpu.memref_slice %arg7[%add3A_359, %dma_start3A_360] : memref<50x200xi32, #tpu.memory_space<vmem>> -> memref<1x200xi32, #tpu.memory_space<vmem>>
      %dma_start3A_362 = tpu.memref_squeeze %dma_start3A_361 : memref<1x200xi32, #tpu.memory_space<vmem>> -> memref<200xi32, #tpu.memory_space<vmem>>
      %dma_start3A_363 = arith.constant 0 : i32
      %dma_start3A_364 = arith.constant 0 : i32
      %dma_start3A_365 = tpu.memref_slice %arg2[%dma_start3A_363, %dma_start3A_364] : memref<10000x128xbf16, #tpu.memory_space<hbm>> -> memref<10000x128xbf16, #tpu.memory_space<hbm>>
      tpu.enqueue_indirect_dma source(%dma_start3A_365 : memref<10000x128xbf16, #tpu.memory_space<hbm>>) target(%arg11 : memref<200x128xbf16, #tpu.memory_space<vmem>>) offsets(%dma_start3A_362 : memref<200xi32, #tpu.memory_space<vmem>>) semaphore(%arg14 : memref<!tpu.dma_semaphore, #tpu.memory_space<semaphore_mem>>)
      %dma_wait3A_366 = arith.constant 0 : i32
      %dma_wait3A_367 = arith.constant 0 : i32
      %dma_wait3A_368 = tpu.memref_slice %arg7[%dma_wait3A_366, %dma_wait3A_367] : memref<50x200xi32, #tpu.memory_space<vmem>> -> memref<1x200xi32, #tpu.memory_space<vmem>>
      %dma_wait3A_369 = tpu.memref_squeeze %dma_wait3A_368 : memref<1x200xi32, #tpu.memory_space<vmem>> -> memref<200xi32, #tpu.memory_space<vmem>>
      %dma_wait3A_370 = arith.constant 0 : i32
      %dma_wait3A_371 = arith.constant 0 : i32
      %dma_wait3A_372 = tpu.memref_slice %arg2[%dma_wait3A_370, %dma_wait3A_371] : memref<10000x128xbf16, #tpu.memory_space<hbm>> -> memref<10000x128xbf16, #tpu.memory_space<hbm>>
      tpu.wait_indirect_dma semaphore(%arg14 : memref<!tpu.dma_semaphore, #tpu.memory_space<semaphore_mem>>) src(%dma_wait3A_372 : memref<10000x128xbf16, #tpu.memory_space<hbm>>) dst(%arg10 : memref<200x128xbf16, #tpu.memory_space<vmem>>)
      %dma_wait3A_373 = arith.constant 0 : i32
      %dma_wait3A_374 = arith.constant 0 : i32
      %dma_wait3A_375 = tpu.memref_slice %arg8[%dma_wait3A_373, %dma_wait3A_374] : memref<50x200xi32, #tpu.memory_space<vmem>> -> memref<1x200xi32, #tpu.memory_space<vmem>>
      %dma_wait3A_376 = tpu.memref_squeeze %dma_wait3A_375 : memref<1x200xi32, #tpu.memory_space<vmem>> -> memref<200xi32, #tpu.memory_space<vmem>>
      %dma_wait3A_377 = arith.constant 0 : i32
      %dma_wait3A_378 = arith.constant 0 : i32
      %dma_wait3A_379 = tpu.memref_slice %arg13[%dma_wait3A_377, %dma_wait3A_378] : memref<10000x128xbf16, #tpu.memory_space<vmem_shared>> -> memref<10000x128xbf16, #tpu.memory_space<vmem_shared>>
      tpu.wait_indirect_dma semaphore(%arg15 : memref<!tpu.dma_semaphore, #tpu.memory_space<semaphore_mem>>) src(%arg12 : memref<200x128xbf16, #tpu.memory_space<vmem>>) dst(%dma_wait3A_379 : memref<10000x128xbf16, #tpu.memory_space<vmem_shared>>)
      %add3A_380 = arith.constant 1 : i32
      %add3A_381 = arith.addi %add3A_333, %add3A_380 : i32
      %dma_start3A_382 = arith.constant 0 : i32
      %dma_start3A_383 = tpu.memref_slice %arg8[%add3A_381, %dma_start3A_382] : memref<50x200xi32, #tpu.memory_space<vmem>> -> memref<1x200xi32, #tpu.memory_space<vmem>>
      %dma_start3A_384 = tpu.memref_squeeze %dma_start3A_383 : memref<1x200xi32, #tpu.memory_space<vmem>> -> memref<200xi32, #tpu.memory_space<vmem>>
      %dma_start3A_385 = arith.constant 0 : i32
      %dma_start3A_386 = arith.constant 0 : i32
      %dma_start3A_387 = tpu.memref_slice %arg13[%dma_start3A_385, %dma_start3A_386] : memref<10000x128xbf16, #tpu.memory_space<vmem_shared>> -> memref<10000x128xbf16, #tpu.memory_space<vmem_shared>>
      tpu.enqueue_indirect_dma source(%arg10 : memref<200x128xbf16, #tpu.memory_space<vmem>>) target(%dma_start3A_387 : memref<10000x128xbf16, #tpu.memory_space<vmem_shared>>) offsets(%dma_start3A_384 : memref<200xi32, #tpu.memory_space<vmem>>) semaphore(%arg15 : memref<!tpu.dma_semaphore, #tpu.memory_space<semaphore_mem>>) {add = true}
      "tpu.region"() ({
        %run_scoped3A_462 = tpu.sem_alloc : memref<!tpu.dma_semaphore, #tpu.memory_space<semaphore_mem>>
        %dma_start3A_463 = arith.constant 0 : i32
        %dma_start3A_464 = tpu.memref_slice %arg16[%dma_start3A_463] : memref<640xf32, #tpu.memory_space<vmem>> -> memref<200xf32, #tpu.memory_space<vmem>>
        %dma_start3A_465 = arith.constant 0 : i32
        %dma_start3A_466 = tpu.memref_slice %arg8[%add3A_381, %dma_start3A_465] : memref<50x200xi32, #tpu.memory_space<vmem>> -> memref<1x200xi32, #tpu.memory_space<vmem>>
        %dma_start3A_467 = tpu.memref_squeeze %dma_start3A_466 : memref<1x200xi32, #tpu.memory_space<vmem>> -> memref<200xi32, #tpu.memory_space<vmem>>
        %dma_start3A_468 = arith.constant 0 : i32
        %dma_start3A_469 = tpu.memref_slice %arg17[%dma_start3A_468] : memref<10000xf32, #tpu.memory_space<vmem_shared>> -> memref<10000xf32, #tpu.memory_space<vmem_shared>>
        tpu.enqueue_indirect_dma source(%dma_start3A_464 : memref<200xf32, #tpu.memory_space<vmem>>) target(%dma_start3A_469 : memref<10000xf32, #tpu.memory_space<vmem_shared>>) offsets(%dma_start3A_467 : memref<200xi32, #tpu.memory_space<vmem>>) semaphore(%run_scoped3A_462 : memref<!tpu.dma_semaphore, #tpu.memory_space<semaphore_mem>>) {add = true}
        %dma_wait3A_470 = arith.constant 0 : i32
        %dma_wait3A_471 = tpu.memref_slice %arg16[%dma_wait3A_470] : memref<640xf32, #tpu.memory_space<vmem>> -> memref<200xf32, #tpu.memory_space<vmem>>
        %dma_wait3A_472 = arith.constant 0 : i32
        %dma_wait3A_473 = tpu.memref_slice %arg8[%add3A_381, %dma_wait3A_472] : memref<50x200xi32, #tpu.memory_space<vmem>> -> memref<1x200xi32, #tpu.memory_space<vmem>>
        %dma_wait3A_474 = tpu.memref_squeeze %dma_wait3A_473 : memref<1x200xi32, #tpu.memory_space<vmem>> -> memref<200xi32, #tpu.memory_space<vmem>>
        %dma_wait3A_475 = arith.constant 0 : i32
        %dma_wait3A_476 = tpu.memref_slice %arg17[%dma_wait3A_475] : memref<10000xf32, #tpu.memory_space<vmem_shared>> -> memref<10000xf32, #tpu.memory_space<vmem_shared>>
        tpu.wait_indirect_dma semaphore(%run_scoped3A_462 : memref<!tpu.dma_semaphore, #tpu.memory_space<semaphore_mem>>) src(%dma_wait3A_471 : memref<200xf32, #tpu.memory_space<vmem>>) dst(%dma_wait3A_476 : memref<10000xf32, #tpu.memory_space<vmem_shared>>)
        tpu.yield
      }) : () -> ()
      %add3A_388 = arith.constant 1 : i32
      %add3A_389 = arith.addi %add3A_333, %add3A_388 : i32
      %add3A_390 = arith.constant 2 : i32
      %add3A_391 = arith.addi %add3A_389, %add3A_390 : i32
      %dma_start3A_392 = arith.constant 0 : i32
      %dma_start3A_393 = tpu.memref_slice %arg7[%add3A_391, %dma_start3A_392] : memref<50x200xi32, #tpu.memory_space<vmem>> -> memref<1x200xi32, #tpu.memory_space<vmem>>
      %dma_start3A_394 = tpu.memref_squeeze %dma_start3A_393 : memref<1x200xi32, #tpu.memory_space<vmem>> -> memref<200xi32, #tpu.memory_space<vmem>>
      %dma_start3A_395 = arith.constant 0 : i32
      %dma_start3A_396 = arith.constant 0 : i32
      %dma_start3A_397 = tpu.memref_slice %arg2[%dma_start3A_395, %dma_start3A_396] : memref<10000x128xbf16, #tpu.memory_space<hbm>> -> memref<10000x128xbf16, #tpu.memory_space<hbm>>
      tpu.enqueue_indirect_dma source(%dma_start3A_397 : memref<10000x128xbf16, #tpu.memory_space<hbm>>) target(%arg12 : memref<200x128xbf16, #tpu.memory_space<vmem>>) offsets(%dma_start3A_394 : memref<200xi32, #tpu.memory_space<vmem>>) semaphore(%arg14 : memref<!tpu.dma_semaphore, #tpu.memory_space<semaphore_mem>>)
      %dma_wait3A_398 = arith.constant 0 : i32
      %dma_wait3A_399 = arith.constant 0 : i32
      %dma_wait3A_400 = tpu.memref_slice %arg7[%dma_wait3A_398, %dma_wait3A_399] : memref<50x200xi32, #tpu.memory_space<vmem>> -> memref<1x200xi32, #tpu.memory_space<vmem>>
      %dma_wait3A_401 = tpu.memref_squeeze %dma_wait3A_400 : memref<1x200xi32, #tpu.memory_space<vmem>> -> memref<200xi32, #tpu.memory_space<vmem>>
      %dma_wait3A_402 = arith.constant 0 : i32
      %dma_wait3A_403 = arith.constant 0 : i32
      %dma_wait3A_404 = tpu.memref_slice %arg2[%dma_wait3A_402, %dma_wait3A_403] : memref<10000x128xbf16, #tpu.memory_space<hbm>> -> memref<10000x128xbf16, #tpu.memory_space<hbm>>
      tpu.wait_indirect_dma semaphore(%arg14 : memref<!tpu.dma_semaphore, #tpu.memory_space<semaphore_mem>>) src(%dma_wait3A_404 : memref<10000x128xbf16, #tpu.memory_space<hbm>>) dst(%arg11 : memref<200x128xbf16, #tpu.memory_space<vmem>>)
      %dma_wait3A_405 = arith.constant 0 : i32
      %dma_wait3A_406 = arith.constant 0 : i32
      %dma_wait3A_407 = tpu.memref_slice %arg8[%dma_wait3A_405, %dma_wait3A_406] : memref<50x200xi32, #tpu.memory_space<vmem>> -> memref<1x200xi32, #tpu.memory_space<vmem>>
      %dma_wait3A_408 = tpu.memref_squeeze %dma_wait3A_407 : memref<1x200xi32, #tpu.memory_space<vmem>> -> memref<200xi32, #tpu.memory_space<vmem>>
      %dma_wait3A_409 = arith.constant 0 : i32
      %dma_wait3A_410 = arith.constant 0 : i32
      %dma_wait3A_411 = tpu.memref_slice %arg13[%dma_wait3A_409, %dma_wait3A_410] : memref<10000x128xbf16, #tpu.memory_space<vmem_shared>> -> memref<10000x128xbf16, #tpu.memory_space<vmem_shared>>
      tpu.wait_indirect_dma semaphore(%arg15 : memref<!tpu.dma_semaphore, #tpu.memory_space<semaphore_mem>>) src(%arg9 : memref<200x128xbf16, #tpu.memory_space<vmem>>) dst(%dma_wait3A_411 : memref<10000x128xbf16, #tpu.memory_space<vmem_shared>>)
      %add3A_412 = arith.constant 2 : i32
      %add3A_413 = arith.addi %add3A_333, %add3A_412 : i32
      %dma_start3A_414 = arith.constant 0 : i32
      %dma_start3A_415 = tpu.memref_slice %arg8[%add3A_413, %dma_start3A_414] : memref<50x200xi32, #tpu.memory_space<vmem>> -> memref<1x200xi32, #tpu.memory_space<vmem>>
      %dma_start3A_416 = tpu.memref_squeeze %dma_start3A_415 : memref<1x200xi32, #tpu.memory_space<vmem>> -> memref<200xi32, #tpu.memory_space<vmem>>
      %dma_start3A_417 = arith.constant 0 : i32
      %dma_start3A_418 = arith.constant 0 : i32
      %dma_start3A_419 = tpu.memref_slice %arg13[%dma_start3A_417, %dma_start3A_418] : memref<10000x128xbf16, #tpu.memory_space<vmem_shared>> -> memref<10000x128xbf16, #tpu.memory_space<vmem_shared>>
      tpu.enqueue_indirect_dma source(%arg11 : memref<200x128xbf16, #tpu.memory_space<vmem>>) target(%dma_start3A_419 : memref<10000x128xbf16, #tpu.memory_space<vmem_shared>>) offsets(%dma_start3A_416 : memref<200xi32, #tpu.memory_space<vmem>>) semaphore(%arg15 : memref<!tpu.dma_semaphore, #tpu.memory_space<semaphore_mem>>) {add = true}
      "tpu.region"() ({
        %run_scoped3A_462 = tpu.sem_alloc : memref<!tpu.dma_semaphore, #tpu.memory_space<semaphore_mem>>
        %dma_start3A_463 = arith.constant 0 : i32
        %dma_start3A_464 = tpu.memref_slice %arg16[%dma_start3A_463] : memref<640xf32, #tpu.memory_space<vmem>> -> memref<200xf32, #tpu.memory_space<vmem>>
        %dma_start3A_465 = arith.constant 0 : i32
        %dma_start3A_466 = tpu.memref_slice %arg8[%add3A_413, %dma_start3A_465] : memref<50x200xi32, #tpu.memory_space<vmem>> -> memref<1x200xi32, #tpu.memory_space<vmem>>
        %dma_start3A_467 = tpu.memref_squeeze %dma_start3A_466 : memref<1x200xi32, #tpu.memory_space<vmem>> -> memref<200xi32, #tpu.memory_space<vmem>>
        %dma_start3A_468 = arith.constant 0 : i32
        %dma_start3A_469 = tpu.memref_slice %arg17[%dma_start3A_468] : memref<10000xf32, #tpu.memory_space<vmem_shared>> -> memref<10000xf32, #tpu.memory_space<vmem_shared>>
        tpu.enqueue_indirect_dma source(%dma_start3A_464 : memref<200xf32, #tpu.memory_space<vmem>>) target(%dma_start3A_469 : memref<10000xf32, #tpu.memory_space<vmem_shared>>) offsets(%dma_start3A_467 : memref<200xi32, #tpu.memory_space<vmem>>) semaphore(%run_scoped3A_462 : memref<!tpu.dma_semaphore, #tpu.memory_space<semaphore_mem>>) {add = true}
        %dma_wait3A_470 = arith.constant 0 : i32
        %dma_wait3A_471 = tpu.memref_slice %arg16[%dma_wait3A_470] : memref<640xf32, #tpu.memory_space<vmem>> -> memref<200xf32, #tpu.memory_space<vmem>>
        %dma_wait3A_472 = arith.constant 0 : i32
        %dma_wait3A_473 = tpu.memref_slice %arg8[%add3A_413, %dma_wait3A_472] : memref<50x200xi32, #tpu.memory_space<vmem>> -> memref<1x200xi32, #tpu.memory_space<vmem>>
        %dma_wait3A_474 = tpu.memref_squeeze %dma_wait3A_473 : memref<1x200xi32, #tpu.memory_space<vmem>> -> memref<200xi32, #tpu.memory_space<vmem>>
        %dma_wait3A_475 = arith.constant 0 : i32
        %dma_wait3A_476 = tpu.memref_slice %arg17[%dma_wait3A_475] : memref<10000xf32, #tpu.memory_space<vmem_shared>> -> memref<10000xf32, #tpu.memory_space<vmem_shared>>
        tpu.wait_indirect_dma semaphore(%run_scoped3A_462 : memref<!tpu.dma_semaphore, #tpu.memory_space<semaphore_mem>>) src(%dma_wait3A_471 : memref<200xf32, #tpu.memory_space<vmem>>) dst(%dma_wait3A_476 : memref<10000xf32, #tpu.memory_space<vmem_shared>>)
        tpu.yield
      }) : () -> ()
      %add3A_420 = arith.constant 2 : i32
      %add3A_421 = arith.addi %add3A_333, %add3A_420 : i32
      %add3A_422 = arith.constant 2 : i32
      %add3A_423 = arith.addi %add3A_421, %add3A_422 : i32
      %dma_start3A_424 = arith.constant 0 : i32
      %dma_start3A_425 = tpu.memref_slice %arg7[%add3A_423, %dma_start3A_424] : memref<50x200xi32, #tpu.memory_space<vmem>> -> memref<1x200xi32, #tpu.memory_space<vmem>>
      %dma_start3A_426 = tpu.memref_squeeze %dma_start3A_425 : memref<1x200xi32, #tpu.memory_space<vmem>> -> memref<200xi32, #tpu.memory_space<vmem>>
      %dma_start3A_427 = arith.constant 0 : i32
      %dma_start3A_428 = arith.constant 0 : i32
      %dma_start3A_429 = tpu.memref_slice %arg2[%dma_start3A_427, %dma_start3A_428] : memref<10000x128xbf16, #tpu.memory_space<hbm>> -> memref<10000x128xbf16, #tpu.memory_space<hbm>>
      tpu.enqueue_indirect_dma source(%dma_start3A_429 : memref<10000x128xbf16, #tpu.memory_space<hbm>>) target(%arg9 : memref<200x128xbf16, #tpu.memory_space<vmem>>) offsets(%dma_start3A_426 : memref<200xi32, #tpu.memory_space<vmem>>) semaphore(%arg14 : memref<!tpu.dma_semaphore, #tpu.memory_space<semaphore_mem>>)
      %dma_wait3A_430 = arith.constant 0 : i32
      %dma_wait3A_431 = arith.constant 0 : i32
      %dma_wait3A_432 = tpu.memref_slice %arg7[%dma_wait3A_430, %dma_wait3A_431] : memref<50x200xi32, #tpu.memory_space<vmem>> -> memref<1x200xi32, #tpu.memory_space<vmem>>
      %dma_wait3A_433 = tpu.memref_squeeze %dma_wait3A_432 : memref<1x200xi32, #tpu.memory_space<vmem>> -> memref<200xi32, #tpu.memory_space<vmem>>
      %dma_wait3A_434 = arith.constant 0 : i32
      %dma_wait3A_435 = arith.constant 0 : i32
      %dma_wait3A_436 = tpu.memref_slice %arg2[%dma_wait3A_434, %dma_wait3A_435] : memref<10000x128xbf16, #tpu.memory_space<hbm>> -> memref<10000x128xbf16, #tpu.memory_space<hbm>>
      tpu.wait_indirect_dma semaphore(%arg14 : memref<!tpu.dma_semaphore, #tpu.memory_space<semaphore_mem>>) src(%dma_wait3A_436 : memref<10000x128xbf16, #tpu.memory_space<hbm>>) dst(%arg12 : memref<200x128xbf16, #tpu.memory_space<vmem>>)
      %dma_wait3A_437 = arith.constant 0 : i32
      %dma_wait3A_438 = arith.constant 0 : i32
      %dma_wait3A_439 = tpu.memref_slice %arg8[%dma_wait3A_437, %dma_wait3A_438] : memref<50x200xi32, #tpu.memory_space<vmem>> -> memref<1x200xi32, #tpu.memory_space<vmem>>
      %dma_wait3A_440 = tpu.memref_squeeze %dma_wait3A_439 : memref<1x200xi32, #tpu.memory_space<vmem>> -> memref<200xi32, #tpu.memory_space<vmem>>
      %dma_wait3A_441 = arith.constant 0 : i32
      %dma_wait3A_442 = arith.constant 0 : i32
      %dma_wait3A_443 = tpu.memref_slice %arg13[%dma_wait3A_441, %dma_wait3A_442] : memref<10000x128xbf16, #tpu.memory_space<vmem_shared>> -> memref<10000x128xbf16, #tpu.memory_space<vmem_shared>>
      tpu.wait_indirect_dma semaphore(%arg15 : memref<!tpu.dma_semaphore, #tpu.memory_space<semaphore_mem>>) src(%arg10 : memref<200x128xbf16, #tpu.memory_space<vmem>>) dst(%dma_wait3A_443 : memref<10000x128xbf16, #tpu.memory_space<vmem_shared>>)
      %add3A_444 = arith.constant 3 : i32
      %add3A_445 = arith.addi %add3A_333, %add3A_444 : i32
      %dma_start3A_446 = arith.constant 0 : i32
      %dma_start3A_447 = tpu.memref_slice %arg8[%add3A_445, %dma_start3A_446] : memref<50x200xi32, #tpu.memory_space<vmem>> -> memref<1x200xi32, #tpu.memory_space<vmem>>
      %dma_start3A_448 = tpu.memref_squeeze %dma_start3A_447 : memref<1x200xi32, #tpu.memory_space<vmem>> -> memref<200xi32, #tpu.memory_space<vmem>>
      %dma_start3A_449 = arith.constant 0 : i32
      %dma_start3A_450 = arith.constant 0 : i32
      %dma_start3A_451 = tpu.memref_slice %arg13[%dma_start3A_449, %dma_start3A_450] : memref<10000x128xbf16, #tpu.memory_space<vmem_shared>> -> memref<10000x128xbf16, #tpu.memory_space<vmem_shared>>
      tpu.enqueue_indirect_dma source(%arg12 : memref<200x128xbf16, #tpu.memory_space<vmem>>) target(%dma_start3A_451 : memref<10000x128xbf16, #tpu.memory_space<vmem_shared>>) offsets(%dma_start3A_448 : memref<200xi32, #tpu.memory_space<vmem>>) semaphore(%arg15 : memref<!tpu.dma_semaphore, #tpu.memory_space<semaphore_mem>>) {add = true}
      "tpu.region"() ({
        %run_scoped3A_462 = tpu.sem_alloc : memref<!tpu.dma_semaphore, #tpu.memory_space<semaphore_mem>>
        %dma_start3A_463 = arith.constant 0 : i32
        %dma_start3A_464 = tpu.memref_slice %arg16[%dma_start3A_463] : memref<640xf32, #tpu.memory_space<vmem>> -> memref<200xf32, #tpu.memory_space<vmem>>
        %dma_start3A_465 = arith.constant 0 : i32
        %dma_start3A_466 = tpu.memref_slice %arg8[%add3A_445, %dma_start3A_465] : memref<50x200xi32, #tpu.memory_space<vmem>> -> memref<1x200xi32, #tpu.memory_space<vmem>>
        %dma_start3A_467 = tpu.memref_squeeze %dma_start3A_466 : memref<1x200xi32, #tpu.memory_space<vmem>> -> memref<200xi32, #tpu.memory_space<vmem>>
        %dma_start3A_468 = arith.constant 0 : i32
        %dma_start3A_469 = tpu.memref_slice %arg17[%dma_start3A_468] : memref<10000xf32, #tpu.memory_space<vmem_shared>> -> memref<10000xf32, #tpu.memory_space<vmem_shared>>
        tpu.enqueue_indirect_dma source(%dma_start3A_464 : memref<200xf32, #tpu.memory_space<vmem>>) target(%dma_start3A_469 : memref<10000xf32, #tpu.memory_space<vmem_shared>>) offsets(%dma_start3A_467 : memref<200xi32, #tpu.memory_space<vmem>>) semaphore(%run_scoped3A_462 : memref<!tpu.dma_semaphore, #tpu.memory_space<semaphore_mem>>) {add = true}
        %dma_wait3A_470 = arith.constant 0 : i32
        %dma_wait3A_471 = tpu.memref_slice %arg16[%dma_wait3A_470] : memref<640xf32, #tpu.memory_space<vmem>> -> memref<200xf32, #tpu.memory_space<vmem>>
        %dma_wait3A_472 = arith.constant 0 : i32
        %dma_wait3A_473 = tpu.memref_slice %arg8[%add3A_445, %dma_wait3A_472] : memref<50x200xi32, #tpu.memory_space<vmem>> -> memref<1x200xi32, #tpu.memory_space<vmem>>
        %dma_wait3A_474 = tpu.memref_squeeze %dma_wait3A_473 : memref<1x200xi32, #tpu.memory_space<vmem>> -> memref<200xi32, #tpu.memory_space<vmem>>
        %dma_wait3A_475 = arith.constant 0 : i32
        %dma_wait3A_476 = tpu.memref_slice %arg17[%dma_wait3A_475] : memref<10000xf32, #tpu.memory_space<vmem_shared>> -> memref<10000xf32, #tpu.memory_space<vmem_shared>>
        tpu.wait_indirect_dma semaphore(%run_scoped3A_462 : memref<!tpu.dma_semaphore, #tpu.memory_space<semaphore_mem>>) src(%dma_wait3A_471 : memref<200xf32, #tpu.memory_space<vmem>>) dst(%dma_wait3A_476 : memref<10000xf32, #tpu.memory_space<vmem_shared>>)
        tpu.yield
      }) : () -> ()
      %add3A_452 = arith.constant 3 : i32
      %add3A_453 = arith.addi %add3A_333, %add3A_452 : i32
      %add3A_454 = arith.constant 2 : i32
      %add3A_455 = arith.addi %add3A_453, %add3A_454 : i32
      %dma_start3A_456 = arith.constant 0 : i32
      %dma_start3A_457 = tpu.memref_slice %arg7[%add3A_455, %dma_start3A_456] : memref<50x200xi32, #tpu.memory_space<vmem>> -> memref<1x200xi32, #tpu.memory_space<vmem>>
      %dma_start3A_458 = tpu.memref_squeeze %dma_start3A_457 : memref<1x200xi32, #tpu.memory_space<vmem>> -> memref<200xi32, #tpu.memory_space<vmem>>
      %dma_start3A_459 = arith.constant 0 : i32
      %dma_start3A_460 = arith.constant 0 : i32
      %dma_start3A_461 = tpu.memref_slice %arg2[%dma_start3A_459, %dma_start3A_460] : memref<10000x128xbf16, #tpu.memory_space<hbm>> -> memref<10000x128xbf16, #tpu.memory_space<hbm>>
      tpu.enqueue_indirect_dma source(%dma_start3A_461 : memref<10000x128xbf16, #tpu.memory_space<hbm>>) target(%arg10 : memref<200x128xbf16, #tpu.memory_space<vmem>>) offsets(%dma_start3A_458 : memref<200xi32, #tpu.memory_space<vmem>>) semaphore(%arg14 : memref<!tpu.dma_semaphore, #tpu.memory_space<semaphore_mem>>)
    }
    %scan3A_148 = arith.constant 10 : i32
    %dma_wait3A_149 = arith.constant 0 : i32
    %dma_wait3A_150 = arith.constant 0 : i32
    %dma_wait3A_151 = tpu.memref_slice %arg7[%dma_wait3A_149, %dma_wait3A_150] : memref<50x200xi32, #tpu.memory_space<vmem>> -> memref<1x200xi32, #tpu.memory_space<vmem>>
    %dma_wait3A_152 = tpu.memref_squeeze %dma_wait3A_151 : memref<1x200xi32, #tpu.memory_space<vmem>> -> memref<200xi32, #tpu.memory_space<vmem>>
    %dma_wait3A_153 = arith.constant 0 : i32
    %dma_wait3A_154 = arith.constant 0 : i32
    %dma_wait3A_155 = tpu.memref_slice %arg2[%dma_wait3A_153, %dma_wait3A_154] : memref<10000x128xbf16, #tpu.memory_space<hbm>> -> memref<10000x128xbf16, #tpu.memory_space<hbm>>
    tpu.wait_indirect_dma semaphore(%arg14 : memref<!tpu.dma_semaphore, #tpu.memory_space<semaphore_mem>>) src(%dma_wait3A_155 : memref<10000x128xbf16, #tpu.memory_space<hbm>>) dst(%arg9 : memref<200x128xbf16, #tpu.memory_space<vmem>>)
    %dma_wait3A_156 = arith.constant 0 : i32
    %dma_wait3A_157 = arith.constant 0 : i32
    %dma_wait3A_158 = tpu.memref_slice %arg8[%dma_wait3A_156, %dma_wait3A_157] : memref<50x200xi32, #tpu.memory_space<vmem>> -> memref<1x200xi32, #tpu.memory_space<vmem>>
    %dma_wait3A_159 = tpu.memref_squeeze %dma_wait3A_158 : memref<1x200xi32, #tpu.memory_space<vmem>> -> memref<200xi32, #tpu.memory_space<vmem>>
    %dma_wait3A_160 = arith.constant 0 : i32
    %dma_wait3A_161 = arith.constant 0 : i32
    %dma_wait3A_162 = tpu.memref_slice %arg13[%dma_wait3A_160, %dma_wait3A_161] : memref<10000x128xbf16, #tpu.memory_space<vmem_shared>> -> memref<10000x128xbf16, #tpu.memory_space<vmem_shared>>
    tpu.wait_indirect_dma semaphore(%arg15 : memref<!tpu.dma_semaphore, #tpu.memory_space<semaphore_mem>>) src(%arg11 : memref<200x128xbf16, #tpu.memory_space<vmem>>) dst(%dma_wait3A_162 : memref<10000x128xbf16, #tpu.memory_space<vmem_shared>>)
    %dma_start3A_163 = arith.constant 44 : i32
    %dma_start3A_164 = arith.constant 0 : i32
    %dma_start3A_165 = tpu.memref_slice %arg8[%dma_start3A_163, %dma_start3A_164] : memref<50x200xi32, #tpu.memory_space<vmem>> -> memref<1x200xi32, #tpu.memory_space<vmem>>
    %dma_start3A_166 = tpu.memref_squeeze %dma_start3A_165 : memref<1x200xi32, #tpu.memory_space<vmem>> -> memref<200xi32, #tpu.memory_space<vmem>>
    %dma_start3A_167 = arith.constant 0 : i32
    %dma_start3A_168 = arith.constant 0 : i32
    %dma_start3A_169 = tpu.memref_slice %arg13[%dma_start3A_167, %dma_start3A_168] : memref<10000x128xbf16, #tpu.memory_space<vmem_shared>> -> memref<10000x128xbf16, #tpu.memory_space<vmem_shared>>
    tpu.enqueue_indirect_dma source(%arg9 : memref<200x128xbf16, #tpu.memory_space<vmem>>) target(%dma_start3A_169 : memref<10000x128xbf16, #tpu.memory_space<vmem_shared>>) offsets(%dma_start3A_166 : memref<200xi32, #tpu.memory_space<vmem>>) semaphore(%arg15 : memref<!tpu.dma_semaphore, #tpu.memory_space<semaphore_mem>>) {add = true}
    %run_scoped3A_170 = arith.constant 44 : i32
    "tpu.region"() ({
      %run_scoped3A_329 = tpu.sem_alloc : memref<!tpu.dma_semaphore, #tpu.memory_space<semaphore_mem>>
      %dma_start3A_330 = arith.constant 0 : i32
      %dma_start3A_331 = tpu.memref_slice %arg16[%dma_start3A_330] : memref<640xf32, #tpu.memory_space<vmem>> -> memref<200xf32, #tpu.memory_space<vmem>>
      %dma_start3A_332 = arith.constant 0 : i32
      %dma_start3A_333 = tpu.memref_slice %arg8[%run_scoped3A_170, %dma_start3A_332] : memref<50x200xi32, #tpu.memory_space<vmem>> -> memref<1x200xi32, #tpu.memory_space<vmem>>
      %dma_start3A_334 = tpu.memref_squeeze %dma_start3A_333 : memref<1x200xi32, #tpu.memory_space<vmem>> -> memref<200xi32, #tpu.memory_space<vmem>>
      %dma_start3A_335 = arith.constant 0 : i32
      %dma_start3A_336 = tpu.memref_slice %arg17[%dma_start3A_335] : memref<10000xf32, #tpu.memory_space<vmem_shared>> -> memref<10000xf32, #tpu.memory_space<vmem_shared>>
      tpu.enqueue_indirect_dma source(%dma_start3A_331 : memref<200xf32, #tpu.memory_space<vmem>>) target(%dma_start3A_336 : memref<10000xf32, #tpu.memory_space<vmem_shared>>) offsets(%dma_start3A_334 : memref<200xi32, #tpu.memory_space<vmem>>) semaphore(%run_scoped3A_329 : memref<!tpu.dma_semaphore, #tpu.memory_space<semaphore_mem>>) {add = true}
      %dma_wait3A_337 = arith.constant 0 : i32
      %dma_wait3A_338 = tpu.memref_slice %arg16[%dma_wait3A_337] : memref<640xf32, #tpu.memory_space<vmem>> -> memref<200xf32, #tpu.memory_space<vmem>>
      %dma_wait3A_339 = arith.constant 0 : i32
      %dma_wait3A_340 = tpu.memref_slice %arg8[%run_scoped3A_170, %dma_wait3A_339] : memref<50x200xi32, #tpu.memory_space<vmem>> -> memref<1x200xi32, #tpu.memory_space<vmem>>
      %dma_wait3A_341 = tpu.memref_squeeze %dma_wait3A_340 : memref<1x200xi32, #tpu.memory_space<vmem>> -> memref<200xi32, #tpu.memory_space<vmem>>
      %dma_wait3A_342 = arith.constant 0 : i32
      %dma_wait3A_343 = tpu.memref_slice %arg17[%dma_wait3A_342] : memref<10000xf32, #tpu.memory_space<vmem_shared>> -> memref<10000xf32, #tpu.memory_space<vmem_shared>>
      tpu.wait_indirect_dma semaphore(%run_scoped3A_329 : memref<!tpu.dma_semaphore, #tpu.memory_space<semaphore_mem>>) src(%dma_wait3A_338 : memref<200xf32, #tpu.memory_space<vmem>>) dst(%dma_wait3A_343 : memref<10000xf32, #tpu.memory_space<vmem_shared>>)
      tpu.yield
    }) : () -> ()
    %dma_start3A_171 = arith.constant 46 : i32
    %dma_start3A_172 = arith.constant 0 : i32
    %dma_start3A_173 = tpu.memref_slice %arg7[%dma_start3A_171, %dma_start3A_172] : memref<50x200xi32, #tpu.memory_space<vmem>> -> memref<1x200xi32, #tpu.memory_space<vmem>>
    %dma_start3A_174 = tpu.memref_squeeze %dma_start3A_173 : memref<1x200xi32, #tpu.memory_space<vmem>> -> memref<200xi32, #tpu.memory_space<vmem>>
    %dma_start3A_175 = arith.constant 0 : i32
    %dma_start3A_176 = arith.constant 0 : i32
    %dma_start3A_177 = tpu.memref_slice %arg2[%dma_start3A_175, %dma_start3A_176] : memref<10000x128xbf16, #tpu.memory_space<hbm>> -> memref<10000x128xbf16, #tpu.memory_space<hbm>>
    tpu.enqueue_indirect_dma source(%dma_start3A_177 : memref<10000x128xbf16, #tpu.memory_space<hbm>>) target(%arg11 : memref<200x128xbf16, #tpu.memory_space<vmem>>) offsets(%dma_start3A_174 : memref<200xi32, #tpu.memory_space<vmem>>) semaphore(%arg14 : memref<!tpu.dma_semaphore, #tpu.memory_space<semaphore_mem>>)
    %dma_wait3A_178 = arith.constant 0 : i32
    %dma_wait3A_179 = arith.constant 0 : i32
    %dma_wait3A_180 = tpu.memref_slice %arg7[%dma_wait3A_178, %dma_wait3A_179] : memref<50x200xi32, #tpu.memory_space<vmem>> -> memref<1x200xi32, #tpu.memory_space<vmem>>
    %dma_wait3A_181 = tpu.memref_squeeze %dma_wait3A_180 : memref<1x200xi32, #tpu.memory_space<vmem>> -> memref<200xi32, #tpu.memory_space<vmem>>
    %dma_wait3A_182 = arith.constant 0 : i32
    %dma_wait3A_183 = arith.constant 0 : i32
    %dma_wait3A_184 = tpu.memref_slice %arg2[%dma_wait3A_182, %dma_wait3A_183] : memref<10000x128xbf16, #tpu.memory_space<hbm>> -> memref<10000x128xbf16, #tpu.memory_space<hbm>>
    tpu.wait_indirect_dma semaphore(%arg14 : memref<!tpu.dma_semaphore, #tpu.memory_space<semaphore_mem>>) src(%dma_wait3A_184 : memref<10000x128xbf16, #tpu.memory_space<hbm>>) dst(%arg10 : memref<200x128xbf16, #tpu.memory_space<vmem>>)
    %dma_wait3A_185 = arith.constant 0 : i32
    %dma_wait3A_186 = arith.constant 0 : i32
    %dma_wait3A_187 = tpu.memref_slice %arg8[%dma_wait3A_185, %dma_wait3A_186] : memref<50x200xi32, #tpu.memory_space<vmem>> -> memref<1x200xi32, #tpu.memory_space<vmem>>
    %dma_wait3A_188 = tpu.memref_squeeze %dma_wait3A_187 : memref<1x200xi32, #tpu.memory_space<vmem>> -> memref<200xi32, #tpu.memory_space<vmem>>
    %dma_wait3A_189 = arith.constant 0 : i32
    %dma_wait3A_190 = arith.constant 0 : i32
    %dma_wait3A_191 = tpu.memref_slice %arg13[%dma_wait3A_189, %dma_wait3A_190] : memref<10000x128xbf16, #tpu.memory_space<vmem_shared>> -> memref<10000x128xbf16, #tpu.memory_space<vmem_shared>>
    tpu.wait_indirect_dma semaphore(%arg15 : memref<!tpu.dma_semaphore, #tpu.memory_space<semaphore_mem>>) src(%arg12 : memref<200x128xbf16, #tpu.memory_space<vmem>>) dst(%dma_wait3A_191 : memref<10000x128xbf16, #tpu.memory_space<vmem_shared>>)
    %dma_start3A_192 = arith.constant 45 : i32
    %dma_start3A_193 = arith.constant 0 : i32
    %dma_start3A_194 = tpu.memref_slice %arg8[%dma_start3A_192, %dma_start3A_193] : memref<50x200xi32, #tpu.memory_space<vmem>> -> memref<1x200xi32, #tpu.memory_space<vmem>>
    %dma_start3A_195 = tpu.memref_squeeze %dma_start3A_194 : memref<1x200xi32, #tpu.memory_space<vmem>> -> memref<200xi32, #tpu.memory_space<vmem>>
    %dma_start3A_196 = arith.constant 0 : i32
    %dma_start3A_197 = arith.constant 0 : i32
    %dma_start3A_198 = tpu.memref_slice %arg13[%dma_start3A_196, %dma_start3A_197] : memref<10000x128xbf16, #tpu.memory_space<vmem_shared>> -> memref<10000x128xbf16, #tpu.memory_space<vmem_shared>>
    tpu.enqueue_indirect_dma source(%arg10 : memref<200x128xbf16, #tpu.memory_space<vmem>>) target(%dma_start3A_198 : memref<10000x128xbf16, #tpu.memory_space<vmem_shared>>) offsets(%dma_start3A_195 : memref<200xi32, #tpu.memory_space<vmem>>) semaphore(%arg15 : memref<!tpu.dma_semaphore, #tpu.memory_space<semaphore_mem>>) {add = true}
    %run_scoped3A_199 = arith.constant 45 : i32
    "tpu.region"() ({
      %run_scoped3A_329 = tpu.sem_alloc : memref<!tpu.dma_semaphore, #tpu.memory_space<semaphore_mem>>
      %dma_start3A_330 = arith.constant 0 : i32
      %dma_start3A_331 = tpu.memref_slice %arg16[%dma_start3A_330] : memref<640xf32, #tpu.memory_space<vmem>> -> memref<200xf32, #tpu.memory_space<vmem>>
      %dma_start3A_332 = arith.constant 0 : i32
      %dma_start3A_333 = tpu.memref_slice %arg8[%run_scoped3A_199, %dma_start3A_332] : memref<50x200xi32, #tpu.memory_space<vmem>> -> memref<1x200xi32, #tpu.memory_space<vmem>>
      %dma_start3A_334 = tpu.memref_squeeze %dma_start3A_333 : memref<1x200xi32, #tpu.memory_space<vmem>> -> memref<200xi32, #tpu.memory_space<vmem>>
      %dma_start3A_335 = arith.constant 0 : i32
      %dma_start3A_336 = tpu.memref_slice %arg17[%dma_start3A_335] : memref<10000xf32, #tpu.memory_space<vmem_shared>> -> memref<10000xf32, #tpu.memory_space<vmem_shared>>
      tpu.enqueue_indirect_dma source(%dma_start3A_331 : memref<200xf32, #tpu.memory_space<vmem>>) target(%dma_start3A_336 : memref<10000xf32, #tpu.memory_space<vmem_shared>>) offsets(%dma_start3A_334 : memref<200xi32, #tpu.memory_space<vmem>>) semaphore(%run_scoped3A_329 : memref<!tpu.dma_semaphore, #tpu.memory_space<semaphore_mem>>) {add = true}
      %dma_wait3A_337 = arith.constant 0 : i32
      %dma_wait3A_338 = tpu.memref_slice %arg16[%dma_wait3A_337] : memref<640xf32, #tpu.memory_space<vmem>> -> memref<200xf32, #tpu.memory_space<vmem>>
      %dma_wait3A_339 = arith.constant 0 : i32
      %dma_wait3A_340 = tpu.memref_slice %arg8[%run_scoped3A_199, %dma_wait3A_339] : memref<50x200xi32, #tpu.memory_space<vmem>> -> memref<1x200xi32, #tpu.memory_space<vmem>>
      %dma_wait3A_341 = tpu.memref_squeeze %dma_wait3A_340 : memref<1x200xi32, #tpu.memory_space<vmem>> -> memref<200xi32, #tpu.memory_space<vmem>>
      %dma_wait3A_342 = arith.constant 0 : i32
      %dma_wait3A_343 = tpu.memref_slice %arg17[%dma_wait3A_342] : memref<10000xf32, #tpu.memory_space<vmem_shared>> -> memref<10000xf32, #tpu.memory_space<vmem_shared>>
      tpu.wait_indirect_dma semaphore(%run_scoped3A_329 : memref<!tpu.dma_semaphore, #tpu.memory_space<semaphore_mem>>) src(%dma_wait3A_338 : memref<200xf32, #tpu.memory_space<vmem>>) dst(%dma_wait3A_343 : memref<10000xf32, #tpu.memory_space<vmem_shared>>)
      tpu.yield
    }) : () -> ()
    %dma_start3A_200 = arith.constant 47 : i32
    %dma_start3A_201 = arith.constant 0 : i32
    %dma_start3A_202 = tpu.memref_slice %arg7[%dma_start3A_200, %dma_start3A_201] : memref<50x200xi32, #tpu.memory_space<vmem>> -> memref<1x200xi32, #tpu.memory_space<vmem>>
    %dma_start3A_203 = tpu.memref_squeeze %dma_start3A_202 : memref<1x200xi32, #tpu.memory_space<vmem>> -> memref<200xi32, #tpu.memory_space<vmem>>
    %dma_start3A_204 = arith.constant 0 : i32
    %dma_start3A_205 = arith.constant 0 : i32
    %dma_start3A_206 = tpu.memref_slice %arg2[%dma_start3A_204, %dma_start3A_205] : memref<10000x128xbf16, #tpu.memory_space<hbm>> -> memref<10000x128xbf16, #tpu.memory_space<hbm>>
    tpu.enqueue_indirect_dma source(%dma_start3A_206 : memref<10000x128xbf16, #tpu.memory_space<hbm>>) target(%arg12 : memref<200x128xbf16, #tpu.memory_space<vmem>>) offsets(%dma_start3A_203 : memref<200xi32, #tpu.memory_space<vmem>>) semaphore(%arg14 : memref<!tpu.dma_semaphore, #tpu.memory_space<semaphore_mem>>)
    %dma_wait3A_207 = arith.constant 0 : i32
    %dma_wait3A_208 = arith.constant 0 : i32
    %dma_wait3A_209 = tpu.memref_slice %arg7[%dma_wait3A_207, %dma_wait3A_208] : memref<50x200xi32, #tpu.memory_space<vmem>> -> memref<1x200xi32, #tpu.memory_space<vmem>>
    %dma_wait3A_210 = tpu.memref_squeeze %dma_wait3A_209 : memref<1x200xi32, #tpu.memory_space<vmem>> -> memref<200xi32, #tpu.memory_space<vmem>>
    %dma_wait3A_211 = arith.constant 0 : i32
    %dma_wait3A_212 = arith.constant 0 : i32
    %dma_wait3A_213 = tpu.memref_slice %arg2[%dma_wait3A_211, %dma_wait3A_212] : memref<10000x128xbf16, #tpu.memory_space<hbm>> -> memref<10000x128xbf16, #tpu.memory_space<hbm>>
    tpu.wait_indirect_dma semaphore(%arg14 : memref<!tpu.dma_semaphore, #tpu.memory_space<semaphore_mem>>) src(%dma_wait3A_213 : memref<10000x128xbf16, #tpu.memory_space<hbm>>) dst(%arg11 : memref<200x128xbf16, #tpu.memory_space<vmem>>)
    %dma_wait3A_214 = arith.constant 0 : i32
    %dma_wait3A_215 = arith.constant 0 : i32
    %dma_wait3A_216 = tpu.memref_slice %arg8[%dma_wait3A_214, %dma_wait3A_215] : memref<50x200xi32, #tpu.memory_space<vmem>> -> memref<1x200xi32, #tpu.memory_space<vmem>>
    %dma_wait3A_217 = tpu.memref_squeeze %dma_wait3A_216 : memref<1x200xi32, #tpu.memory_space<vmem>> -> memref<200xi32, #tpu.memory_space<vmem>>
    %dma_wait3A_218 = arith.constant 0 : i32
    %dma_wait3A_219 = arith.constant 0 : i32
    %dma_wait3A_220 = tpu.memref_slice %arg13[%dma_wait3A_218, %dma_wait3A_219] : memref<10000x128xbf16, #tpu.memory_space<vmem_shared>> -> memref<10000x128xbf16, #tpu.memory_space<vmem_shared>>
    tpu.wait_indirect_dma semaphore(%arg15 : memref<!tpu.dma_semaphore, #tpu.memory_space<semaphore_mem>>) src(%arg9 : memref<200x128xbf16, #tpu.memory_space<vmem>>) dst(%dma_wait3A_220 : memref<10000x128xbf16, #tpu.memory_space<vmem_shared>>)
    %dma_start3A_221 = arith.constant 46 : i32
    %dma_start3A_222 = arith.constant 0 : i32
    %dma_start3A_223 = tpu.memref_slice %arg8[%dma_start3A_221, %dma_start3A_222] : memref<50x200xi32, #tpu.memory_space<vmem>> -> memref<1x200xi32, #tpu.memory_space<vmem>>
    %dma_start3A_224 = tpu.memref_squeeze %dma_start3A_223 : memref<1x200xi32, #tpu.memory_space<vmem>> -> memref<200xi32, #tpu.memory_space<vmem>>
    %dma_start3A_225 = arith.constant 0 : i32
    %dma_start3A_226 = arith.constant 0 : i32
    %dma_start3A_227 = tpu.memref_slice %arg13[%dma_start3A_225, %dma_start3A_226] : memref<10000x128xbf16, #tpu.memory_space<vmem_shared>> -> memref<10000x128xbf16, #tpu.memory_space<vmem_shared>>
    tpu.enqueue_indirect_dma source(%arg11 : memref<200x128xbf16, #tpu.memory_space<vmem>>) target(%dma_start3A_227 : memref<10000x128xbf16, #tpu.memory_space<vmem_shared>>) offsets(%dma_start3A_224 : memref<200xi32, #tpu.memory_space<vmem>>) semaphore(%arg15 : memref<!tpu.dma_semaphore, #tpu.memory_space<semaphore_mem>>) {add = true}
    %run_scoped3A_228 = arith.constant 46 : i32
    "tpu.region"() ({
      %run_scoped3A_329 = tpu.sem_alloc : memref<!tpu.dma_semaphore, #tpu.memory_space<semaphore_mem>>
      %dma_start3A_330 = arith.constant 0 : i32
      %dma_start3A_331 = tpu.memref_slice %arg16[%dma_start3A_330] : memref<640xf32, #tpu.memory_space<vmem>> -> memref<200xf32, #tpu.memory_space<vmem>>
      %dma_start3A_332 = arith.constant 0 : i32
      %dma_start3A_333 = tpu.memref_slice %arg8[%run_scoped3A_228, %dma_start3A_332] : memref<50x200xi32, #tpu.memory_space<vmem>> -> memref<1x200xi32, #tpu.memory_space<vmem>>
      %dma_start3A_334 = tpu.memref_squeeze %dma_start3A_333 : memref<1x200xi32, #tpu.memory_space<vmem>> -> memref<200xi32, #tpu.memory_space<vmem>>
      %dma_start3A_335 = arith.constant 0 : i32
      %dma_start3A_336 = tpu.memref_slice %arg17[%dma_start3A_335] : memref<10000xf32, #tpu.memory_space<vmem_shared>> -> memref<10000xf32, #tpu.memory_space<vmem_shared>>
      tpu.enqueue_indirect_dma source(%dma_start3A_331 : memref<200xf32, #tpu.memory_space<vmem>>) target(%dma_start3A_336 : memref<10000xf32, #tpu.memory_space<vmem_shared>>) offsets(%dma_start3A_334 : memref<200xi32, #tpu.memory_space<vmem>>) semaphore(%run_scoped3A_329 : memref<!tpu.dma_semaphore, #tpu.memory_space<semaphore_mem>>) {add = true}
      %dma_wait3A_337 = arith.constant 0 : i32
      %dma_wait3A_338 = tpu.memref_slice %arg16[%dma_wait3A_337] : memref<640xf32, #tpu.memory_space<vmem>> -> memref<200xf32, #tpu.memory_space<vmem>>
      %dma_wait3A_339 = arith.constant 0 : i32
      %dma_wait3A_340 = tpu.memref_slice %arg8[%run_scoped3A_228, %dma_wait3A_339] : memref<50x200xi32, #tpu.memory_space<vmem>> -> memref<1x200xi32, #tpu.memory_space<vmem>>
      %dma_wait3A_341 = tpu.memref_squeeze %dma_wait3A_340 : memref<1x200xi32, #tpu.memory_space<vmem>> -> memref<200xi32, #tpu.memory_space<vmem>>
      %dma_wait3A_342 = arith.constant 0 : i32
      %dma_wait3A_343 = tpu.memref_slice %arg17[%dma_wait3A_342] : memref<10000xf32, #tpu.memory_space<vmem_shared>> -> memref<10000xf32, #tpu.memory_space<vmem_shared>>
      tpu.wait_indirect_dma semaphore(%run_scoped3A_329 : memref<!tpu.dma_semaphore, #tpu.memory_space<semaphore_mem>>) src(%dma_wait3A_338 : memref<200xf32, #tpu.memory_space<vmem>>) dst(%dma_wait3A_343 : memref<10000xf32, #tpu.memory_space<vmem_shared>>)
      tpu.yield
    }) : () -> ()
    %dma_start3A_229 = arith.constant 48 : i32
    %dma_start3A_230 = arith.constant 0 : i32
    %dma_start3A_231 = tpu.memref_slice %arg7[%dma_start3A_229, %dma_start3A_230] : memref<50x200xi32, #tpu.memory_space<vmem>> -> memref<1x200xi32, #tpu.memory_space<vmem>>
    %dma_start3A_232 = tpu.memref_squeeze %dma_start3A_231 : memref<1x200xi32, #tpu.memory_space<vmem>> -> memref<200xi32, #tpu.memory_space<vmem>>
    %dma_start3A_233 = arith.constant 0 : i32
    %dma_start3A_234 = arith.constant 0 : i32
    %dma_start3A_235 = tpu.memref_slice %arg2[%dma_start3A_233, %dma_start3A_234] : memref<10000x128xbf16, #tpu.memory_space<hbm>> -> memref<10000x128xbf16, #tpu.memory_space<hbm>>
    tpu.enqueue_indirect_dma source(%dma_start3A_235 : memref<10000x128xbf16, #tpu.memory_space<hbm>>) target(%arg9 : memref<200x128xbf16, #tpu.memory_space<vmem>>) offsets(%dma_start3A_232 : memref<200xi32, #tpu.memory_space<vmem>>) semaphore(%arg14 : memref<!tpu.dma_semaphore, #tpu.memory_space<semaphore_mem>>)
    %dma_wait3A_236 = arith.constant 0 : i32
    %dma_wait3A_237 = arith.constant 0 : i32
    %dma_wait3A_238 = tpu.memref_slice %arg7[%dma_wait3A_236, %dma_wait3A_237] : memref<50x200xi32, #tpu.memory_space<vmem>> -> memref<1x200xi32, #tpu.memory_space<vmem>>
    %dma_wait3A_239 = tpu.memref_squeeze %dma_wait3A_238 : memref<1x200xi32, #tpu.memory_space<vmem>> -> memref<200xi32, #tpu.memory_space<vmem>>
    %dma_wait3A_240 = arith.constant 0 : i32
    %dma_wait3A_241 = arith.constant 0 : i32
    %dma_wait3A_242 = tpu.memref_slice %arg2[%dma_wait3A_240, %dma_wait3A_241] : memref<10000x128xbf16, #tpu.memory_space<hbm>> -> memref<10000x128xbf16, #tpu.memory_space<hbm>>
    tpu.wait_indirect_dma semaphore(%arg14 : memref<!tpu.dma_semaphore, #tpu.memory_space<semaphore_mem>>) src(%dma_wait3A_242 : memref<10000x128xbf16, #tpu.memory_space<hbm>>) dst(%arg12 : memref<200x128xbf16, #tpu.memory_space<vmem>>)
    %dma_wait3A_243 = arith.constant 0 : i32
    %dma_wait3A_244 = arith.constant 0 : i32
    %dma_wait3A_245 = tpu.memref_slice %arg8[%dma_wait3A_243, %dma_wait3A_244] : memref<50x200xi32, #tpu.memory_space<vmem>> -> memref<1x200xi32, #tpu.memory_space<vmem>>
    %dma_wait3A_246 = tpu.memref_squeeze %dma_wait3A_245 : memref<1x200xi32, #tpu.memory_space<vmem>> -> memref<200xi32, #tpu.memory_space<vmem>>
    %dma_wait3A_247 = arith.constant 0 : i32
    %dma_wait3A_248 = arith.constant 0 : i32
    %dma_wait3A_249 = tpu.memref_slice %arg13[%dma_wait3A_247, %dma_wait3A_248] : memref<10000x128xbf16, #tpu.memory_space<vmem_shared>> -> memref<10000x128xbf16, #tpu.memory_space<vmem_shared>>
    tpu.wait_indirect_dma semaphore(%arg15 : memref<!tpu.dma_semaphore, #tpu.memory_space<semaphore_mem>>) src(%arg10 : memref<200x128xbf16, #tpu.memory_space<vmem>>) dst(%dma_wait3A_249 : memref<10000x128xbf16, #tpu.memory_space<vmem_shared>>)
    %dma_start3A_250 = arith.constant 47 : i32
    %dma_start3A_251 = arith.constant 0 : i32
    %dma_start3A_252 = tpu.memref_slice %arg8[%dma_start3A_250, %dma_start3A_251] : memref<50x200xi32, #tpu.memory_space<vmem>> -> memref<1x200xi32, #tpu.memory_space<vmem>>
    %dma_start3A_253 = tpu.memref_squeeze %dma_start3A_252 : memref<1x200xi32, #tpu.memory_space<vmem>> -> memref<200xi32, #tpu.memory_space<vmem>>
    %dma_start3A_254 = arith.constant 0 : i32
    %dma_start3A_255 = arith.constant 0 : i32
    %dma_start3A_256 = tpu.memref_slice %arg13[%dma_start3A_254, %dma_start3A_255] : memref<10000x128xbf16, #tpu.memory_space<vmem_shared>> -> memref<10000x128xbf16, #tpu.memory_space<vmem_shared>>
    tpu.enqueue_indirect_dma source(%arg12 : memref<200x128xbf16, #tpu.memory_space<vmem>>) target(%dma_start3A_256 : memref<10000x128xbf16, #tpu.memory_space<vmem_shared>>) offsets(%dma_start3A_253 : memref<200xi32, #tpu.memory_space<vmem>>) semaphore(%arg15 : memref<!tpu.dma_semaphore, #tpu.memory_space<semaphore_mem>>) {add = true}
    %run_scoped3A_257 = arith.constant 47 : i32
    "tpu.region"() ({
      %run_scoped3A_329 = tpu.sem_alloc : memref<!tpu.dma_semaphore, #tpu.memory_space<semaphore_mem>>
      %dma_start3A_330 = arith.constant 0 : i32
      %dma_start3A_331 = tpu.memref_slice %arg16[%dma_start3A_330] : memref<640xf32, #tpu.memory_space<vmem>> -> memref<200xf32, #tpu.memory_space<vmem>>
      %dma_start3A_332 = arith.constant 0 : i32
      %dma_start3A_333 = tpu.memref_slice %arg8[%run_scoped3A_257, %dma_start3A_332] : memref<50x200xi32, #tpu.memory_space<vmem>> -> memref<1x200xi32, #tpu.memory_space<vmem>>
      %dma_start3A_334 = tpu.memref_squeeze %dma_start3A_333 : memref<1x200xi32, #tpu.memory_space<vmem>> -> memref<200xi32, #tpu.memory_space<vmem>>
      %dma_start3A_335 = arith.constant 0 : i32
      %dma_start3A_336 = tpu.memref_slice %arg17[%dma_start3A_335] : memref<10000xf32, #tpu.memory_space<vmem_shared>> -> memref<10000xf32, #tpu.memory_space<vmem_shared>>
      tpu.enqueue_indirect_dma source(%dma_start3A_331 : memref<200xf32, #tpu.memory_space<vmem>>) target(%dma_start3A_336 : memref<10000xf32, #tpu.memory_space<vmem_shared>>) offsets(%dma_start3A_334 : memref<200xi32, #tpu.memory_space<vmem>>) semaphore(%run_scoped3A_329 : memref<!tpu.dma_semaphore, #tpu.memory_space<semaphore_mem>>) {add = true}
      %dma_wait3A_337 = arith.constant 0 : i32
      %dma_wait3A_338 = tpu.memref_slice %arg16[%dma_wait3A_337] : memref<640xf32, #tpu.memory_space<vmem>> -> memref<200xf32, #tpu.memory_space<vmem>>
      %dma_wait3A_339 = arith.constant 0 : i32
      %dma_wait3A_340 = tpu.memref_slice %arg8[%run_scoped3A_257, %dma_wait3A_339] : memref<50x200xi32, #tpu.memory_space<vmem>> -> memref<1x200xi32, #tpu.memory_space<vmem>>
      %dma_wait3A_341 = tpu.memref_squeeze %dma_wait3A_340 : memref<1x200xi32, #tpu.memory_space<vmem>> -> memref<200xi32, #tpu.memory_space<vmem>>
      %dma_wait3A_342 = arith.constant 0 : i32
      %dma_wait3A_343 = tpu.memref_slice %arg17[%dma_wait3A_342] : memref<10000xf32, #tpu.memory_space<vmem_shared>> -> memref<10000xf32, #tpu.memory_space<vmem_shared>>
      tpu.wait_indirect_dma semaphore(%run_scoped3A_329 : memref<!tpu.dma_semaphore, #tpu.memory_space<semaphore_mem>>) src(%dma_wait3A_338 : memref<200xf32, #tpu.memory_space<vmem>>) dst(%dma_wait3A_343 : memref<10000xf32, #tpu.memory_space<vmem_shared>>)
      tpu.yield
    }) : () -> ()
    %dma_start3A_258 = arith.constant 49 : i32
    %dma_start3A_259 = arith.constant 0 : i32
    %dma_start3A_260 = tpu.memref_slice %arg7[%dma_start3A_258, %dma_start3A_259] : memref<50x200xi32, #tpu.memory_space<vmem>> -> memref<1x200xi32, #tpu.memory_space<vmem>>
    %dma_start3A_261 = tpu.memref_squeeze %dma_start3A_260 : memref<1x200xi32, #tpu.memory_space<vmem>> -> memref<200xi32, #tpu.memory_space<vmem>>
    %dma_start3A_262 = arith.constant 0 : i32
    %dma_start3A_263 = arith.constant 0 : i32
    %dma_start3A_264 = tpu.memref_slice %arg2[%dma_start3A_262, %dma_start3A_263] : memref<10000x128xbf16, #tpu.memory_space<hbm>> -> memref<10000x128xbf16, #tpu.memory_space<hbm>>
    tpu.enqueue_indirect_dma source(%dma_start3A_264 : memref<10000x128xbf16, #tpu.memory_space<hbm>>) target(%arg10 : memref<200x128xbf16, #tpu.memory_space<vmem>>) offsets(%dma_start3A_261 : memref<200xi32, #tpu.memory_space<vmem>>) semaphore(%arg14 : memref<!tpu.dma_semaphore, #tpu.memory_space<semaphore_mem>>)
    %dma_wait3A_265 = arith.constant 0 : i32
    %dma_wait3A_266 = arith.constant 0 : i32
    %dma_wait3A_267 = tpu.memref_slice %arg7[%dma_wait3A_265, %dma_wait3A_266] : memref<50x200xi32, #tpu.memory_space<vmem>> -> memref<1x200xi32, #tpu.memory_space<vmem>>
    %dma_wait3A_268 = tpu.memref_squeeze %dma_wait3A_267 : memref<1x200xi32, #tpu.memory_space<vmem>> -> memref<200xi32, #tpu.memory_space<vmem>>
    %dma_wait3A_269 = arith.constant 0 : i32
    %dma_wait3A_270 = arith.constant 0 : i32
    %dma_wait3A_271 = tpu.memref_slice %arg2[%dma_wait3A_269, %dma_wait3A_270] : memref<10000x128xbf16, #tpu.memory_space<hbm>> -> memref<10000x128xbf16, #tpu.memory_space<hbm>>
    tpu.wait_indirect_dma semaphore(%arg14 : memref<!tpu.dma_semaphore, #tpu.memory_space<semaphore_mem>>) src(%dma_wait3A_271 : memref<10000x128xbf16, #tpu.memory_space<hbm>>) dst(%arg9 : memref<200x128xbf16, #tpu.memory_space<vmem>>)
    %dma_wait3A_272 = arith.constant 0 : i32
    %dma_wait3A_273 = arith.constant 0 : i32
    %dma_wait3A_274 = tpu.memref_slice %arg8[%dma_wait3A_272, %dma_wait3A_273] : memref<50x200xi32, #tpu.memory_space<vmem>> -> memref<1x200xi32, #tpu.memory_space<vmem>>
    %dma_wait3A_275 = tpu.memref_squeeze %dma_wait3A_274 : memref<1x200xi32, #tpu.memory_space<vmem>> -> memref<200xi32, #tpu.memory_space<vmem>>
    %dma_wait3A_276 = arith.constant 0 : i32
    %dma_wait3A_277 = arith.constant 0 : i32
    %dma_wait3A_278 = tpu.memref_slice %arg13[%dma_wait3A_276, %dma_wait3A_277] : memref<10000x128xbf16, #tpu.memory_space<vmem_shared>> -> memref<10000x128xbf16, #tpu.memory_space<vmem_shared>>
    tpu.wait_indirect_dma semaphore(%arg15 : memref<!tpu.dma_semaphore, #tpu.memory_space<semaphore_mem>>) src(%arg11 : memref<200x128xbf16, #tpu.memory_space<vmem>>) dst(%dma_wait3A_278 : memref<10000x128xbf16, #tpu.memory_space<vmem_shared>>)
    %dma_start3A_279 = arith.constant 48 : i32
    %dma_start3A_280 = arith.constant 0 : i32
    %dma_start3A_281 = tpu.memref_slice %arg8[%dma_start3A_279, %dma_start3A_280] : memref<50x200xi32, #tpu.memory_space<vmem>> -> memref<1x200xi32, #tpu.memory_space<vmem>>
    %dma_start3A_282 = tpu.memref_squeeze %dma_start3A_281 : memref<1x200xi32, #tpu.memory_space<vmem>> -> memref<200xi32, #tpu.memory_space<vmem>>
    %dma_start3A_283 = arith.constant 0 : i32
    %dma_start3A_284 = arith.constant 0 : i32
    %dma_start3A_285 = tpu.memref_slice %arg13[%dma_start3A_283, %dma_start3A_284] : memref<10000x128xbf16, #tpu.memory_space<vmem_shared>> -> memref<10000x128xbf16, #tpu.memory_space<vmem_shared>>
    tpu.enqueue_indirect_dma source(%arg9 : memref<200x128xbf16, #tpu.memory_space<vmem>>) target(%dma_start3A_285 : memref<10000x128xbf16, #tpu.memory_space<vmem_shared>>) offsets(%dma_start3A_282 : memref<200xi32, #tpu.memory_space<vmem>>) semaphore(%arg15 : memref<!tpu.dma_semaphore, #tpu.memory_space<semaphore_mem>>) {add = true}
    %run_scoped3A_286 = arith.constant 48 : i32
    "tpu.region"() ({
      %run_scoped3A_329 = tpu.sem_alloc : memref<!tpu.dma_semaphore, #tpu.memory_space<semaphore_mem>>
      %dma_start3A_330 = arith.constant 0 : i32
      %dma_start3A_331 = tpu.memref_slice %arg16[%dma_start3A_330] : memref<640xf32, #tpu.memory_space<vmem>> -> memref<200xf32, #tpu.memory_space<vmem>>
      %dma_start3A_332 = arith.constant 0 : i32
      %dma_start3A_333 = tpu.memref_slice %arg8[%run_scoped3A_286, %dma_start3A_332] : memref<50x200xi32, #tpu.memory_space<vmem>> -> memref<1x200xi32, #tpu.memory_space<vmem>>
      %dma_start3A_334 = tpu.memref_squeeze %dma_start3A_333 : memref<1x200xi32, #tpu.memory_space<vmem>> -> memref<200xi32, #tpu.memory_space<vmem>>
      %dma_start3A_335 = arith.constant 0 : i32
      %dma_start3A_336 = tpu.memref_slice %arg17[%dma_start3A_335] : memref<10000xf32, #tpu.memory_space<vmem_shared>> -> memref<10000xf32, #tpu.memory_space<vmem_shared>>
      tpu.enqueue_indirect_dma source(%dma_start3A_331 : memref<200xf32, #tpu.memory_space<vmem>>) target(%dma_start3A_336 : memref<10000xf32, #tpu.memory_space<vmem_shared>>) offsets(%dma_start3A_334 : memref<200xi32, #tpu.memory_space<vmem>>) semaphore(%run_scoped3A_329 : memref<!tpu.dma_semaphore, #tpu.memory_space<semaphore_mem>>) {add = true}
      %dma_wait3A_337 = arith.constant 0 : i32
      %dma_wait3A_338 = tpu.memref_slice %arg16[%dma_wait3A_337] : memref<640xf32, #tpu.memory_space<vmem>> -> memref<200xf32, #tpu.memory_space<vmem>>
      %dma_wait3A_339 = arith.constant 0 : i32
      %dma_wait3A_340 = tpu.memref_slice %arg8[%run_scoped3A_286, %dma_wait3A_339] : memref<50x200xi32, #tpu.memory_space<vmem>> -> memref<1x200xi32, #tpu.memory_space<vmem>>
      %dma_wait3A_341 = tpu.memref_squeeze %dma_wait3A_340 : memref<1x200xi32, #tpu.memory_space<vmem>> -> memref<200xi32, #tpu.memory_space<vmem>>
      %dma_wait3A_342 = arith.constant 0 : i32
      %dma_wait3A_343 = tpu.memref_slice %arg17[%dma_wait3A_342] : memref<10000xf32, #tpu.memory_space<vmem_shared>> -> memref<10000xf32, #tpu.memory_space<vmem_shared>>
      tpu.wait_indirect_dma semaphore(%run_scoped3A_329 : memref<!tpu.dma_semaphore, #tpu.memory_space<semaphore_mem>>) src(%dma_wait3A_338 : memref<200xf32, #tpu.memory_space<vmem>>) dst(%dma_wait3A_343 : memref<10000xf32, #tpu.memory_space<vmem_shared>>)
      tpu.yield
    }) : () -> ()
    %dma_wait3A_287 = arith.constant 0 : i32
    %dma_wait3A_288 = arith.constant 0 : i32
    %dma_wait3A_289 = tpu.memref_slice %arg7[%dma_wait3A_287, %dma_wait3A_288] : memref<50x200xi32, #tpu.memory_space<vmem>> -> memref<1x200xi32, #tpu.memory_space<vmem>>
    %dma_wait3A_290 = tpu.memref_squeeze %dma_wait3A_289 : memref<1x200xi32, #tpu.memory_space<vmem>> -> memref<200xi32, #tpu.memory_space<vmem>>
    %dma_wait3A_291 = arith.constant 0 : i32
    %dma_wait3A_292 = arith.constant 0 : i32
    %dma_wait3A_293 = tpu.memref_slice %arg2[%dma_wait3A_291, %dma_wait3A_292] : memref<10000x128xbf16, #tpu.memory_space<hbm>> -> memref<10000x128xbf16, #tpu.memory_space<hbm>>
    tpu.wait_indirect_dma semaphore(%arg14 : memref<!tpu.dma_semaphore, #tpu.memory_space<semaphore_mem>>) src(%dma_wait3A_293 : memref<10000x128xbf16, #tpu.memory_space<hbm>>) dst(%arg10 : memref<200x128xbf16, #tpu.memory_space<vmem>>)
    %dma_wait3A_294 = arith.constant 0 : i32
    %dma_wait3A_295 = arith.constant 0 : i32
    %dma_wait3A_296 = tpu.memref_slice %arg8[%dma_wait3A_294, %dma_wait3A_295] : memref<50x200xi32, #tpu.memory_space<vmem>> -> memref<1x200xi32, #tpu.memory_space<vmem>>
    %dma_wait3A_297 = tpu.memref_squeeze %dma_wait3A_296 : memref<1x200xi32, #tpu.memory_space<vmem>> -> memref<200xi32, #tpu.memory_space<vmem>>
    %dma_wait3A_298 = arith.constant 0 : i32
    %dma_wait3A_299 = arith.constant 0 : i32
    %dma_wait3A_300 = tpu.memref_slice %arg13[%dma_wait3A_298, %dma_wait3A_299] : memref<10000x128xbf16, #tpu.memory_space<vmem_shared>> -> memref<10000x128xbf16, #tpu.memory_space<vmem_shared>>
    tpu.wait_indirect_dma semaphore(%arg15 : memref<!tpu.dma_semaphore, #tpu.memory_space<semaphore_mem>>) src(%arg12 : memref<200x128xbf16, #tpu.memory_space<vmem>>) dst(%dma_wait3A_300 : memref<10000x128xbf16, #tpu.memory_space<vmem_shared>>)
    %dma_start3A_301 = arith.constant 49 : i32
    %dma_start3A_302 = arith.constant 0 : i32
    %dma_start3A_303 = tpu.memref_slice %arg8[%dma_start3A_301, %dma_start3A_302] : memref<50x200xi32, #tpu.memory_space<vmem>> -> memref<1x200xi32, #tpu.memory_space<vmem>>
    %dma_start3A_304 = tpu.memref_squeeze %dma_start3A_303 : memref<1x200xi32, #tpu.memory_space<vmem>> -> memref<200xi32, #tpu.memory_space<vmem>>
    %dma_start3A_305 = arith.constant 0 : i32
    %dma_start3A_306 = arith.constant 0 : i32
    %dma_start3A_307 = tpu.memref_slice %arg13[%dma_start3A_305, %dma_start3A_306] : memref<10000x128xbf16, #tpu.memory_space<vmem_shared>> -> memref<10000x128xbf16, #tpu.memory_space<vmem_shared>>
    tpu.enqueue_indirect_dma source(%arg10 : memref<200x128xbf16, #tpu.memory_space<vmem>>) target(%dma_start3A_307 : memref<10000x128xbf16, #tpu.memory_space<vmem_shared>>) offsets(%dma_start3A_304 : memref<200xi32, #tpu.memory_space<vmem>>) semaphore(%arg15 : memref<!tpu.dma_semaphore, #tpu.memory_space<semaphore_mem>>) {add = true}
    %run_scoped3A_308 = arith.constant 49 : i32
    "tpu.region"() ({
      %run_scoped3A_329 = tpu.sem_alloc : memref<!tpu.dma_semaphore, #tpu.memory_space<semaphore_mem>>
      %dma_start3A_330 = arith.constant 0 : i32
      %dma_start3A_331 = tpu.memref_slice %arg16[%dma_start3A_330] : memref<640xf32, #tpu.memory_space<vmem>> -> memref<200xf32, #tpu.memory_space<vmem>>
      %dma_start3A_332 = arith.constant 0 : i32
      %dma_start3A_333 = tpu.memref_slice %arg8[%run_scoped3A_308, %dma_start3A_332] : memref<50x200xi32, #tpu.memory_space<vmem>> -> memref<1x200xi32, #tpu.memory_space<vmem>>
      %dma_start3A_334 = tpu.memref_squeeze %dma_start3A_333 : memref<1x200xi32, #tpu.memory_space<vmem>> -> memref<200xi32, #tpu.memory_space<vmem>>
      %dma_start3A_335 = arith.constant 0 : i32
      %dma_start3A_336 = tpu.memref_slice %arg17[%dma_start3A_335] : memref<10000xf32, #tpu.memory_space<vmem_shared>> -> memref<10000xf32, #tpu.memory_space<vmem_shared>>
      tpu.enqueue_indirect_dma source(%dma_start3A_331 : memref<200xf32, #tpu.memory_space<vmem>>) target(%dma_start3A_336 : memref<10000xf32, #tpu.memory_space<vmem_shared>>) offsets(%dma_start3A_334 : memref<200xi32, #tpu.memory_space<vmem>>) semaphore(%run_scoped3A_329 : memref<!tpu.dma_semaphore, #tpu.memory_space<semaphore_mem>>) {add = true}
      %dma_wait3A_337 = arith.constant 0 : i32
      %dma_wait3A_338 = tpu.memref_slice %arg16[%dma_wait3A_337] : memref<640xf32, #tpu.memory_space<vmem>> -> memref<200xf32, #tpu.memory_space<vmem>>
      %dma_wait3A_339 = arith.constant 0 : i32
      %dma_wait3A_340 = tpu.memref_slice %arg8[%run_scoped3A_308, %dma_wait3A_339] : memref<50x200xi32, #tpu.memory_space<vmem>> -> memref<1x200xi32, #tpu.memory_space<vmem>>
      %dma_wait3A_341 = tpu.memref_squeeze %dma_wait3A_340 : memref<1x200xi32, #tpu.memory_space<vmem>> -> memref<200xi32, #tpu.memory_space<vmem>>
      %dma_wait3A_342 = arith.constant 0 : i32
      %dma_wait3A_343 = tpu.memref_slice %arg17[%dma_wait3A_342] : memref<10000xf32, #tpu.memory_space<vmem_shared>> -> memref<10000xf32, #tpu.memory_space<vmem_shared>>
      tpu.wait_indirect_dma semaphore(%run_scoped3A_329 : memref<!tpu.dma_semaphore, #tpu.memory_space<semaphore_mem>>) src(%dma_wait3A_338 : memref<200xf32, #tpu.memory_space<vmem>>) dst(%dma_wait3A_343 : memref<10000xf32, #tpu.memory_space<vmem_shared>>)
      tpu.yield
    }) : () -> ()
    %dma_wait3A_309 = arith.constant 0 : i32
    %dma_wait3A_310 = arith.constant 0 : i32
    %dma_wait3A_311 = tpu.memref_slice %arg8[%dma_wait3A_309, %dma_wait3A_310] : memref<50x200xi32, #tpu.memory_space<vmem>> -> memref<1x200xi32, #tpu.memory_space<vmem>>
    %dma_wait3A_312 = tpu.memref_squeeze %dma_wait3A_311 : memref<1x200xi32, #tpu.memory_space<vmem>> -> memref<200xi32, #tpu.memory_space<vmem>>
    %dma_wait3A_313 = arith.constant 0 : i32
    %dma_wait3A_314 = arith.constant 0 : i32
    %dma_wait3A_315 = tpu.memref_slice %arg13[%dma_wait3A_313, %dma_wait3A_314] : memref<10000x128xbf16, #tpu.memory_space<vmem_shared>> -> memref<10000x128xbf16, #tpu.memory_space<vmem_shared>>
    tpu.wait_indirect_dma semaphore(%arg15 : memref<!tpu.dma_semaphore, #tpu.memory_space<semaphore_mem>>) src(%arg9 : memref<200x128xbf16, #tpu.memory_space<vmem>>) dst(%dma_wait3A_315 : memref<10000x128xbf16, #tpu.memory_space<vmem_shared>>)
    %dma_wait3A_316 = arith.constant 0 : i32
    %dma_wait3A_317 = arith.constant 0 : i32
    %dma_wait3A_318 = tpu.memref_slice %arg8[%dma_wait3A_316, %dma_wait3A_317] : memref<50x200xi32, #tpu.memory_space<vmem>> -> memref<1x200xi32, #tpu.memory_space<vmem>>
    %dma_wait3A_319 = tpu.memref_squeeze %dma_wait3A_318 : memref<1x200xi32, #tpu.memory_space<vmem>> -> memref<200xi32, #tpu.memory_space<vmem>>
    %dma_wait3A_320 = arith.constant 0 : i32
    %dma_wait3A_321 = arith.constant 0 : i32
    %dma_wait3A_322 = tpu.memref_slice %arg13[%dma_wait3A_320, %dma_wait3A_321] : memref<10000x128xbf16, #tpu.memory_space<vmem_shared>> -> memref<10000x128xbf16, #tpu.memory_space<vmem_shared>>
    tpu.wait_indirect_dma semaphore(%arg15 : memref<!tpu.dma_semaphore, #tpu.memory_space<semaphore_mem>>) src(%arg10 : memref<200x128xbf16, #tpu.memory_space<vmem>>) dst(%dma_wait3A_322 : memref<10000x128xbf16, #tpu.memory_space<vmem_shared>>)
    %barrier3A_323 = arith.constant 0 : index
    tpu.barrier barrier_id(%barrier3A_323)
    "tpu.region"() ({
      %run_scoped3A_329 = tpu.sem_alloc : memref<!tpu.dma_semaphore, #tpu.memory_space<semaphore_mem>>
      %dma_start3A_330 = arith.constant 0 : i32
      %dma_start3A_331 = tpu.memref_slice %arg5[%arg0, %mul3A_6, %dma_start3A_330] : memref<2x10000x128xbf16, #tpu.memory_space<hbm>> -> memref<1x625x128xbf16, #tpu.memory_space<hbm>>
      %dma_start3A_332 = tpu.memref_squeeze %dma_start3A_331 : memref<1x625x128xbf16, #tpu.memory_space<hbm>> -> memref<625x128xbf16, #tpu.memory_space<hbm>>
      %dma_start3A_333 = arith.constant 0 : i32
      %dma_start3A_334 = tpu.memref_slice %arg13[%mul3A_6, %dma_start3A_333] : memref<10000x128xbf16, #tpu.memory_space<vmem_shared>> -> memref<625x128xbf16, #tpu.memory_space<vmem_shared>>
      tpu.enqueue_dma source(%dma_start3A_334 : memref<625x128xbf16, #tpu.memory_space<vmem_shared>>) target(%dma_start3A_332 : memref<625x128xbf16, #tpu.memory_space<hbm>>) target_semaphore(%run_scoped3A_329 : memref<!tpu.dma_semaphore, #tpu.memory_space<semaphore_mem>>)
      %dma_wait3A_335 = arith.constant 0 : i32
      %dma_wait3A_336 = tpu.memref_slice %arg5[%arg0, %mul3A_6, %dma_wait3A_335] : memref<2x10000x128xbf16, #tpu.memory_space<hbm>> -> memref<1x625x128xbf16, #tpu.memory_space<hbm>>
      %dma_wait3A_337 = tpu.memref_squeeze %dma_wait3A_336 : memref<1x625x128xbf16, #tpu.memory_space<hbm>> -> memref<625x128xbf16, #tpu.memory_space<hbm>>
      %dma_wait3A_338 = arith.constant 0 : i32
      %dma_wait3A_339 = tpu.memref_slice %arg13[%mul3A_6, %dma_wait3A_338] : memref<10000x128xbf16, #tpu.memory_space<vmem_shared>> -> memref<625x128xbf16, #tpu.memory_space<vmem_shared>>
      tpu.wait_dma2 semaphore(%run_scoped3A_329 : memref<!tpu.dma_semaphore, #tpu.memory_space<semaphore_mem>>) src(%dma_wait3A_339 : memref<625x128xbf16, #tpu.memory_space<vmem_shared>>) dst(%dma_wait3A_337 : memref<625x128xbf16, #tpu.memory_space<hbm>>)
      tpu.yield
    }) : () -> ()
    %eq3A_324 = arith.constant 0 : i32
    %eq3A_325 = arith.cmpi eq, %arg1, %eq3A_324 : i32
    %convert_element_type3A_326 = arith.extui %eq3A_325 : i1 to i32
    %cond3A_327 = arith.constant 0 : i32
    %cond3A_328 = arith.cmpi ne, %convert_element_type3A_326, %cond3A_327 : i32
    scf.if %cond3A_328 {
      "tpu.region"() ({
        %run_scoped3A_329 = tpu.sem_alloc : memref<!tpu.dma_semaphore, #tpu.memory_space<semaphore_mem>>
        %dma_start3A_330 = arith.constant 0 : i32
        %dma_start3A_331 = tpu.memref_slice %arg6[%arg0, %dma_start3A_330] : memref<2x10000xf32, #tpu.memory_space<hbm>> -> memref<1x10000xf32, #tpu.memory_space<hbm>>
        %dma_start3A_332 = tpu.memref_squeeze %dma_start3A_331 : memref<1x10000xf32, #tpu.memory_space<hbm>> -> memref<10000xf32, #tpu.memory_space<hbm>>
        tpu.enqueue_dma source(%arg17 : memref<10000xf32, #tpu.memory_space<vmem_shared>>) target(%dma_start3A_332 : memref<10000xf32, #tpu.memory_space<hbm>>) target_semaphore(%run_scoped3A_329 : memref<!tpu.dma_semaphore, #tpu.memory_space<semaphore_mem>>)
        %dma_wait3A_333 = arith.constant 0 : i32
        %dma_wait3A_334 = tpu.memref_slice %arg6[%arg0, %dma_wait3A_333] : memref<2x10000xf32, #tpu.memory_space<hbm>> -> memref<1x10000xf32, #tpu.memory_space<hbm>>
        %dma_wait3A_335 = tpu.memref_squeeze %dma_wait3A_334 : memref<1x10000xf32, #tpu.memory_space<hbm>> -> memref<10000xf32, #tpu.memory_space<hbm>>
        tpu.wait_dma2 semaphore(%run_scoped3A_329 : memref<!tpu.dma_semaphore, #tpu.memory_space<semaphore_mem>>) src(%arg17 : memref<10000xf32, #tpu.memory_space<vmem_shared>>) dst(%dma_wait3A_335 : memref<10000xf32, #tpu.memory_space<hbm>>)
        tpu.yield
      }) : () -> ()
    } else {
    }
    return
  }
}

#map = affine_map<(d0, d1) -> (0, 0)>
#map1 = affine_map<(d0, d1) -> (0, 0, 0)>
module attributes {stable_mosaic.version = 14 : i64} {
  func.func @body(%arg0: i32, %arg1: i32, %arg2: memref<10000x128xbf16, #tpu.memory_space<hbm>>, %arg3: memref<32x50x200xi32, #tpu.memory_space<hbm>>, %arg4: memref<32x50x200xi32, #tpu.memory_space<hbm>>, %arg5: memref<2x10000x128xbf16, #tpu.memory_space<hbm>>, %arg6: memref<50x200xi32, #tpu.memory_space<vmem>>, %arg7: memref<50x200xi32, #tpu.memory_space<vmem>>, %arg8: memref<200x128xbf16, #tpu.memory_space<vmem>>, %arg9: memref<200x128xbf16, #tpu.memory_space<vmem>>, %arg10: memref<200x128xbf16, #tpu.memory_space<vmem>>, %arg11: memref<200x128xbf16, #tpu.memory_space<vmem>>, %arg12: memref<10000x128xbf16, #tpu.memory_space<vmem_shared>>, %arg13: memref<!tpu.dma_semaphore, #tpu.memory_space<semaphore_mem>>, %arg14: memref<!tpu.dma_semaphore, #tpu.memory_space<semaphore_mem>>) attributes {dimension_semantics = [#tpu.dimension_semantics<core_parallel>, #tpu.dimension_semantics<subcore_parallel>], iteration_bounds = array<i64: 2, 16>, scalar_prefetch = 0 : i64, scratch_operands = 9 : i64, tpu.core_type = #tpu.core_type<sc_vector_subcore>, window_params = [{transform_indices = #map}, {transform_indices = #map1}, {transform_indices = #map1}, {transform_indices = #map1}]} {
    %mul3A = arith.constant 2 : i32
    %mul3A_0 = arith.muli %arg1, %mul3A : i32
    %add3A = arith.addi %mul3A_0, %arg0 : i32
    "tpu.region"() ({
      %run_scoped3A = tpu.sem_alloc : memref<!tpu.dma_semaphore, #tpu.memory_space<semaphore_mem>>
      %dma_start3A_299 = arith.constant 0 : i32
      %dma_start3A_300 = arith.constant 0 : i32
      %dma_start3A_301 = tpu.memref_slice %arg3[%add3A, %dma_start3A_299, %dma_start3A_300] : memref<32x50x200xi32, #tpu.memory_space<hbm>> -> memref<1x50x200xi32, #tpu.memory_space<hbm>>
      %dma_start3A_302 = tpu.memref_squeeze %dma_start3A_301 : memref<1x50x200xi32, #tpu.memory_space<hbm>> -> memref<50x200xi32, #tpu.memory_space<hbm>>
      %dma_start3A_303 = arith.constant 0 : i32
      %dma_start3A_304 = arith.constant 0 : i32
      %dma_start3A_305 = tpu.memref_slice %arg3[%add3A, %dma_start3A_303, %dma_start3A_304] : memref<32x50x200xi32, #tpu.memory_space<hbm>> -> memref<1x50x200xi32, #tpu.memory_space<hbm>>
      %dma_start3A_306 = tpu.memref_squeeze %dma_start3A_305 : memref<1x50x200xi32, #tpu.memory_space<hbm>> -> memref<50x200xi32, #tpu.memory_space<hbm>>
      tpu.enqueue_dma source(%dma_start3A_306 : memref<50x200xi32, #tpu.memory_space<hbm>>) target(%arg6 : memref<50x200xi32, #tpu.memory_space<vmem>>) target_semaphore(%run_scoped3A : memref<!tpu.dma_semaphore, #tpu.memory_space<semaphore_mem>>)
      %dma_wait3A_307 = arith.constant 0 : i32
      %dma_wait3A_308 = arith.constant 0 : i32
      %dma_wait3A_309 = tpu.memref_slice %arg3[%add3A, %dma_wait3A_307, %dma_wait3A_308] : memref<32x50x200xi32, #tpu.memory_space<hbm>> -> memref<1x50x200xi32, #tpu.memory_space<hbm>>
      %dma_wait3A_310 = tpu.memref_squeeze %dma_wait3A_309 : memref<1x50x200xi32, #tpu.memory_space<hbm>> -> memref<50x200xi32, #tpu.memory_space<hbm>>
      %dma_wait3A_311 = arith.constant 0 : i32
      %dma_wait3A_312 = arith.constant 0 : i32
      %dma_wait3A_313 = tpu.memref_slice %arg3[%add3A, %dma_wait3A_311, %dma_wait3A_312] : memref<32x50x200xi32, #tpu.memory_space<hbm>> -> memref<1x50x200xi32, #tpu.memory_space<hbm>>
      %dma_wait3A_314 = tpu.memref_squeeze %dma_wait3A_313 : memref<1x50x200xi32, #tpu.memory_space<hbm>> -> memref<50x200xi32, #tpu.memory_space<hbm>>
      tpu.wait_dma2 semaphore(%run_scoped3A : memref<!tpu.dma_semaphore, #tpu.memory_space<semaphore_mem>>) src(%dma_wait3A_314 : memref<50x200xi32, #tpu.memory_space<hbm>>) dst(%arg6 : memref<50x200xi32, #tpu.memory_space<vmem>>)
      tpu.yield
    }) : () -> ()
    "tpu.region"() ({
      %run_scoped3A = tpu.sem_alloc : memref<!tpu.dma_semaphore, #tpu.memory_space<semaphore_mem>>
      %dma_start3A_299 = arith.constant 0 : i32
      %dma_start3A_300 = arith.constant 0 : i32
      %dma_start3A_301 = tpu.memref_slice %arg4[%add3A, %dma_start3A_299, %dma_start3A_300] : memref<32x50x200xi32, #tpu.memory_space<hbm>> -> memref<1x50x200xi32, #tpu.memory_space<hbm>>
      %dma_start3A_302 = tpu.memref_squeeze %dma_start3A_301 : memref<1x50x200xi32, #tpu.memory_space<hbm>> -> memref<50x200xi32, #tpu.memory_space<hbm>>
      %dma_start3A_303 = arith.constant 0 : i32
      %dma_start3A_304 = arith.constant 0 : i32
      %dma_start3A_305 = tpu.memref_slice %arg4[%add3A, %dma_start3A_303, %dma_start3A_304] : memref<32x50x200xi32, #tpu.memory_space<hbm>> -> memref<1x50x200xi32, #tpu.memory_space<hbm>>
      %dma_start3A_306 = tpu.memref_squeeze %dma_start3A_305 : memref<1x50x200xi32, #tpu.memory_space<hbm>> -> memref<50x200xi32, #tpu.memory_space<hbm>>
      tpu.enqueue_dma source(%dma_start3A_306 : memref<50x200xi32, #tpu.memory_space<hbm>>) target(%arg7 : memref<50x200xi32, #tpu.memory_space<vmem>>) target_semaphore(%run_scoped3A : memref<!tpu.dma_semaphore, #tpu.memory_space<semaphore_mem>>)
      %dma_wait3A_307 = arith.constant 0 : i32
      %dma_wait3A_308 = arith.constant 0 : i32
      %dma_wait3A_309 = tpu.memref_slice %arg4[%add3A, %dma_wait3A_307, %dma_wait3A_308] : memref<32x50x200xi32, #tpu.memory_space<hbm>> -> memref<1x50x200xi32, #tpu.memory_space<hbm>>
      %dma_wait3A_310 = tpu.memref_squeeze %dma_wait3A_309 : memref<1x50x200xi32, #tpu.memory_space<hbm>> -> memref<50x200xi32, #tpu.memory_space<hbm>>
      %dma_wait3A_311 = arith.constant 0 : i32
      %dma_wait3A_312 = arith.constant 0 : i32
      %dma_wait3A_313 = tpu.memref_slice %arg4[%add3A, %dma_wait3A_311, %dma_wait3A_312] : memref<32x50x200xi32, #tpu.memory_space<hbm>> -> memref<1x50x200xi32, #tpu.memory_space<hbm>>
      %dma_wait3A_314 = tpu.memref_squeeze %dma_wait3A_313 : memref<1x50x200xi32, #tpu.memory_space<hbm>> -> memref<50x200xi32, #tpu.memory_space<hbm>>
      tpu.wait_dma2 semaphore(%run_scoped3A : memref<!tpu.dma_semaphore, #tpu.memory_space<semaphore_mem>>) src(%dma_wait3A_314 : memref<50x200xi32, #tpu.memory_space<hbm>>) dst(%arg7 : memref<50x200xi32, #tpu.memory_space<vmem>>)
      tpu.yield
    }) : () -> ()
    %scan3A = arith.constant 0 : i32
    %scan3A_1 = arith.constant 200 : i32
    %scan3A_2 = arith.addi %scan3A, %scan3A_1 : i32
    %scan3A_3 = arith.constant 1 : i32
    scf.for %scan3A_299 = %scan3A to %scan3A_2 step %scan3A_3  : i32 {
      %mul3A_300 = arith.constant 1 : i32
      %mul3A_301 = arith.muli %scan3A_299, %mul3A_300 : i32
      %add3A_302 = arith.constant 0 : i32
      %add3A_303 = arith.addi %add3A_302, %mul3A_301 : i32
      %broadcast_in_dim3A = arith.constant 0.000000e+00 : bf16
      %broadcast_in_dim3A_304 = vector.broadcast %broadcast_in_dim3A : bf16 to vector<32xbf16>
      %swap3A = arith.index_cast %add3A_303 : i32 to index
      %swap3A_305 = arith.constant 0 : index
      %swap3A_306 = tpu.vector_load %arg8[%swap3A, %swap3A_305] {strides = array<i32>} : memref<200x128xbf16, #tpu.memory_space<vmem>>, vector<1x32xbf16>,
      %swap3A_307 = vector.shape_cast %swap3A_306 : vector<1x32xbf16> to vector<32xbf16>
      %swap3A_308 = vector.shape_cast %broadcast_in_dim3A_304 : vector<32xbf16> to vector<1x32xbf16>
      tpu.vector_store %arg8[%swap3A, %swap3A_305], %swap3A_308 {strides = array<i32>} : memref<200x128xbf16, #tpu.memory_space<vmem>>, vector<1x32xbf16>,
      %broadcast_in_dim3A_309 = arith.constant 0.000000e+00 : bf16
      %broadcast_in_dim3A_310 = vector.broadcast %broadcast_in_dim3A_309 : bf16 to vector<32xbf16>
      %swap3A_311 = arith.index_cast %add3A_303 : i32 to index
      %swap3A_312 = arith.constant 32 : index
      %swap3A_313 = tpu.vector_load %arg8[%swap3A_311, %swap3A_312] {strides = array<i32>} : memref<200x128xbf16, #tpu.memory_space<vmem>>, vector<1x32xbf16>,
      %swap3A_314 = vector.shape_cast %swap3A_313 : vector<1x32xbf16> to vector<32xbf16>
      %swap3A_315 = vector.shape_cast %broadcast_in_dim3A_310 : vector<32xbf16> to vector<1x32xbf16>
      tpu.vector_store %arg8[%swap3A_311, %swap3A_312], %swap3A_315 {strides = array<i32>} : memref<200x128xbf16, #tpu.memory_space<vmem>>, vector<1x32xbf16>,
      %broadcast_in_dim3A_316 = arith.constant 0.000000e+00 : bf16
      %broadcast_in_dim3A_317 = vector.broadcast %broadcast_in_dim3A_316 : bf16 to vector<32xbf16>
      %swap3A_318 = arith.index_cast %add3A_303 : i32 to index
      %swap3A_319 = arith.constant 64 : index
      %swap3A_320 = tpu.vector_load %arg8[%swap3A_318, %swap3A_319] {strides = array<i32>} : memref<200x128xbf16, #tpu.memory_space<vmem>>, vector<1x32xbf16>,
      %swap3A_321 = vector.shape_cast %swap3A_320 : vector<1x32xbf16> to vector<32xbf16>
      %swap3A_322 = vector.shape_cast %broadcast_in_dim3A_317 : vector<32xbf16> to vector<1x32xbf16>
      tpu.vector_store %arg8[%swap3A_318, %swap3A_319], %swap3A_322 {strides = array<i32>} : memref<200x128xbf16, #tpu.memory_space<vmem>>, vector<1x32xbf16>,
      %broadcast_in_dim3A_323 = arith.constant 0.000000e+00 : bf16
      %broadcast_in_dim3A_324 = vector.broadcast %broadcast_in_dim3A_323 : bf16 to vector<32xbf16>
      %swap3A_325 = arith.index_cast %add3A_303 : i32 to index
      %swap3A_326 = arith.constant 96 : index
      %swap3A_327 = tpu.vector_load %arg8[%swap3A_325, %swap3A_326] {strides = array<i32>} : memref<200x128xbf16, #tpu.memory_space<vmem>>, vector<1x32xbf16>,
      %swap3A_328 = vector.shape_cast %swap3A_327 : vector<1x32xbf16> to vector<32xbf16>
      %swap3A_329 = vector.shape_cast %broadcast_in_dim3A_324 : vector<32xbf16> to vector<1x32xbf16>
      tpu.vector_store %arg8[%swap3A_325, %swap3A_326], %swap3A_329 {strides = array<i32>} : memref<200x128xbf16, #tpu.memory_space<vmem>>, vector<1x32xbf16>,
    }
    %scan3A_4 = arith.constant 200 : i32
    %mul3A_5 = arith.constant 625 : i32
    %mul3A_6 = arith.muli %arg1, %mul3A_5 : i32
    %add3A_7 = arith.constant 0 : i32
    %add3A_8 = arith.addi %mul3A_6, %add3A_7 : i32
    "tpu.region"() ({
      %run_scoped3A = tpu.sem_alloc : memref<!tpu.dma_semaphore, #tpu.memory_space<semaphore_mem>>
      %dma_start3A_299 = arith.constant 0 : i32
      %dma_start3A_300 = tpu.memref_slice %arg12[%add3A_8, %dma_start3A_299] : memref<10000x128xbf16, #tpu.memory_space<vmem_shared>> -> memref<200x128xbf16, #tpu.memory_space<vmem_shared>>
      %dma_start3A_301 = arith.constant 0 : i32
      %dma_start3A_302 = tpu.memref_slice %arg12[%add3A_8, %dma_start3A_301] : memref<10000x128xbf16, #tpu.memory_space<vmem_shared>> -> memref<200x128xbf16, #tpu.memory_space<vmem_shared>>
      tpu.enqueue_dma source(%arg8 : memref<200x128xbf16, #tpu.memory_space<vmem>>) target(%dma_start3A_302 : memref<200x128xbf16, #tpu.memory_space<vmem_shared>>) target_semaphore(%run_scoped3A : memref<!tpu.dma_semaphore, #tpu.memory_space<semaphore_mem>>)
      %dma_wait3A_303 = arith.constant 0 : i32
      %dma_wait3A_304 = tpu.memref_slice %arg12[%add3A_8, %dma_wait3A_303] : memref<10000x128xbf16, #tpu.memory_space<vmem_shared>> -> memref<200x128xbf16, #tpu.memory_space<vmem_shared>>
      %dma_wait3A_305 = arith.constant 0 : i32
      %dma_wait3A_306 = tpu.memref_slice %arg12[%add3A_8, %dma_wait3A_305] : memref<10000x128xbf16, #tpu.memory_space<vmem_shared>> -> memref<200x128xbf16, #tpu.memory_space<vmem_shared>>
      tpu.wait_dma2 semaphore(%run_scoped3A : memref<!tpu.dma_semaphore, #tpu.memory_space<semaphore_mem>>) src(%arg8 : memref<200x128xbf16, #tpu.memory_space<vmem>>) dst(%dma_wait3A_306 : memref<200x128xbf16, #tpu.memory_space<vmem_shared>>)
      tpu.yield
    }) : () -> ()
    %add3A_9 = arith.constant 200 : i32
    %add3A_10 = arith.addi %mul3A_6, %add3A_9 : i32
    "tpu.region"() ({
      %run_scoped3A = tpu.sem_alloc : memref<!tpu.dma_semaphore, #tpu.memory_space<semaphore_mem>>
      %dma_start3A_299 = arith.constant 0 : i32
      %dma_start3A_300 = tpu.memref_slice %arg12[%add3A_10, %dma_start3A_299] : memref<10000x128xbf16, #tpu.memory_space<vmem_shared>> -> memref<200x128xbf16, #tpu.memory_space<vmem_shared>>
      %dma_start3A_301 = arith.constant 0 : i32
      %dma_start3A_302 = tpu.memref_slice %arg12[%add3A_10, %dma_start3A_301] : memref<10000x128xbf16, #tpu.memory_space<vmem_shared>> -> memref<200x128xbf16, #tpu.memory_space<vmem_shared>>
      tpu.enqueue_dma source(%arg8 : memref<200x128xbf16, #tpu.memory_space<vmem>>) target(%dma_start3A_302 : memref<200x128xbf16, #tpu.memory_space<vmem_shared>>) target_semaphore(%run_scoped3A : memref<!tpu.dma_semaphore, #tpu.memory_space<semaphore_mem>>)
      %dma_wait3A_303 = arith.constant 0 : i32
      %dma_wait3A_304 = tpu.memref_slice %arg12[%add3A_10, %dma_wait3A_303] : memref<10000x128xbf16, #tpu.memory_space<vmem_shared>> -> memref<200x128xbf16, #tpu.memory_space<vmem_shared>>
      %dma_wait3A_305 = arith.constant 0 : i32
      %dma_wait3A_306 = tpu.memref_slice %arg12[%add3A_10, %dma_wait3A_305] : memref<10000x128xbf16, #tpu.memory_space<vmem_shared>> -> memref<200x128xbf16, #tpu.memory_space<vmem_shared>>
      tpu.wait_dma2 semaphore(%run_scoped3A : memref<!tpu.dma_semaphore, #tpu.memory_space<semaphore_mem>>) src(%arg8 : memref<200x128xbf16, #tpu.memory_space<vmem>>) dst(%dma_wait3A_306 : memref<200x128xbf16, #tpu.memory_space<vmem_shared>>)
      tpu.yield
    }) : () -> ()
    %add3A_11 = arith.constant 400 : i32
    %add3A_12 = arith.addi %mul3A_6, %add3A_11 : i32
    "tpu.region"() ({
      %run_scoped3A = tpu.sem_alloc : memref<!tpu.dma_semaphore, #tpu.memory_space<semaphore_mem>>
      %dma_start3A_299 = arith.constant 0 : i32
      %dma_start3A_300 = tpu.memref_slice %arg12[%add3A_12, %dma_start3A_299] : memref<10000x128xbf16, #tpu.memory_space<vmem_shared>> -> memref<200x128xbf16, #tpu.memory_space<vmem_shared>>
      %dma_start3A_301 = arith.constant 0 : i32
      %dma_start3A_302 = tpu.memref_slice %arg12[%add3A_12, %dma_start3A_301] : memref<10000x128xbf16, #tpu.memory_space<vmem_shared>> -> memref<200x128xbf16, #tpu.memory_space<vmem_shared>>
      tpu.enqueue_dma source(%arg8 : memref<200x128xbf16, #tpu.memory_space<vmem>>) target(%dma_start3A_302 : memref<200x128xbf16, #tpu.memory_space<vmem_shared>>) target_semaphore(%run_scoped3A : memref<!tpu.dma_semaphore, #tpu.memory_space<semaphore_mem>>)
      %dma_wait3A_303 = arith.constant 0 : i32
      %dma_wait3A_304 = tpu.memref_slice %arg12[%add3A_12, %dma_wait3A_303] : memref<10000x128xbf16, #tpu.memory_space<vmem_shared>> -> memref<200x128xbf16, #tpu.memory_space<vmem_shared>>
      %dma_wait3A_305 = arith.constant 0 : i32
      %dma_wait3A_306 = tpu.memref_slice %arg12[%add3A_12, %dma_wait3A_305] : memref<10000x128xbf16, #tpu.memory_space<vmem_shared>> -> memref<200x128xbf16, #tpu.memory_space<vmem_shared>>
      tpu.wait_dma2 semaphore(%run_scoped3A : memref<!tpu.dma_semaphore, #tpu.memory_space<semaphore_mem>>) src(%arg8 : memref<200x128xbf16, #tpu.memory_space<vmem>>) dst(%dma_wait3A_306 : memref<200x128xbf16, #tpu.memory_space<vmem_shared>>)
      tpu.yield
    }) : () -> ()
    %add3A_13 = arith.constant 600 : i32
    %add3A_14 = arith.addi %mul3A_6, %add3A_13 : i32
    "tpu.region"() ({
      %run_scoped3A = tpu.sem_alloc : memref<!tpu.dma_semaphore, #tpu.memory_space<semaphore_mem>>
      %dma_start3A_299 = arith.constant 0 : i32
      %dma_start3A_300 = arith.constant 0 : i32
      %dma_start3A_301 = tpu.memref_slice %arg8[%dma_start3A_299, %dma_start3A_300] : memref<200x128xbf16, #tpu.memory_space<vmem>> -> memref<25x128xbf16, #tpu.memory_space<vmem>>
      %dma_start3A_302 = arith.constant 0 : i32
      %dma_start3A_303 = tpu.memref_slice %arg12[%add3A_14, %dma_start3A_302] : memref<10000x128xbf16, #tpu.memory_space<vmem_shared>> -> memref<25x128xbf16, #tpu.memory_space<vmem_shared>>
      %dma_start3A_304 = arith.constant 0 : i32
      %dma_start3A_305 = tpu.memref_slice %arg12[%add3A_14, %dma_start3A_304] : memref<10000x128xbf16, #tpu.memory_space<vmem_shared>> -> memref<25x128xbf16, #tpu.memory_space<vmem_shared>>
      %dma_start3A_306 = arith.constant 0 : i32
      %dma_start3A_307 = arith.constant 0 : i32
      %dma_start3A_308 = tpu.memref_slice %arg8[%dma_start3A_306, %dma_start3A_307] : memref<200x128xbf16, #tpu.memory_space<vmem>> -> memref<25x128xbf16, #tpu.memory_space<vmem>>
      tpu.enqueue_dma source(%dma_start3A_308 : memref<25x128xbf16, #tpu.memory_space<vmem>>) target(%dma_start3A_305 : memref<25x128xbf16, #tpu.memory_space<vmem_shared>>) target_semaphore(%run_scoped3A : memref<!tpu.dma_semaphore, #tpu.memory_space<semaphore_mem>>)
      %dma_wait3A_309 = arith.constant 0 : i32
      %dma_wait3A_310 = arith.constant 0 : i32
      %dma_wait3A_311 = tpu.memref_slice %arg8[%dma_wait3A_309, %dma_wait3A_310] : memref<200x128xbf16, #tpu.memory_space<vmem>> -> memref<25x128xbf16, #tpu.memory_space<vmem>>
      %dma_wait3A_312 = arith.constant 0 : i32
      %dma_wait3A_313 = tpu.memref_slice %arg12[%add3A_14, %dma_wait3A_312] : memref<10000x128xbf16, #tpu.memory_space<vmem_shared>> -> memref<25x128xbf16, #tpu.memory_space<vmem_shared>>
      %dma_wait3A_314 = arith.constant 0 : i32
      %dma_wait3A_315 = tpu.memref_slice %arg12[%add3A_14, %dma_wait3A_314] : memref<10000x128xbf16, #tpu.memory_space<vmem_shared>> -> memref<25x128xbf16, #tpu.memory_space<vmem_shared>>
      %dma_wait3A_316 = arith.constant 0 : i32
      %dma_wait3A_317 = arith.constant 0 : i32
      %dma_wait3A_318 = tpu.memref_slice %arg8[%dma_wait3A_316, %dma_wait3A_317] : memref<200x128xbf16, #tpu.memory_space<vmem>> -> memref<25x128xbf16, #tpu.memory_space<vmem>>
      tpu.wait_dma2 semaphore(%run_scoped3A : memref<!tpu.dma_semaphore, #tpu.memory_space<semaphore_mem>>) src(%dma_wait3A_318 : memref<25x128xbf16, #tpu.memory_space<vmem>>) dst(%dma_wait3A_315 : memref<25x128xbf16, #tpu.memory_space<vmem_shared>>)
      tpu.yield
    }) : () -> ()
    %barrier3A = arith.constant 0 : index
    tpu.barrier barrier_id(%barrier3A)
    %dma_start3A = arith.constant 0 : i32
    %dma_start3A_15 = arith.constant 0 : i32
    %dma_start3A_16 = tpu.memref_slice %arg6[%dma_start3A, %dma_start3A_15] : memref<50x200xi32, #tpu.memory_space<vmem>> -> memref<1x200xi32, #tpu.memory_space<vmem>>
    %dma_start3A_17 = tpu.memref_squeeze %dma_start3A_16 : memref<1x200xi32, #tpu.memory_space<vmem>> -> memref<200xi32, #tpu.memory_space<vmem>>
    %dma_start3A_18 = arith.constant 0 : i32
    %dma_start3A_19 = arith.constant 0 : i32
    %dma_start3A_20 = tpu.memref_slice %arg2[%dma_start3A_18, %dma_start3A_19] : memref<10000x128xbf16, #tpu.memory_space<hbm>> -> memref<10000x128xbf16, #tpu.memory_space<hbm>>
    tpu.enqueue_indirect_dma source(%dma_start3A_20 : memref<10000x128xbf16, #tpu.memory_space<hbm>>) target(%arg8 : memref<200x128xbf16, #tpu.memory_space<vmem>>) offsets(%dma_start3A_17 : memref<200xi32, #tpu.memory_space<vmem>>) semaphore(%arg13 : memref<!tpu.dma_semaphore, #tpu.memory_space<semaphore_mem>>)
    %dma_start3A_21 = arith.constant 1 : i32
    %dma_start3A_22 = arith.constant 0 : i32
    %dma_start3A_23 = tpu.memref_slice %arg6[%dma_start3A_21, %dma_start3A_22] : memref<50x200xi32, #tpu.memory_space<vmem>> -> memref<1x200xi32, #tpu.memory_space<vmem>>
    %dma_start3A_24 = tpu.memref_squeeze %dma_start3A_23 : memref<1x200xi32, #tpu.memory_space<vmem>> -> memref<200xi32, #tpu.memory_space<vmem>>
    %dma_start3A_25 = arith.constant 0 : i32
    %dma_start3A_26 = arith.constant 0 : i32
    %dma_start3A_27 = tpu.memref_slice %arg2[%dma_start3A_25, %dma_start3A_26] : memref<10000x128xbf16, #tpu.memory_space<hbm>> -> memref<10000x128xbf16, #tpu.memory_space<hbm>>
    tpu.enqueue_indirect_dma source(%dma_start3A_27 : memref<10000x128xbf16, #tpu.memory_space<hbm>>) target(%arg9 : memref<200x128xbf16, #tpu.memory_space<vmem>>) offsets(%dma_start3A_24 : memref<200xi32, #tpu.memory_space<vmem>>) semaphore(%arg13 : memref<!tpu.dma_semaphore, #tpu.memory_space<semaphore_mem>>)
    %dma_wait3A = arith.constant 0 : i32
    %dma_wait3A_28 = arith.constant 0 : i32
    %dma_wait3A_29 = tpu.memref_slice %arg6[%dma_wait3A, %dma_wait3A_28] : memref<50x200xi32, #tpu.memory_space<vmem>> -> memref<1x200xi32, #tpu.memory_space<vmem>>
    %dma_wait3A_30 = tpu.memref_squeeze %dma_wait3A_29 : memref<1x200xi32, #tpu.memory_space<vmem>> -> memref<200xi32, #tpu.memory_space<vmem>>
    %dma_wait3A_31 = arith.constant 0 : i32
    %dma_wait3A_32 = arith.constant 0 : i32
    %dma_wait3A_33 = tpu.memref_slice %arg2[%dma_wait3A_31, %dma_wait3A_32] : memref<10000x128xbf16, #tpu.memory_space<hbm>> -> memref<10000x128xbf16, #tpu.memory_space<hbm>>
    tpu.wait_indirect_dma semaphore(%arg13 : memref<!tpu.dma_semaphore, #tpu.memory_space<semaphore_mem>>) src(%dma_wait3A_33 : memref<10000x128xbf16, #tpu.memory_space<hbm>>) dst(%arg8 : memref<200x128xbf16, #tpu.memory_space<vmem>>)
    %dma_start3A_34 = arith.constant 0 : i32
    %dma_start3A_35 = arith.constant 0 : i32
    %dma_start3A_36 = tpu.memref_slice %arg7[%dma_start3A_34, %dma_start3A_35] : memref<50x200xi32, #tpu.memory_space<vmem>> -> memref<1x200xi32, #tpu.memory_space<vmem>>
    %dma_start3A_37 = tpu.memref_squeeze %dma_start3A_36 : memref<1x200xi32, #tpu.memory_space<vmem>> -> memref<200xi32, #tpu.memory_space<vmem>>
    %dma_start3A_38 = arith.constant 0 : i32
    %dma_start3A_39 = arith.constant 0 : i32
    %dma_start3A_40 = tpu.memref_slice %arg12[%dma_start3A_38, %dma_start3A_39] : memref<10000x128xbf16, #tpu.memory_space<vmem_shared>> -> memref<10000x128xbf16, #tpu.memory_space<vmem_shared>>
    tpu.enqueue_indirect_dma source(%arg8 : memref<200x128xbf16, #tpu.memory_space<vmem>>) target(%dma_start3A_40 : memref<10000x128xbf16, #tpu.memory_space<vmem_shared>>) offsets(%dma_start3A_37 : memref<200xi32, #tpu.memory_space<vmem>>) semaphore(%arg14 : memref<!tpu.dma_semaphore, #tpu.memory_space<semaphore_mem>>) {add = true}
    %dma_start3A_41 = arith.constant 2 : i32
    %dma_start3A_42 = arith.constant 0 : i32
    %dma_start3A_43 = tpu.memref_slice %arg6[%dma_start3A_41, %dma_start3A_42] : memref<50x200xi32, #tpu.memory_space<vmem>> -> memref<1x200xi32, #tpu.memory_space<vmem>>
    %dma_start3A_44 = tpu.memref_squeeze %dma_start3A_43 : memref<1x200xi32, #tpu.memory_space<vmem>> -> memref<200xi32, #tpu.memory_space<vmem>>
    %dma_start3A_45 = arith.constant 0 : i32
    %dma_start3A_46 = arith.constant 0 : i32
    %dma_start3A_47 = tpu.memref_slice %arg2[%dma_start3A_45, %dma_start3A_46] : memref<10000x128xbf16, #tpu.memory_space<hbm>> -> memref<10000x128xbf16, #tpu.memory_space<hbm>>
    tpu.enqueue_indirect_dma source(%dma_start3A_47 : memref<10000x128xbf16, #tpu.memory_space<hbm>>) target(%arg10 : memref<200x128xbf16, #tpu.memory_space<vmem>>) offsets(%dma_start3A_44 : memref<200xi32, #tpu.memory_space<vmem>>) semaphore(%arg13 : memref<!tpu.dma_semaphore, #tpu.memory_space<semaphore_mem>>)
    %dma_wait3A_48 = arith.constant 0 : i32
    %dma_wait3A_49 = arith.constant 0 : i32
    %dma_wait3A_50 = tpu.memref_slice %arg6[%dma_wait3A_48, %dma_wait3A_49] : memref<50x200xi32, #tpu.memory_space<vmem>> -> memref<1x200xi32, #tpu.memory_space<vmem>>
    %dma_wait3A_51 = tpu.memref_squeeze %dma_wait3A_50 : memref<1x200xi32, #tpu.memory_space<vmem>> -> memref<200xi32, #tpu.memory_space<vmem>>
    %dma_wait3A_52 = arith.constant 0 : i32
    %dma_wait3A_53 = arith.constant 0 : i32
    %dma_wait3A_54 = tpu.memref_slice %arg2[%dma_wait3A_52, %dma_wait3A_53] : memref<10000x128xbf16, #tpu.memory_space<hbm>> -> memref<10000x128xbf16, #tpu.memory_space<hbm>>
    tpu.wait_indirect_dma semaphore(%arg13 : memref<!tpu.dma_semaphore, #tpu.memory_space<semaphore_mem>>) src(%dma_wait3A_54 : memref<10000x128xbf16, #tpu.memory_space<hbm>>) dst(%arg9 : memref<200x128xbf16, #tpu.memory_space<vmem>>)
    %dma_start3A_55 = arith.constant 1 : i32
    %dma_start3A_56 = arith.constant 0 : i32
    %dma_start3A_57 = tpu.memref_slice %arg7[%dma_start3A_55, %dma_start3A_56] : memref<50x200xi32, #tpu.memory_space<vmem>> -> memref<1x200xi32, #tpu.memory_space<vmem>>
    %dma_start3A_58 = tpu.memref_squeeze %dma_start3A_57 : memref<1x200xi32, #tpu.memory_space<vmem>> -> memref<200xi32, #tpu.memory_space<vmem>>
    %dma_start3A_59 = arith.constant 0 : i32
    %dma_start3A_60 = arith.constant 0 : i32
    %dma_start3A_61 = tpu.memref_slice %arg12[%dma_start3A_59, %dma_start3A_60] : memref<10000x128xbf16, #tpu.memory_space<vmem_shared>> -> memref<10000x128xbf16, #tpu.memory_space<vmem_shared>>
    tpu.enqueue_indirect_dma source(%arg9 : memref<200x128xbf16, #tpu.memory_space<vmem>>) target(%dma_start3A_61 : memref<10000x128xbf16, #tpu.memory_space<vmem_shared>>) offsets(%dma_start3A_58 : memref<200xi32, #tpu.memory_space<vmem>>) semaphore(%arg14 : memref<!tpu.dma_semaphore, #tpu.memory_space<semaphore_mem>>) {add = true}
    %dma_start3A_62 = arith.constant 3 : i32
    %dma_start3A_63 = arith.constant 0 : i32
    %dma_start3A_64 = tpu.memref_slice %arg6[%dma_start3A_62, %dma_start3A_63] : memref<50x200xi32, #tpu.memory_space<vmem>> -> memref<1x200xi32, #tpu.memory_space<vmem>>
    %dma_start3A_65 = tpu.memref_squeeze %dma_start3A_64 : memref<1x200xi32, #tpu.memory_space<vmem>> -> memref<200xi32, #tpu.memory_space<vmem>>
    %dma_start3A_66 = arith.constant 0 : i32
    %dma_start3A_67 = arith.constant 0 : i32
    %dma_start3A_68 = tpu.memref_slice %arg2[%dma_start3A_66, %dma_start3A_67] : memref<10000x128xbf16, #tpu.memory_space<hbm>> -> memref<10000x128xbf16, #tpu.memory_space<hbm>>
    tpu.enqueue_indirect_dma source(%dma_start3A_68 : memref<10000x128xbf16, #tpu.memory_space<hbm>>) target(%arg11 : memref<200x128xbf16, #tpu.memory_space<vmem>>) offsets(%dma_start3A_65 : memref<200xi32, #tpu.memory_space<vmem>>) semaphore(%arg13 : memref<!tpu.dma_semaphore, #tpu.memory_space<semaphore_mem>>)
    %dma_wait3A_69 = arith.constant 0 : i32
    %dma_wait3A_70 = arith.constant 0 : i32
    %dma_wait3A_71 = tpu.memref_slice %arg6[%dma_wait3A_69, %dma_wait3A_70] : memref<50x200xi32, #tpu.memory_space<vmem>> -> memref<1x200xi32, #tpu.memory_space<vmem>>
    %dma_wait3A_72 = tpu.memref_squeeze %dma_wait3A_71 : memref<1x200xi32, #tpu.memory_space<vmem>> -> memref<200xi32, #tpu.memory_space<vmem>>
    %dma_wait3A_73 = arith.constant 0 : i32
    %dma_wait3A_74 = arith.constant 0 : i32
    %dma_wait3A_75 = tpu.memref_slice %arg2[%dma_wait3A_73, %dma_wait3A_74] : memref<10000x128xbf16, #tpu.memory_space<hbm>> -> memref<10000x128xbf16, #tpu.memory_space<hbm>>
    tpu.wait_indirect_dma semaphore(%arg13 : memref<!tpu.dma_semaphore, #tpu.memory_space<semaphore_mem>>) src(%dma_wait3A_75 : memref<10000x128xbf16, #tpu.memory_space<hbm>>) dst(%arg10 : memref<200x128xbf16, #tpu.memory_space<vmem>>)
    %dma_wait3A_76 = arith.constant 0 : i32
    %dma_wait3A_77 = arith.constant 0 : i32
    %dma_wait3A_78 = tpu.memref_slice %arg7[%dma_wait3A_76, %dma_wait3A_77] : memref<50x200xi32, #tpu.memory_space<vmem>> -> memref<1x200xi32, #tpu.memory_space<vmem>>
    %dma_wait3A_79 = tpu.memref_squeeze %dma_wait3A_78 : memref<1x200xi32, #tpu.memory_space<vmem>> -> memref<200xi32, #tpu.memory_space<vmem>>
    %dma_wait3A_80 = arith.constant 0 : i32
    %dma_wait3A_81 = arith.constant 0 : i32
    %dma_wait3A_82 = tpu.memref_slice %arg12[%dma_wait3A_80, %dma_wait3A_81] : memref<10000x128xbf16, #tpu.memory_space<vmem_shared>> -> memref<10000x128xbf16, #tpu.memory_space<vmem_shared>>
    tpu.wait_indirect_dma semaphore(%arg14 : memref<!tpu.dma_semaphore, #tpu.memory_space<semaphore_mem>>) src(%arg8 : memref<200x128xbf16, #tpu.memory_space<vmem>>) dst(%dma_wait3A_82 : memref<10000x128xbf16, #tpu.memory_space<vmem_shared>>)
    %dma_start3A_83 = arith.constant 2 : i32
    %dma_start3A_84 = arith.constant 0 : i32
    %dma_start3A_85 = tpu.memref_slice %arg7[%dma_start3A_83, %dma_start3A_84] : memref<50x200xi32, #tpu.memory_space<vmem>> -> memref<1x200xi32, #tpu.memory_space<vmem>>
    %dma_start3A_86 = tpu.memref_squeeze %dma_start3A_85 : memref<1x200xi32, #tpu.memory_space<vmem>> -> memref<200xi32, #tpu.memory_space<vmem>>
    %dma_start3A_87 = arith.constant 0 : i32
    %dma_start3A_88 = arith.constant 0 : i32
    %dma_start3A_89 = tpu.memref_slice %arg12[%dma_start3A_87, %dma_start3A_88] : memref<10000x128xbf16, #tpu.memory_space<vmem_shared>> -> memref<10000x128xbf16, #tpu.memory_space<vmem_shared>>
    tpu.enqueue_indirect_dma source(%arg10 : memref<200x128xbf16, #tpu.memory_space<vmem>>) target(%dma_start3A_89 : memref<10000x128xbf16, #tpu.memory_space<vmem_shared>>) offsets(%dma_start3A_86 : memref<200xi32, #tpu.memory_space<vmem>>) semaphore(%arg14 : memref<!tpu.dma_semaphore, #tpu.memory_space<semaphore_mem>>) {add = true}
    %dma_start3A_90 = arith.constant 4 : i32
    %dma_start3A_91 = arith.constant 0 : i32
    %dma_start3A_92 = tpu.memref_slice %arg6[%dma_start3A_90, %dma_start3A_91] : memref<50x200xi32, #tpu.memory_space<vmem>> -> memref<1x200xi32, #tpu.memory_space<vmem>>
    %dma_start3A_93 = tpu.memref_squeeze %dma_start3A_92 : memref<1x200xi32, #tpu.memory_space<vmem>> -> memref<200xi32, #tpu.memory_space<vmem>>
    %dma_start3A_94 = arith.constant 0 : i32
    %dma_start3A_95 = arith.constant 0 : i32
    %dma_start3A_96 = tpu.memref_slice %arg2[%dma_start3A_94, %dma_start3A_95] : memref<10000x128xbf16, #tpu.memory_space<hbm>> -> memref<10000x128xbf16, #tpu.memory_space<hbm>>
    tpu.enqueue_indirect_dma source(%dma_start3A_96 : memref<10000x128xbf16, #tpu.memory_space<hbm>>) target(%arg8 : memref<200x128xbf16, #tpu.memory_space<vmem>>) offsets(%dma_start3A_93 : memref<200xi32, #tpu.memory_space<vmem>>) semaphore(%arg13 : memref<!tpu.dma_semaphore, #tpu.memory_space<semaphore_mem>>)
    %dma_wait3A_97 = arith.constant 0 : i32
    %dma_wait3A_98 = arith.constant 0 : i32
    %dma_wait3A_99 = tpu.memref_slice %arg6[%dma_wait3A_97, %dma_wait3A_98] : memref<50x200xi32, #tpu.memory_space<vmem>> -> memref<1x200xi32, #tpu.memory_space<vmem>>
    %dma_wait3A_100 = tpu.memref_squeeze %dma_wait3A_99 : memref<1x200xi32, #tpu.memory_space<vmem>> -> memref<200xi32, #tpu.memory_space<vmem>>
    %dma_wait3A_101 = arith.constant 0 : i32
    %dma_wait3A_102 = arith.constant 0 : i32
    %dma_wait3A_103 = tpu.memref_slice %arg2[%dma_wait3A_101, %dma_wait3A_102] : memref<10000x128xbf16, #tpu.memory_space<hbm>> -> memref<10000x128xbf16, #tpu.memory_space<hbm>>
    tpu.wait_indirect_dma semaphore(%arg13 : memref<!tpu.dma_semaphore, #tpu.memory_space<semaphore_mem>>) src(%dma_wait3A_103 : memref<10000x128xbf16, #tpu.memory_space<hbm>>) dst(%arg11 : memref<200x128xbf16, #tpu.memory_space<vmem>>)
    %dma_wait3A_104 = arith.constant 0 : i32
    %dma_wait3A_105 = arith.constant 0 : i32
    %dma_wait3A_106 = tpu.memref_slice %arg7[%dma_wait3A_104, %dma_wait3A_105] : memref<50x200xi32, #tpu.memory_space<vmem>> -> memref<1x200xi32, #tpu.memory_space<vmem>>
    %dma_wait3A_107 = tpu.memref_squeeze %dma_wait3A_106 : memref<1x200xi32, #tpu.memory_space<vmem>> -> memref<200xi32, #tpu.memory_space<vmem>>
    %dma_wait3A_108 = arith.constant 0 : i32
    %dma_wait3A_109 = arith.constant 0 : i32
    %dma_wait3A_110 = tpu.memref_slice %arg12[%dma_wait3A_108, %dma_wait3A_109] : memref<10000x128xbf16, #tpu.memory_space<vmem_shared>> -> memref<10000x128xbf16, #tpu.memory_space<vmem_shared>>
    tpu.wait_indirect_dma semaphore(%arg14 : memref<!tpu.dma_semaphore, #tpu.memory_space<semaphore_mem>>) src(%arg9 : memref<200x128xbf16, #tpu.memory_space<vmem>>) dst(%dma_wait3A_110 : memref<10000x128xbf16, #tpu.memory_space<vmem_shared>>)
    %dma_start3A_111 = arith.constant 3 : i32
    %dma_start3A_112 = arith.constant 0 : i32
    %dma_start3A_113 = tpu.memref_slice %arg7[%dma_start3A_111, %dma_start3A_112] : memref<50x200xi32, #tpu.memory_space<vmem>> -> memref<1x200xi32, #tpu.memory_space<vmem>>
    %dma_start3A_114 = tpu.memref_squeeze %dma_start3A_113 : memref<1x200xi32, #tpu.memory_space<vmem>> -> memref<200xi32, #tpu.memory_space<vmem>>
    %dma_start3A_115 = arith.constant 0 : i32
    %dma_start3A_116 = arith.constant 0 : i32
    %dma_start3A_117 = tpu.memref_slice %arg12[%dma_start3A_115, %dma_start3A_116] : memref<10000x128xbf16, #tpu.memory_space<vmem_shared>> -> memref<10000x128xbf16, #tpu.memory_space<vmem_shared>>
    tpu.enqueue_indirect_dma source(%arg11 : memref<200x128xbf16, #tpu.memory_space<vmem>>) target(%dma_start3A_117 : memref<10000x128xbf16, #tpu.memory_space<vmem_shared>>) offsets(%dma_start3A_114 : memref<200xi32, #tpu.memory_space<vmem>>) semaphore(%arg14 : memref<!tpu.dma_semaphore, #tpu.memory_space<semaphore_mem>>) {add = true}
    %dma_start3A_118 = arith.constant 5 : i32
    %dma_start3A_119 = arith.constant 0 : i32
    %dma_start3A_120 = tpu.memref_slice %arg6[%dma_start3A_118, %dma_start3A_119] : memref<50x200xi32, #tpu.memory_space<vmem>> -> memref<1x200xi32, #tpu.memory_space<vmem>>
    %dma_start3A_121 = tpu.memref_squeeze %dma_start3A_120 : memref<1x200xi32, #tpu.memory_space<vmem>> -> memref<200xi32, #tpu.memory_space<vmem>>
    %dma_start3A_122 = arith.constant 0 : i32
    %dma_start3A_123 = arith.constant 0 : i32
    %dma_start3A_124 = tpu.memref_slice %arg2[%dma_start3A_122, %dma_start3A_123] : memref<10000x128xbf16, #tpu.memory_space<hbm>> -> memref<10000x128xbf16, #tpu.memory_space<hbm>>
    tpu.enqueue_indirect_dma source(%dma_start3A_124 : memref<10000x128xbf16, #tpu.memory_space<hbm>>) target(%arg9 : memref<200x128xbf16, #tpu.memory_space<vmem>>) offsets(%dma_start3A_121 : memref<200xi32, #tpu.memory_space<vmem>>) semaphore(%arg13 : memref<!tpu.dma_semaphore, #tpu.memory_space<semaphore_mem>>)
    %scan3A_125 = arith.constant 0 : i32
    %scan3A_126 = arith.constant 10 : i32
    %scan3A_127 = arith.addi %scan3A_125, %scan3A_126 : i32
    %scan3A_128 = arith.constant 1 : i32
    scf.for %scan3A_299 = %scan3A_125 to %scan3A_127 step %scan3A_128  : i32 {
      %mul3A_300 = arith.constant 4 : i32
      %mul3A_301 = arith.muli %scan3A_299, %mul3A_300 : i32
      %add3A_302 = arith.constant 4 : i32
      %add3A_303 = arith.addi %add3A_302, %mul3A_301 : i32
      %dma_wait3A_304 = arith.constant 0 : i32
      %dma_wait3A_305 = arith.constant 0 : i32
      %dma_wait3A_306 = tpu.memref_slice %arg6[%dma_wait3A_304, %dma_wait3A_305] : memref<50x200xi32, #tpu.memory_space<vmem>> -> memref<1x200xi32, #tpu.memory_space<vmem>>
      %dma_wait3A_307 = tpu.memref_squeeze %dma_wait3A_306 : memref<1x200xi32, #tpu.memory_space<vmem>> -> memref<200xi32, #tpu.memory_space<vmem>>
      %dma_wait3A_308 = arith.constant 0 : i32
      %dma_wait3A_309 = arith.constant 0 : i32
      %dma_wait3A_310 = tpu.memref_slice %arg2[%dma_wait3A_308, %dma_wait3A_309] : memref<10000x128xbf16, #tpu.memory_space<hbm>> -> memref<10000x128xbf16, #tpu.memory_space<hbm>>
      tpu.wait_indirect_dma semaphore(%arg13 : memref<!tpu.dma_semaphore, #tpu.memory_space<semaphore_mem>>) src(%dma_wait3A_310 : memref<10000x128xbf16, #tpu.memory_space<hbm>>) dst(%arg8 : memref<200x128xbf16, #tpu.memory_space<vmem>>)
      %dma_wait3A_311 = arith.constant 0 : i32
      %dma_wait3A_312 = arith.constant 0 : i32
      %dma_wait3A_313 = tpu.memref_slice %arg7[%dma_wait3A_311, %dma_wait3A_312] : memref<50x200xi32, #tpu.memory_space<vmem>> -> memref<1x200xi32, #tpu.memory_space<vmem>>
      %dma_wait3A_314 = tpu.memref_squeeze %dma_wait3A_313 : memref<1x200xi32, #tpu.memory_space<vmem>> -> memref<200xi32, #tpu.memory_space<vmem>>
      %dma_wait3A_315 = arith.constant 0 : i32
      %dma_wait3A_316 = arith.constant 0 : i32
      %dma_wait3A_317 = tpu.memref_slice %arg12[%dma_wait3A_315, %dma_wait3A_316] : memref<10000x128xbf16, #tpu.memory_space<vmem_shared>> -> memref<10000x128xbf16, #tpu.memory_space<vmem_shared>>
      tpu.wait_indirect_dma semaphore(%arg14 : memref<!tpu.dma_semaphore, #tpu.memory_space<semaphore_mem>>) src(%arg10 : memref<200x128xbf16, #tpu.memory_space<vmem>>) dst(%dma_wait3A_317 : memref<10000x128xbf16, #tpu.memory_space<vmem_shared>>)
      %add3A_318 = arith.constant 0 : i32
      %add3A_319 = arith.addi %add3A_303, %add3A_318 : i32
      %dma_start3A_320 = arith.constant 0 : i32
      %dma_start3A_321 = tpu.memref_slice %arg7[%add3A_319, %dma_start3A_320] : memref<50x200xi32, #tpu.memory_space<vmem>> -> memref<1x200xi32, #tpu.memory_space<vmem>>
      %dma_start3A_322 = tpu.memref_squeeze %dma_start3A_321 : memref<1x200xi32, #tpu.memory_space<vmem>> -> memref<200xi32, #tpu.memory_space<vmem>>
      %dma_start3A_323 = arith.constant 0 : i32
      %dma_start3A_324 = arith.constant 0 : i32
      %dma_start3A_325 = tpu.memref_slice %arg12[%dma_start3A_323, %dma_start3A_324] : memref<10000x128xbf16, #tpu.memory_space<vmem_shared>> -> memref<10000x128xbf16, #tpu.memory_space<vmem_shared>>
      tpu.enqueue_indirect_dma source(%arg8 : memref<200x128xbf16, #tpu.memory_space<vmem>>) target(%dma_start3A_325 : memref<10000x128xbf16, #tpu.memory_space<vmem_shared>>) offsets(%dma_start3A_322 : memref<200xi32, #tpu.memory_space<vmem>>) semaphore(%arg14 : memref<!tpu.dma_semaphore, #tpu.memory_space<semaphore_mem>>) {add = true}
      %add3A_326 = arith.constant 0 : i32
      %add3A_327 = arith.addi %add3A_303, %add3A_326 : i32
      %add3A_328 = arith.constant 2 : i32
      %add3A_329 = arith.addi %add3A_327, %add3A_328 : i32
      %dma_start3A_330 = arith.constant 0 : i32
      %dma_start3A_331 = tpu.memref_slice %arg6[%add3A_329, %dma_start3A_330] : memref<50x200xi32, #tpu.memory_space<vmem>> -> memref<1x200xi32, #tpu.memory_space<vmem>>
      %dma_start3A_332 = tpu.memref_squeeze %dma_start3A_331 : memref<1x200xi32, #tpu.memory_space<vmem>> -> memref<200xi32, #tpu.memory_space<vmem>>
      %dma_start3A_333 = arith.constant 0 : i32
      %dma_start3A_334 = arith.constant 0 : i32
      %dma_start3A_335 = tpu.memref_slice %arg2[%dma_start3A_333, %dma_start3A_334] : memref<10000x128xbf16, #tpu.memory_space<hbm>> -> memref<10000x128xbf16, #tpu.memory_space<hbm>>
      tpu.enqueue_indirect_dma source(%dma_start3A_335 : memref<10000x128xbf16, #tpu.memory_space<hbm>>) target(%arg10 : memref<200x128xbf16, #tpu.memory_space<vmem>>) offsets(%dma_start3A_332 : memref<200xi32, #tpu.memory_space<vmem>>) semaphore(%arg13 : memref<!tpu.dma_semaphore, #tpu.memory_space<semaphore_mem>>)
      %dma_wait3A_336 = arith.constant 0 : i32
      %dma_wait3A_337 = arith.constant 0 : i32
      %dma_wait3A_338 = tpu.memref_slice %arg6[%dma_wait3A_336, %dma_wait3A_337] : memref<50x200xi32, #tpu.memory_space<vmem>> -> memref<1x200xi32, #tpu.memory_space<vmem>>
      %dma_wait3A_339 = tpu.memref_squeeze %dma_wait3A_338 : memref<1x200xi32, #tpu.memory_space<vmem>> -> memref<200xi32, #tpu.memory_space<vmem>>
      %dma_wait3A_340 = arith.constant 0 : i32
      %dma_wait3A_341 = arith.constant 0 : i32
      %dma_wait3A_342 = tpu.memref_slice %arg2[%dma_wait3A_340, %dma_wait3A_341] : memref<10000x128xbf16, #tpu.memory_space<hbm>> -> memref<10000x128xbf16, #tpu.memory_space<hbm>>
      tpu.wait_indirect_dma semaphore(%arg13 : memref<!tpu.dma_semaphore, #tpu.memory_space<semaphore_mem>>) src(%dma_wait3A_342 : memref<10000x128xbf16, #tpu.memory_space<hbm>>) dst(%arg9 : memref<200x128xbf16, #tpu.memory_space<vmem>>)
      %dma_wait3A_343 = arith.constant 0 : i32
      %dma_wait3A_344 = arith.constant 0 : i32
      %dma_wait3A_345 = tpu.memref_slice %arg7[%dma_wait3A_343, %dma_wait3A_344] : memref<50x200xi32, #tpu.memory_space<vmem>> -> memref<1x200xi32, #tpu.memory_space<vmem>>
      %dma_wait3A_346 = tpu.memref_squeeze %dma_wait3A_345 : memref<1x200xi32, #tpu.memory_space<vmem>> -> memref<200xi32, #tpu.memory_space<vmem>>
      %dma_wait3A_347 = arith.constant 0 : i32
      %dma_wait3A_348 = arith.constant 0 : i32
      %dma_wait3A_349 = tpu.memref_slice %arg12[%dma_wait3A_347, %dma_wait3A_348] : memref<10000x128xbf16, #tpu.memory_space<vmem_shared>> -> memref<10000x128xbf16, #tpu.memory_space<vmem_shared>>
      tpu.wait_indirect_dma semaphore(%arg14 : memref<!tpu.dma_semaphore, #tpu.memory_space<semaphore_mem>>) src(%arg11 : memref<200x128xbf16, #tpu.memory_space<vmem>>) dst(%dma_wait3A_349 : memref<10000x128xbf16, #tpu.memory_space<vmem_shared>>)
      %add3A_350 = arith.constant 1 : i32
      %add3A_351 = arith.addi %add3A_303, %add3A_350 : i32
      %dma_start3A_352 = arith.constant 0 : i32
      %dma_start3A_353 = tpu.memref_slice %arg7[%add3A_351, %dma_start3A_352] : memref<50x200xi32, #tpu.memory_space<vmem>> -> memref<1x200xi32, #tpu.memory_space<vmem>>
      %dma_start3A_354 = tpu.memref_squeeze %dma_start3A_353 : memref<1x200xi32, #tpu.memory_space<vmem>> -> memref<200xi32, #tpu.memory_space<vmem>>
      %dma_start3A_355 = arith.constant 0 : i32
      %dma_start3A_356 = arith.constant 0 : i32
      %dma_start3A_357 = tpu.memref_slice %arg12[%dma_start3A_355, %dma_start3A_356] : memref<10000x128xbf16, #tpu.memory_space<vmem_shared>> -> memref<10000x128xbf16, #tpu.memory_space<vmem_shared>>
      tpu.enqueue_indirect_dma source(%arg9 : memref<200x128xbf16, #tpu.memory_space<vmem>>) target(%dma_start3A_357 : memref<10000x128xbf16, #tpu.memory_space<vmem_shared>>) offsets(%dma_start3A_354 : memref<200xi32, #tpu.memory_space<vmem>>) semaphore(%arg14 : memref<!tpu.dma_semaphore, #tpu.memory_space<semaphore_mem>>) {add = true}
      %add3A_358 = arith.constant 1 : i32
      %add3A_359 = arith.addi %add3A_303, %add3A_358 : i32
      %add3A_360 = arith.constant 2 : i32
      %add3A_361 = arith.addi %add3A_359, %add3A_360 : i32
      %dma_start3A_362 = arith.constant 0 : i32
      %dma_start3A_363 = tpu.memref_slice %arg6[%add3A_361, %dma_start3A_362] : memref<50x200xi32, #tpu.memory_space<vmem>> -> memref<1x200xi32, #tpu.memory_space<vmem>>
      %dma_start3A_364 = tpu.memref_squeeze %dma_start3A_363 : memref<1x200xi32, #tpu.memory_space<vmem>> -> memref<200xi32, #tpu.memory_space<vmem>>
      %dma_start3A_365 = arith.constant 0 : i32
      %dma_start3A_366 = arith.constant 0 : i32
      %dma_start3A_367 = tpu.memref_slice %arg2[%dma_start3A_365, %dma_start3A_366] : memref<10000x128xbf16, #tpu.memory_space<hbm>> -> memref<10000x128xbf16, #tpu.memory_space<hbm>>
      tpu.enqueue_indirect_dma source(%dma_start3A_367 : memref<10000x128xbf16, #tpu.memory_space<hbm>>) target(%arg11 : memref<200x128xbf16, #tpu.memory_space<vmem>>) offsets(%dma_start3A_364 : memref<200xi32, #tpu.memory_space<vmem>>) semaphore(%arg13 : memref<!tpu.dma_semaphore, #tpu.memory_space<semaphore_mem>>)
      %dma_wait3A_368 = arith.constant 0 : i32
      %dma_wait3A_369 = arith.constant 0 : i32
      %dma_wait3A_370 = tpu.memref_slice %arg6[%dma_wait3A_368, %dma_wait3A_369] : memref<50x200xi32, #tpu.memory_space<vmem>> -> memref<1x200xi32, #tpu.memory_space<vmem>>
      %dma_wait3A_371 = tpu.memref_squeeze %dma_wait3A_370 : memref<1x200xi32, #tpu.memory_space<vmem>> -> memref<200xi32, #tpu.memory_space<vmem>>
      %dma_wait3A_372 = arith.constant 0 : i32
      %dma_wait3A_373 = arith.constant 0 : i32
      %dma_wait3A_374 = tpu.memref_slice %arg2[%dma_wait3A_372, %dma_wait3A_373] : memref<10000x128xbf16, #tpu.memory_space<hbm>> -> memref<10000x128xbf16, #tpu.memory_space<hbm>>
      tpu.wait_indirect_dma semaphore(%arg13 : memref<!tpu.dma_semaphore, #tpu.memory_space<semaphore_mem>>) src(%dma_wait3A_374 : memref<10000x128xbf16, #tpu.memory_space<hbm>>) dst(%arg10 : memref<200x128xbf16, #tpu.memory_space<vmem>>)
      %dma_wait3A_375 = arith.constant 0 : i32
      %dma_wait3A_376 = arith.constant 0 : i32
      %dma_wait3A_377 = tpu.memref_slice %arg7[%dma_wait3A_375, %dma_wait3A_376] : memref<50x200xi32, #tpu.memory_space<vmem>> -> memref<1x200xi32, #tpu.memory_space<vmem>>
      %dma_wait3A_378 = tpu.memref_squeeze %dma_wait3A_377 : memref<1x200xi32, #tpu.memory_space<vmem>> -> memref<200xi32, #tpu.memory_space<vmem>>
      %dma_wait3A_379 = arith.constant 0 : i32
      %dma_wait3A_380 = arith.constant 0 : i32
      %dma_wait3A_381 = tpu.memref_slice %arg12[%dma_wait3A_379, %dma_wait3A_380] : memref<10000x128xbf16, #tpu.memory_space<vmem_shared>> -> memref<10000x128xbf16, #tpu.memory_space<vmem_shared>>
      tpu.wait_indirect_dma semaphore(%arg14 : memref<!tpu.dma_semaphore, #tpu.memory_space<semaphore_mem>>) src(%arg8 : memref<200x128xbf16, #tpu.memory_space<vmem>>) dst(%dma_wait3A_381 : memref<10000x128xbf16, #tpu.memory_space<vmem_shared>>)
      %add3A_382 = arith.constant 2 : i32
      %add3A_383 = arith.addi %add3A_303, %add3A_382 : i32
      %dma_start3A_384 = arith.constant 0 : i32
      %dma_start3A_385 = tpu.memref_slice %arg7[%add3A_383, %dma_start3A_384] : memref<50x200xi32, #tpu.memory_space<vmem>> -> memref<1x200xi32, #tpu.memory_space<vmem>>
      %dma_start3A_386 = tpu.memref_squeeze %dma_start3A_385 : memref<1x200xi32, #tpu.memory_space<vmem>> -> memref<200xi32, #tpu.memory_space<vmem>>
      %dma_start3A_387 = arith.constant 0 : i32
      %dma_start3A_388 = arith.constant 0 : i32
      %dma_start3A_389 = tpu.memref_slice %arg12[%dma_start3A_387, %dma_start3A_388] : memref<10000x128xbf16, #tpu.memory_space<vmem_shared>> -> memref<10000x128xbf16, #tpu.memory_space<vmem_shared>>
      tpu.enqueue_indirect_dma source(%arg10 : memref<200x128xbf16, #tpu.memory_space<vmem>>) target(%dma_start3A_389 : memref<10000x128xbf16, #tpu.memory_space<vmem_shared>>) offsets(%dma_start3A_386 : memref<200xi32, #tpu.memory_space<vmem>>) semaphore(%arg14 : memref<!tpu.dma_semaphore, #tpu.memory_space<semaphore_mem>>) {add = true}
      %add3A_390 = arith.constant 2 : i32
      %add3A_391 = arith.addi %add3A_303, %add3A_390 : i32
      %add3A_392 = arith.constant 2 : i32
      %add3A_393 = arith.addi %add3A_391, %add3A_392 : i32
      %dma_start3A_394 = arith.constant 0 : i32
      %dma_start3A_395 = tpu.memref_slice %arg6[%add3A_393, %dma_start3A_394] : memref<50x200xi32, #tpu.memory_space<vmem>> -> memref<1x200xi32, #tpu.memory_space<vmem>>
      %dma_start3A_396 = tpu.memref_squeeze %dma_start3A_395 : memref<1x200xi32, #tpu.memory_space<vmem>> -> memref<200xi32, #tpu.memory_space<vmem>>
      %dma_start3A_397 = arith.constant 0 : i32
      %dma_start3A_398 = arith.constant 0 : i32
      %dma_start3A_399 = tpu.memref_slice %arg2[%dma_start3A_397, %dma_start3A_398] : memref<10000x128xbf16, #tpu.memory_space<hbm>> -> memref<10000x128xbf16, #tpu.memory_space<hbm>>
      tpu.enqueue_indirect_dma source(%dma_start3A_399 : memref<10000x128xbf16, #tpu.memory_space<hbm>>) target(%arg8 : memref<200x128xbf16, #tpu.memory_space<vmem>>) offsets(%dma_start3A_396 : memref<200xi32, #tpu.memory_space<vmem>>) semaphore(%arg13 : memref<!tpu.dma_semaphore, #tpu.memory_space<semaphore_mem>>)
      %dma_wait3A_400 = arith.constant 0 : i32
      %dma_wait3A_401 = arith.constant 0 : i32
      %dma_wait3A_402 = tpu.memref_slice %arg6[%dma_wait3A_400, %dma_wait3A_401] : memref<50x200xi32, #tpu.memory_space<vmem>> -> memref<1x200xi32, #tpu.memory_space<vmem>>
      %dma_wait3A_403 = tpu.memref_squeeze %dma_wait3A_402 : memref<1x200xi32, #tpu.memory_space<vmem>> -> memref<200xi32, #tpu.memory_space<vmem>>
      %dma_wait3A_404 = arith.constant 0 : i32
      %dma_wait3A_405 = arith.constant 0 : i32
      %dma_wait3A_406 = tpu.memref_slice %arg2[%dma_wait3A_404, %dma_wait3A_405] : memref<10000x128xbf16, #tpu.memory_space<hbm>> -> memref<10000x128xbf16, #tpu.memory_space<hbm>>
      tpu.wait_indirect_dma semaphore(%arg13 : memref<!tpu.dma_semaphore, #tpu.memory_space<semaphore_mem>>) src(%dma_wait3A_406 : memref<10000x128xbf16, #tpu.memory_space<hbm>>) dst(%arg11 : memref<200x128xbf16, #tpu.memory_space<vmem>>)
      %dma_wait3A_407 = arith.constant 0 : i32
      %dma_wait3A_408 = arith.constant 0 : i32
      %dma_wait3A_409 = tpu.memref_slice %arg7[%dma_wait3A_407, %dma_wait3A_408] : memref<50x200xi32, #tpu.memory_space<vmem>> -> memref<1x200xi32, #tpu.memory_space<vmem>>
      %dma_wait3A_410 = tpu.memref_squeeze %dma_wait3A_409 : memref<1x200xi32, #tpu.memory_space<vmem>> -> memref<200xi32, #tpu.memory_space<vmem>>
      %dma_wait3A_411 = arith.constant 0 : i32
      %dma_wait3A_412 = arith.constant 0 : i32
      %dma_wait3A_413 = tpu.memref_slice %arg12[%dma_wait3A_411, %dma_wait3A_412] : memref<10000x128xbf16, #tpu.memory_space<vmem_shared>> -> memref<10000x128xbf16, #tpu.memory_space<vmem_shared>>
      tpu.wait_indirect_dma semaphore(%arg14 : memref<!tpu.dma_semaphore, #tpu.memory_space<semaphore_mem>>) src(%arg9 : memref<200x128xbf16, #tpu.memory_space<vmem>>) dst(%dma_wait3A_413 : memref<10000x128xbf16, #tpu.memory_space<vmem_shared>>)
      %add3A_414 = arith.constant 3 : i32
      %add3A_415 = arith.addi %add3A_303, %add3A_414 : i32
      %dma_start3A_416 = arith.constant 0 : i32
      %dma_start3A_417 = tpu.memref_slice %arg7[%add3A_415, %dma_start3A_416] : memref<50x200xi32, #tpu.memory_space<vmem>> -> memref<1x200xi32, #tpu.memory_space<vmem>>
      %dma_start3A_418 = tpu.memref_squeeze %dma_start3A_417 : memref<1x200xi32, #tpu.memory_space<vmem>> -> memref<200xi32, #tpu.memory_space<vmem>>
      %dma_start3A_419 = arith.constant 0 : i32
      %dma_start3A_420 = arith.constant 0 : i32
      %dma_start3A_421 = tpu.memref_slice %arg12[%dma_start3A_419, %dma_start3A_420] : memref<10000x128xbf16, #tpu.memory_space<vmem_shared>> -> memref<10000x128xbf16, #tpu.memory_space<vmem_shared>>
      tpu.enqueue_indirect_dma source(%arg11 : memref<200x128xbf16, #tpu.memory_space<vmem>>) target(%dma_start3A_421 : memref<10000x128xbf16, #tpu.memory_space<vmem_shared>>) offsets(%dma_start3A_418 : memref<200xi32, #tpu.memory_space<vmem>>) semaphore(%arg14 : memref<!tpu.dma_semaphore, #tpu.memory_space<semaphore_mem>>) {add = true}
      %add3A_422 = arith.constant 3 : i32
      %add3A_423 = arith.addi %add3A_303, %add3A_422 : i32
      %add3A_424 = arith.constant 2 : i32
      %add3A_425 = arith.addi %add3A_423, %add3A_424 : i32
      %dma_start3A_426 = arith.constant 0 : i32
      %dma_start3A_427 = tpu.memref_slice %arg6[%add3A_425, %dma_start3A_426] : memref<50x200xi32, #tpu.memory_space<vmem>> -> memref<1x200xi32, #tpu.memory_space<vmem>>
      %dma_start3A_428 = tpu.memref_squeeze %dma_start3A_427 : memref<1x200xi32, #tpu.memory_space<vmem>> -> memref<200xi32, #tpu.memory_space<vmem>>
      %dma_start3A_429 = arith.constant 0 : i32
      %dma_start3A_430 = arith.constant 0 : i32
      %dma_start3A_431 = tpu.memref_slice %arg2[%dma_start3A_429, %dma_start3A_430] : memref<10000x128xbf16, #tpu.memory_space<hbm>> -> memref<10000x128xbf16, #tpu.memory_space<hbm>>
      tpu.enqueue_indirect_dma source(%dma_start3A_431 : memref<10000x128xbf16, #tpu.memory_space<hbm>>) target(%arg9 : memref<200x128xbf16, #tpu.memory_space<vmem>>) offsets(%dma_start3A_428 : memref<200xi32, #tpu.memory_space<vmem>>) semaphore(%arg13 : memref<!tpu.dma_semaphore, #tpu.memory_space<semaphore_mem>>)
    }
    %scan3A_129 = arith.constant 10 : i32
    %dma_wait3A_130 = arith.constant 0 : i32
    %dma_wait3A_131 = arith.constant 0 : i32
    %dma_wait3A_132 = tpu.memref_slice %arg6[%dma_wait3A_130, %dma_wait3A_131] : memref<50x200xi32, #tpu.memory_space<vmem>> -> memref<1x200xi32, #tpu.memory_space<vmem>>
    %dma_wait3A_133 = tpu.memref_squeeze %dma_wait3A_132 : memref<1x200xi32, #tpu.memory_space<vmem>> -> memref<200xi32, #tpu.memory_space<vmem>>
    %dma_wait3A_134 = arith.constant 0 : i32
    %dma_wait3A_135 = arith.constant 0 : i32
    %dma_wait3A_136 = tpu.memref_slice %arg2[%dma_wait3A_134, %dma_wait3A_135] : memref<10000x128xbf16, #tpu.memory_space<hbm>> -> memref<10000x128xbf16, #tpu.memory_space<hbm>>
    tpu.wait_indirect_dma semaphore(%arg13 : memref<!tpu.dma_semaphore, #tpu.memory_space<semaphore_mem>>) src(%dma_wait3A_136 : memref<10000x128xbf16, #tpu.memory_space<hbm>>) dst(%arg8 : memref<200x128xbf16, #tpu.memory_space<vmem>>)
    %dma_wait3A_137 = arith.constant 0 : i32
    %dma_wait3A_138 = arith.constant 0 : i32
    %dma_wait3A_139 = tpu.memref_slice %arg7[%dma_wait3A_137, %dma_wait3A_138] : memref<50x200xi32, #tpu.memory_space<vmem>> -> memref<1x200xi32, #tpu.memory_space<vmem>>
    %dma_wait3A_140 = tpu.memref_squeeze %dma_wait3A_139 : memref<1x200xi32, #tpu.memory_space<vmem>> -> memref<200xi32, #tpu.memory_space<vmem>>
    %dma_wait3A_141 = arith.constant 0 : i32
    %dma_wait3A_142 = arith.constant 0 : i32
    %dma_wait3A_143 = tpu.memref_slice %arg12[%dma_wait3A_141, %dma_wait3A_142] : memref<10000x128xbf16, #tpu.memory_space<vmem_shared>> -> memref<10000x128xbf16, #tpu.memory_space<vmem_shared>>
    tpu.wait_indirect_dma semaphore(%arg14 : memref<!tpu.dma_semaphore, #tpu.memory_space<semaphore_mem>>) src(%arg10 : memref<200x128xbf16, #tpu.memory_space<vmem>>) dst(%dma_wait3A_143 : memref<10000x128xbf16, #tpu.memory_space<vmem_shared>>)
    %dma_start3A_144 = arith.constant 44 : i32
    %dma_start3A_145 = arith.constant 0 : i32
    %dma_start3A_146 = tpu.memref_slice %arg7[%dma_start3A_144, %dma_start3A_145] : memref<50x200xi32, #tpu.memory_space<vmem>> -> memref<1x200xi32, #tpu.memory_space<vmem>>
    %dma_start3A_147 = tpu.memref_squeeze %dma_start3A_146 : memref<1x200xi32, #tpu.memory_space<vmem>> -> memref<200xi32, #tpu.memory_space<vmem>>
    %dma_start3A_148 = arith.constant 0 : i32
    %dma_start3A_149 = arith.constant 0 : i32
    %dma_start3A_150 = tpu.memref_slice %arg12[%dma_start3A_148, %dma_start3A_149] : memref<10000x128xbf16, #tpu.memory_space<vmem_shared>> -> memref<10000x128xbf16, #tpu.memory_space<vmem_shared>>
    tpu.enqueue_indirect_dma source(%arg8 : memref<200x128xbf16, #tpu.memory_space<vmem>>) target(%dma_start3A_150 : memref<10000x128xbf16, #tpu.memory_space<vmem_shared>>) offsets(%dma_start3A_147 : memref<200xi32, #tpu.memory_space<vmem>>) semaphore(%arg14 : memref<!tpu.dma_semaphore, #tpu.memory_space<semaphore_mem>>) {add = true}
    %dma_start3A_151 = arith.constant 46 : i32
    %dma_start3A_152 = arith.constant 0 : i32
    %dma_start3A_153 = tpu.memref_slice %arg6[%dma_start3A_151, %dma_start3A_152] : memref<50x200xi32, #tpu.memory_space<vmem>> -> memref<1x200xi32, #tpu.memory_space<vmem>>
    %dma_start3A_154 = tpu.memref_squeeze %dma_start3A_153 : memref<1x200xi32, #tpu.memory_space<vmem>> -> memref<200xi32, #tpu.memory_space<vmem>>
    %dma_start3A_155 = arith.constant 0 : i32
    %dma_start3A_156 = arith.constant 0 : i32
    %dma_start3A_157 = tpu.memref_slice %arg2[%dma_start3A_155, %dma_start3A_156] : memref<10000x128xbf16, #tpu.memory_space<hbm>> -> memref<10000x128xbf16, #tpu.memory_space<hbm>>
    tpu.enqueue_indirect_dma source(%dma_start3A_157 : memref<10000x128xbf16, #tpu.memory_space<hbm>>) target(%arg10 : memref<200x128xbf16, #tpu.memory_space<vmem>>) offsets(%dma_start3A_154 : memref<200xi32, #tpu.memory_space<vmem>>) semaphore(%arg13 : memref<!tpu.dma_semaphore, #tpu.memory_space<semaphore_mem>>)
    %dma_wait3A_158 = arith.constant 0 : i32
    %dma_wait3A_159 = arith.constant 0 : i32
    %dma_wait3A_160 = tpu.memref_slice %arg6[%dma_wait3A_158, %dma_wait3A_159] : memref<50x200xi32, #tpu.memory_space<vmem>> -> memref<1x200xi32, #tpu.memory_space<vmem>>
    %dma_wait3A_161 = tpu.memref_squeeze %dma_wait3A_160 : memref<1x200xi32, #tpu.memory_space<vmem>> -> memref<200xi32, #tpu.memory_space<vmem>>
    %dma_wait3A_162 = arith.constant 0 : i32
    %dma_wait3A_163 = arith.constant 0 : i32
    %dma_wait3A_164 = tpu.memref_slice %arg2[%dma_wait3A_162, %dma_wait3A_163] : memref<10000x128xbf16, #tpu.memory_space<hbm>> -> memref<10000x128xbf16, #tpu.memory_space<hbm>>
    tpu.wait_indirect_dma semaphore(%arg13 : memref<!tpu.dma_semaphore, #tpu.memory_space<semaphore_mem>>) src(%dma_wait3A_164 : memref<10000x128xbf16, #tpu.memory_space<hbm>>) dst(%arg9 : memref<200x128xbf16, #tpu.memory_space<vmem>>)
    %dma_wait3A_165 = arith.constant 0 : i32
    %dma_wait3A_166 = arith.constant 0 : i32
    %dma_wait3A_167 = tpu.memref_slice %arg7[%dma_wait3A_165, %dma_wait3A_166] : memref<50x200xi32, #tpu.memory_space<vmem>> -> memref<1x200xi32, #tpu.memory_space<vmem>>
    %dma_wait3A_168 = tpu.memref_squeeze %dma_wait3A_167 : memref<1x200xi32, #tpu.memory_space<vmem>> -> memref<200xi32, #tpu.memory_space<vmem>>
    %dma_wait3A_169 = arith.constant 0 : i32
    %dma_wait3A_170 = arith.constant 0 : i32
    %dma_wait3A_171 = tpu.memref_slice %arg12[%dma_wait3A_169, %dma_wait3A_170] : memref<10000x128xbf16, #tpu.memory_space<vmem_shared>> -> memref<10000x128xbf16, #tpu.memory_space<vmem_shared>>
    tpu.wait_indirect_dma semaphore(%arg14 : memref<!tpu.dma_semaphore, #tpu.memory_space<semaphore_mem>>) src(%arg11 : memref<200x128xbf16, #tpu.memory_space<vmem>>) dst(%dma_wait3A_171 : memref<10000x128xbf16, #tpu.memory_space<vmem_shared>>)
    %dma_start3A_172 = arith.constant 45 : i32
    %dma_start3A_173 = arith.constant 0 : i32
    %dma_start3A_174 = tpu.memref_slice %arg7[%dma_start3A_172, %dma_start3A_173] : memref<50x200xi32, #tpu.memory_space<vmem>> -> memref<1x200xi32, #tpu.memory_space<vmem>>
    %dma_start3A_175 = tpu.memref_squeeze %dma_start3A_174 : memref<1x200xi32, #tpu.memory_space<vmem>> -> memref<200xi32, #tpu.memory_space<vmem>>
    %dma_start3A_176 = arith.constant 0 : i32
    %dma_start3A_177 = arith.constant 0 : i32
    %dma_start3A_178 = tpu.memref_slice %arg12[%dma_start3A_176, %dma_start3A_177] : memref<10000x128xbf16, #tpu.memory_space<vmem_shared>> -> memref<10000x128xbf16, #tpu.memory_space<vmem_shared>>
    tpu.enqueue_indirect_dma source(%arg9 : memref<200x128xbf16, #tpu.memory_space<vmem>>) target(%dma_start3A_178 : memref<10000x128xbf16, #tpu.memory_space<vmem_shared>>) offsets(%dma_start3A_175 : memref<200xi32, #tpu.memory_space<vmem>>) semaphore(%arg14 : memref<!tpu.dma_semaphore, #tpu.memory_space<semaphore_mem>>) {add = true}
    %dma_start3A_179 = arith.constant 47 : i32
    %dma_start3A_180 = arith.constant 0 : i32
    %dma_start3A_181 = tpu.memref_slice %arg6[%dma_start3A_179, %dma_start3A_180] : memref<50x200xi32, #tpu.memory_space<vmem>> -> memref<1x200xi32, #tpu.memory_space<vmem>>
    %dma_start3A_182 = tpu.memref_squeeze %dma_start3A_181 : memref<1x200xi32, #tpu.memory_space<vmem>> -> memref<200xi32, #tpu.memory_space<vmem>>
    %dma_start3A_183 = arith.constant 0 : i32
    %dma_start3A_184 = arith.constant 0 : i32
    %dma_start3A_185 = tpu.memref_slice %arg2[%dma_start3A_183, %dma_start3A_184] : memref<10000x128xbf16, #tpu.memory_space<hbm>> -> memref<10000x128xbf16, #tpu.memory_space<hbm>>
    tpu.enqueue_indirect_dma source(%dma_start3A_185 : memref<10000x128xbf16, #tpu.memory_space<hbm>>) target(%arg11 : memref<200x128xbf16, #tpu.memory_space<vmem>>) offsets(%dma_start3A_182 : memref<200xi32, #tpu.memory_space<vmem>>) semaphore(%arg13 : memref<!tpu.dma_semaphore, #tpu.memory_space<semaphore_mem>>)
    %dma_wait3A_186 = arith.constant 0 : i32
    %dma_wait3A_187 = arith.constant 0 : i32
    %dma_wait3A_188 = tpu.memref_slice %arg6[%dma_wait3A_186, %dma_wait3A_187] : memref<50x200xi32, #tpu.memory_space<vmem>> -> memref<1x200xi32, #tpu.memory_space<vmem>>
    %dma_wait3A_189 = tpu.memref_squeeze %dma_wait3A_188 : memref<1x200xi32, #tpu.memory_space<vmem>> -> memref<200xi32, #tpu.memory_space<vmem>>
    %dma_wait3A_190 = arith.constant 0 : i32
    %dma_wait3A_191 = arith.constant 0 : i32
    %dma_wait3A_192 = tpu.memref_slice %arg2[%dma_wait3A_190, %dma_wait3A_191] : memref<10000x128xbf16, #tpu.memory_space<hbm>> -> memref<10000x128xbf16, #tpu.memory_space<hbm>>
    tpu.wait_indirect_dma semaphore(%arg13 : memref<!tpu.dma_semaphore, #tpu.memory_space<semaphore_mem>>) src(%dma_wait3A_192 : memref<10000x128xbf16, #tpu.memory_space<hbm>>) dst(%arg10 : memref<200x128xbf16, #tpu.memory_space<vmem>>)
    %dma_wait3A_193 = arith.constant 0 : i32
    %dma_wait3A_194 = arith.constant 0 : i32
    %dma_wait3A_195 = tpu.memref_slice %arg7[%dma_wait3A_193, %dma_wait3A_194] : memref<50x200xi32, #tpu.memory_space<vmem>> -> memref<1x200xi32, #tpu.memory_space<vmem>>
    %dma_wait3A_196 = tpu.memref_squeeze %dma_wait3A_195 : memref<1x200xi32, #tpu.memory_space<vmem>> -> memref<200xi32, #tpu.memory_space<vmem>>
    %dma_wait3A_197 = arith.constant 0 : i32
    %dma_wait3A_198 = arith.constant 0 : i32
    %dma_wait3A_199 = tpu.memref_slice %arg12[%dma_wait3A_197, %dma_wait3A_198] : memref<10000x128xbf16, #tpu.memory_space<vmem_shared>> -> memref<10000x128xbf16, #tpu.memory_space<vmem_shared>>
    tpu.wait_indirect_dma semaphore(%arg14 : memref<!tpu.dma_semaphore, #tpu.memory_space<semaphore_mem>>) src(%arg8 : memref<200x128xbf16, #tpu.memory_space<vmem>>) dst(%dma_wait3A_199 : memref<10000x128xbf16, #tpu.memory_space<vmem_shared>>)
    %dma_start3A_200 = arith.constant 46 : i32
    %dma_start3A_201 = arith.constant 0 : i32
    %dma_start3A_202 = tpu.memref_slice %arg7[%dma_start3A_200, %dma_start3A_201] : memref<50x200xi32, #tpu.memory_space<vmem>> -> memref<1x200xi32, #tpu.memory_space<vmem>>
    %dma_start3A_203 = tpu.memref_squeeze %dma_start3A_202 : memref<1x200xi32, #tpu.memory_space<vmem>> -> memref<200xi32, #tpu.memory_space<vmem>>
    %dma_start3A_204 = arith.constant 0 : i32
    %dma_start3A_205 = arith.constant 0 : i32
    %dma_start3A_206 = tpu.memref_slice %arg12[%dma_start3A_204, %dma_start3A_205] : memref<10000x128xbf16, #tpu.memory_space<vmem_shared>> -> memref<10000x128xbf16, #tpu.memory_space<vmem_shared>>
    tpu.enqueue_indirect_dma source(%arg10 : memref<200x128xbf16, #tpu.memory_space<vmem>>) target(%dma_start3A_206 : memref<10000x128xbf16, #tpu.memory_space<vmem_shared>>) offsets(%dma_start3A_203 : memref<200xi32, #tpu.memory_space<vmem>>) semaphore(%arg14 : memref<!tpu.dma_semaphore, #tpu.memory_space<semaphore_mem>>) {add = true}
    %dma_start3A_207 = arith.constant 48 : i32
    %dma_start3A_208 = arith.constant 0 : i32
    %dma_start3A_209 = tpu.memref_slice %arg6[%dma_start3A_207, %dma_start3A_208] : memref<50x200xi32, #tpu.memory_space<vmem>> -> memref<1x200xi32, #tpu.memory_space<vmem>>
    %dma_start3A_210 = tpu.memref_squeeze %dma_start3A_209 : memref<1x200xi32, #tpu.memory_space<vmem>> -> memref<200xi32, #tpu.memory_space<vmem>>
    %dma_start3A_211 = arith.constant 0 : i32
    %dma_start3A_212 = arith.constant 0 : i32
    %dma_start3A_213 = tpu.memref_slice %arg2[%dma_start3A_211, %dma_start3A_212] : memref<10000x128xbf16, #tpu.memory_space<hbm>> -> memref<10000x128xbf16, #tpu.memory_space<hbm>>
    tpu.enqueue_indirect_dma source(%dma_start3A_213 : memref<10000x128xbf16, #tpu.memory_space<hbm>>) target(%arg8 : memref<200x128xbf16, #tpu.memory_space<vmem>>) offsets(%dma_start3A_210 : memref<200xi32, #tpu.memory_space<vmem>>) semaphore(%arg13 : memref<!tpu.dma_semaphore, #tpu.memory_space<semaphore_mem>>)
    %dma_wait3A_214 = arith.constant 0 : i32
    %dma_wait3A_215 = arith.constant 0 : i32
    %dma_wait3A_216 = tpu.memref_slice %arg6[%dma_wait3A_214, %dma_wait3A_215] : memref<50x200xi32, #tpu.memory_space<vmem>> -> memref<1x200xi32, #tpu.memory_space<vmem>>
    %dma_wait3A_217 = tpu.memref_squeeze %dma_wait3A_216 : memref<1x200xi32, #tpu.memory_space<vmem>> -> memref<200xi32, #tpu.memory_space<vmem>>
    %dma_wait3A_218 = arith.constant 0 : i32
    %dma_wait3A_219 = arith.constant 0 : i32
    %dma_wait3A_220 = tpu.memref_slice %arg2[%dma_wait3A_218, %dma_wait3A_219] : memref<10000x128xbf16, #tpu.memory_space<hbm>> -> memref<10000x128xbf16, #tpu.memory_space<hbm>>
    tpu.wait_indirect_dma semaphore(%arg13 : memref<!tpu.dma_semaphore, #tpu.memory_space<semaphore_mem>>) src(%dma_wait3A_220 : memref<10000x128xbf16, #tpu.memory_space<hbm>>) dst(%arg11 : memref<200x128xbf16, #tpu.memory_space<vmem>>)
    %dma_wait3A_221 = arith.constant 0 : i32
    %dma_wait3A_222 = arith.constant 0 : i32
    %dma_wait3A_223 = tpu.memref_slice %arg7[%dma_wait3A_221, %dma_wait3A_222] : memref<50x200xi32, #tpu.memory_space<vmem>> -> memref<1x200xi32, #tpu.memory_space<vmem>>
    %dma_wait3A_224 = tpu.memref_squeeze %dma_wait3A_223 : memref<1x200xi32, #tpu.memory_space<vmem>> -> memref<200xi32, #tpu.memory_space<vmem>>
    %dma_wait3A_225 = arith.constant 0 : i32
    %dma_wait3A_226 = arith.constant 0 : i32
    %dma_wait3A_227 = tpu.memref_slice %arg12[%dma_wait3A_225, %dma_wait3A_226] : memref<10000x128xbf16, #tpu.memory_space<vmem_shared>> -> memref<10000x128xbf16, #tpu.memory_space<vmem_shared>>
    tpu.wait_indirect_dma semaphore(%arg14 : memref<!tpu.dma_semaphore, #tpu.memory_space<semaphore_mem>>) src(%arg9 : memref<200x128xbf16, #tpu.memory_space<vmem>>) dst(%dma_wait3A_227 : memref<10000x128xbf16, #tpu.memory_space<vmem_shared>>)
    %dma_start3A_228 = arith.constant 47 : i32
    %dma_start3A_229 = arith.constant 0 : i32
    %dma_start3A_230 = tpu.memref_slice %arg7[%dma_start3A_228, %dma_start3A_229] : memref<50x200xi32, #tpu.memory_space<vmem>> -> memref<1x200xi32, #tpu.memory_space<vmem>>
    %dma_start3A_231 = tpu.memref_squeeze %dma_start3A_230 : memref<1x200xi32, #tpu.memory_space<vmem>> -> memref<200xi32, #tpu.memory_space<vmem>>
    %dma_start3A_232 = arith.constant 0 : i32
    %dma_start3A_233 = arith.constant 0 : i32
    %dma_start3A_234 = tpu.memref_slice %arg12[%dma_start3A_232, %dma_start3A_233] : memref<10000x128xbf16, #tpu.memory_space<vmem_shared>> -> memref<10000x128xbf16, #tpu.memory_space<vmem_shared>>
    tpu.enqueue_indirect_dma source(%arg11 : memref<200x128xbf16, #tpu.memory_space<vmem>>) target(%dma_start3A_234 : memref<10000x128xbf16, #tpu.memory_space<vmem_shared>>) offsets(%dma_start3A_231 : memref<200xi32, #tpu.memory_space<vmem>>) semaphore(%arg14 : memref<!tpu.dma_semaphore, #tpu.memory_space<semaphore_mem>>) {add = true}
    %dma_start3A_235 = arith.constant 49 : i32
    %dma_start3A_236 = arith.constant 0 : i32
    %dma_start3A_237 = tpu.memref_slice %arg6[%dma_start3A_235, %dma_start3A_236] : memref<50x200xi32, #tpu.memory_space<vmem>> -> memref<1x200xi32, #tpu.memory_space<vmem>>
    %dma_start3A_238 = tpu.memref_squeeze %dma_start3A_237 : memref<1x200xi32, #tpu.memory_space<vmem>> -> memref<200xi32, #tpu.memory_space<vmem>>
    %dma_start3A_239 = arith.constant 0 : i32
    %dma_start3A_240 = arith.constant 0 : i32
    %dma_start3A_241 = tpu.memref_slice %arg2[%dma_start3A_239, %dma_start3A_240] : memref<10000x128xbf16, #tpu.memory_space<hbm>> -> memref<10000x128xbf16, #tpu.memory_space<hbm>>
    tpu.enqueue_indirect_dma source(%dma_start3A_241 : memref<10000x128xbf16, #tpu.memory_space<hbm>>) target(%arg9 : memref<200x128xbf16, #tpu.memory_space<vmem>>) offsets(%dma_start3A_238 : memref<200xi32, #tpu.memory_space<vmem>>) semaphore(%arg13 : memref<!tpu.dma_semaphore, #tpu.memory_space<semaphore_mem>>)
    %dma_wait3A_242 = arith.constant 0 : i32
    %dma_wait3A_243 = arith.constant 0 : i32
    %dma_wait3A_244 = tpu.memref_slice %arg6[%dma_wait3A_242, %dma_wait3A_243] : memref<50x200xi32, #tpu.memory_space<vmem>> -> memref<1x200xi32, #tpu.memory_space<vmem>>
    %dma_wait3A_245 = tpu.memref_squeeze %dma_wait3A_244 : memref<1x200xi32, #tpu.memory_space<vmem>> -> memref<200xi32, #tpu.memory_space<vmem>>
    %dma_wait3A_246 = arith.constant 0 : i32
    %dma_wait3A_247 = arith.constant 0 : i32
    %dma_wait3A_248 = tpu.memref_slice %arg2[%dma_wait3A_246, %dma_wait3A_247] : memref<10000x128xbf16, #tpu.memory_space<hbm>> -> memref<10000x128xbf16, #tpu.memory_space<hbm>>
    tpu.wait_indirect_dma semaphore(%arg13 : memref<!tpu.dma_semaphore, #tpu.memory_space<semaphore_mem>>) src(%dma_wait3A_248 : memref<10000x128xbf16, #tpu.memory_space<hbm>>) dst(%arg8 : memref<200x128xbf16, #tpu.memory_space<vmem>>)
    %dma_wait3A_249 = arith.constant 0 : i32
    %dma_wait3A_250 = arith.constant 0 : i32
    %dma_wait3A_251 = tpu.memref_slice %arg7[%dma_wait3A_249, %dma_wait3A_250] : memref<50x200xi32, #tpu.memory_space<vmem>> -> memref<1x200xi32, #tpu.memory_space<vmem>>
    %dma_wait3A_252 = tpu.memref_squeeze %dma_wait3A_251 : memref<1x200xi32, #tpu.memory_space<vmem>> -> memref<200xi32, #tpu.memory_space<vmem>>
    %dma_wait3A_253 = arith.constant 0 : i32
    %dma_wait3A_254 = arith.constant 0 : i32
    %dma_wait3A_255 = tpu.memref_slice %arg12[%dma_wait3A_253, %dma_wait3A_254] : memref<10000x128xbf16, #tpu.memory_space<vmem_shared>> -> memref<10000x128xbf16, #tpu.memory_space<vmem_shared>>
    tpu.wait_indirect_dma semaphore(%arg14 : memref<!tpu.dma_semaphore, #tpu.memory_space<semaphore_mem>>) src(%arg10 : memref<200x128xbf16, #tpu.memory_space<vmem>>) dst(%dma_wait3A_255 : memref<10000x128xbf16, #tpu.memory_space<vmem_shared>>)
    %dma_start3A_256 = arith.constant 48 : i32
    %dma_start3A_257 = arith.constant 0 : i32
    %dma_start3A_258 = tpu.memref_slice %arg7[%dma_start3A_256, %dma_start3A_257] : memref<50x200xi32, #tpu.memory_space<vmem>> -> memref<1x200xi32, #tpu.memory_space<vmem>>
    %dma_start3A_259 = tpu.memref_squeeze %dma_start3A_258 : memref<1x200xi32, #tpu.memory_space<vmem>> -> memref<200xi32, #tpu.memory_space<vmem>>
    %dma_start3A_260 = arith.constant 0 : i32
    %dma_start3A_261 = arith.constant 0 : i32
    %dma_start3A_262 = tpu.memref_slice %arg12[%dma_start3A_260, %dma_start3A_261] : memref<10000x128xbf16, #tpu.memory_space<vmem_shared>> -> memref<10000x128xbf16, #tpu.memory_space<vmem_shared>>
    tpu.enqueue_indirect_dma source(%arg8 : memref<200x128xbf16, #tpu.memory_space<vmem>>) target(%dma_start3A_262 : memref<10000x128xbf16, #tpu.memory_space<vmem_shared>>) offsets(%dma_start3A_259 : memref<200xi32, #tpu.memory_space<vmem>>) semaphore(%arg14 : memref<!tpu.dma_semaphore, #tpu.memory_space<semaphore_mem>>) {add = true}
    %dma_wait3A_263 = arith.constant 0 : i32
    %dma_wait3A_264 = arith.constant 0 : i32
    %dma_wait3A_265 = tpu.memref_slice %arg6[%dma_wait3A_263, %dma_wait3A_264] : memref<50x200xi32, #tpu.memory_space<vmem>> -> memref<1x200xi32, #tpu.memory_space<vmem>>
    %dma_wait3A_266 = tpu.memref_squeeze %dma_wait3A_265 : memref<1x200xi32, #tpu.memory_space<vmem>> -> memref<200xi32, #tpu.memory_space<vmem>>
    %dma_wait3A_267 = arith.constant 0 : i32
    %dma_wait3A_268 = arith.constant 0 : i32
    %dma_wait3A_269 = tpu.memref_slice %arg2[%dma_wait3A_267, %dma_wait3A_268] : memref<10000x128xbf16, #tpu.memory_space<hbm>> -> memref<10000x128xbf16, #tpu.memory_space<hbm>>
    tpu.wait_indirect_dma semaphore(%arg13 : memref<!tpu.dma_semaphore, #tpu.memory_space<semaphore_mem>>) src(%dma_wait3A_269 : memref<10000x128xbf16, #tpu.memory_space<hbm>>) dst(%arg9 : memref<200x128xbf16, #tpu.memory_space<vmem>>)
    %dma_wait3A_270 = arith.constant 0 : i32
    %dma_wait3A_271 = arith.constant 0 : i32
    %dma_wait3A_272 = tpu.memref_slice %arg7[%dma_wait3A_270, %dma_wait3A_271] : memref<50x200xi32, #tpu.memory_space<vmem>> -> memref<1x200xi32, #tpu.memory_space<vmem>>
    %dma_wait3A_273 = tpu.memref_squeeze %dma_wait3A_272 : memref<1x200xi32, #tpu.memory_space<vmem>> -> memref<200xi32, #tpu.memory_space<vmem>>
    %dma_wait3A_274 = arith.constant 0 : i32
    %dma_wait3A_275 = arith.constant 0 : i32
    %dma_wait3A_276 = tpu.memref_slice %arg12[%dma_wait3A_274, %dma_wait3A_275] : memref<10000x128xbf16, #tpu.memory_space<vmem_shared>> -> memref<10000x128xbf16, #tpu.memory_space<vmem_shared>>
    tpu.wait_indirect_dma semaphore(%arg14 : memref<!tpu.dma_semaphore, #tpu.memory_space<semaphore_mem>>) src(%arg11 : memref<200x128xbf16, #tpu.memory_space<vmem>>) dst(%dma_wait3A_276 : memref<10000x128xbf16, #tpu.memory_space<vmem_shared>>)
    %dma_start3A_277 = arith.constant 49 : i32
    %dma_start3A_278 = arith.constant 0 : i32
    %dma_start3A_279 = tpu.memref_slice %arg7[%dma_start3A_277, %dma_start3A_278] : memref<50x200xi32, #tpu.memory_space<vmem>> -> memref<1x200xi32, #tpu.memory_space<vmem>>
    %dma_start3A_280 = tpu.memref_squeeze %dma_start3A_279 : memref<1x200xi32, #tpu.memory_space<vmem>> -> memref<200xi32, #tpu.memory_space<vmem>>
    %dma_start3A_281 = arith.constant 0 : i32
    %dma_start3A_282 = arith.constant 0 : i32
    %dma_start3A_283 = tpu.memref_slice %arg12[%dma_start3A_281, %dma_start3A_282] : memref<10000x128xbf16, #tpu.memory_space<vmem_shared>> -> memref<10000x128xbf16, #tpu.memory_space<vmem_shared>>
    tpu.enqueue_indirect_dma source(%arg9 : memref<200x128xbf16, #tpu.memory_space<vmem>>) target(%dma_start3A_283 : memref<10000x128xbf16, #tpu.memory_space<vmem_shared>>) offsets(%dma_start3A_280 : memref<200xi32, #tpu.memory_space<vmem>>) semaphore(%arg14 : memref<!tpu.dma_semaphore, #tpu.memory_space<semaphore_mem>>) {add = true}
    %dma_wait3A_284 = arith.constant 0 : i32
    %dma_wait3A_285 = arith.constant 0 : i32
    %dma_wait3A_286 = tpu.memref_slice %arg7[%dma_wait3A_284, %dma_wait3A_285] : memref<50x200xi32, #tpu.memory_space<vmem>> -> memref<1x200xi32, #tpu.memory_space<vmem>>
    %dma_wait3A_287 = tpu.memref_squeeze %dma_wait3A_286 : memref<1x200xi32, #tpu.memory_space<vmem>> -> memref<200xi32, #tpu.memory_space<vmem>>
    %dma_wait3A_288 = arith.constant 0 : i32
    %dma_wait3A_289 = arith.constant 0 : i32
    %dma_wait3A_290 = tpu.memref_slice %arg12[%dma_wait3A_288, %dma_wait3A_289] : memref<10000x128xbf16, #tpu.memory_space<vmem_shared>> -> memref<10000x128xbf16, #tpu.memory_space<vmem_shared>>
    tpu.wait_indirect_dma semaphore(%arg14 : memref<!tpu.dma_semaphore, #tpu.memory_space<semaphore_mem>>) src(%arg8 : memref<200x128xbf16, #tpu.memory_space<vmem>>) dst(%dma_wait3A_290 : memref<10000x128xbf16, #tpu.memory_space<vmem_shared>>)
    %dma_wait3A_291 = arith.constant 0 : i32
    %dma_wait3A_292 = arith.constant 0 : i32
    %dma_wait3A_293 = tpu.memref_slice %arg7[%dma_wait3A_291, %dma_wait3A_292] : memref<50x200xi32, #tpu.memory_space<vmem>> -> memref<1x200xi32, #tpu.memory_space<vmem>>
    %dma_wait3A_294 = tpu.memref_squeeze %dma_wait3A_293 : memref<1x200xi32, #tpu.memory_space<vmem>> -> memref<200xi32, #tpu.memory_space<vmem>>
    %dma_wait3A_295 = arith.constant 0 : i32
    %dma_wait3A_296 = arith.constant 0 : i32
    %dma_wait3A_297 = tpu.memref_slice %arg12[%dma_wait3A_295, %dma_wait3A_296] : memref<10000x128xbf16, #tpu.memory_space<vmem_shared>> -> memref<10000x128xbf16, #tpu.memory_space<vmem_shared>>
    tpu.wait_indirect_dma semaphore(%arg14 : memref<!tpu.dma_semaphore, #tpu.memory_space<semaphore_mem>>) src(%arg9 : memref<200x128xbf16, #tpu.memory_space<vmem>>) dst(%dma_wait3A_297 : memref<10000x128xbf16, #tpu.memory_space<vmem_shared>>)
    %barrier3A_298 = arith.constant 0 : index
    tpu.barrier barrier_id(%barrier3A_298)
    "tpu.region"() ({
      %run_scoped3A = tpu.sem_alloc : memref<!tpu.dma_semaphore, #tpu.memory_space<semaphore_mem>>
      %dma_start3A_299 = arith.constant 0 : i32
      %dma_start3A_300 = tpu.memref_slice %arg5[%arg0, %mul3A_6, %dma_start3A_299] : memref<2x10000x128xbf16, #tpu.memory_space<hbm>> -> memref<1x625x128xbf16, #tpu.memory_space<hbm>>
      %dma_start3A_301 = tpu.memref_squeeze %dma_start3A_300 : memref<1x625x128xbf16, #tpu.memory_space<hbm>> -> memref<625x128xbf16, #tpu.memory_space<hbm>>
      %dma_start3A_302 = arith.constant 0 : i32
      %dma_start3A_303 = tpu.memref_slice %arg12[%mul3A_6, %dma_start3A_302] : memref<10000x128xbf16, #tpu.memory_space<vmem_shared>> -> memref<625x128xbf16, #tpu.memory_space<vmem_shared>>
      tpu.enqueue_dma source(%dma_start3A_303 : memref<625x128xbf16, #tpu.memory_space<vmem_shared>>) target(%dma_start3A_301 : memref<625x128xbf16, #tpu.memory_space<hbm>>) target_semaphore(%run_scoped3A : memref<!tpu.dma_semaphore, #tpu.memory_space<semaphore_mem>>)
      %dma_wait3A_304 = arith.constant 0 : i32
      %dma_wait3A_305 = tpu.memref_slice %arg5[%arg0, %mul3A_6, %dma_wait3A_304] : memref<2x10000x128xbf16, #tpu.memory_space<hbm>> -> memref<1x625x128xbf16, #tpu.memory_space<hbm>>
      %dma_wait3A_306 = tpu.memref_squeeze %dma_wait3A_305 : memref<1x625x128xbf16, #tpu.memory_space<hbm>> -> memref<625x128xbf16, #tpu.memory_space<hbm>>
      %dma_wait3A_307 = arith.constant 0 : i32
      %dma_wait3A_308 = tpu.memref_slice %arg12[%mul3A_6, %dma_wait3A_307] : memref<10000x128xbf16, #tpu.memory_space<vmem_shared>> -> memref<625x128xbf16, #tpu.memory_space<vmem_shared>>
      tpu.wait_dma2 semaphore(%run_scoped3A : memref<!tpu.dma_semaphore, #tpu.memory_space<semaphore_mem>>) src(%dma_wait3A_308 : memref<625x128xbf16, #tpu.memory_space<vmem_shared>>) dst(%dma_wait3A_306 : memref<625x128xbf16, #tpu.memory_space<hbm>>)
      tpu.yield
    }) : () -> ()
    return
  }
}

module attributes {stable_mosaic.version = 14 : i64} {
  func.func @body(%arg0: i32, %arg1: memref<1000x128xbf16, #tpu.memory_space<vmem>>, %arg2: memref<1000x128xf32, #tpu.memory_space<vmem>>, %arg3: memref<128x128xf32, #tpu.memory_space<vmem>>, %arg4: memref<1x128xf32, #tpu.memory_space<vmem>>, %arg5: memref<1x128xf32, #tpu.memory_space<vmem>>, %arg6: memref<1x128xf32, #tpu.memory_space<vmem>>, %arg7: memref<1000x128xf32, #tpu.memory_space<vmem>>) attributes {dimension_semantics = [#tpu.dimension_semantics<arbitrary>], iteration_bounds = array<i64: 10>, scalar_prefetch = 0 : i64, scratch_operands = 0 : i64, tpu.core_type = #tpu.core_type<tc>, window_params = [{transform_indices = @transform_0, window_bounds = array<i64: 1000, 128>}, {transform_indices = @transform_1, window_bounds = array<i64: 1000, 128>}, {pipeline_mode = #tpu.pipeline_mode<synchronous>, transform_indices = @transform_2, window_bounds = array<i64: 128, 128>}, {pipeline_mode = #tpu.pipeline_mode<synchronous>, transform_indices = @transform_3, window_bounds = array<i64: 1, 128>}, {pipeline_mode = #tpu.pipeline_mode<synchronous>, transform_indices = @transform_4, window_bounds = array<i64: 1, 128>}, {pipeline_mode = #tpu.pipeline_mode<synchronous>, transform_indices = @transform_5, window_bounds = array<i64: 1, 128>}, {transform_indices = @transform_6, window_bounds = array<i64: 1000, 128>}]} {
    %get3A = arith.constant 0 : index
    %get3A_0 = arith.constant 0 : index
    %get3A_1 = vector.load %arg1[%get3A, %get3A_0] : memref<1000x128xbf16, #tpu.memory_space<vmem>>, vector<1000x128xbf16>
    %convert_element_type3A = arith.extf %get3A_1 : vector<1000x128xbf16> to vector<1000x128xf32>
    %get3A_2 = arith.constant 0 : index
    %get3A_3 = arith.constant 0 : index
    %get3A_4 = vector.load %arg3[%get3A_2, %get3A_3] : memref<128x128xf32, #tpu.memory_space<vmem>>, vector<128x128xf32>
    %dot_general3A = arith.constant dense<0.000000e+00> : vector<1000x128xf32>
    %dot_general3A_5 = tpu.matmul %convert_element_type3A, %get3A_4, %dot_general3A {dimension_numbers = #tpu.dot_dimension_numbers<[1], [0], [0], [1], [0, 0, 1, 1], [], []>, transpose_lhs_hint = false} : vector<1000x128xf32>, vector<128x128xf32>, vector<1000x128xf32> -> vector<1000x128xf32>
    %get3A_6 = arith.constant 0 : index
    %get3A_7 = arith.constant 0 : index
    %get3A_8 = vector.load %arg4[%get3A_6, %get3A_7] : memref<1x128xf32, #tpu.memory_space<vmem>>, vector<1x128xf32>
    %add3A = vector.broadcast %get3A_8 : vector<1x128xf32> to vector<1000x128xf32>
    %add3A_9 = arith.addf %dot_general3A_5, %add3A : vector<1000x128xf32>
    %get3A_10 = arith.constant 0 : index
    %get3A_11 = arith.constant 0 : index
    %get3A_12 = vector.load %arg2[%get3A_10, %get3A_11] : memref<1000x128xf32, #tpu.memory_space<vmem>>, vector<1000x128xf32>
    %add3A_13 = arith.addf %add3A_9, %get3A_12 : vector<1000x128xf32>
    %get3A_14 = arith.constant 0 : index
    %get3A_15 = arith.constant 0 : index
    %get3A_16 = vector.load %arg5[%get3A_14, %get3A_15] : memref<1x128xf32, #tpu.memory_space<vmem>>, vector<1x128xf32>
    %mul3A = vector.broadcast %get3A_16 : vector<1x128xf32> to vector<1000x128xf32>
    %mul3A_17 = arith.mulf %add3A_13, %mul3A : vector<1000x128xf32>
    %mul3A_18 = arith.constant 0.999994993 : f32
    %mul3A_19 = vector.broadcast %mul3A_18 : f32 to vector<1000x128xf32>
    %mul3A_20 = arith.mulf %mul3A_17, %mul3A_19 : vector<1000x128xf32>
    %get3A_21 = arith.constant 0 : index
    %get3A_22 = arith.constant 0 : index
    %get3A_23 = vector.load %arg6[%get3A_21, %get3A_22] : memref<1x128xf32, #tpu.memory_space<vmem>>, vector<1x128xf32>
    %mul3A_24 = arith.constant 2.000000e+00 : f32
    %mul3A_25 = vector.broadcast %mul3A_24 : f32 to vector<1x128xf32>
    %mul3A_26 = arith.mulf %mul3A_25, %get3A_23 : vector<1x128xf32>
    %add3A_27 = vector.broadcast %mul3A_26 : vector<1x128xf32> to vector<1000x128xf32>
    %add3A_28 = arith.addf %mul3A_20, %add3A_27 : vector<1000x128xf32>
    %swap3A = arith.constant 0 : index
    %swap3A_29 = arith.constant 0 : index
    %swap3A_30 = vector.load %arg7[%swap3A, %swap3A_29] : memref<1000x128xf32, #tpu.memory_space<vmem>>, vector<1000x128xf32>
    tpu.vector_store %arg7[%swap3A, %swap3A_29], %add3A_28 {strides = array<i32>} : memref<1000x128xf32, #tpu.memory_space<vmem>>, vector<1000x128xf32>,
    return
  }
  func.func @transform_0(%arg0: i32) -> (i32, i32) {
    %c0_i32 = arith.constant 0 : i32
    %c0_i32_0 = arith.constant 0 : i32
    return %arg0, %c0_i32 : i32, i32
  }
  func.func @transform_1(%arg0: i32) -> (i32, i32) {
    %c0_i32 = arith.constant 0 : i32
    %c0_i32_0 = arith.constant 0 : i32
    return %arg0, %c0_i32 : i32, i32
  }
  func.func @transform_2(%arg0: i32) -> (i32, i32) {
    %c0_i32 = arith.constant 0 : i32
    %c0_i32_0 = arith.constant 0 : i32
    %c0_i32_1 = arith.constant 0 : i32
    return %c0_i32, %c0_i32_0 : i32, i32
  }
  func.func @transform_3(%arg0: i32) -> (i32, i32) {
    %c0_i32 = arith.constant 0 : i32
    %c0_i32_0 = arith.constant 0 : i32
    %c0_i32_1 = arith.constant 0 : i32
    return %c0_i32, %c0_i32_0 : i32, i32
  }
  func.func @transform_4(%arg0: i32) -> (i32, i32) {
    %c0_i32 = arith.constant 0 : i32
    %c0_i32_0 = arith.constant 0 : i32
    %c0_i32_1 = arith.constant 0 : i32
    return %c0_i32, %c0_i32_0 : i32, i32
  }
  func.func @transform_5(%arg0: i32) -> (i32, i32) {
    %c0_i32 = arith.constant 0 : i32
    %c0_i32_0 = arith.constant 0 : i32
    %c0_i32_1 = arith.constant 0 : i32
    return %c0_i32, %c0_i32_0 : i32, i32
  }
  func.func @transform_6(%arg0: i32) -> (i32, i32) {
    %c0_i32 = arith.constant 0 : i32
    %c0_i32_0 = arith.constant 0 : i32
    return %arg0, %c0_i32 : i32, i32
  }
}

module attributes {stable_mosaic.version = 14 : i64} {
  func.func @body(%arg0: i32, %arg1: memref<1000x128xf32, #tpu.memory_space<vmem>>, %arg2: memref<2x1000x128xbf16, #tpu.memory_space<vmem>>, %arg3: memref<2x1000x1xf32, #tpu.memory_space<vmem>>, %arg4: memref<128x128xf32, #tpu.memory_space<vmem>>, %arg5: memref<1x128xf32, #tpu.memory_space<vmem>>, %arg6: memref<1000x128xbf16, #tpu.memory_space<vmem>>) attributes {dimension_semantics = [#tpu.dimension_semantics<arbitrary>], iteration_bounds = array<i64: 10>, scalar_prefetch = 0 : i64, scratch_operands = 0 : i64, tpu.core_type = #tpu.core_type<tc>, window_params = [{transform_indices = @transform_0, window_bounds = array<i64: 1000, 128>}, {transform_indices = @transform_1, window_bounds = array<i64: 2, 1000, 128>}, {transform_indices = @transform_2, window_bounds = array<i64: 2, 1000, 1>}, {pipeline_mode = #tpu.pipeline_mode<synchronous>, transform_indices = @transform_3, window_bounds = array<i64: 128, 128>}, {pipeline_mode = #tpu.pipeline_mode<synchronous>, transform_indices = @transform_4, window_bounds = array<i64: 1, 128>}, {transform_indices = @transform_5, window_bounds = array<i64: 1000, 128>}]} {
    %get3A = arith.constant 0 : index
    %get3A_0 = arith.constant 0 : index
    %get3A_1 = arith.constant 0 : index
    %get3A_2 = vector.load %arg3[%get3A, %get3A_0, %get3A_1] : memref<2x1000x1xf32, #tpu.memory_space<vmem>>, vector<1x1000x1xf32>
    %get3A_3 = vector.shape_cast %get3A_2 : vector<1x1000x1xf32> to vector<1000x1xf32>
    %get3A_4 = arith.constant 1 : index
    %get3A_5 = arith.constant 0 : index
    %get3A_6 = arith.constant 0 : index
    %get3A_7 = vector.load %arg3[%get3A_4, %get3A_5, %get3A_6] : memref<2x1000x1xf32, #tpu.memory_space<vmem>>, vector<1x1000x1xf32>
    %get3A_8 = vector.shape_cast %get3A_7 : vector<1x1000x1xf32> to vector<1000x1xf32>
    %add3A = arith.addf %get3A_3, %get3A_8 : vector<1000x1xf32>
    %max3A = arith.constant 1.000000e+00 : f32
    %max3A_9 = vector.broadcast %max3A : f32 to vector<1000x1xf32>
    %max3A_10 = arith.maximumf %add3A, %max3A_9 : vector<1000x1xf32>
    %get3A_11 = arith.constant 0 : index
    %get3A_12 = arith.constant 0 : index
    %get3A_13 = arith.constant 0 : index
    %get3A_14 = vector.load %arg2[%get3A_11, %get3A_12, %get3A_13] : memref<2x1000x128xbf16, #tpu.memory_space<vmem>>, vector<1x1000x128xbf16>
    %get3A_15 = vector.shape_cast %get3A_14 : vector<1x1000x128xbf16> to vector<1000x128xbf16>
    %convert_element_type3A = arith.extf %get3A_15 : vector<1000x128xbf16> to vector<1000x128xf32>
    %get3A_16 = arith.constant 1 : index
    %get3A_17 = arith.constant 0 : index
    %get3A_18 = arith.constant 0 : index
    %get3A_19 = vector.load %arg2[%get3A_16, %get3A_17, %get3A_18] : memref<2x1000x128xbf16, #tpu.memory_space<vmem>>, vector<1x1000x128xbf16>
    %get3A_20 = vector.shape_cast %get3A_19 : vector<1x1000x128xbf16> to vector<1000x128xbf16>
    %convert_element_type3A_21 = arith.extf %get3A_20 : vector<1000x128xbf16> to vector<1000x128xf32>
    %add3A_22 = arith.addf %convert_element_type3A, %convert_element_type3A_21 : vector<1000x128xf32>
    %div3A = vector.broadcast %max3A_10 : vector<1000x1xf32> to vector<1000x128xf32>
    %div3A_23 = arith.divf %add3A_22, %div3A : vector<1000x128xf32>
    %get3A_24 = arith.constant 0 : index
    %get3A_25 = arith.constant 0 : index
    %get3A_26 = vector.load %arg4[%get3A_24, %get3A_25] : memref<128x128xf32, #tpu.memory_space<vmem>>, vector<128x128xf32>
    %dot_general3A = arith.constant dense<0.000000e+00> : vector<1000x128xf32>
    %dot_general3A_27 = tpu.matmul %div3A_23, %get3A_26, %dot_general3A {dimension_numbers = #tpu.dot_dimension_numbers<[1], [0], [0], [1], [0, 0, 1, 1], [], []>, transpose_lhs_hint = false} : vector<1000x128xf32>, vector<128x128xf32>, vector<1000x128xf32> -> vector<1000x128xf32>
    %get3A_28 = arith.constant 0 : index
    %get3A_29 = arith.constant 0 : index
    %get3A_30 = vector.load %arg5[%get3A_28, %get3A_29] : memref<1x128xf32, #tpu.memory_space<vmem>>, vector<1x128xf32>
    %mul3A = vector.broadcast %get3A_30 : vector<1x128xf32> to vector<1000x128xf32>
    %mul3A_31 = arith.mulf %dot_general3A_27, %mul3A : vector<1000x128xf32>
    %mul3A_32 = arith.constant 0.999994993 : f32
    %mul3A_33 = vector.broadcast %mul3A_32 : f32 to vector<1000x128xf32>
    %mul3A_34 = arith.mulf %mul3A_31, %mul3A_33 : vector<1000x128xf32>
    %get3A_35 = arith.constant 0 : index
    %get3A_36 = arith.constant 0 : index
    %get3A_37 = vector.load %arg1[%get3A_35, %get3A_36] : memref<1000x128xf32, #tpu.memory_space<vmem>>, vector<1000x128xf32>
    %add3A_38 = arith.addf %get3A_37, %mul3A_34 : vector<1000x128xf32>
    %max3A_39 = arith.constant 0.000000e+00 : f32
    %max3A_40 = vector.broadcast %max3A_39 : f32 to vector<1000x128xf32>
    %max3A_41 = arith.maximumf %add3A_38, %max3A_40 : vector<1000x128xf32>
    %convert_element_type3A_42 = arith.truncf %max3A_41 : vector<1000x128xf32> to vector<1000x128xbf16>
    %swap3A = arith.constant 0 : index
    %swap3A_43 = arith.constant 0 : index
    %swap3A_44 = vector.load %arg6[%swap3A, %swap3A_43] : memref<1000x128xbf16, #tpu.memory_space<vmem>>, vector<1000x128xbf16>
    tpu.vector_store %arg6[%swap3A, %swap3A_43], %convert_element_type3A_42 {strides = array<i32>} : memref<1000x128xbf16, #tpu.memory_space<vmem>>, vector<1000x128xbf16>,
    return
  }
  func.func @transform_0(%arg0: i32) -> (i32, i32) {
    %c0_i32 = arith.constant 0 : i32
    %c0_i32_0 = arith.constant 0 : i32
    return %arg0, %c0_i32 : i32, i32
  }
  func.func @transform_1(%arg0: i32) -> (i32, i32, i32) {
    %c0_i32 = arith.constant 0 : i32
    %c0_i32_0 = arith.constant 0 : i32
    %c0_i32_1 = arith.constant 0 : i32
    return %c0_i32, %arg0, %c0_i32_0 : i32, i32, i32
  }
  func.func @transform_2(%arg0: i32) -> (i32, i32, i32) {
    %c0_i32 = arith.constant 0 : i32
    %c0_i32_0 = arith.constant 0 : i32
    %c0_i32_1 = arith.constant 0 : i32
    return %c0_i32, %arg0, %c0_i32_0 : i32, i32, i32
  }
  func.func @transform_3(%arg0: i32) -> (i32, i32) {
    %c0_i32 = arith.constant 0 : i32
    %c0_i32_0 = arith.constant 0 : i32
    %c0_i32_1 = arith.constant 0 : i32
    return %c0_i32, %c0_i32_0 : i32, i32
  }
  func.func @transform_4(%arg0: i32) -> (i32, i32) {
    %c0_i32 = arith.constant 0 : i32
    %c0_i32_0 = arith.constant 0 : i32
    %c0_i32_1 = arith.constant 0 : i32
    return %c0_i32, %c0_i32_0 : i32, i32
  }
  func.func @transform_5(%arg0: i32) -> (i32, i32) {
    %c0_i32 = arith.constant 0 : i32
    %c0_i32_0 = arith.constant 0 : i32
    return %arg0, %c0_i32 : i32, i32
  }
}

module attributes {stable_mosaic.version = 14 : i64} {
  func.func @body(%arg0: i32, %arg1: memref<1000x128xbf16, #tpu.memory_space<vmem>>, %arg2: memref<2x1000x128xbf16, #tpu.memory_space<vmem>>, %arg3: memref<2x1000x1xf32, #tpu.memory_space<vmem>>, %arg4: memref<128x128xf32, #tpu.memory_space<vmem>>, %arg5: memref<128x128xf32, #tpu.memory_space<vmem>>, %arg6: memref<1x128xf32, #tpu.memory_space<vmem>>, %arg7: memref<1x128xf32, #tpu.memory_space<vmem>>, %arg8: memref<1x128xf32, #tpu.memory_space<vmem>>, %arg9: memref<128x64xf32, #tpu.memory_space<vmem>>, %arg10: memref<128x64xf32, #tpu.memory_space<vmem>>, %arg11: memref<1x64xf32, #tpu.memory_space<vmem>>, %arg12: memref<1000x64xf32, #tpu.memory_space<vmem>>, %arg13: memref<1000x64xbf16, #tpu.memory_space<vmem>>) attributes {dimension_semantics = [#tpu.dimension_semantics<arbitrary>], iteration_bounds = array<i64: 10>, scalar_prefetch = 0 : i64, scratch_operands = 0 : i64, tpu.core_type = #tpu.core_type<tc>, window_params = [{transform_indices = @transform_0, window_bounds = array<i64: 1000, 128>}, {transform_indices = @transform_1, window_bounds = array<i64: 2, 1000, 128>}, {transform_indices = @transform_2, window_bounds = array<i64: 2, 1000, 1>}, {pipeline_mode = #tpu.pipeline_mode<synchronous>, transform_indices = @transform_3, window_bounds = array<i64: 128, 128>}, {pipeline_mode = #tpu.pipeline_mode<synchronous>, transform_indices = @transform_4, window_bounds = array<i64: 128, 128>}, {pipeline_mode = #tpu.pipeline_mode<synchronous>, transform_indices = @transform_5, window_bounds = array<i64: 1, 128>}, {pipeline_mode = #tpu.pipeline_mode<synchronous>, transform_indices = @transform_6, window_bounds = array<i64: 1, 128>}, {pipeline_mode = #tpu.pipeline_mode<synchronous>, transform_indices = @transform_7, window_bounds = array<i64: 1, 128>}, {pipeline_mode = #tpu.pipeline_mode<synchronous>, transform_indices = @transform_8, window_bounds = array<i64: 128, 64>}, {pipeline_mode = #tpu.pipeline_mode<synchronous>, transform_indices = @transform_9, window_bounds = array<i64: 128, 64>}, {pipeline_mode = #tpu.pipeline_mode<synchronous>, transform_indices = @transform_10, window_bounds = array<i64: 1, 64>}, {transform_indices = @transform_11, window_bounds = array<i64: 1000, 64>}, {transform_indices = @transform_12, window_bounds = array<i64: 1000, 64>}]} {
    %get3A = arith.constant 0 : index
    %get3A_0 = arith.constant 0 : index
    %get3A_1 = arith.constant 0 : index
    %get3A_2 = vector.load %arg3[%get3A, %get3A_0, %get3A_1] : memref<2x1000x1xf32, #tpu.memory_space<vmem>>, vector<1x1000x1xf32>
    %get3A_3 = vector.shape_cast %get3A_2 : vector<1x1000x1xf32> to vector<1000x1xf32>
    %get3A_4 = arith.constant 1 : index
    %get3A_5 = arith.constant 0 : index
    %get3A_6 = arith.constant 0 : index
    %get3A_7 = vector.load %arg3[%get3A_4, %get3A_5, %get3A_6] : memref<2x1000x1xf32, #tpu.memory_space<vmem>>, vector<1x1000x1xf32>
    %get3A_8 = vector.shape_cast %get3A_7 : vector<1x1000x1xf32> to vector<1000x1xf32>
    %add3A = arith.addf %get3A_3, %get3A_8 : vector<1000x1xf32>
    %max3A = arith.constant 1.000000e+00 : f32
    %max3A_9 = vector.broadcast %max3A : f32 to vector<1000x1xf32>
    %max3A_10 = arith.maximumf %add3A, %max3A_9 : vector<1000x1xf32>
    %get3A_11 = arith.constant 0 : index
    %get3A_12 = arith.constant 0 : index
    %get3A_13 = arith.constant 0 : index
    %get3A_14 = vector.load %arg2[%get3A_11, %get3A_12, %get3A_13] : memref<2x1000x128xbf16, #tpu.memory_space<vmem>>, vector<1x1000x128xbf16>
    %get3A_15 = vector.shape_cast %get3A_14 : vector<1x1000x128xbf16> to vector<1000x128xbf16>
    %convert_element_type3A = arith.extf %get3A_15 : vector<1000x128xbf16> to vector<1000x128xf32>
    %get3A_16 = arith.constant 1 : index
    %get3A_17 = arith.constant 0 : index
    %get3A_18 = arith.constant 0 : index
    %get3A_19 = vector.load %arg2[%get3A_16, %get3A_17, %get3A_18] : memref<2x1000x128xbf16, #tpu.memory_space<vmem>>, vector<1x1000x128xbf16>
    %get3A_20 = vector.shape_cast %get3A_19 : vector<1x1000x128xbf16> to vector<1000x128xbf16>
    %convert_element_type3A_21 = arith.extf %get3A_20 : vector<1000x128xbf16> to vector<1000x128xf32>
    %add3A_22 = arith.addf %convert_element_type3A, %convert_element_type3A_21 : vector<1000x128xf32>
    %div3A = vector.broadcast %max3A_10 : vector<1000x1xf32> to vector<1000x128xf32>
    %div3A_23 = arith.divf %add3A_22, %div3A : vector<1000x128xf32>
    %get3A_24 = arith.constant 0 : index
    %get3A_25 = arith.constant 0 : index
    %get3A_26 = vector.load %arg1[%get3A_24, %get3A_25] : memref<1000x128xbf16, #tpu.memory_space<vmem>>, vector<1000x128xbf16>
    %convert_element_type3A_27 = arith.extf %get3A_26 : vector<1000x128xbf16> to vector<1000x128xf32>
    %get3A_28 = arith.constant 0 : index
    %get3A_29 = arith.constant 0 : index
    %get3A_30 = vector.load %arg4[%get3A_28, %get3A_29] : memref<128x128xf32, #tpu.memory_space<vmem>>, vector<128x128xf32>
    %dot_general3A = arith.constant dense<0.000000e+00> : vector<1000x128xf32>
    %dot_general3A_31 = tpu.matmul %convert_element_type3A_27, %get3A_30, %dot_general3A {dimension_numbers = #tpu.dot_dimension_numbers<[1], [0], [0], [1], [0, 0, 1, 1], [], []>, transpose_lhs_hint = false} : vector<1000x128xf32>, vector<128x128xf32>, vector<1000x128xf32> -> vector<1000x128xf32>
    %get3A_32 = arith.constant 0 : index
    %get3A_33 = arith.constant 0 : index
    %get3A_34 = vector.load %arg5[%get3A_32, %get3A_33] : memref<128x128xf32, #tpu.memory_space<vmem>>, vector<128x128xf32>
    %dot_general3A_35 = arith.constant dense<0.000000e+00> : vector<1000x128xf32>
    %dot_general3A_36 = tpu.matmul %div3A_23, %get3A_34, %dot_general3A_35 {dimension_numbers = #tpu.dot_dimension_numbers<[1], [0], [0], [1], [0, 0, 1, 1], [], []>, transpose_lhs_hint = false} : vector<1000x128xf32>, vector<128x128xf32>, vector<1000x128xf32> -> vector<1000x128xf32>
    %add3A_37 = arith.addf %dot_general3A_31, %dot_general3A_36 : vector<1000x128xf32>
    %get3A_38 = arith.constant 0 : index
    %get3A_39 = arith.constant 0 : index
    %get3A_40 = vector.load %arg6[%get3A_38, %get3A_39] : memref<1x128xf32, #tpu.memory_space<vmem>>, vector<1x128xf32>
    %add3A_41 = vector.broadcast %get3A_40 : vector<1x128xf32> to vector<1000x128xf32>
    %add3A_42 = arith.addf %add3A_37, %add3A_41 : vector<1000x128xf32>
    %get3A_43 = arith.constant 0 : index
    %get3A_44 = arith.constant 0 : index
    %get3A_45 = vector.load %arg7[%get3A_43, %get3A_44] : memref<1x128xf32, #tpu.memory_space<vmem>>, vector<1x128xf32>
    %mul3A = vector.broadcast %get3A_45 : vector<1x128xf32> to vector<1000x128xf32>
    %mul3A_46 = arith.mulf %add3A_42, %mul3A : vector<1000x128xf32>
    %mul3A_47 = arith.constant 0.999994993 : f32
    %mul3A_48 = vector.broadcast %mul3A_47 : f32 to vector<1000x128xf32>
    %mul3A_49 = arith.mulf %mul3A_46, %mul3A_48 : vector<1000x128xf32>
    %get3A_50 = arith.constant 0 : index
    %get3A_51 = arith.constant 0 : index
    %get3A_52 = vector.load %arg8[%get3A_50, %get3A_51] : memref<1x128xf32, #tpu.memory_space<vmem>>, vector<1x128xf32>
    %add3A_53 = vector.broadcast %get3A_52 : vector<1x128xf32> to vector<1000x128xf32>
    %add3A_54 = arith.addf %mul3A_49, %add3A_53 : vector<1000x128xf32>
    %max3A_55 = arith.constant 0.000000e+00 : f32
    %max3A_56 = vector.broadcast %max3A_55 : f32 to vector<1000x128xf32>
    %max3A_57 = arith.maximumf %add3A_54, %max3A_56 : vector<1000x128xf32>
    %get3A_58 = arith.constant 0 : index
    %get3A_59 = arith.constant 0 : index
    %get3A_60 = vector.load %arg9[%get3A_58, %get3A_59] : memref<128x64xf32, #tpu.memory_space<vmem>>, vector<128x64xf32>
    %dot_general3A_61 = arith.constant dense<0.000000e+00> : vector<1000x64xf32>
    %dot_general3A_62 = tpu.matmul %max3A_57, %get3A_60, %dot_general3A_61 {dimension_numbers = #tpu.dot_dimension_numbers<[1], [0], [0], [1], [0, 0, 1, 1], [], []>, transpose_lhs_hint = false} : vector<1000x128xf32>, vector<128x64xf32>, vector<1000x64xf32> -> vector<1000x64xf32>
    %get3A_63 = arith.constant 0 : index
    %get3A_64 = arith.constant 0 : index
    %get3A_65 = vector.load %arg11[%get3A_63, %get3A_64] : memref<1x64xf32, #tpu.memory_space<vmem>>, vector<1x64xf32>
    %add3A_66 = vector.broadcast %get3A_65 : vector<1x64xf32> to vector<1000x64xf32>
    %add3A_67 = arith.addf %dot_general3A_62, %add3A_66 : vector<1000x64xf32>
    %swap3A = arith.constant 0 : index
    %swap3A_68 = arith.constant 0 : index
    %swap3A_69 = vector.load %arg12[%swap3A, %swap3A_68] : memref<1000x64xf32, #tpu.memory_space<vmem>>, vector<1000x64xf32>
    tpu.vector_store %arg12[%swap3A, %swap3A_68], %add3A_67 {strides = array<i32>} : memref<1000x64xf32, #tpu.memory_space<vmem>>, vector<1000x64xf32>,
    %get3A_70 = arith.constant 0 : index
    %get3A_71 = arith.constant 0 : index
    %get3A_72 = vector.load %arg10[%get3A_70, %get3A_71] : memref<128x64xf32, #tpu.memory_space<vmem>>, vector<128x64xf32>
    %dot_general3A_73 = arith.constant dense<0.000000e+00> : vector<1000x64xf32>
    %dot_general3A_74 = tpu.matmul %max3A_57, %get3A_72, %dot_general3A_73 {dimension_numbers = #tpu.dot_dimension_numbers<[1], [0], [0], [1], [0, 0, 1, 1], [], []>, transpose_lhs_hint = false} : vector<1000x128xf32>, vector<128x64xf32>, vector<1000x64xf32> -> vector<1000x64xf32>
    %convert_element_type3A_75 = arith.truncf %dot_general3A_74 : vector<1000x64xf32> to vector<1000x64xbf16>
    %swap3A_76 = arith.constant 0 : index
    %swap3A_77 = arith.constant 0 : index
    %swap3A_78 = vector.load %arg13[%swap3A_76, %swap3A_77] : memref<1000x64xbf16, #tpu.memory_space<vmem>>, vector<1000x64xbf16>
    tpu.vector_store %arg13[%swap3A_76, %swap3A_77], %convert_element_type3A_75 {strides = array<i32>} : memref<1000x64xbf16, #tpu.memory_space<vmem>>, vector<1000x64xbf16>,
    return
  }
  func.func @transform_0(%arg0: i32) -> (i32, i32) {
    %c0_i32 = arith.constant 0 : i32
    %c0_i32_0 = arith.constant 0 : i32
    return %arg0, %c0_i32 : i32, i32
  }
  func.func @transform_1(%arg0: i32) -> (i32, i32, i32) {
    %c0_i32 = arith.constant 0 : i32
    %c0_i32_0 = arith.constant 0 : i32
    %c0_i32_1 = arith.constant 0 : i32
    return %c0_i32, %arg0, %c0_i32_0 : i32, i32, i32
  }
  func.func @transform_2(%arg0: i32) -> (i32, i32, i32) {
    %c0_i32 = arith.constant 0 : i32
    %c0_i32_0 = arith.constant 0 : i32
    %c0_i32_1 = arith.constant 0 : i32
    return %c0_i32, %arg0, %c0_i32_0 : i32, i32, i32
  }
  func.func @transform_3(%arg0: i32) -> (i32, i32) {
    %c0_i32 = arith.constant 0 : i32
    %c0_i32_0 = arith.constant 0 : i32
    %c0_i32_1 = arith.constant 0 : i32
    return %c0_i32, %c0_i32_0 : i32, i32
  }
  func.func @transform_4(%arg0: i32) -> (i32, i32) {
    %c0_i32 = arith.constant 0 : i32
    %c0_i32_0 = arith.constant 0 : i32
    %c0_i32_1 = arith.constant 0 : i32
    return %c0_i32, %c0_i32_0 : i32, i32
  }
  func.func @transform_5(%arg0: i32) -> (i32, i32) {
    %c0_i32 = arith.constant 0 : i32
    %c0_i32_0 = arith.constant 0 : i32
    %c0_i32_1 = arith.constant 0 : i32
    return %c0_i32, %c0_i32_0 : i32, i32
  }
  func.func @transform_6(%arg0: i32) -> (i32, i32) {
    %c0_i32 = arith.constant 0 : i32
    %c0_i32_0 = arith.constant 0 : i32
    %c0_i32_1 = arith.constant 0 : i32
    return %c0_i32, %c0_i32_0 : i32, i32
  }
  func.func @transform_7(%arg0: i32) -> (i32, i32) {
    %c0_i32 = arith.constant 0 : i32
    %c0_i32_0 = arith.constant 0 : i32
    %c0_i32_1 = arith.constant 0 : i32
    return %c0_i32, %c0_i32_0 : i32, i32
  }
  func.func @transform_8(%arg0: i32) -> (i32, i32) {
    %c0_i32 = arith.constant 0 : i32
    %c0_i32_0 = arith.constant 0 : i32
    %c0_i32_1 = arith.constant 0 : i32
    return %c0_i32, %c0_i32_0 : i32, i32
  }
  func.func @transform_9(%arg0: i32) -> (i32, i32) {
    %c0_i32 = arith.constant 0 : i32
    %c0_i32_0 = arith.constant 0 : i32
    %c0_i32_1 = arith.constant 0 : i32
    return %c0_i32, %c0_i32_0 : i32, i32
  }
  func.func @transform_10(%arg0: i32) -> (i32, i32) {
    %c0_i32 = arith.constant 0 : i32
    %c0_i32_0 = arith.constant 0 : i32
    %c0_i32_1 = arith.constant 0 : i32
    return %c0_i32, %c0_i32_0 : i32, i32
  }
  func.func @transform_11(%arg0: i32) -> (i32, i32) {
    %c0_i32 = arith.constant 0 : i32
    %c0_i32_0 = arith.constant 0 : i32
    return %arg0, %c0_i32 : i32, i32
  }
  func.func @transform_12(%arg0: i32) -> (i32, i32) {
    %c0_i32 = arith.constant 0 : i32
    %c0_i32_0 = arith.constant 0 : i32
    return %arg0, %c0_i32 : i32, i32
  }
}

module attributes {stable_mosaic.version = 14 : i64} {
  func.func @body(%arg0: i32, %arg1: memref<1000x64xf32, #tpu.memory_space<vmem>>, %arg2: memref<2x1000x64xbf16, #tpu.memory_space<vmem>>, %arg3: memref<2x1000x1xf32, #tpu.memory_space<vmem>>, %arg4: memref<1000x64xf32, #tpu.memory_space<vmem>>) attributes {dimension_semantics = [#tpu.dimension_semantics<arbitrary>], iteration_bounds = array<i64: 10>, scalar_prefetch = 0 : i64, scratch_operands = 0 : i64, tpu.core_type = #tpu.core_type<tc>, window_params = [{transform_indices = @transform_0, window_bounds = array<i64: 1000, 64>}, {transform_indices = @transform_1, window_bounds = array<i64: 2, 1000, 64>}, {transform_indices = @transform_2, window_bounds = array<i64: 2, 1000, 1>}, {transform_indices = @transform_3, window_bounds = array<i64: 1000, 64>}]} {
    %get3A = arith.constant 0 : index
    %get3A_0 = arith.constant 0 : index
    %get3A_1 = arith.constant 0 : index
    %get3A_2 = vector.load %arg3[%get3A, %get3A_0, %get3A_1] : memref<2x1000x1xf32, #tpu.memory_space<vmem>>, vector<1x1000x1xf32>
    %get3A_3 = vector.shape_cast %get3A_2 : vector<1x1000x1xf32> to vector<1000x1xf32>
    %get3A_4 = arith.constant 1 : index
    %get3A_5 = arith.constant 0 : index
    %get3A_6 = arith.constant 0 : index
    %get3A_7 = vector.load %arg3[%get3A_4, %get3A_5, %get3A_6] : memref<2x1000x1xf32, #tpu.memory_space<vmem>>, vector<1x1000x1xf32>
    %get3A_8 = vector.shape_cast %get3A_7 : vector<1x1000x1xf32> to vector<1000x1xf32>
    %add3A = arith.addf %get3A_3, %get3A_8 : vector<1000x1xf32>
    %max3A = arith.constant 1.000000e+00 : f32
    %max3A_9 = vector.broadcast %max3A : f32 to vector<1000x1xf32>
    %max3A_10 = arith.maximumf %add3A, %max3A_9 : vector<1000x1xf32>
    %get3A_11 = arith.constant 0 : index
    %get3A_12 = arith.constant 0 : index
    %get3A_13 = vector.load %arg1[%get3A_11, %get3A_12] : memref<1000x64xf32, #tpu.memory_space<vmem>>, vector<1000x64xf32>
    %get3A_14 = arith.constant 0 : index
    %get3A_15 = arith.constant 0 : index
    %get3A_16 = arith.constant 0 : index
    %get3A_17 = vector.load %arg2[%get3A_14, %get3A_15, %get3A_16] : memref<2x1000x64xbf16, #tpu.memory_space<vmem>>, vector<1x1000x64xbf16>
    %get3A_18 = vector.shape_cast %get3A_17 : vector<1x1000x64xbf16> to vector<1000x64xbf16>
    %convert_element_type3A = arith.extf %get3A_18 : vector<1000x64xbf16> to vector<1000x64xf32>
    %get3A_19 = arith.constant 1 : index
    %get3A_20 = arith.constant 0 : index
    %get3A_21 = arith.constant 0 : index
    %get3A_22 = vector.load %arg2[%get3A_19, %get3A_20, %get3A_21] : memref<2x1000x64xbf16, #tpu.memory_space<vmem>>, vector<1x1000x64xbf16>
    %get3A_23 = vector.shape_cast %get3A_22 : vector<1x1000x64xbf16> to vector<1000x64xbf16>
    %convert_element_type3A_24 = arith.extf %get3A_23 : vector<1000x64xbf16> to vector<1000x64xf32>
    %add3A_25 = arith.addf %convert_element_type3A, %convert_element_type3A_24 : vector<1000x64xf32>
    %div3A = vector.broadcast %max3A_10 : vector<1000x1xf32> to vector<1000x64xf32>
    %div3A_26 = arith.divf %add3A_25, %div3A : vector<1000x64xf32>
    %add3A_27 = arith.addf %get3A_13, %div3A_26 : vector<1000x64xf32>
    %swap3A = arith.constant 0 : index
    %swap3A_28 = arith.constant 0 : index
    %swap3A_29 = vector.load %arg4[%swap3A, %swap3A_28] : memref<1000x64xf32, #tpu.memory_space<vmem>>, vector<1000x64xf32>
    tpu.vector_store %arg4[%swap3A, %swap3A_28], %add3A_27 {strides = array<i32>} : memref<1000x64xf32, #tpu.memory_space<vmem>>, vector<1000x64xf32>,
    return
  }
  func.func @transform_0(%arg0: i32) -> (i32, i32) {
    %c0_i32 = arith.constant 0 : i32
    %c0_i32_0 = arith.constant 0 : i32
    return %arg0, %c0_i32 : i32, i32
  }
  func.func @transform_1(%arg0: i32) -> (i32, i32, i32) {
    %c0_i32 = arith.constant 0 : i32
    %c0_i32_0 = arith.constant 0 : i32
    %c0_i32_1 = arith.constant 0 : i32
    return %c0_i32, %arg0, %c0_i32_0 : i32, i32, i32
  }
  func.func @transform_2(%arg0: i32) -> (i32, i32, i32) {
    %c0_i32 = arith.constant 0 : i32
    %c0_i32_0 = arith.constant 0 : i32
    %c0_i32_1 = arith.constant 0 : i32
    return %c0_i32, %arg0, %c0_i32_0 : i32, i32, i32
  }
  func.func @transform_3(%arg0: i32) -> (i32, i32) {
    %c0_i32 = arith.constant 0 : i32
    %c0_i32_0 = arith.constant 0 : i32
    return %arg0, %c0_i32 : i32, i32
  }
}

</mosaic_0001>

<sc_bundles>
// kernel: kernel.12.cloned.1.call-start
scs
__scs_entry_jumppad:
0x0: {  	(pc) =	sbr.rel $0x88, $3  }
0x1: {  	(tag) =	ssettag $0x0;
	lr =	simm.s32 $0x1  }
0x2: {  	[smem:$0x3F91] =	sst lr;
	_ =	strace $0xD0000000  }
0x3: {  	_ = 	snop  }
0x4: {  	_ = 	snop  }
0x5: {  	_ = 	snop  }
0x6: {  	_ = 	snop  }
0x7: {  	_ = 	snop  }
__scs_overlays_trampoline_lowered:
0x8: {  	[smem:$0x3FA0] =	sst s0  }
0x9: {  	[smem:$0x3FA1] =	sst s1  }
0xa: {  	[smem:$0x3FA2] =	sst s2  }
0xb: {  	[smem:$0x3FA3] =	sst s3  }
0xc: {  	[smem:$0x3FA4] =	sst s4  }
0xd: {  	[smem:$0x3FA5] =	sst s5  }
0xe: {  	[smem:$0x3FA6] =	sst s6  }
0xf: {  	[smem:$0x3FA7] =	sst s7  }
0x10: {  	[smem:$0x3FA8] =	sst s8  }
0x11: {  	[smem:$0x3FA9] =	sst s9;
	s0 =	simm.s32 @!p0 $0x0  }
0x12: {  	s1 =	sld [smem:$0x3F8F];
	s0 =	simm.s32 @p0 $0x1  }
0x13: {  	[smem:$0x3FAA] =	sst s0;
	s0 =	simm.s32 @!p1 $0x0  }
0x14: {  	s2 =	sld [smem:$0x3F8E];
	s0 =	simm.s32 @p1 $0x1  }
0x15: {  	[smem:$0x3FAB] =	sst s0;
	s0 =	simm.s32 @!p2 $0x0  }
0x16: {  	s3 =	sld [smem:$0x3FDB];
	s0 =	simm.s32 @p2 $0x1  }
0x17: {  	s4 =	simm.s32 $0x1BF5;
	[smem:$0x3FAD] =	sst s0  }
0x18: {  	s0 =	sld [smem:$0x3F90];
	_ =	swait.ge [sflag:s4], $0x0  }
0x19: {  	s7 =	sld [smem:$0x3F91]  }
0x1a: {  	s8 =	sadd.s32 $0xFFFFE003, lr  }
0x1b: {  	s9 =	sadd.s32 $0xFFFFFEF7, lr;
	s5 =	simm.s32 $0xFFFFFFFF;
	p2 =	slt.u32 s8, $0xFFFFF086  }
0x1c: {  	p1 =	slt.u32 s9, $0xF7A;
	s5 =	simm.s32 @!p2 $0x0  }
0x1d: {  	s5 =	simm.s32 @p1 $0x1;
	p0 =	seq.s32 s7, s2  }
0x1e: {  	s7 =	smul.u32 @!p0 $0xF7A, s2;
	p2 =	seq.s32 @!p0 s5, $0x0  }
0x1f: {  	s9 =	smul.u32 $0xF7A, s1;
	s8 =	simm.s32 @!p0 $0x1BF5;
	p2 =	por !p2, p0  }
0x20: {  	[sflag:s8] =	ssyncset.s32 @!p0 $0xFFFFF086;
	s6 =	sadd.s32 @!p0 s3, s7;
	s7 =	simm.s32 @!p0 $0x108  }
0x21: {  	s3 =	sadd.s32 s3, s9;
	s6 =	sadd.s32 @!p0 $0x88, s6;
	s7 =	simm.s32 @p2 $0x1082  }
0x22: {  	[simem:s7], [sflag:s8] =	dma.local @!p0 [hbm:s6], $0xF7A  }
0x23: {  	s9 =	sor.u32 $0xD0000000, s2;
	s6 =	simm.s32 $0x108;
	_ =	swait.ge @!p0 [sflag:s8], $0x0  }
0x24: {  	s3 =	sadd.s32 $0x88, s3;
	s6 =	simm.s32 @!p1 $0x1082;
	[sflag:s4] =	ssyncset.s32 $0xFFFFF086  }
0x25: {  	[simem:s6], [sflag:s4] =	dma.local [hbm:s3], $0xF7A  }
0x26: {  	[smem:$0x3F91] =	sst s1;
	(tag) =	ssettag s2;
	_ =	strace s9  }
0x27: {  	s1 =	sld [smem:$0x3FA1]  }
0x28: {  	s2 =	sld [smem:$0x3FA2]  }
0x29: {  	s4 =	sld [smem:$0x3FA4]  }
0x2a: {  	p0 =	seq.s32 s5, $0x0;
	s5 =	sld [smem:$0x3FA5]  }
0x2b: {  	s6 =	sld [smem:$0x3FA6]  }
0x2c: {  	s7 =	sld [smem:$0x3FA7]  }
0x2d: {  	s3 =	simm.s32 $0x108;
	s8 =	sld [smem:$0x3FA8]  }
0x2e: {  	s3 =	simm.s32 @!p0 $0x1082;
	s9 =	sld [smem:$0x3FA9]  }
0x2f: {  	lr =	sadd.s32 s0, s3;
	s0 =	sld [smem:$0x3FA0]  }
0x30: {  	s3 =	sld [smem:$0x3FA3]  }
0x31: {  	[smem:$0x3FAC] =	sst s10  }
0x32: {  	s10 =	sld [smem:$0x3FAA];
	_ =	sdelay $0x3  }
0x33: {  	p0 =	seq.s32 s10, $0x1;
	s10 =	sld [smem:$0x3FAC];
	_ =	sdelay $0x3  }
0x34: {  	[smem:$0x3FAC] =	sst s10  }
0x35: {  	s10 =	sld [smem:$0x3FAB];
	_ =	sdelay $0x3  }
0x36: {  	p1 =	seq.s32 s10, $0x1;
	s10 =	sld [smem:$0x3FAC];
	_ =	sdelay $0x3  }
0x37: {  	[smem:$0x3FAC] =	sst s10  }
0x38: {  	s10 =	sld [smem:$0x3FAD]  }
0x39: {  	_ = 	snop;
	(pc) =	sbr.ind lr, $3  }
0x3a: {  	_ = 	snop  }
0x3b: {  	_ = 	snop  }
0x3c: {  	p2 =	seq.s32 s10, $0x1;
	s10 =	sld [smem:$0x3FAC]  }
0x3d: {  	_ =	shalt  }
0x3e: {  	_ =	shalt  }
0x3f: {  	_ =	shalt  }
0x40: {  	_ =	shalt  }
0x41: {  	_ =	shalt  }
0x42: {  	_ =	shalt  }
0x43: {  	_ =	shalt  }
0x44: {  	_ =	shalt  }
0x45: {  	_ =	shalt  }
0x46: {  	_ =	shalt  }
0x47: {  	_ =	shalt  }
0x48: {  	_ =	shalt  }
0x49: {  	_ =	shalt  }
0x4a: {  	_ =	shalt  }
0x4b: {  	_ =	shalt  }
0x4c: {  	_ =	shalt  }
0x4d: {  	_ =	shalt  }
0x4e: {  	_ =	shalt  }
0x4f: {  	_ =	shalt  }
0x50: {  	_ =	shalt  }
0x51: {  	_ =	shalt  }
0x52: {  	_ =	shalt  }
0x53: {  	_ =	shalt  }
0x54: {  	_ =	shalt  }
0x55: {  	_ =	shalt  }
0x56: {  	_ =	shalt  }
0x57: {  	_ =	shalt  }
0x58: {  	_ =	shalt  }
0x59: {  	_ =	shalt  }
0x5a: {  	_ =	shalt  }
0x5b: {  	_ =	shalt  }
0x5c: {  	_ =	shalt  }
0x5d: {  	_ =	shalt  }
0x5e: {  	_ =	shalt  }
0x5f: {  	_ =	shalt  }
0x60: {  	_ =	shalt  }
0x61: {  	_ =	shalt  }
0x62: {  	_ =	shalt  }
0x63: {  	_ =	shalt  }
0x64: {  	_ =	shalt  }
0x65: {  	_ =	shalt  }
0x66: {  	_ =	shalt  }
0x67: {  	_ =	shalt  }
0x68: {  	_ =	shalt  }
0x69: {  	_ =	shalt  }
0x6a: {  	_ =	shalt  }
0x6b: {  	_ =	shalt  }
0x6c: {  	_ =	shalt  }
0x6d: {  	_ =	shalt  }
0x6e: {  	_ =	shalt  }
0x6f: {  	_ =	shalt  }
0x70: {  	_ =	shalt  }
0x71: {  	_ =	shalt  }
0x72: {  	_ =	shalt  }
0x73: {  	_ =	shalt  }
0x74: {  	_ =	shalt  }
0x75: {  	_ =	shalt  }
0x76: {  	_ =	shalt  }
0x77: {  	_ =	shalt  }
0x78: {  	_ =	shalt  }
0x79: {  	_ =	shalt  }
0x7a: {  	_ =	shalt  }
0x7b: {  	_ =	shalt  }
0x7c: {  	_ =	shalt  }
0x7d: {  	_ =	shalt  }
0x7e: {  	_ =	shalt  }
0x7f: {  	_ =	shalt  }
0x80: {  	_ =	shalt  }
0x81: {  	_ =	shalt  }
0x82: {  	_ =	shalt  }
0x83: {  	_ =	shalt  }
0x84: {  	_ =	shalt  }
0x85: {  	_ =	shalt  }
0x86: {  	_ =	shalt  }
0x87: {  	_ =	shalt  }
.Lfunc_end0:
.L_simem_size_0:
called_computation.1_lowered:
.L_overlay_start_0:
0x88: {  	s2 =	sld [smem:$0x3FD9]  }
0x89: {  	s3 =	sld [smem:$0x3FFE];
	_ =	sdelay $0x1  }
0x8a: {  	s1 =	srdreg.scid  }
0x8b: {  	s0 =	sand.u32 $0x1, s1  }
0x8c: {  	s17 =	sshll.u32 s0, $0xA;
	s2 =	sadd.s32 s3, s2  }
0x8d: {  	s2 =	sadd.s32 s2, s17  }
0x8e: {  	[smem:$0x3FB8] =	sst s2  }
0x8f: {  	_ = 	snop  }
0x90: {  	s2 =	sld [smem:$0x3FD0];
	(tm) =	ssettm $0x1  }
0x91: {  	s18 =	sld [smem:$0x3FFB];
	_ =	sdelay $0x3  }
0x92: {  	_ =	strace s18  }
0x93: {  	s3 =	sld [smem:$0x3FFC];
	_ =	sdelay $0x3  }
0x94: {  	_ =	strace s3  }
0x95: {  	s3 =	sld [smem:$0x3FFD];
	_ =	sdelay $0x3  }
0x96: {  	_ =	strace s3  }
0x97: {  	_ =	strace $0x8FFFFFFF  }
0x98: {  	s19 =	sld [smem:$0x3FDB];
	_ =	sdelay $0x1  }
0x99: {  	s4 =	simm.s32 $_scs_section_size  }
0x9a: {  	s5 =	simm.s32 $_size__tile_overlayer_lowered;
	s6 =	simm.s32 $_tile_overlayer_lowered  }
0x9b: {  	s22 =	simm.s32 $0x1BFF;
	s21 =	sshll.u32 s6, $0x1;
	s3 =	sadd.s32 s4, s19  }
0x9c: {  	s7 =	simm.s32 $0x0;
	s20 =	sshll.u32 s5, $0x1;
	s5 =	sadd.s32 s21, s3  }
0x9d: {  	[timem:s7], [sflag:s22] =	dma.local [hbm:s5], s20  }
0x9e: {  	_ =	swait.ge [sflag:s22], s20  }
0x9f: {  	s4 =	ssub.s32 $0x0, s20;
	[sflag:s22] =	ssyncset.done $0x0  }
0xa0: {  	[sflag:s22] =	ssyncadd.s32 s4;
	_ =	sdelay $0x1  }
0xa1: {  	s23 =	simm.s32 $0x1B8B  }
0xa2: {  	_ =	swait.ge [sflag:s23], $0x1  }
0xa3: {  	[sflag:s23] =	ssyncset.done $0x0  }
0xa4: {  	s25 =	simm.s32 $0x1B8E;
	s24 =	sld [smem:$0x3FFE];
	[sflag:s23] =	ssyncadd.s32 $0xFFFFFFFF  }
0xa5: {  	s26 =	simm.s32 $execute0_lowered;
	[smem:$0x3FD2] =	sst s25  }
0xa6: {  	s5 =	sshll.u32 s26, $0x1;
	_ =	strace $0x80000049;
	[dreg:$0x1] =	wrdreg $0xFFFFFFFF  }
0xa7: {  	s28 =	simm.s32 $_size_execute0_lowered;
	s3 =	sadd.s32 s3, s5;
	[dreg:$0x0] =	wrdreg $0x0  }
0xa8: {  	s5 =	sshll.u32 s28, $0x1;
	[dreg:$0x2] =	wrdreg s3  }
0xa9: {  	[dreg:$0x3] =	wrdreg s5  }
0xaa: {  	[dreg:$0x4] =	wrdreg $0xC0  }
0xab: {  	_ =	task [dreg:s7], $0x5FFFF  }
0xac: {  	[dreg:$0x1] =	wrdreg $0xFFFFFFFF  }
0xad: {  	[dreg:$0x0] =	wrdreg $0x60  }
0xae: {  	[dreg:$0x2] =	wrdreg s24  }
0xaf: {  	[dreg:$0x3] =	wrdreg s2  }
0xb0: {  	[dreg:$0x4] =	wrdreg $0x116200  }
0xb1: {  	[dreg:$0x5] =	wrdreg $0x9  }
0xb2: {  	_ =	task.clear_ibuf [dreg:s7], $0x6FFFF;
	_ =	strace $0x90000049  }
0xb3: {  	s29 =	simm.s32 $0x9;
	_ =	strace $0x8000004B  }
0xb4: {  	_ =	swait.ge [sflag:s29], $0x1  }
0xb5: {  	[sflag:s29] =	ssyncadd.s32 $0xFFFFFFFF  }
0xb6: {  	_ =	strace $0x9000004B  }
0xb7: {  	_ =	sfence  }
0xb8: {  	s30 =	sld [smem:$0x0];
	_ =	sdelay $0x2  }
0xb9: {  	s31 =	sshll.u32 s1, $0xD;
	s1 =	sshrl.u32 s1, $0x2  }
0xba: {  	s3 =	sand.u32 $0x4000, s31;
	s1 =	sadd.s32 s1, s30  }
0xbb: {  	s0 =	sor.u32 s3, s0;
	s1 =	sshll.u32 s1, $0x11  }
0xbc: {  	s0 =	sor.u32 s1, s0  }
0xbd: {  	s0 =	sadd.s32 $0x8F2B, s0  }
0xbe: {  	[sflag:s0] =	ssyncadd.remote.s32 $0x1  }
0xbf: {  	_ =	sfence.sel $0xFFFF  }
0xc0: {  	[dreg:$0x0] =	wrdreg $0xFFFFFFFF;
	(pc) =	sbr.abs _section_cstart, $3  }
0xc1: {  	[dreg:$0x1] =	wrdreg $0xFFFFFFFF  }
0xc2: {  	_ =	task.clear_ibuf [dreg:s7], $0x2FFFF;
	_ =	strace $0x9FFFFFFF  }
0xc3: {  	(tm) =	ssettm $0x7FFFFFFF  }
tec
execute0_lowered:
.L_overlay_start_1:
0x0: {  	(tag) =	ssettag $0x1  }
0x1: {  	s0 =	rddreg [dreg:$0x0]  }
0x2: {  	s1 =	rddreg [dreg:$0x1]  }
0x3: {  	s2 =	rddreg [dreg:$0x2]  }
0x4: {  	s4 =	srdreg.scid;
	s9 =	stileid.u32;
	s3 =	simm.s32 $0x0  }
0x5: {  	s13 =	simm.s32 $0x3;
	s14 =	simm.s32 $0x2710;
	s15 =	simm.s32 $0x4E20  }
0x6: {  	s16 =	simm.s32 $0xC8;
	s17 =	simm.s32 $0x8020;
	s18 =	simm.s32 $0x1  }
0x7: {  	s20 =	simm.s32 $0xB220;
	s23 =	simm.s32 $0xE420;
	s24 =	simm.s32 $0x2  }
0x8: {  	s19 =	simm.s32 $0x4B00;
	s21 =	simm.s32 $0x2580;
	s22 =	simm.s32 $0x4BC8  }
0x9: {  	s28 =	simm.s32 $0x4D58;
	s29 =	simm.s32 $0x0;
	s7 =	smul.u32 $0x13880, s9  }
0xa: {  	s5 =	sand.u32 $0x1, s4;
	s25 =	sshll.u32 s9, $0x1;
	s9 =	smul.u32 $0x27100, s9  }
0xb: {  	[smem:$0x7FF] =	sst s3;
	s4 =	sadd.s32 $0x3800, s0;
	s6 =	smul.u32 $0x138800, s5  }
0xc: {  	_ =	strace $0x8000004A;
	s8 =	sor.u32 s5, s25;
	s5 =	ssub.s32 $0x2, s5  }
0xd: {  	s25 =	simm.s32 $0x2648;
	s8 =	smul.u32 $0x4E2, s8;
	s26 =	sshrl.u32 s5, $0x1  }
0xe: {  	s9 =	sshrl.u32 s9, $0x2;
	s30 =	sshrl.u32 s7, $0x1;
	s6 =	sadd.s32 s7, s6  }
0xf: {  	s12 =	ssub.s32 s5, s26;
	s31 =	sadd.s32 s9, s2;
	s7 =	sadd.s32 s30, s2  }
0x10: {  	s26 =	simm.s32 $0x4C90;
	s6 =	sshrl.u32 s6, $0x4;
	s10 =	sadd.s32 s8, s0  }
0x11: {  	s9 =	sadd.s32 $0x6400, s31;
	s12 =	smax.u32 s12, $0x1;
	s0 =	sadd.s32 s6, s0  }
0x12: {  	s5 =	sadd.s32 $0x17200, s10;
	s6 =	sadd.s32 s1, s8;
	s8 =	sadd.s32 $0x3200, s31  }
0x13: {  	v0 =	vimm.bf16 $0.0e+00;
	s10 =	sadd.s32 $0x9600, s31;
	s1 =	simm.s32 $0x24B8;
	s11 =	sadd.s32 $0x6F200, s0  }
.LBB2_1:
0x14: {  	[tilespmem:s3], [sflag:$0x3] =	stream.linear.gather [hbm4b:s5+s3], $0x2710, $0x38;
	[tilespmem:$0x1B260] =	vst v63  }
0x15: {  	_ =	swait.ge [sflag:s13], $0x2710  }
0x16: {  	[sflag:s13] =	ssyncset.done $0x0  }
0x17: {  	[sflag:s13] =	ssyncadd.s32 $0xFFFFD8F0  }
0x18: {  	[tilespmem:s14], [sflag:$0x3] =	stream.linear.gather [hbm4b:s6+s3], $0x2710, $0x38;
	[tilespmem:$0x1B260] =	vst v63  }
0x19: {  	_ =	swait.ge [sflag:s13], $0x2710  }
0x1a: {  	[sflag:s13] =	ssyncset.done $0x0  }
0x1b: {  	s31 =	simm.s32 $0x100;
	s30 =	simm.s32 $0x0;
	[sflag:s13] =	ssyncadd.s32 $0xFFFFD8F0  }
.LBB2_2:
0x1c: {  	p0 =	sne.s32 s31, $0xC700;
	[tilespmem:s30+$0x4E50] =	vst v0;
	s0 =	smov.u32 s31;
	s31 =	sadd.s32 $0x100, s31  }
.Ltmp0:
0x1d: {  	[tilespmem:s30+$0x4E40] =	vst v0;
	(pc) =	sbr.rel @p0 .LBB2_2-.Ltmp0, $3  }
0x1e: {  	[tilespmem:s30+$0x4E20] =	vst v0  }
0x1f: {  	[tilespmem:s30+$0x4E30] =	vst v0;
	_ =	sdelay $0x1  }
0x20: {  	s30 =	sshra.s32 s0, $0x2  }
0x21: {  	[tilespmem:s30+$0x4E50] =	vst v0  }
0x22: {  	[tilespmem:s30+$0x4E40] =	vst v0  }
0x23: {  	[tilespmem:s30+$0x4E20] =	vst v0  }
0x24: {  	[tilespmem:s30+$0x4E30] =	vst v0  }
0x25: {  	[spmem:s7] =	stream.linear.scatter [tilespmem:s15], [sflag:$0x3], $0x3200, $0x38;
	[tilespmem:$0x1B260] =	vst v63  }
0x26: {  	_ =	swait.ge [sflag:s13], $0x3200  }
0x27: {  	[sflag:s13] =	ssyncset.done $0x0  }
0x28: {  	[sflag:s13] =	ssyncadd.s32 $0xFFFFCE00  }
0x29: {  	[spmem:s8] =	stream.linear.scatter [tilespmem:s15], [sflag:$0x3], $0x3200, $0x38;
	[tilespmem:$0x1B260] =	vst v63  }
0x2a: {  	_ =	swait.ge [sflag:s13], $0x3200  }
0x2b: {  	[sflag:s13] =	ssyncset.done $0x0  }
0x2c: {  	[sflag:s13] =	ssyncadd.s32 $0xFFFFCE00  }
0x2d: {  	[spmem:s9] =	stream.linear.scatter [tilespmem:s15], [sflag:$0x3], $0x3200, $0x38;
	[tilespmem:$0x1B260] =	vst v63  }
0x2e: {  	_ =	swait.ge [sflag:s13], $0x3200  }
0x2f: {  	[sflag:s13] =	ssyncset.done $0x0  }
0x30: {  	[sflag:s13] =	ssyncadd.s32 $0xFFFFCE00  }
0x31: {  	[spmem:s10] =	stream.linear.scatter [tilespmem:s15], [sflag:$0x3], $0x640, $0x38;
	[tilespmem:$0x1B260] =	vst v63  }
0x32: {  	_ =	swait.ge [sflag:s13], $0x640  }
0x33: {  	[sflag:s13] =	ssyncset.done $0x0  }
0x34: {  	[sflag:s13] =	ssyncadd.s32 $0xFFFFF9C0  }
0x35: {  	s0 =	simm.s32 $0x0;
	[bflag:$0x0] =	sbarrier.arrive $0xFFFF  }
0x36: {  	[tilespmem:s15], [sflag:$0x1] =	stream.indirect.gather [hbm4b:s4+s16], $0x40, s0, s16, $0xb8;
	[tilespmem:$0x1B260] =	vst v63  }
0x37: {  	_ = 	snop  }
0x38: {  	[tilespmem:s17], [sflag:$0x1] =	stream.indirect.gather [hbm4b:s4+s16], $0x40, s16, s16, $0xb8;
	[tilespmem:$0x1B260] =	vst v63  }
0x39: {  	_ =	swait.ge [sflag:s18], $0x3200  }
0x3a: {  	[sflag:s18] =	ssyncset.done $0x0  }
0x3b: {  	[sflag:s18] =	ssyncadd.s32 $0xFFFFCE00  }
0x3c: {  	[spmem:s2] =	stream.indirect.scatter.add.bf16 [tilespmem:s15], [sflag:$0x2], $0x40, s14, s16, $0xb8;
	[tilespmem:$0x1B260] =	vst v63  }
0x3d: {  	s0 =	simm.s32 $0x190  }
0x3e: {  	[tilespmem:s20], [sflag:$0x1] =	stream.indirect.gather [hbm4b:s4+s16], $0x40, s0, s16, $0xb8;
	[tilespmem:$0x1B260] =	vst v63  }
0x3f: {  	_ =	swait.ge [sflag:s18], $0x3200  }
0x40: {  	[sflag:s18] =	ssyncset.done $0x0  }
0x41: {  	s0 =	simm.s32 $0x27D8;
	[sflag:s18] =	ssyncadd.s32 $0xFFFFCE00  }
0x42: {  	[spmem:s2] =	stream.indirect.scatter.add.bf16 [tilespmem:s17], [sflag:$0x2], $0x40, s0, s16, $0xb8;
	[tilespmem:$0x1B260] =	vst v63  }
0x43: {  	s0 =	simm.s32 $0x258  }
0x44: {  	[tilespmem:s23], [sflag:$0x1] =	stream.indirect.gather [hbm4b:s4+s16], $0x40, s0, s16, $0xb8;
	[tilespmem:$0x1B260] =	vst v63  }
0x45: {  	_ =	swait.ge [sflag:s18], $0x3200  }
0x46: {  	[sflag:s18] =	ssyncset.done $0x0  }
0x47: {  	[sflag:s18] =	ssyncadd.s32 $0xFFFFCE00  }
0x48: {  	_ =	swait.ge [sflag:s24], $0x3200  }
0x49: {  	[sflag:s24] =	ssyncset.done $0x0  }
0x4a: {  	s0 =	simm.s32 $0x28A0;
	[sflag:s24] =	ssyncadd.s32 $0xFFFFCE00  }
0x4b: {  	[spmem:s2] =	stream.indirect.scatter.add.bf16 [tilespmem:s20], [sflag:$0x2], $0x40, s0, s16, $0xb8;
	[tilespmem:$0x1B260] =	vst v63  }
0x4c: {  	s0 =	simm.s32 $0x320  }
0x4d: {  	[tilespmem:s15], [sflag:$0x1] =	stream.indirect.gather [hbm4b:s4+s16], $0x40, s0, s16, $0xb8;
	[tilespmem:$0x1B260] =	vst v63  }
0x4e: {  	_ =	swait.ge [sflag:s18], $0x3200  }
0x4f: {  	[sflag:s18] =	ssyncset.done $0x0  }
0x50: {  	[sflag:s18] =	ssyncadd.s32 $0xFFFFCE00  }
0x51: {  	_ =	swait.ge [sflag:s24], $0x3200  }
0x52: {  	[sflag:s24] =	ssyncset.done $0x0  }
0x53: {  	s0 =	simm.s32 $0x2968;
	[sflag:s24] =	ssyncadd.s32 $0xFFFFCE00  }
0x54: {  	[spmem:s2] =	stream.indirect.scatter.add.bf16 [tilespmem:s23], [sflag:$0x2], $0x40, s0, s16, $0xb8;
	[tilespmem:$0x1B260] =	vst v63  }
0x55: {  	s0 =	simm.s32 $0x3E8  }
0x56: {  	[tilespmem:s17], [sflag:$0x1] =	stream.indirect.gather [hbm4b:s4+s16], $0x40, s0, s16, $0xb8;
	[tilespmem:$0x1B260] =	vst v63  }
0x57: {  	_ =	swait.ge [sflag:s18], $0x3200  }
0x58: {  	[sflag:s18] =	ssyncset.done $0x0  }
0x59: {  	[sflag:s18] =	ssyncadd.s32 $0xFFFFCE00  }
0x5a: {  	_ =	swait.ge [sflag:s24], $0x3200  }
0x5b: {  	[sflag:s24] =	ssyncset.done $0x0  }
0x5c: {  	s0 =	simm.s32 $0x2A30;
	[sflag:s24] =	ssyncadd.s32 $0xFFFFCE00  }
0x5d: {  	[spmem:s2] =	stream.indirect.scatter.add.bf16 [tilespmem:s15], [sflag:$0x2], $0x40, s0, s16, $0xb8;
	[tilespmem:$0x1B260] =	vst v63  }
0x5e: {  	s0 =	simm.s32 $0x4B0  }
0x5f: {  	[tilespmem:s20], [sflag:$0x1] =	stream.indirect.gather [hbm4b:s4+s16], $0x40, s0, s16, $0xb8;
	[tilespmem:$0x1B260] =	vst v63  }
0x60: {  	_ =	swait.ge [sflag:s18], $0x3200  }
0x61: {  	[sflag:s18] =	ssyncset.done $0x0  }
0x62: {  	[sflag:s18] =	ssyncadd.s32 $0xFFFFCE00  }
0x63: {  	_ =	swait.ge [sflag:s24], $0x3200  }
0x64: {  	[sflag:s24] =	ssyncset.done $0x0  }
0x65: {  	s0 =	simm.s32 $0x2AF8;
	[sflag:s24] =	ssyncadd.s32 $0xFFFFCE00  }
0x66: {  	[spmem:s2] =	stream.indirect.scatter.add.bf16 [tilespmem:s17], [sflag:$0x2], $0x40, s0, s16, $0xb8;
	[tilespmem:$0x1B260] =	vst v63  }
0x67: {  	s0 =	simm.s32 $0x578  }
0x68: {  	[tilespmem:s23], [sflag:$0x1] =	stream.indirect.gather [hbm4b:s4+s16], $0x40, s0, s16, $0xb8;
	[tilespmem:$0x1B260] =	vst v63  }
0x69: {  	_ =	swait.ge [sflag:s18], $0x3200  }
0x6a: {  	[sflag:s18] =	ssyncset.done $0x0  }
0x6b: {  	[sflag:s18] =	ssyncadd.s32 $0xFFFFCE00  }
0x6c: {  	_ =	swait.ge [sflag:s24], $0x3200  }
0x6d: {  	[sflag:s24] =	ssyncset.done $0x0  }
0x6e: {  	s0 =	simm.s32 $0x2BC0;
	[sflag:s24] =	ssyncadd.s32 $0xFFFFCE00  }
0x6f: {  	[spmem:s2] =	stream.indirect.scatter.add.bf16 [tilespmem:s20], [sflag:$0x2], $0x40, s0, s16, $0xb8;
	[tilespmem:$0x1B260] =	vst v63  }
0x70: {  	s0 =	simm.s32 $0x640  }
0x71: {  	[tilespmem:s15], [sflag:$0x1] =	stream.indirect.gather [hbm4b:s4+s16], $0x40, s0, s16, $0xb8;
	[tilespmem:$0x1B260] =	vst v63  }
0x72: {  	_ =	swait.ge [sflag:s18], $0x3200  }
0x73: {  	[sflag:s18] =	ssyncset.done $0x0  }
0x74: {  	[sflag:s18] =	ssyncadd.s32 $0xFFFFCE00  }
0x75: {  	_ =	swait.ge [sflag:s24], $0x3200  }
0x76: {  	s30 =	simm.s32 $0xC80;
	[sflag:s24] =	ssyncset.done $0x0  }
0x77: {  	s31 =	simm.s32 $0x708;
	s0 =	simm.s32 $0x2C88;
	[sflag:s24] =	ssyncadd.s32 $0xFFFFCE00  }
0x78: {  	[spmem:s2] =	stream.indirect.scatter.add.bf16 [tilespmem:s23], [sflag:$0x2], $0x40, s0, s16, $0xb8;
	[tilespmem:$0x1B260] =	vst v63  }
.LBB2_4:
0x79: {  	[tilespmem:s17], [sflag:$0x1] =	stream.indirect.gather [hbm4b:s4+s16], $0x40, s31, s16, $0xb8;
	[tilespmem:$0x1B260] =	vst v63  }
0x7a: {  	s0 =	smov.u32 s30  }
0x7b: {  	p0 =	sne.s32 s30, $0x7080;
	s30 =	sadd.s32 $0xC80, s30;
	_ =	swait.ge [sflag:s18], $0x3200  }
0x7c: {  	[sflag:s18] =	ssyncset.done $0x0  }
0x7d: {  	[sflag:s18] =	ssyncadd.s32 $0xFFFFCE00  }
0x7e: {  	_ =	swait.ge [sflag:s24], $0x3200  }
0x7f: {  	s31 =	sshra.s32 s0, $0x2;
	[sflag:s24] =	ssyncset.done $0x0  }
0x80: {  	s0 =	sadd.s32 $0x2A30, s31;
	[sflag:s24] =	ssyncadd.s32 $0xFFFFCE00  }
0x81: {  	[spmem:s2] =	stream.indirect.scatter.add.bf16 [tilespmem:s15], [sflag:$0x2], $0x40, s0, s16, $0xb8;
	[tilespmem:$0x1B260] =	vst v63  }
0x82: {  	s0 =	sadd.s32 $0x4B0, s31  }
0x83: {  	[tilespmem:s20], [sflag:$0x1] =	stream.indirect.gather [hbm4b:s4+s16], $0x40, s0, s16, $0xb8;
	[tilespmem:$0x1B260] =	vst v63  }
0x84: {  	_ =	swait.ge [sflag:s18], $0x3200  }
0x85: {  	[sflag:s18] =	ssyncset.done $0x0  }
0x86: {  	[sflag:s18] =	ssyncadd.s32 $0xFFFFCE00  }
0x87: {  	_ =	swait.ge [sflag:s24], $0x3200  }
0x88: {  	[sflag:s24] =	ssyncset.done $0x0  }
0x89: {  	s0 =	sadd.s32 $0x2AF8, s31;
	[sflag:s24] =	ssyncadd.s32 $0xFFFFCE00  }
0x8a: {  	[spmem:s2] =	stream.indirect.scatter.add.bf16 [tilespmem:s17], [sflag:$0x2], $0x40, s0, s16, $0xb8;
	[tilespmem:$0x1B260] =	vst v63  }
0x8b: {  	s0 =	sadd.s32 $0x578, s31  }
0x8c: {  	[tilespmem:s23], [sflag:$0x1] =	stream.indirect.gather [hbm4b:s4+s16], $0x40, s0, s16, $0xb8;
	[tilespmem:$0x1B260] =	vst v63  }
0x8d: {  	_ =	swait.ge [sflag:s18], $0x3200  }
0x8e: {  	[sflag:s18] =	ssyncset.done $0x0  }
0x8f: {  	[sflag:s18] =	ssyncadd.s32 $0xFFFFCE00  }
0x90: {  	_ =	swait.ge [sflag:s24], $0x3200  }
0x91: {  	[sflag:s24] =	ssyncset.done $0x0  }
0x92: {  	s0 =	sadd.s32 $0x2BC0, s31;
	[sflag:s24] =	ssyncadd.s32 $0xFFFFCE00  }
0x93: {  	[spmem:s2] =	stream.indirect.scatter.add.bf16 [tilespmem:s20], [sflag:$0x2], $0x40, s0, s16, $0xb8;
	[tilespmem:$0x1B260] =	vst v63  }
0x94: {  	s0 =	sadd.s32 $0x640, s31  }
0x95: {  	[tilespmem:s15], [sflag:$0x1] =	stream.indirect.gather [hbm4b:s4+s16], $0x40, s0, s16, $0xb8;
	[tilespmem:$0x1B260] =	vst v63  }
0x96: {  	_ =	swait.ge [sflag:s18], $0x3200  }
0x97: {  	[sflag:s18] =	ssyncset.done $0x0  }
0x98: {  	[sflag:s18] =	ssyncadd.s32 $0xFFFFCE00  }
.Ltmp1:
0x99: {  	_ =	swait.ge [sflag:s24], $0x3200;
	(pc) =	sbr.rel @p0 .LBB2_4-.Ltmp1, $4  }
0x9a: {  	[sflag:s24] =	ssyncset.done $0x0  }
0x9b: {  	s0 =	sadd.s32 $0x2C88, s31;
	[sflag:s24] =	ssyncadd.s32 $0xFFFFCE00  }
0x9c: {  	[spmem:s2] =	stream.indirect.scatter.add.bf16 [tilespmem:s23], [sflag:$0x2], $0x40, s0, s16, $0xb8;
	[tilespmem:$0x1B260] =	vst v63  }
0x9d: {  	s31 =	sadd.s32 $0x708, s31  }
0x9e: {  	[tilespmem:s17], [sflag:$0x1] =	stream.indirect.gather [hbm4b:s4+s16], $0x40, s31, s16, $0xb8;
	[tilespmem:$0x1B260] =	vst v63  }
0x9f: {  	_ =	swait.ge [sflag:s18], $0x3200  }
0xa0: {  	[sflag:s18] =	ssyncset.done $0x0  }
0xa1: {  	[sflag:s18] =	ssyncadd.s32 $0xFFFFCE00  }
0xa2: {  	_ =	swait.ge [sflag:s24], $0x3200  }
0xa3: {  	[sflag:s24] =	ssyncset.done $0x0  }
0xa4: {  	s0 =	simm.s32 $0x4970;
	[sflag:s24] =	ssyncadd.s32 $0xFFFFCE00  }
0xa5: {  	[spmem:s2] =	stream.indirect.scatter.add.bf16 [tilespmem:s15], [sflag:$0x2], $0x40, s0, s16, $0xb8;
	[tilespmem:$0x1B260] =	vst v63  }
0xa6: {  	s31 =	simm.s32 $0x23F0  }
0xa7: {  	[tilespmem:s20], [sflag:$0x1] =	stream.indirect.gather [hbm4b:s4+s16], $0x40, s31, s16, $0xb8;
	[tilespmem:$0x1B260] =	vst v63  }
0xa8: {  	_ =	swait.ge [sflag:s18], $0x3200  }
0xa9: {  	[sflag:s18] =	ssyncset.done $0x0  }
0xaa: {  	[sflag:s18] =	ssyncadd.s32 $0xFFFFCE00  }
0xab: {  	_ =	swait.ge [sflag:s24], $0x3200  }
0xac: {  	[sflag:s24] =	ssyncset.done $0x0  }
0xad: {  	s30 =	simm.s32 $0x4A38;
	[sflag:s24] =	ssyncadd.s32 $0xFFFFCE00  }
0xae: {  	[spmem:s2] =	stream.indirect.scatter.add.bf16 [tilespmem:s17], [sflag:$0x2], $0x40, s30, s16, $0xb8;
	[tilespmem:$0x1B260] =	vst v63  }
0xaf: {  	_ = 	snop  }
0xb0: {  	[tilespmem:s23], [sflag:$0x1] =	stream.indirect.gather [hbm4b:s4+s16], $0x40, s1, s16, $0xb8;
	[tilespmem:$0x1B260] =	vst v63  }
0xb1: {  	_ =	swait.ge [sflag:s18], $0x3200  }
0xb2: {  	[sflag:s18] =	ssyncset.done $0x0  }
0xb3: {  	[sflag:s18] =	ssyncadd.s32 $0xFFFFCE00  }
0xb4: {  	_ =	swait.ge [sflag:s24], $0x3200  }
0xb5: {  	[sflag:s24] =	ssyncset.done $0x0  }
0xb6: {  	[sflag:s24] =	ssyncadd.s32 $0xFFFFCE00  }
0xb7: {  	[spmem:s2] =	stream.indirect.scatter.add.bf16 [tilespmem:s20], [sflag:$0x2], $0x40, s19, s16, $0xb8;
	[tilespmem:$0x1B260] =	vst v63  }
0xb8: {  	_ = 	snop  }
0xb9: {  	[tilespmem:s15], [sflag:$0x1] =	stream.indirect.gather [hbm4b:s4+s16], $0x40, s21, s16, $0xb8;
	[tilespmem:$0x1B260] =	vst v63  }
0xba: {  	_ =	swait.ge [sflag:s18], $0x3200  }
0xbb: {  	[sflag:s18] =	ssyncset.done $0x0  }
0xbc: {  	[sflag:s18] =	ssyncadd.s32 $0xFFFFCE00  }
0xbd: {  	_ =	swait.ge [sflag:s24], $0x3200  }
0xbe: {  	[sflag:s24] =	ssyncset.done $0x0  }
0xbf: {  	[sflag:s24] =	ssyncadd.s32 $0xFFFFCE00  }
0xc0: {  	[spmem:s2] =	stream.indirect.scatter.add.bf16 [tilespmem:s23], [sflag:$0x2], $0x40, s22, s16, $0xb8;
	[tilespmem:$0x1B260] =	vst v63  }
0xc1: {  	_ = 	snop  }
0xc2: {  	[tilespmem:s17], [sflag:$0x1] =	stream.indirect.gather [hbm4b:s4+s16], $0x40, s25, s16, $0xb8;
	[tilespmem:$0x1B260] =	vst v63  }
0xc3: {  	_ =	swait.ge [sflag:s18], $0x3200  }
0xc4: {  	[sflag:s18] =	ssyncset.done $0x0  }
0xc5: {  	[sflag:s18] =	ssyncadd.s32 $0xFFFFCE00  }
0xc6: {  	_ =	swait.ge [sflag:s24], $0x3200  }
0xc7: {  	[sflag:s24] =	ssyncset.done $0x0  }
0xc8: {  	[sflag:s24] =	ssyncadd.s32 $0xFFFFCE00  }
0xc9: {  	[spmem:s2] =	stream.indirect.scatter.add.bf16 [tilespmem:s15], [sflag:$0x2], $0x40, s26, s16, $0xb8;
	[tilespmem:$0x1B260] =	vst v63  }
0xca: {  	_ =	swait.ge [sflag:s18], $0x3200  }
0xcb: {  	[sflag:s18] =	ssyncset.done $0x0  }
0xcc: {  	[sflag:s18] =	ssyncadd.s32 $0xFFFFCE00  }
0xcd: {  	_ =	swait.ge [sflag:s24], $0x3200  }
0xce: {  	[sflag:s24] =	ssyncset.done $0x0  }
0xcf: {  	[sflag:s24] =	ssyncadd.s32 $0xFFFFCE00  }
0xd0: {  	[spmem:s2] =	stream.indirect.scatter.add.bf16 [tilespmem:s17], [sflag:$0x2], $0x40, s28, s16, $0xb8;
	[tilespmem:$0x1B260] =	vst v63  }
0xd1: {  	_ =	swait.ge [sflag:s24], $0x3200  }
0xd2: {  	[sflag:s24] =	ssyncset.done $0x0  }
0xd3: {  	[sflag:s24] =	ssyncadd.s32 $0xFFFFCE00  }
0xd4: {  	s31 =	stileid.u32;
	_ =	swait.ge [sflag:s24], $0x3200  }
0xd5: {  	s29 =	sadd.s32 $0x1, s29;
	s0 =	sshll.u32 s31, $0x6;
	[sflag:s24] =	ssyncset.done $0x0  }
0xd6: {  	p0 =	sne.s32 s29, s12;
	s0 =	sor.u32 $0x1C03, s0;
	[sflag:s24] =	ssyncadd.s32 $0xFFFFCE00  }
.Ltmp2:
0xd7: {  	s30 =	sshrl.u32 s7, $0x3;
	[bflag:$0x0] =	sbarrier.arrive $0xFFFF;
	(pc) =	sbr.rel @p0 .LBB2_1-.Ltmp2, $4  }
0xd8: {  	[hbm:s11], [sflag:s0] =	dma.local [spmem:s30], $0x1388  }
0xd9: {  	_ =	swait.ge [sflag:s13], $0x1388  }
0xda: {  	[sflag:s13] =	ssyncset.done $0x0  }
0xdb: {  	[sflag:s13] =	ssyncadd.s32 $0xFFFFEC78  }
0xdc: {  	_ =	sfence.sel $0x180000  }
0xdd: {  	[bflag:$0x0] =	sbarrier.arrive $0xFFFF  }
0xde: {  	_ =	strace $0x9000004A  }
0xdf: {  	s0 =	stileid.u32;
	[bflag:$0x2] =	sbarrier.arrive $0xFFFF  }
0xe0: {  	p0 =	sne.s32 s0, $0x0;
	s0 =	rddreg [dreg:$0x3]  }
0xe1: {  	s0 =	sadd.s32 @!p0 $0x100000, s0  }
0xe2: {  	[sflag:s0] =	ssyncadd.tile.s32 @!p0 $0x1;
	_ =	shalt  }
.Lfunc_end2:
_tile_overlayer_lowered:
.L_overlay_start_2:
0xe3: {  	(tag) =	ssettag $0x2  }
0xe4: {  	s0 =	rddreg [dreg:$0x0];
	s2 =	stileid.u32  }
0xe5: {  	s1 =	rddreg [dreg:$0x1];
	p0 =	sne.s32 s2, $0x0  }
0xe6: {  	s3 =	rddreg [dreg:$0x2];
	[bflag:$0x3] =	sbarrier.arrive $0xFFFF;
	s2 =	simm.s32 @!p0 $0x1C03  }
0xe7: {  	[timem:s3], [sflag:s2] =	dma.local @!p0 [hbm:s0], s1  }
0xe8: {  	s0 =	simm.s32 @!p0 $0x3  }
0xe9: {  	_ =	swait.ge @!p0 [sflag:s0], s1  }
0xea: {  	s1 =	ssub.s32 @!p0 $0x0, s1;
	[sflag:s0] =	ssyncset.done @!p0 $0x0  }
0xeb: {  	[sflag:s0] =	ssyncadd.s32 @!p0 s1  }
0xec: {  	[bflag:$0x3] =	sbarrier.arrive $0xFFFF  }
0xed: {  	_ =	shalt  }

// kernel: kernel.15.cloned.1.call-start
scs
__scs_entry_jumppad:
0x0: {  	(pc) =	sbr.rel $0x88, $3  }
0x1: {  	(tag) =	ssettag $0x0;
	lr =	simm.s32 $0x1  }
0x2: {  	[smem:$0x3F91] =	sst lr;
	_ =	strace $0xD0000000  }
0x3: {  	_ = 	snop  }
0x4: {  	_ = 	snop  }
0x5: {  	_ = 	snop  }
0x6: {  	_ = 	snop  }
0x7: {  	_ = 	snop  }
__scs_overlays_trampoline_lowered:
0x8: {  	[smem:$0x3FA0] =	sst s0  }
0x9: {  	[smem:$0x3FA1] =	sst s1  }
0xa: {  	[smem:$0x3FA2] =	sst s2  }
0xb: {  	[smem:$0x3FA3] =	sst s3  }
0xc: {  	[smem:$0x3FA4] =	sst s4  }
0xd: {  	[smem:$0x3FA5] =	sst s5  }
0xe: {  	[smem:$0x3FA6] =	sst s6  }
0xf: {  	[smem:$0x3FA7] =	sst s7  }
0x10: {  	[smem:$0x3FA8] =	sst s8  }
0x11: {  	[smem:$0x3FA9] =	sst s9;
	s0 =	simm.s32 @!p0 $0x0  }
0x12: {  	s1 =	sld [smem:$0x3F8F];
	s0 =	simm.s32 @p0 $0x1  }
0x13: {  	[smem:$0x3FAA] =	sst s0;
	s0 =	simm.s32 @!p1 $0x0  }
0x14: {  	s2 =	sld [smem:$0x3F8E];
	s0 =	simm.s32 @p1 $0x1  }
0x15: {  	[smem:$0x3FAB] =	sst s0;
	s0 =	simm.s32 @!p2 $0x0  }
0x16: {  	s3 =	sld [smem:$0x3FDB];
	s0 =	simm.s32 @p2 $0x1  }
0x17: {  	s4 =	simm.s32 $0x1BF5;
	[smem:$0x3FAD] =	sst s0  }
0x18: {  	s0 =	sld [smem:$0x3F90];
	_ =	swait.ge [sflag:s4], $0x0  }
0x19: {  	s7 =	sld [smem:$0x3F91]  }
0x1a: {  	s8 =	sadd.s32 $0xFFFFE003, lr  }
0x1b: {  	s9 =	sadd.s32 $0xFFFFFEF7, lr;
	s5 =	simm.s32 $0xFFFFFFFF;
	p2 =	slt.u32 s8, $0xFFFFF086  }
0x1c: {  	p1 =	slt.u32 s9, $0xF7A;
	s5 =	simm.s32 @!p2 $0x0  }
0x1d: {  	s5 =	simm.s32 @p1 $0x1;
	p0 =	seq.s32 s7, s2  }
0x1e: {  	s7 =	smul.u32 @!p0 $0xF7A, s2;
	p2 =	seq.s32 @!p0 s5, $0x0  }
0x1f: {  	s9 =	smul.u32 $0xF7A, s1;
	s8 =	simm.s32 @!p0 $0x1BF5;
	p2 =	por !p2, p0  }
0x20: {  	[sflag:s8] =	ssyncset.s32 @!p0 $0xFFFFF086;
	s6 =	sadd.s32 @!p0 s3, s7;
	s7 =	simm.s32 @!p0 $0x108  }
0x21: {  	s3 =	sadd.s32 s3, s9;
	s6 =	sadd.s32 @!p0 $0x88, s6;
	s7 =	simm.s32 @p2 $0x1082  }
0x22: {  	[simem:s7], [sflag:s8] =	dma.local @!p0 [hbm:s6], $0xF7A  }
0x23: {  	s9 =	sor.u32 $0xD0000000, s2;
	s6 =	simm.s32 $0x108;
	_ =	swait.ge @!p0 [sflag:s8], $0x0  }
0x24: {  	s3 =	sadd.s32 $0x88, s3;
	s6 =	simm.s32 @!p1 $0x1082;
	[sflag:s4] =	ssyncset.s32 $0xFFFFF086  }
0x25: {  	[simem:s6], [sflag:s4] =	dma.local [hbm:s3], $0xF7A  }
0x26: {  	[smem:$0x3F91] =	sst s1;
	(tag) =	ssettag s2;
	_ =	strace s9  }
0x27: {  	s1 =	sld [smem:$0x3FA1]  }
0x28: {  	s2 =	sld [smem:$0x3FA2]  }
0x29: {  	s4 =	sld [smem:$0x3FA4]  }
0x2a: {  	p0 =	seq.s32 s5, $0x0;
	s5 =	sld [smem:$0x3FA5]  }
0x2b: {  	s6 =	sld [smem:$0x3FA6]  }
0x2c: {  	s7 =	sld [smem:$0x3FA7]  }
0x2d: {  	s3 =	simm.s32 $0x108;
	s8 =	sld [smem:$0x3FA8]  }
0x2e: {  	s3 =	simm.s32 @!p0 $0x1082;
	s9 =	sld [smem:$0x3FA9]  }
0x2f: {  	lr =	sadd.s32 s0, s3;
	s0 =	sld [smem:$0x3FA0]  }
0x30: {  	s3 =	sld [smem:$0x3FA3]  }
0x31: {  	[smem:$0x3FAC] =	sst s10  }
0x32: {  	s10 =	sld [smem:$0x3FAA];
	_ =	sdelay $0x3  }
0x33: {  	p0 =	seq.s32 s10, $0x1;
	s10 =	sld [smem:$0x3FAC];
	_ =	sdelay $0x3  }
0x34: {  	[smem:$0x3FAC] =	sst s10  }
0x35: {  	s10 =	sld [smem:$0x3FAB];
	_ =	sdelay $0x3  }
0x36: {  	p1 =	seq.s32 s10, $0x1;
	s10 =	sld [smem:$0x3FAC];
	_ =	sdelay $0x3  }
0x37: {  	[smem:$0x3FAC] =	sst s10  }
0x38: {  	s10 =	sld [smem:$0x3FAD]  }
0x39: {  	_ = 	snop;
	(pc) =	sbr.ind lr, $3  }
0x3a: {  	_ = 	snop  }
0x3b: {  	_ = 	snop  }
0x3c: {  	p2 =	seq.s32 s10, $0x1;
	s10 =	sld [smem:$0x3FAC]  }
0x3d: {  	_ =	shalt  }
0x3e: {  	_ =	shalt  }
0x3f: {  	_ =	shalt  }
0x40: {  	_ =	shalt  }
0x41: {  	_ =	shalt  }
0x42: {  	_ =	shalt  }
0x43: {  	_ =	shalt  }
0x44: {  	_ =	shalt  }
0x45: {  	_ =	shalt  }
0x46: {  	_ =	shalt  }
0x47: {  	_ =	shalt  }
0x48: {  	_ =	shalt  }
0x49: {  	_ =	shalt  }
0x4a: {  	_ =	shalt  }
0x4b: {  	_ =	shalt  }
0x4c: {  	_ =	shalt  }
0x4d: {  	_ =	shalt  }
0x4e: {  	_ =	shalt  }
0x4f: {  	_ =	shalt  }
0x50: {  	_ =	shalt  }
0x51: {  	_ =	shalt  }
0x52: {  	_ =	shalt  }
0x53: {  	_ =	shalt  }
0x54: {  	_ =	shalt  }
0x55: {  	_ =	shalt  }
0x56: {  	_ =	shalt  }
0x57: {  	_ =	shalt  }
0x58: {  	_ =	shalt  }
0x59: {  	_ =	shalt  }
0x5a: {  	_ =	shalt  }
0x5b: {  	_ =	shalt  }
0x5c: {  	_ =	shalt  }
0x5d: {  	_ =	shalt  }
0x5e: {  	_ =	shalt  }
0x5f: {  	_ =	shalt  }
0x60: {  	_ =	shalt  }
0x61: {  	_ =	shalt  }
0x62: {  	_ =	shalt  }
0x63: {  	_ =	shalt  }
0x64: {  	_ =	shalt  }
0x65: {  	_ =	shalt  }
0x66: {  	_ =	shalt  }
0x67: {  	_ =	shalt  }
0x68: {  	_ =	shalt  }
0x69: {  	_ =	shalt  }
0x6a: {  	_ =	shalt  }
0x6b: {  	_ =	shalt  }
0x6c: {  	_ =	shalt  }
0x6d: {  	_ =	shalt  }
0x6e: {  	_ =	shalt  }
0x6f: {  	_ =	shalt  }
0x70: {  	_ =	shalt  }
0x71: {  	_ =	shalt  }
0x72: {  	_ =	shalt  }
0x73: {  	_ =	shalt  }
0x74: {  	_ =	shalt  }
0x75: {  	_ =	shalt  }
0x76: {  	_ =	shalt  }
0x77: {  	_ =	shalt  }
0x78: {  	_ =	shalt  }
0x79: {  	_ =	shalt  }
0x7a: {  	_ =	shalt  }
0x7b: {  	_ =	shalt  }
0x7c: {  	_ =	shalt  }
0x7d: {  	_ =	shalt  }
0x7e: {  	_ =	shalt  }
0x7f: {  	_ =	shalt  }
0x80: {  	_ =	shalt  }
0x81: {  	_ =	shalt  }
0x82: {  	_ =	shalt  }
0x83: {  	_ =	shalt  }
0x84: {  	_ =	shalt  }
0x85: {  	_ =	shalt  }
0x86: {  	_ =	shalt  }
0x87: {  	_ =	shalt  }
.Lfunc_end0:
.L_simem_size_0:
called_computation.2_lowered:
.L_overlay_start_0:
0x88: {  	s2 =	sld [smem:$0x3FD9]  }
0x89: {  	s3 =	sld [smem:$0x3FFE];
	_ =	sdelay $0x1  }
0x8a: {  	s1 =	srdreg.scid  }
0x8b: {  	s0 =	sand.u32 $0x1, s1  }
0x8c: {  	s17 =	sshll.u32 s0, $0xA;
	s2 =	sadd.s32 s3, s2  }
0x8d: {  	s2 =	sadd.s32 s2, s17  }
0x8e: {  	[smem:$0x3FB8] =	sst s2  }
0x8f: {  	_ = 	snop  }
0x90: {  	s2 =	sld [smem:$0x3FD0];
	(tm) =	ssettm $0x1  }
0x91: {  	s18 =	sld [smem:$0x3FFB];
	_ =	sdelay $0x3  }
0x92: {  	_ =	strace s18  }
0x93: {  	s3 =	sld [smem:$0x3FFC];
	_ =	sdelay $0x3  }
0x94: {  	_ =	strace s3  }
0x95: {  	s3 =	sld [smem:$0x3FFD];
	_ =	sdelay $0x3  }
0x96: {  	_ =	strace s3  }
0x97: {  	_ =	strace $0x8FFFFFFF  }
0x98: {  	s19 =	sld [smem:$0x3FDB];
	_ =	sdelay $0x1  }
0x99: {  	s4 =	simm.s32 $_scs_section_size  }
0x9a: {  	s5 =	simm.s32 $_size__tile_overlayer_lowered;
	s6 =	simm.s32 $_tile_overlayer_lowered  }
0x9b: {  	s22 =	simm.s32 $0x1BFF;
	s21 =	sshll.u32 s6, $0x1;
	s3 =	sadd.s32 s4, s19  }
0x9c: {  	s7 =	simm.s32 $0x0;
	s20 =	sshll.u32 s5, $0x1;
	s5 =	sadd.s32 s21, s3  }
0x9d: {  	[timem:s7], [sflag:s22] =	dma.local [hbm:s5], s20  }
0x9e: {  	_ =	swait.ge [sflag:s22], s20  }
0x9f: {  	s4 =	ssub.s32 $0x0, s20;
	[sflag:s22] =	ssyncset.done $0x0  }
0xa0: {  	[sflag:s22] =	ssyncadd.s32 s4;
	_ =	sdelay $0x1  }
0xa1: {  	s23 =	simm.s32 $0x1B8B  }
0xa2: {  	_ =	swait.ge [sflag:s23], $0x1  }
0xa3: {  	[sflag:s23] =	ssyncset.done $0x0  }
0xa4: {  	s25 =	simm.s32 $0x1B8E;
	s24 =	sld [smem:$0x3FFE];
	[sflag:s23] =	ssyncadd.s32 $0xFFFFFFFF  }
0xa5: {  	s26 =	simm.s32 $execute0_lowered;
	[smem:$0x3FD2] =	sst s25  }
0xa6: {  	s5 =	sshll.u32 s26, $0x1;
	_ =	strace $0x8000004C;
	[dreg:$0x1] =	wrdreg $0xFFFFFFFF  }
0xa7: {  	s28 =	simm.s32 $_size_execute0_lowered;
	s3 =	sadd.s32 s3, s5;
	[dreg:$0x0] =	wrdreg $0x0  }
0xa8: {  	s5 =	sshll.u32 s28, $0x1;
	[dreg:$0x2] =	wrdreg s3  }
0xa9: {  	[dreg:$0x3] =	wrdreg s5  }
0xaa: {  	[dreg:$0x4] =	wrdreg $0xC0  }
0xab: {  	_ =	task [dreg:s7], $0x5FFFF  }
0xac: {  	[dreg:$0x1] =	wrdreg $0xFFFFFFFF  }
0xad: {  	[dreg:$0x0] =	wrdreg $0x60  }
0xae: {  	[dreg:$0x2] =	wrdreg s24  }
0xaf: {  	[dreg:$0x3] =	wrdreg s2  }
0xb0: {  	[dreg:$0x4] =	wrdreg $0xB2200  }
0xb1: {  	[dreg:$0x5] =	wrdreg $0x9  }
0xb2: {  	_ =	task.clear_ibuf [dreg:s7], $0x6FFFF;
	_ =	strace $0x9000004C  }
0xb3: {  	s29 =	simm.s32 $0x9;
	_ =	strace $0x8000004E  }
0xb4: {  	_ =	swait.ge [sflag:s29], $0x1  }
0xb5: {  	[sflag:s29] =	ssyncadd.s32 $0xFFFFFFFF  }
0xb6: {  	_ =	strace $0x9000004E  }
0xb7: {  	_ =	sfence  }
0xb8: {  	s30 =	sld [smem:$0x0];
	_ =	sdelay $0x2  }
0xb9: {  	s31 =	sshll.u32 s1, $0xD;
	s1 =	sshrl.u32 s1, $0x2  }
0xba: {  	s3 =	sand.u32 $0x4000, s31;
	s1 =	sadd.s32 s1, s30  }
0xbb: {  	s0 =	sor.u32 s3, s0;
	s1 =	sshll.u32 s1, $0x11  }
0xbc: {  	s0 =	sor.u32 s1, s0  }
0xbd: {  	s0 =	sadd.s32 $0x8F2B, s0  }
0xbe: {  	[sflag:s0] =	ssyncadd.remote.s32 $0x1  }
0xbf: {  	_ =	sfence.sel $0xFFFF  }
0xc0: {  	[dreg:$0x0] =	wrdreg $0xFFFFFFFF;
	(pc) =	sbr.abs _section_cstart, $3  }
0xc1: {  	[dreg:$0x1] =	wrdreg $0xFFFFFFFF  }
0xc2: {  	_ =	task.clear_ibuf [dreg:s7], $0x2FFFF;
	_ =	strace $0x9FFFFFFF  }
0xc3: {  	(tm) =	ssettm $0x7FFFFFFF  }
tec
execute0_lowered:
.L_overlay_start_1:
0x0: {  	(tag) =	ssettag $0x1  }
0x1: {  	s0 =	rddreg [dreg:$0x0]  }
0x2: {  	s1 =	rddreg [dreg:$0x1]  }
0x3: {  	s2 =	rddreg [dreg:$0x2]  }
0x4: {  	s4 =	srdreg.scid;
	s9 =	stileid.u32;
	s3 =	simm.s32 $0x0  }
0x5: {  	s13 =	simm.s32 $0x3;
	s14 =	simm.s32 $0x2710;
	s15 =	simm.s32 $0x4E20  }
0x6: {  	s16 =	simm.s32 $0xC8;
	s17 =	simm.s32 $0x6720;
	s18 =	simm.s32 $0x1  }
0x7: {  	s20 =	simm.s32 $0x8020;
	s23 =	simm.s32 $0x9920;
	s24 =	simm.s32 $0x2  }
0x8: {  	s19 =	simm.s32 $0x4B00;
	s21 =	simm.s32 $0x2580;
	s22 =	simm.s32 $0x4BC8  }
0x9: {  	s28 =	simm.s32 $0x4D58;
	s29 =	simm.s32 $0x0;
	s7 =	smul.u32 $0x9C40, s9  }
0xa: {  	s5 =	sand.u32 $0x1, s4;
	s25 =	sshll.u32 s9, $0x1;
	s9 =	smul.u32 $0x13880, s9  }
0xb: {  	[smem:$0x7FF] =	sst s3;
	s4 =	sadd.s32 $0x3800, s0;
	s6 =	smul.u32 $0x9C400, s5  }
0xc: {  	_ =	strace $0x8000004D;
	s8 =	sor.u32 s5, s25;
	s5 =	ssub.s32 $0x2, s5  }
0xd: {  	s25 =	simm.s32 $0x2648;
	s8 =	smul.u32 $0x4E2, s8;
	s26 =	sshrl.u32 s5, $0x1  }
0xe: {  	s9 =	sshrl.u32 s9, $0x2;
	s30 =	sshrl.u32 s7, $0x1;
	s6 =	sadd.s32 s7, s6  }
0xf: {  	s12 =	ssub.s32 s5, s26;
	s31 =	sadd.s32 s9, s2;
	s7 =	sadd.s32 s30, s2  }
0x10: {  	s26 =	simm.s32 $0x4C90;
	s6 =	sshrl.u32 s6, $0x4;
	s10 =	sadd.s32 s8, s0  }
0x11: {  	s9 =	sadd.s32 $0x3200, s31;
	s12 =	smax.u32 s12, $0x1;
	s0 =	sadd.s32 s6, s0  }
0x12: {  	s5 =	sadd.s32 $0x17200, s10;
	s6 =	sadd.s32 s1, s8;
	s8 =	sadd.s32 $0x1900, s31  }
0x13: {  	v0 =	vimm.bf16 $0.0e+00;
	s10 =	sadd.s32 $0x4B00, s31;
	s1 =	simm.s32 $0x24B8;
	s11 =	sadd.s32 $0x6F200, s0  }
.LBB2_1:
0x14: {  	[tilespmem:s3], [sflag:$0x3] =	stream.linear.gather [hbm4b:s5+s3], $0x2710, $0x38;
	[tilespmem:$0x10040] =	vst v63  }
0x15: {  	_ =	swait.ge [sflag:s13], $0x2710  }
0x16: {  	[sflag:s13] =	ssyncset.done $0x0  }
0x17: {  	[sflag:s13] =	ssyncadd.s32 $0xFFFFD8F0  }
0x18: {  	[tilespmem:s14], [sflag:$0x3] =	stream.linear.gather [hbm4b:s6+s3], $0x2710, $0x38;
	[tilespmem:$0x10040] =	vst v63  }
0x19: {  	_ =	swait.ge [sflag:s13], $0x2710  }
0x1a: {  	[sflag:s13] =	ssyncset.done $0x0  }
0x1b: {  	s30 =	simm.s32 $0x80;
	s31 =	simm.s32 $0x0;
	[sflag:s13] =	ssyncadd.s32 $0xFFFFD8F0  }
.LBB2_2:
0x1c: {  	p0 =	sne.s32 s30, $0x6380;
	[tilespmem:s31+$0x4E20] =	vst v0;
	s0 =	smov.u32 s30;
	s30 =	sadd.s32 $0x80, s30  }
.Ltmp0:
0x1d: {  	[tilespmem:s31+$0x4E30] =	vst v0;
	(pc) =	sbr.rel @p0 .LBB2_2-.Ltmp0, $2  }
0x1e: {  	_ =	sdelay $0x2  }
0x1f: {  	s31 =	sshra.s32 s0, $0x2  }
0x20: {  	[tilespmem:s31+$0x4E20] =	vst v0  }
0x21: {  	[tilespmem:s31+$0x4E30] =	vst v0  }
0x22: {  	[spmem:s7] =	stream.linear.scatter [tilespmem:s15], [sflag:$0x3], $0x1900, $0x38;
	[tilespmem:$0x10040] =	vst v63  }
0x23: {  	_ =	swait.ge [sflag:s13], $0x1900  }
0x24: {  	[sflag:s13] =	ssyncset.done $0x0  }
0x25: {  	[sflag:s13] =	ssyncadd.s32 $0xFFFFE700  }
0x26: {  	[spmem:s8] =	stream.linear.scatter [tilespmem:s15], [sflag:$0x3], $0x1900, $0x38;
	[tilespmem:$0x10040] =	vst v63  }
0x27: {  	_ =	swait.ge [sflag:s13], $0x1900  }
0x28: {  	[sflag:s13] =	ssyncset.done $0x0  }
0x29: {  	[sflag:s13] =	ssyncadd.s32 $0xFFFFE700  }
0x2a: {  	[spmem:s9] =	stream.linear.scatter [tilespmem:s15], [sflag:$0x3], $0x1900, $0x38;
	[tilespmem:$0x10040] =	vst v63  }
0x2b: {  	_ =	swait.ge [sflag:s13], $0x1900  }
0x2c: {  	[sflag:s13] =	ssyncset.done $0x0  }
0x2d: {  	[sflag:s13] =	ssyncadd.s32 $0xFFFFE700  }
0x2e: {  	[spmem:s10] =	stream.linear.scatter [tilespmem:s15], [sflag:$0x3], $0x320, $0x38;
	[tilespmem:$0x10040] =	vst v63  }
0x2f: {  	_ =	swait.ge [sflag:s13], $0x320  }
0x30: {  	[sflag:s13] =	ssyncset.done $0x0  }
0x31: {  	[sflag:s13] =	ssyncadd.s32 $0xFFFFFCE0  }
0x32: {  	s0 =	simm.s32 $0x0;
	[bflag:$0x0] =	sbarrier.arrive $0xFFFF  }
0x33: {  	[tilespmem:s15], [sflag:$0x1] =	stream.indirect.gather [hbm4b:s4+s16], $0x20, s0, s16, $0xb8;
	[tilespmem:$0x10040] =	vst v63  }
0x34: {  	_ = 	snop  }
0x35: {  	[tilespmem:s17], [sflag:$0x1] =	stream.indirect.gather [hbm4b:s4+s16], $0x20, s16, s16, $0xb8;
	[tilespmem:$0x10040] =	vst v63  }
0x36: {  	_ =	swait.ge [sflag:s18], $0x1900  }
0x37: {  	[sflag:s18] =	ssyncset.done $0x0  }
0x38: {  	[sflag:s18] =	ssyncadd.s32 $0xFFFFE700  }
0x39: {  	[spmem:s2] =	stream.indirect.scatter.add.bf16 [tilespmem:s15], [sflag:$0x2], $0x20, s14, s16, $0xb8;
	[tilespmem:$0x10040] =	vst v63  }
0x3a: {  	s0 =	simm.s32 $0x190  }
0x3b: {  	[tilespmem:s20], [sflag:$0x1] =	stream.indirect.gather [hbm4b:s4+s16], $0x20, s0, s16, $0xb8;
	[tilespmem:$0x10040] =	vst v63  }
0x3c: {  	_ =	swait.ge [sflag:s18], $0x1900  }
0x3d: {  	[sflag:s18] =	ssyncset.done $0x0  }
0x3e: {  	s0 =	simm.s32 $0x27D8;
	[sflag:s18] =	ssyncadd.s32 $0xFFFFE700  }
0x3f: {  	[spmem:s2] =	stream.indirect.scatter.add.bf16 [tilespmem:s17], [sflag:$0x2], $0x20, s0, s16, $0xb8;
	[tilespmem:$0x10040] =	vst v63  }
0x40: {  	s0 =	simm.s32 $0x258  }
0x41: {  	[tilespmem:s23], [sflag:$0x1] =	stream.indirect.gather [hbm4b:s4+s16], $0x20, s0, s16, $0xb8;
	[tilespmem:$0x10040] =	vst v63  }
0x42: {  	_ =	swait.ge [sflag:s18], $0x1900  }
0x43: {  	[sflag:s18] =	ssyncset.done $0x0  }
0x44: {  	[sflag:s18] =	ssyncadd.s32 $0xFFFFE700  }
0x45: {  	_ =	swait.ge [sflag:s24], $0x1900  }
0x46: {  	[sflag:s24] =	ssyncset.done $0x0  }
0x47: {  	s0 =	simm.s32 $0x28A0;
	[sflag:s24] =	ssyncadd.s32 $0xFFFFE700  }
0x48: {  	[spmem:s2] =	stream.indirect.scatter.add.bf16 [tilespmem:s20], [sflag:$0x2], $0x20, s0, s16, $0xb8;
	[tilespmem:$0x10040] =	vst v63  }
0x49: {  	s0 =	simm.s32 $0x320  }
0x4a: {  	[tilespmem:s15], [sflag:$0x1] =	stream.indirect.gather [hbm4b:s4+s16], $0x20, s0, s16, $0xb8;
	[tilespmem:$0x10040] =	vst v63  }
0x4b: {  	_ =	swait.ge [sflag:s18], $0x1900  }
0x4c: {  	[sflag:s18] =	ssyncset.done $0x0  }
0x4d: {  	[sflag:s18] =	ssyncadd.s32 $0xFFFFE700  }
0x4e: {  	_ =	swait.ge [sflag:s24], $0x1900  }
0x4f: {  	[sflag:s24] =	ssyncset.done $0x0  }
0x50: {  	s0 =	simm.s32 $0x2968;
	[sflag:s24] =	ssyncadd.s32 $0xFFFFE700  }
0x51: {  	[spmem:s2] =	stream.indirect.scatter.add.bf16 [tilespmem:s23], [sflag:$0x2], $0x20, s0, s16, $0xb8;
	[tilespmem:$0x10040] =	vst v63  }
0x52: {  	s0 =	simm.s32 $0x3E8  }
0x53: {  	[tilespmem:s17], [sflag:$0x1] =	stream.indirect.gather [hbm4b:s4+s16], $0x20, s0, s16, $0xb8;
	[tilespmem:$0x10040] =	vst v63  }
0x54: {  	_ =	swait.ge [sflag:s18], $0x1900  }
0x55: {  	[sflag:s18] =	ssyncset.done $0x0  }
0x56: {  	[sflag:s18] =	ssyncadd.s32 $0xFFFFE700  }
0x57: {  	_ =	swait.ge [sflag:s24], $0x1900  }
0x58: {  	[sflag:s24] =	ssyncset.done $0x0  }
0x59: {  	s0 =	simm.s32 $0x2A30;
	[sflag:s24] =	ssyncadd.s32 $0xFFFFE700  }
0x5a: {  	[spmem:s2] =	stream.indirect.scatter.add.bf16 [tilespmem:s15], [sflag:$0x2], $0x20, s0, s16, $0xb8;
	[tilespmem:$0x10040] =	vst v63  }
0x5b: {  	s0 =	simm.s32 $0x4B0  }
0x5c: {  	[tilespmem:s20], [sflag:$0x1] =	stream.indirect.gather [hbm4b:s4+s16], $0x20, s0, s16, $0xb8;
	[tilespmem:$0x10040] =	vst v63  }
0x5d: {  	_ =	swait.ge [sflag:s18], $0x1900  }
0x5e: {  	[sflag:s18] =	ssyncset.done $0x0  }
0x5f: {  	[sflag:s18] =	ssyncadd.s32 $0xFFFFE700  }
0x60: {  	_ =	swait.ge [sflag:s24], $0x1900  }
0x61: {  	[sflag:s24] =	ssyncset.done $0x0  }
0x62: {  	s0 =	simm.s32 $0x2AF8;
	[sflag:s24] =	ssyncadd.s32 $0xFFFFE700  }
0x63: {  	[spmem:s2] =	stream.indirect.scatter.add.bf16 [tilespmem:s17], [sflag:$0x2], $0x20, s0, s16, $0xb8;
	[tilespmem:$0x10040] =	vst v63  }
0x64: {  	s0 =	simm.s32 $0x578  }
0x65: {  	[tilespmem:s23], [sflag:$0x1] =	stream.indirect.gather [hbm4b:s4+s16], $0x20, s0, s16, $0xb8;
	[tilespmem:$0x10040] =	vst v63  }
0x66: {  	_ =	swait.ge [sflag:s18], $0x1900  }
0x67: {  	[sflag:s18] =	ssyncset.done $0x0  }
0x68: {  	[sflag:s18] =	ssyncadd.s32 $0xFFFFE700  }
0x69: {  	_ =	swait.ge [sflag:s24], $0x1900  }
0x6a: {  	[sflag:s24] =	ssyncset.done $0x0  }
0x6b: {  	s0 =	simm.s32 $0x2BC0;
	[sflag:s24] =	ssyncadd.s32 $0xFFFFE700  }
0x6c: {  	[spmem:s2] =	stream.indirect.scatter.add.bf16 [tilespmem:s20], [sflag:$0x2], $0x20, s0, s16, $0xb8;
	[tilespmem:$0x10040] =	vst v63  }
0x6d: {  	s0 =	simm.s32 $0x640  }
0x6e: {  	[tilespmem:s15], [sflag:$0x1] =	stream.indirect.gather [hbm4b:s4+s16], $0x20, s0, s16, $0xb8;
	[tilespmem:$0x10040] =	vst v63  }
0x6f: {  	_ =	swait.ge [sflag:s18], $0x1900  }
0x70: {  	[sflag:s18] =	ssyncset.done $0x0  }
0x71: {  	[sflag:s18] =	ssyncadd.s32 $0xFFFFE700  }
0x72: {  	_ =	swait.ge [sflag:s24], $0x1900  }
0x73: {  	s30 =	simm.s32 $0xC80;
	[sflag:s24] =	ssyncset.done $0x0  }
0x74: {  	s31 =	simm.s32 $0x708;
	s0 =	simm.s32 $0x2C88;
	[sflag:s24] =	ssyncadd.s32 $0xFFFFE700  }
0x75: {  	[spmem:s2] =	stream.indirect.scatter.add.bf16 [tilespmem:s23], [sflag:$0x2], $0x20, s0, s16, $0xb8;
	[tilespmem:$0x10040] =	vst v63  }
.LBB2_4:
0x76: {  	[tilespmem:s17], [sflag:$0x1] =	stream.indirect.gather [hbm4b:s4+s16], $0x20, s31, s16, $0xb8;
	[tilespmem:$0x10040] =	vst v63  }
0x77: {  	s0 =	smov.u32 s30  }
0x78: {  	p0 =	sne.s32 s30, $0x7080;
	s30 =	sadd.s32 $0xC80, s30;
	_ =	swait.ge [sflag:s18], $0x1900  }
0x79: {  	[sflag:s18] =	ssyncset.done $0x0  }
0x7a: {  	[sflag:s18] =	ssyncadd.s32 $0xFFFFE700  }
0x7b: {  	_ =	swait.ge [sflag:s24], $0x1900  }
0x7c: {  	s31 =	sshra.s32 s0, $0x2;
	[sflag:s24] =	ssyncset.done $0x0  }
0x7d: {  	s0 =	sadd.s32 $0x2A30, s31;
	[sflag:s24] =	ssyncadd.s32 $0xFFFFE700  }
0x7e: {  	[spmem:s2] =	stream.indirect.scatter.add.bf16 [tilespmem:s15], [sflag:$0x2], $0x20, s0, s16, $0xb8;
	[tilespmem:$0x10040] =	vst v63  }
0x7f: {  	s0 =	sadd.s32 $0x4B0, s31  }
0x80: {  	[tilespmem:s20], [sflag:$0x1] =	stream.indirect.gather [hbm4b:s4+s16], $0x20, s0, s16, $0xb8;
	[tilespmem:$0x10040] =	vst v63  }
0x81: {  	_ =	swait.ge [sflag:s18], $0x1900  }
0x82: {  	[sflag:s18] =	ssyncset.done $0x0  }
0x83: {  	[sflag:s18] =	ssyncadd.s32 $0xFFFFE700  }
0x84: {  	_ =	swait.ge [sflag:s24], $0x1900  }
0x85: {  	[sflag:s24] =	ssyncset.done $0x0  }
0x86: {  	s0 =	sadd.s32 $0x2AF8, s31;
	[sflag:s24] =	ssyncadd.s32 $0xFFFFE700  }
0x87: {  	[spmem:s2] =	stream.indirect.scatter.add.bf16 [tilespmem:s17], [sflag:$0x2], $0x20, s0, s16, $0xb8;
	[tilespmem:$0x10040] =	vst v63  }
0x88: {  	s0 =	sadd.s32 $0x578, s31  }
0x89: {  	[tilespmem:s23], [sflag:$0x1] =	stream.indirect.gather [hbm4b:s4+s16], $0x20, s0, s16, $0xb8;
	[tilespmem:$0x10040] =	vst v63  }
0x8a: {  	_ =	swait.ge [sflag:s18], $0x1900  }
0x8b: {  	[sflag:s18] =	ssyncset.done $0x0  }
0x8c: {  	[sflag:s18] =	ssyncadd.s32 $0xFFFFE700  }
0x8d: {  	_ =	swait.ge [sflag:s24], $0x1900  }
0x8e: {  	[sflag:s24] =	ssyncset.done $0x0  }
0x8f: {  	s0 =	sadd.s32 $0x2BC0, s31;
	[sflag:s24] =	ssyncadd.s32 $0xFFFFE700  }
0x90: {  	[spmem:s2] =	stream.indirect.scatter.add.bf16 [tilespmem:s20], [sflag:$0x2], $0x20, s0, s16, $0xb8;
	[tilespmem:$0x10040] =	vst v63  }
0x91: {  	s0 =	sadd.s32 $0x640, s31  }
0x92: {  	[tilespmem:s15], [sflag:$0x1] =	stream.indirect.gather [hbm4b:s4+s16], $0x20, s0, s16, $0xb8;
	[tilespmem:$0x10040] =	vst v63  }
0x93: {  	_ =	swait.ge [sflag:s18], $0x1900  }
0x94: {  	[sflag:s18] =	ssyncset.done $0x0  }
0x95: {  	[sflag:s18] =	ssyncadd.s32 $0xFFFFE700  }
.Ltmp1:
0x96: {  	_ =	swait.ge [sflag:s24], $0x1900;
	(pc) =	sbr.rel @p0 .LBB2_4-.Ltmp1, $4  }
0x97: {  	[sflag:s24] =	ssyncset.done $0x0  }
0x98: {  	s0 =	sadd.s32 $0x2C88, s31;
	[sflag:s24] =	ssyncadd.s32 $0xFFFFE700  }
0x99: {  	[spmem:s2] =	stream.indirect.scatter.add.bf16 [tilespmem:s23], [sflag:$0x2], $0x20, s0, s16, $0xb8;
	[tilespmem:$0x10040] =	vst v63  }
0x9a: {  	s31 =	sadd.s32 $0x708, s31  }
0x9b: {  	[tilespmem:s17], [sflag:$0x1] =	stream.indirect.gather [hbm4b:s4+s16], $0x20, s31, s16, $0xb8;
	[tilespmem:$0x10040] =	vst v63  }
0x9c: {  	_ =	swait.ge [sflag:s18], $0x1900  }
0x9d: {  	[sflag:s18] =	ssyncset.done $0x0  }
0x9e: {  	[sflag:s18] =	ssyncadd.s32 $0xFFFFE700  }
0x9f: {  	_ =	swait.ge [sflag:s24], $0x1900  }
0xa0: {  	[sflag:s24] =	ssyncset.done $0x0  }
0xa1: {  	s0 =	simm.s32 $0x4970;
	[sflag:s24] =	ssyncadd.s32 $0xFFFFE700  }
0xa2: {  	[spmem:s2] =	stream.indirect.scatter.add.bf16 [tilespmem:s15], [sflag:$0x2], $0x20, s0, s16, $0xb8;
	[tilespmem:$0x10040] =	vst v63  }
0xa3: {  	s31 =	simm.s32 $0x23F0  }
0xa4: {  	[tilespmem:s20], [sflag:$0x1] =	stream.indirect.gather [hbm4b:s4+s16], $0x20, s31, s16, $0xb8;
	[tilespmem:$0x10040] =	vst v63  }
0xa5: {  	_ =	swait.ge [sflag:s18], $0x1900  }
0xa6: {  	[sflag:s18] =	ssyncset.done $0x0  }
0xa7: {  	[sflag:s18] =	ssyncadd.s32 $0xFFFFE700  }
0xa8: {  	_ =	swait.ge [sflag:s24], $0x1900  }
0xa9: {  	[sflag:s24] =	ssyncset.done $0x0  }
0xaa: {  	s30 =	simm.s32 $0x4A38;
	[sflag:s24] =	ssyncadd.s32 $0xFFFFE700  }
0xab: {  	[spmem:s2] =	stream.indirect.scatter.add.bf16 [tilespmem:s17], [sflag:$0x2], $0x20, s30, s16, $0xb8;
	[tilespmem:$0x10040] =	vst v63  }
0xac: {  	_ = 	snop  }
0xad: {  	[tilespmem:s23], [sflag:$0x1] =	stream.indirect.gather [hbm4b:s4+s16], $0x20, s1, s16, $0xb8;
	[tilespmem:$0x10040] =	vst v63  }
0xae: {  	_ =	swait.ge [sflag:s18], $0x1900  }
0xaf: {  	[sflag:s18] =	ssyncset.done $0x0  }
0xb0: {  	[sflag:s18] =	ssyncadd.s32 $0xFFFFE700  }
0xb1: {  	_ =	swait.ge [sflag:s24], $0x1900  }
0xb2: {  	[sflag:s24] =	ssyncset.done $0x0  }
0xb3: {  	[sflag:s24] =	ssyncadd.s32 $0xFFFFE700  }
0xb4: {  	[spmem:s2] =	stream.indirect.scatter.add.bf16 [tilespmem:s20], [sflag:$0x2], $0x20, s19, s16, $0xb8;
	[tilespmem:$0x10040] =	vst v63  }
0xb5: {  	_ = 	snop  }
0xb6: {  	[tilespmem:s15], [sflag:$0x1] =	stream.indirect.gather [hbm4b:s4+s16], $0x20, s21, s16, $0xb8;
	[tilespmem:$0x10040] =	vst v63  }
0xb7: {  	_ =	swait.ge [sflag:s18], $0x1900  }
0xb8: {  	[sflag:s18] =	ssyncset.done $0x0  }
0xb9: {  	[sflag:s18] =	ssyncadd.s32 $0xFFFFE700  }
0xba: {  	_ =	swait.ge [sflag:s24], $0x1900  }
0xbb: {  	[sflag:s24] =	ssyncset.done $0x0  }
0xbc: {  	[sflag:s24] =	ssyncadd.s32 $0xFFFFE700  }
0xbd: {  	[spmem:s2] =	stream.indirect.scatter.add.bf16 [tilespmem:s23], [sflag:$0x2], $0x20, s22, s16, $0xb8;
	[tilespmem:$0x10040] =	vst v63  }
0xbe: {  	_ = 	snop  }
0xbf: {  	[tilespmem:s17], [sflag:$0x1] =	stream.indirect.gather [hbm4b:s4+s16], $0x20, s25, s16, $0xb8;
	[tilespmem:$0x10040] =	vst v63  }
0xc0: {  	_ =	swait.ge [sflag:s18], $0x1900  }
0xc1: {  	[sflag:s18] =	ssyncset.done $0x0  }
0xc2: {  	[sflag:s18] =	ssyncadd.s32 $0xFFFFE700  }
0xc3: {  	_ =	swait.ge [sflag:s24], $0x1900  }
0xc4: {  	[sflag:s24] =	ssyncset.done $0x0  }
0xc5: {  	[sflag:s24] =	ssyncadd.s32 $0xFFFFE700  }
0xc6: {  	[spmem:s2] =	stream.indirect.scatter.add.bf16 [tilespmem:s15], [sflag:$0x2], $0x20, s26, s16, $0xb8;
	[tilespmem:$0x10040] =	vst v63  }
0xc7: {  	_ =	swait.ge [sflag:s18], $0x1900  }
0xc8: {  	[sflag:s18] =	ssyncset.done $0x0  }
0xc9: {  	[sflag:s18] =	ssyncadd.s32 $0xFFFFE700  }
0xca: {  	_ =	swait.ge [sflag:s24], $0x1900  }
0xcb: {  	[sflag:s24] =	ssyncset.done $0x0  }
0xcc: {  	[sflag:s24] =	ssyncadd.s32 $0xFFFFE700  }
0xcd: {  	[spmem:s2] =	stream.indirect.scatter.add.bf16 [tilespmem:s17], [sflag:$0x2], $0x20, s28, s16, $0xb8;
	[tilespmem:$0x10040] =	vst v63  }
0xce: {  	_ =	swait.ge [sflag:s24], $0x1900  }
0xcf: {  	[sflag:s24] =	ssyncset.done $0x0  }
0xd0: {  	[sflag:s24] =	ssyncadd.s32 $0xFFFFE700  }
0xd1: {  	s31 =	stileid.u32;
	_ =	swait.ge [sflag:s24], $0x1900  }
0xd2: {  	s29 =	sadd.s32 $0x1, s29;
	s0 =	sshll.u32 s31, $0x6;
	[sflag:s24] =	ssyncset.done $0x0  }
0xd3: {  	p0 =	sne.s32 s29, s12;
	s0 =	sor.u32 $0x1C03, s0;
	[sflag:s24] =	ssyncadd.s32 $0xFFFFE700  }
.Ltmp2:
0xd4: {  	s30 =	sshrl.u32 s7, $0x3;
	[bflag:$0x0] =	sbarrier.arrive $0xFFFF;
	(pc) =	sbr.rel @p0 .LBB2_1-.Ltmp2, $4  }
0xd5: {  	[hbm:s11], [sflag:s0] =	dma.local [spmem:s30], $0x9C4  }
0xd6: {  	_ =	swait.ge [sflag:s13], $0x9C4  }
0xd7: {  	[sflag:s13] =	ssyncset.done $0x0  }
0xd8: {  	[sflag:s13] =	ssyncadd.s32 $0xFFFFF63C  }
0xd9: {  	_ =	sfence.sel $0x180000  }
0xda: {  	[bflag:$0x0] =	sbarrier.arrive $0xFFFF  }
0xdb: {  	_ =	strace $0x9000004D  }
0xdc: {  	s0 =	stileid.u32;
	[bflag:$0x2] =	sbarrier.arrive $0xFFFF  }
0xdd: {  	p0 =	sne.s32 s0, $0x0;
	s0 =	rddreg [dreg:$0x3]  }
0xde: {  	s0 =	sadd.s32 @!p0 $0x100000, s0  }
0xdf: {  	[sflag:s0] =	ssyncadd.tile.s32 @!p0 $0x1;
	_ =	shalt  }
.Lfunc_end2:
_tile_overlayer_lowered:
.L_overlay_start_2:
0xe0: {  	(tag) =	ssettag $0x2  }
0xe1: {  	s0 =	rddreg [dreg:$0x0];
	s2 =	stileid.u32  }
0xe2: {  	s1 =	rddreg [dreg:$0x1];
	p0 =	sne.s32 s2, $0x0  }
0xe3: {  	s3 =	rddreg [dreg:$0x2];
	[bflag:$0x3] =	sbarrier.arrive $0xFFFF;
	s2 =	simm.s32 @!p0 $0x1C03  }
0xe4: {  	[timem:s3], [sflag:s2] =	dma.local @!p0 [hbm:s0], s1  }
0xe5: {  	s0 =	simm.s32 @!p0 $0x3  }
0xe6: {  	_ =	swait.ge @!p0 [sflag:s0], s1  }
0xe7: {  	s1 =	ssub.s32 @!p0 $0x0, s1;
	[sflag:s0] =	ssyncset.done @!p0 $0x0  }
0xe8: {  	[sflag:s0] =	ssyncadd.s32 @!p0 s1  }
0xe9: {  	[bflag:$0x3] =	sbarrier.arrive $0xFFFF  }
0xea: {  	_ =	shalt  }

// kernel: kernel.9.cloned.1.call-start
scs
__scs_entry_jumppad:
0x0: {  	(pc) =	sbr.rel $0x88, $3  }
0x1: {  	(tag) =	ssettag $0x0;
	lr =	simm.s32 $0x1  }
0x2: {  	[smem:$0x3F91] =	sst lr;
	_ =	strace $0xD0000000  }
0x3: {  	_ = 	snop  }
0x4: {  	_ = 	snop  }
0x5: {  	_ = 	snop  }
0x6: {  	_ = 	snop  }
0x7: {  	_ = 	snop  }
__scs_overlays_trampoline_lowered:
0x8: {  	[smem:$0x3FA0] =	sst s0  }
0x9: {  	[smem:$0x3FA1] =	sst s1  }
0xa: {  	[smem:$0x3FA2] =	sst s2  }
0xb: {  	[smem:$0x3FA3] =	sst s3  }
0xc: {  	[smem:$0x3FA4] =	sst s4  }
0xd: {  	[smem:$0x3FA5] =	sst s5  }
0xe: {  	[smem:$0x3FA6] =	sst s6  }
0xf: {  	[smem:$0x3FA7] =	sst s7  }
0x10: {  	[smem:$0x3FA8] =	sst s8  }
0x11: {  	[smem:$0x3FA9] =	sst s9;
	s0 =	simm.s32 @!p0 $0x0  }
0x12: {  	s1 =	sld [smem:$0x3F8F];
	s0 =	simm.s32 @p0 $0x1  }
0x13: {  	[smem:$0x3FAA] =	sst s0;
	s0 =	simm.s32 @!p1 $0x0  }
0x14: {  	s2 =	sld [smem:$0x3F8E];
	s0 =	simm.s32 @p1 $0x1  }
0x15: {  	[smem:$0x3FAB] =	sst s0;
	s0 =	simm.s32 @!p2 $0x0  }
0x16: {  	s3 =	sld [smem:$0x3FDB];
	s0 =	simm.s32 @p2 $0x1  }
0x17: {  	s4 =	simm.s32 $0x1BF5;
	[smem:$0x3FAD] =	sst s0  }
0x18: {  	s0 =	sld [smem:$0x3F90];
	_ =	swait.ge [sflag:s4], $0x0  }
0x19: {  	s7 =	sld [smem:$0x3F91]  }
0x1a: {  	s8 =	sadd.s32 $0xFFFFE003, lr  }
0x1b: {  	s9 =	sadd.s32 $0xFFFFFEF7, lr;
	s5 =	simm.s32 $0xFFFFFFFF;
	p2 =	slt.u32 s8, $0xFFFFF086  }
0x1c: {  	p1 =	slt.u32 s9, $0xF7A;
	s5 =	simm.s32 @!p2 $0x0  }
0x1d: {  	s5 =	simm.s32 @p1 $0x1;
	p0 =	seq.s32 s7, s2  }
0x1e: {  	s7 =	smul.u32 @!p0 $0xF7A, s2;
	p2 =	seq.s32 @!p0 s5, $0x0  }
0x1f: {  	s9 =	smul.u32 $0xF7A, s1;
	s8 =	simm.s32 @!p0 $0x1BF5;
	p2 =	por !p2, p0  }
0x20: {  	[sflag:s8] =	ssyncset.s32 @!p0 $0xFFFFF086;
	s6 =	sadd.s32 @!p0 s3, s7;
	s7 =	simm.s32 @!p0 $0x108  }
0x21: {  	s3 =	sadd.s32 s3, s9;
	s6 =	sadd.s32 @!p0 $0x88, s6;
	s7 =	simm.s32 @p2 $0x1082  }
0x22: {  	[simem:s7], [sflag:s8] =	dma.local @!p0 [hbm:s6], $0xF7A  }
0x23: {  	s9 =	sor.u32 $0xD0000000, s2;
	s6 =	simm.s32 $0x108;
	_ =	swait.ge @!p0 [sflag:s8], $0x0  }
0x24: {  	s3 =	sadd.s32 $0x88, s3;
	s6 =	simm.s32 @!p1 $0x1082;
	[sflag:s4] =	ssyncset.s32 $0xFFFFF086  }
0x25: {  	[simem:s6], [sflag:s4] =	dma.local [hbm:s3], $0xF7A  }
0x26: {  	[smem:$0x3F91] =	sst s1;
	(tag) =	ssettag s2;
	_ =	strace s9  }
0x27: {  	s1 =	sld [smem:$0x3FA1]  }
0x28: {  	s2 =	sld [smem:$0x3FA2]  }
0x29: {  	s4 =	sld [smem:$0x3FA4]  }
0x2a: {  	p0 =	seq.s32 s5, $0x0;
	s5 =	sld [smem:$0x3FA5]  }
0x2b: {  	s6 =	sld [smem:$0x3FA6]  }
0x2c: {  	s7 =	sld [smem:$0x3FA7]  }
0x2d: {  	s3 =	simm.s32 $0x108;
	s8 =	sld [smem:$0x3FA8]  }
0x2e: {  	s3 =	simm.s32 @!p0 $0x1082;
	s9 =	sld [smem:$0x3FA9]  }
0x2f: {  	lr =	sadd.s32 s0, s3;
	s0 =	sld [smem:$0x3FA0]  }
0x30: {  	s3 =	sld [smem:$0x3FA3]  }
0x31: {  	[smem:$0x3FAC] =	sst s10  }
0x32: {  	s10 =	sld [smem:$0x3FAA];
	_ =	sdelay $0x3  }
0x33: {  	p0 =	seq.s32 s10, $0x1;
	s10 =	sld [smem:$0x3FAC];
	_ =	sdelay $0x3  }
0x34: {  	[smem:$0x3FAC] =	sst s10  }
0x35: {  	s10 =	sld [smem:$0x3FAB];
	_ =	sdelay $0x3  }
0x36: {  	p1 =	seq.s32 s10, $0x1;
	s10 =	sld [smem:$0x3FAC];
	_ =	sdelay $0x3  }
0x37: {  	[smem:$0x3FAC] =	sst s10  }
0x38: {  	s10 =	sld [smem:$0x3FAD]  }
0x39: {  	_ = 	snop;
	(pc) =	sbr.ind lr, $3  }
0x3a: {  	_ = 	snop  }
0x3b: {  	_ = 	snop  }
0x3c: {  	p2 =	seq.s32 s10, $0x1;
	s10 =	sld [smem:$0x3FAC]  }
0x3d: {  	_ =	shalt  }
0x3e: {  	_ =	shalt  }
0x3f: {  	_ =	shalt  }
0x40: {  	_ =	shalt  }
0x41: {  	_ =	shalt  }
0x42: {  	_ =	shalt  }
0x43: {  	_ =	shalt  }
0x44: {  	_ =	shalt  }
0x45: {  	_ =	shalt  }
0x46: {  	_ =	shalt  }
0x47: {  	_ =	shalt  }
0x48: {  	_ =	shalt  }
0x49: {  	_ =	shalt  }
0x4a: {  	_ =	shalt  }
0x4b: {  	_ =	shalt  }
0x4c: {  	_ =	shalt  }
0x4d: {  	_ =	shalt  }
0x4e: {  	_ =	shalt  }
0x4f: {  	_ =	shalt  }
0x50: {  	_ =	shalt  }
0x51: {  	_ =	shalt  }
0x52: {  	_ =	shalt  }
0x53: {  	_ =	shalt  }
0x54: {  	_ =	shalt  }
0x55: {  	_ =	shalt  }
0x56: {  	_ =	shalt  }
0x57: {  	_ =	shalt  }
0x58: {  	_ =	shalt  }
0x59: {  	_ =	shalt  }
0x5a: {  	_ =	shalt  }
0x5b: {  	_ =	shalt  }
0x5c: {  	_ =	shalt  }
0x5d: {  	_ =	shalt  }
0x5e: {  	_ =	shalt  }
0x5f: {  	_ =	shalt  }
0x60: {  	_ =	shalt  }
0x61: {  	_ =	shalt  }
0x62: {  	_ =	shalt  }
0x63: {  	_ =	shalt  }
0x64: {  	_ =	shalt  }
0x65: {  	_ =	shalt  }
0x66: {  	_ =	shalt  }
0x67: {  	_ =	shalt  }
0x68: {  	_ =	shalt  }
0x69: {  	_ =	shalt  }
0x6a: {  	_ =	shalt  }
0x6b: {  	_ =	shalt  }
0x6c: {  	_ =	shalt  }
0x6d: {  	_ =	shalt  }
0x6e: {  	_ =	shalt  }
0x6f: {  	_ =	shalt  }
0x70: {  	_ =	shalt  }
0x71: {  	_ =	shalt  }
0x72: {  	_ =	shalt  }
0x73: {  	_ =	shalt  }
0x74: {  	_ =	shalt  }
0x75: {  	_ =	shalt  }
0x76: {  	_ =	shalt  }
0x77: {  	_ =	shalt  }
0x78: {  	_ =	shalt  }
0x79: {  	_ =	shalt  }
0x7a: {  	_ =	shalt  }
0x7b: {  	_ =	shalt  }
0x7c: {  	_ =	shalt  }
0x7d: {  	_ =	shalt  }
0x7e: {  	_ =	shalt  }
0x7f: {  	_ =	shalt  }
0x80: {  	_ =	shalt  }
0x81: {  	_ =	shalt  }
0x82: {  	_ =	shalt  }
0x83: {  	_ =	shalt  }
0x84: {  	_ =	shalt  }
0x85: {  	_ =	shalt  }
0x86: {  	_ =	shalt  }
0x87: {  	_ =	shalt  }
.Lfunc_end0:
.L_simem_size_0:
called_computation_lowered:
.L_overlay_start_0:
0x88: {  	s2 =	sld [smem:$0x3FD9]  }
0x89: {  	s3 =	sld [smem:$0x3FFE];
	_ =	sdelay $0x1  }
0x8a: {  	s1 =	srdreg.scid  }
0x8b: {  	s0 =	sand.u32 $0x1, s1  }
0x8c: {  	s17 =	sshll.u32 s0, $0xA;
	s2 =	sadd.s32 s3, s2  }
0x8d: {  	s2 =	sadd.s32 s2, s17  }
0x8e: {  	[smem:$0x3FB8] =	sst s2  }
0x8f: {  	_ = 	snop  }
0x90: {  	s2 =	sld [smem:$0x3FD0];
	(tm) =	ssettm $0x1  }
0x91: {  	s18 =	sld [smem:$0x3FFB];
	_ =	sdelay $0x3  }
0x92: {  	_ =	strace s18  }
0x93: {  	s3 =	sld [smem:$0x3FFC];
	_ =	sdelay $0x3  }
0x94: {  	_ =	strace s3  }
0x95: {  	s3 =	sld [smem:$0x3FFD];
	_ =	sdelay $0x3  }
0x96: {  	_ =	strace s3  }
0x97: {  	_ =	strace $0x8FFFFFFF  }
0x98: {  	s19 =	sld [smem:$0x3FDB];
	_ =	sdelay $0x1  }
0x99: {  	s4 =	simm.s32 $_scs_section_size  }
0x9a: {  	s5 =	simm.s32 $_size__tile_overlayer_lowered;
	s6 =	simm.s32 $_tile_overlayer_lowered  }
0x9b: {  	s22 =	simm.s32 $0x1BFF;
	s21 =	sshll.u32 s6, $0x1;
	s3 =	sadd.s32 s4, s19  }
0x9c: {  	s7 =	simm.s32 $0x0;
	s20 =	sshll.u32 s5, $0x1;
	s5 =	sadd.s32 s21, s3  }
0x9d: {  	[timem:s7], [sflag:s22] =	dma.local [hbm:s5], s20  }
0x9e: {  	_ =	swait.ge [sflag:s22], s20  }
0x9f: {  	s4 =	ssub.s32 $0x0, s20;
	[sflag:s22] =	ssyncset.done $0x0  }
0xa0: {  	[sflag:s22] =	ssyncadd.s32 s4;
	_ =	sdelay $0x1  }
0xa1: {  	s23 =	simm.s32 $0x1B8B  }
0xa2: {  	_ =	swait.ge [sflag:s23], $0x1  }
0xa3: {  	[sflag:s23] =	ssyncset.done $0x0  }
0xa4: {  	s25 =	simm.s32 $0x1B8E;
	s24 =	sld [smem:$0x3FFE];
	[sflag:s23] =	ssyncadd.s32 $0xFFFFFFFF  }
0xa5: {  	s26 =	simm.s32 $execute0_lowered;
	[smem:$0x3FD2] =	sst s25  }
0xa6: {  	s5 =	sshll.u32 s26, $0x1;
	_ =	strace $0x80000046;
	[dreg:$0x1] =	wrdreg $0xFFFFFFFF  }
0xa7: {  	s28 =	simm.s32 $_size_execute0_lowered;
	s3 =	sadd.s32 s3, s5;
	[dreg:$0x0] =	wrdreg $0x0  }
0xa8: {  	s5 =	sshll.u32 s28, $0x1;
	[dreg:$0x2] =	wrdreg s3  }
0xa9: {  	[dreg:$0x3] =	wrdreg s5  }
0xaa: {  	[dreg:$0x4] =	wrdreg $0xC0  }
0xab: {  	_ =	task [dreg:s7], $0x5FFFF  }
0xac: {  	[dreg:$0x1] =	wrdreg $0xFFFFFFFF  }
0xad: {  	[dreg:$0x0] =	wrdreg $0x60  }
0xae: {  	[dreg:$0x2] =	wrdreg s24  }
0xaf: {  	[dreg:$0x3] =	wrdreg s2  }
0xb0: {  	[dreg:$0x4] =	wrdreg $0x116200  }
0xb1: {  	[dreg:$0x5] =	wrdreg $0x1B4E00  }
0xb2: {  	[dreg:$0x6] =	wrdreg $0x9  }
0xb3: {  	_ =	task.clear_ibuf [dreg:s7], $0x7FFFF;
	_ =	strace $0x90000046  }
0xb4: {  	s29 =	simm.s32 $0x9;
	_ =	strace $0x80000048  }
0xb5: {  	_ =	swait.ge [sflag:s29], $0x1  }
0xb6: {  	[sflag:s29] =	ssyncadd.s32 $0xFFFFFFFF  }
0xb7: {  	_ =	strace $0x90000048  }
0xb8: {  	_ =	sfence  }
0xb9: {  	s30 =	sld [smem:$0x0];
	_ =	sdelay $0x2  }
0xba: {  	s31 =	sshll.u32 s1, $0xD;
	s1 =	sshrl.u32 s1, $0x2  }
0xbb: {  	s3 =	sand.u32 $0x4000, s31;
	s1 =	sadd.s32 s1, s30  }
0xbc: {  	s0 =	sor.u32 s3, s0;
	s1 =	sshll.u32 s1, $0x11  }
0xbd: {  	s0 =	sor.u32 s1, s0  }
0xbe: {  	s0 =	sadd.s32 $0x8F2B, s0  }
0xbf: {  	[sflag:s0] =	ssyncadd.remote.s32 $0x1  }
0xc0: {  	_ =	sfence.sel $0xFFFF  }
0xc1: {  	[dreg:$0x0] =	wrdreg $0xFFFFFFFF;
	(pc) =	sbr.abs _section_cstart, $3  }
0xc2: {  	[dreg:$0x1] =	wrdreg $0xFFFFFFFF  }
0xc3: {  	_ =	task.clear_ibuf [dreg:s7], $0x2FFFF;
	_ =	strace $0x9FFFFFFF  }
0xc4: {  	(tm) =	ssettm $0x7FFFFFFF  }
0xc5: {  	_ =	shalt  }
tec
execute0_lowered:
.L_overlay_start_1:
0x0: {  	(tag) =	ssettag $0x1  }
0x1: {  	s0 =	rddreg [dreg:$0x0];
	s1 =	srdreg.scid  }
0x2: {  	s24 =	stileid.u32;
	s4 =	rddreg [dreg:$0x1]  }
0x3: {  	s2 =	rddreg [dreg:$0x2];
	s16 =	simm.s32 $0x0;
	s29 =	simm.s32 $0xE420  }
0x4: {  	s30 =	simm.s32 $0x2;
	s31 =	simm.s32 $0x28A0;
	s7 =	smul.u32 $0x13880, s24  }
0x5: {  	s28 =	simm.s32 $0x4A38;
	s1 =	sand.u32 $0x1, s1;
	s12 =	smul.u32 $0x27100, s24  }
0x6: {  	s3 =	sshll.u32 s24, $0x1;
	[smem:$0x7FF] =	sst s16;
	s20 =	smul.u32 $0xA00, s24  }
0x7: {  	p0 =	seq.s32 s24, $0xF;
	p1 =	sne.s32 s24, $0x0;
	s24 =	simm.s32 $0x2968  }
0x8: {  	s5 =	sor.u32 s1, s3;
	s3 =	rddreg [dreg:$0x3];
	s8 =	smul.u32 $0x138800, s1  }
0x9: {  	_ =	strace $0x80000047;
	s10 =	smul.u32 $0x4E2, s1;
	s1 =	ssub.s32 $0x2, s1  }
0xa: {  	s6 =	smul.u32 $0x4E2, s5;
	s5 =	sadd.s32 $0x3800, s0;
	s17 =	sshrl.u32 s1, $0x1  }
0xb: {  	s19 =	sshrl.u32 s12, $0x2;
	s25 =	sshrl.u32 s20, $0x2;
	s13 =	sadd.s32 $0x2580, s3  }
0xc: {  	s20 =	simm.s32 $0xC8;
	s8 =	sadd.s32 s7, s8;
	s1 =	ssub.s32 s1, s17  }
0xd: {  	s7 =	sshrl.u32 s7, $0x1;
	s21 =	sadd.s32 s19, s2;
	s26 =	sadd.s32 s25, s3  }
0xe: {  	s17 =	simm.s32 $0x3;
	s19 =	simm.s32 $0x4E20;
	s25 =	simm.s32 $0xB220  }
0xf: {  	s9 =	sadd.s32 s6, s0;
	s8 =	sshrl.u32 s8, $0x4;
	s4 =	sadd.s32 s4, s6  }
0x10: {  	s22 =	sadd.s32 $0x3200, s21;
	s23 =	sadd.s32 $0x6400, s21;
	[dreg:$0xa] =	wrdreg s26  }
0x11: {  	s16 =	smax.u32 s1, $0x1;
	s26 =	simm.s32 $0x27D8;
	s1 =	simm.s32 $0x4970  }
0x12: {  	s6 =	simm.s32 $0x4C90;
	s11 =	sadd.s32 s8, s0;
	[dreg:$0x6] =	wrdreg s4  }
0x13: {  	s0 =	sadd.s32 s10, s0;
	s18 =	sadd.s32 $0x17200, s9;
	[dreg:$0x7] =	wrdreg s22  }
0x14: {  	s8 =	sadd.s32 s7, s2;
	[dreg:$0x8] =	wrdreg s23;
	s4 =	sadd.s32 $0x9600, s21  }
0x15: {  	s21 =	simm.s32 $0x8020;
	s22 =	simm.s32 $0x1;
	s23 =	simm.s32 $0x1B260  }
0x16: {  	s7 =	simm.s32 $0x4D58;
	s9 =	simm.s32 $0x0;
	[dreg:$0x5] =	wrdreg s18  }
0x17: {  	[dreg:$0x9] =	wrdreg s4;
	s14 =	sadd.s32 $0x21000, s11;
	s15 =	sadd.s32 $0x48200, s0  }
0x18: {  	v0 =	vimm.bf16 $0.0e+00;
	v1 =	vimm.f32 $0.0e+00;
	v2 =	vimm.f32 $1.000000000e+00;
	s18 =	simm.s32 $0x2710;
	s0 =	simm.s32 $0x4B00;
	s4 =	simm.s32 $0x4BC8  }
.LBB2_1:
0x19: {  	s10 =	simm.s32 $0x0;
	s11 =	rddreg [dreg:$0x5]  }
0x1a: {  	[tilespmem:s10], [sflag:$0x3] =	stream.linear.gather [hbm4b:s11+s10], $0x2710, $0x38;
	[tilespmem:$0x1B758] =	vst v63  }
0x1b: {  	_ =	swait.ge [sflag:s17], $0x2710  }
0x1c: {  	[sflag:s17] =	ssyncset.done $0x0  }
0x1d: {  	s12 =	rddreg [dreg:$0x6];
	[sflag:s17] =	ssyncadd.s32 $0xFFFFD8F0  }
0x1e: {  	[tilespmem:s18], [sflag:$0x3] =	stream.linear.gather [hbm4b:s12+s10], $0x2710, $0x38;
	[tilespmem:$0x1B758] =	vst v63  }
0x1f: {  	_ =	swait.ge [sflag:s17], $0x2710  }
0x20: {  	[sflag:s17] =	ssyncset.done $0x0  }
0x21: {  	s11 =	simm.s32 $0x100;
	s10 =	simm.s32 $0x0;
	[sflag:s17] =	ssyncadd.s32 $0xFFFFD8F0  }
.LBB2_2:
0x22: {  	p2 =	sne.s32 s11, $0xC700;
	[tilespmem:s10+$0x4E50] =	vst v0;
	s12 =	smov.u32 s11;
	s11 =	sadd.s32 $0x100, s11  }
.Ltmp0:
0x23: {  	[tilespmem:s10+$0x4E40] =	vst v0;
	(pc) =	sbr.rel @p2 .LBB2_2-.Ltmp0, $3  }
0x24: {  	[tilespmem:s10+$0x4E20] =	vst v0  }
0x25: {  	[tilespmem:s10+$0x4E30] =	vst v0;
	_ =	sdelay $0x1  }
0x26: {  	s10 =	sshra.s32 s12, $0x2  }
0x27: {  	[tilespmem:s10+$0x4E50] =	vst v0  }
0x28: {  	[tilespmem:s10+$0x4E40] =	vst v0  }
0x29: {  	[tilespmem:s10+$0x4E20] =	vst v0  }
0x2a: {  	[tilespmem:s10+$0x4E30] =	vst v0  }
0x2b: {  	[spmem:s8] =	stream.linear.scatter [tilespmem:s19], [sflag:$0x3], $0x3200, $0x38;
	[tilespmem:$0x1B758] =	vst v63  }
0x2c: {  	_ =	swait.ge [sflag:s17], $0x3200  }
0x2d: {  	[sflag:s17] =	ssyncset.done $0x0  }
0x2e: {  	s12 =	rddreg [dreg:$0x7];
	[sflag:s17] =	ssyncadd.s32 $0xFFFFCE00  }
0x2f: {  	[spmem:s12] =	stream.linear.scatter [tilespmem:s19], [sflag:$0x3], $0x3200, $0x38;
	[tilespmem:$0x1B758] =	vst v63  }
0x30: {  	_ =	swait.ge [sflag:s17], $0x3200  }
0x31: {  	[sflag:s17] =	ssyncset.done $0x0  }
0x32: {  	s11 =	rddreg [dreg:$0x8];
	[sflag:s17] =	ssyncadd.s32 $0xFFFFCE00  }
0x33: {  	[spmem:s11] =	stream.linear.scatter [tilespmem:s19], [sflag:$0x3], $0x3200, $0x38;
	[tilespmem:$0x1B758] =	vst v63  }
0x34: {  	_ =	swait.ge [sflag:s17], $0x3200  }
0x35: {  	[sflag:s17] =	ssyncset.done $0x0  }
0x36: {  	s12 =	rddreg [dreg:$0x9];
	[sflag:s17] =	ssyncadd.s32 $0xFFFFCE00  }
0x37: {  	[spmem:s12] =	stream.linear.scatter [tilespmem:s19], [sflag:$0x3], $0x640, $0x38;
	[tilespmem:$0x1B758] =	vst v63  }
0x38: {  	_ =	swait.ge [sflag:s17], $0x640  }
0x39: {  	[sflag:s17] =	ssyncset.done $0x0  }
0x3a: {  	[sflag:s17] =	ssyncadd.s32 $0xFFFFF9C0  }
0x3b: {  	[tilespmem:$0x1B260] =	vst v1  }
0x3c: {  	[tilespmem:$0x1B270] =	vst v1  }
0x3d: {  	[tilespmem:$0x1B280] =	vst v1  }
0x3e: {  	[tilespmem:$0x1B290] =	vst v1  }
0x3f: {  	[tilespmem:$0x1B2A0] =	vst v1  }
0x40: {  	[tilespmem:$0x1B2B0] =	vst v1  }
0x41: {  	[tilespmem:$0x1B2C0] =	vst v1  }
0x42: {  	[tilespmem:$0x1B2D0] =	vst v1  }
0x43: {  	[tilespmem:$0x1B2E0] =	vst v1  }
0x44: {  	[tilespmem:$0x1B2F0] =	vst v1  }
0x45: {  	[tilespmem:$0x1B300] =	vst v1  }
0x46: {  	[tilespmem:$0x1B310] =	vst v1  }
0x47: {  	[tilespmem:$0x1B320] =	vst v1  }
0x48: {  	[tilespmem:$0x1B330] =	vst v1  }
0x49: {  	[tilespmem:$0x1B340] =	vst v1  }
0x4a: {  	[tilespmem:$0x1B350] =	vst v1  }
0x4b: {  	[tilespmem:$0x1B360] =	vst v1  }
0x4c: {  	[tilespmem:$0x1B370] =	vst v1  }
0x4d: {  	[tilespmem:$0x1B380] =	vst v1  }
0x4e: {  	[tilespmem:$0x1B390] =	vst v1  }
0x4f: {  	[tilespmem:$0x1B3A0] =	vst v1  }
0x50: {  	[tilespmem:$0x1B3B0] =	vst v1  }
0x51: {  	[tilespmem:$0x1B3C0] =	vst v1  }
0x52: {  	[tilespmem:$0x1B3D0] =	vst v1  }
0x53: {  	[tilespmem:$0x1B3E0] =	vst v1  }
0x54: {  	[tilespmem:$0x1B3F0] =	vst v1  }
0x55: {  	[tilespmem:$0x1B400] =	vst v1  }
0x56: {  	[tilespmem:$0x1B410] =	vst v1  }
0x57: {  	[tilespmem:$0x1B420] =	vst v1  }
0x58: {  	[tilespmem:$0x1B430] =	vst v1  }
0x59: {  	[tilespmem:$0x1B440] =	vst v1  }
0x5a: {  	[tilespmem:$0x1B450] =	vst v1  }
0x5b: {  	[tilespmem:$0x1B460] =	vst v1  }
0x5c: {  	[tilespmem:$0x1B470] =	vst v1  }
0x5d: {  	[tilespmem:$0x1B480] =	vst v1  }
0x5e: {  	[tilespmem:$0x1B490] =	vst v1  }
0x5f: {  	[tilespmem:$0x1B4A0] =	vst v1  }
0x60: {  	[tilespmem:$0x1B4B0] =	vst v1  }
0x61: {  	[tilespmem:$0x1B4C0] =	vst v1  }
0x62: {  	s10 =	simm.s32 @p0 $0x1B260;
	[tilespmem:$0x1B4D0] =	vst v1  }
0x63: {  	[spmem:s13] =	stream.linear.scatter @p0 [tilespmem:s10], [sflag:$0x3], $0x190, $0x38;
	[tilespmem:$0x1B758] =	vst v63  }
0x64: {  	s10 =	simm.s32 @p0 $0x3  }
0x65: {  	_ =	swait.ge @p0 [sflag:s10], $0x190  }
0x66: {  	[sflag:s10] =	ssyncset.done @p0 $0x0  }
0x67: {  	s11 =	rddreg [dreg:$0xa];
	[sflag:s10] =	ssyncadd.s32 @p0 $0xFFFFFE70;
	s10 =	simm.s32 @!p0 $0x1B260  }
0x68: {  	[spmem:s11] =	stream.linear.scatter @!p0 [tilespmem:s10], [sflag:$0x3], $0x280, $0x38;
	[tilespmem:$0x1B758] =	vst v63  }
0x69: {  	s10 =	simm.s32 @!p0 $0x3  }
0x6a: {  	_ =	swait.ge @!p0 [sflag:s10], $0x280  }
0x6b: {  	[sflag:s10] =	ssyncset.done @!p0 $0x0  }
0x6c: {  	[sflag:s10] =	ssyncadd.s32 @!p0 $0xFFFFFD80  }
0x6d: {  	[tilespmem:$0x1B260] =	vst v2  }
0x6e: {  	[tilespmem:$0x1B270] =	vst v2  }
0x6f: {  	[tilespmem:$0x1B280] =	vst v2  }
0x70: {  	[tilespmem:$0x1B290] =	vst v2  }
0x71: {  	[tilespmem:$0x1B2A0] =	vst v2  }
0x72: {  	[tilespmem:$0x1B2B0] =	vst v2  }
0x73: {  	[tilespmem:$0x1B2C0] =	vst v2  }
0x74: {  	[tilespmem:$0x1B2D0] =	vst v2  }
0x75: {  	[tilespmem:$0x1B2E0] =	vst v2  }
0x76: {  	[tilespmem:$0x1B2F0] =	vst v2  }
0x77: {  	[tilespmem:$0x1B300] =	vst v2  }
0x78: {  	[tilespmem:$0x1B310] =	vst v2  }
0x79: {  	[tilespmem:$0x1B320] =	vst v2  }
0x7a: {  	[tilespmem:$0x1B330] =	vst v2  }
0x7b: {  	[tilespmem:$0x1B340] =	vst v2  }
0x7c: {  	[tilespmem:$0x1B350] =	vst v2  }
0x7d: {  	[tilespmem:$0x1B360] =	vst v2  }
0x7e: {  	[tilespmem:$0x1B370] =	vst v2  }
0x7f: {  	[tilespmem:$0x1B380] =	vst v2  }
0x80: {  	[tilespmem:$0x1B390] =	vst v2  }
0x81: {  	[tilespmem:$0x1B3A0] =	vst v2  }
0x82: {  	[tilespmem:$0x1B3B0] =	vst v2  }
0x83: {  	[tilespmem:$0x1B3C0] =	vst v2  }
0x84: {  	[tilespmem:$0x1B3D0] =	vst v2  }
0x85: {  	[tilespmem:$0x1B3E0] =	vst v2  }
0x86: {  	[tilespmem:$0x1B3F0] =	vst v2  }
0x87: {  	[tilespmem:$0x1B400] =	vst v2  }
0x88: {  	[tilespmem:$0x1B410] =	vst v2  }
0x89: {  	[tilespmem:$0x1B420] =	vst v2  }
0x8a: {  	[tilespmem:$0x1B430] =	vst v2  }
0x8b: {  	[tilespmem:$0x1B440] =	vst v2  }
0x8c: {  	[tilespmem:$0x1B450] =	vst v2  }
0x8d: {  	[tilespmem:$0x1B460] =	vst v2  }
0x8e: {  	[tilespmem:$0x1B470] =	vst v2  }
0x8f: {  	[tilespmem:$0x1B480] =	vst v2  }
0x90: {  	[tilespmem:$0x1B490] =	vst v2  }
0x91: {  	[tilespmem:$0x1B4A0] =	vst v2  }
0x92: {  	[tilespmem:$0x1B4B0] =	vst v2  }
0x93: {  	[tilespmem:$0x1B4C0] =	vst v2  }
0x94: {  	[tilespmem:$0x1B4D0] =	vst v2  }
0x95: {  	s11 =	simm.s32 $0x0;
	[bflag:$0x0] =	sbarrier.arrive $0xFFFF  }
0x96: {  	[tilespmem:s19], [sflag:$0x1] =	stream.indirect.gather [hbm4b:s5+s20], $0x40, s11, s20, $0xb8;
	[tilespmem:$0x1B758] =	vst v63  }
0x97: {  	_ = 	snop  }
0x98: {  	[tilespmem:s21], [sflag:$0x1] =	stream.indirect.gather [hbm4b:s5+s20], $0x40, s20, s20, $0xb8;
	[tilespmem:$0x1B758] =	vst v63  }
0x99: {  	_ =	swait.ge [sflag:s22], $0x3200  }
0x9a: {  	[sflag:s22] =	ssyncset.done $0x0  }
0x9b: {  	[sflag:s22] =	ssyncadd.s32 $0xFFFFCE00  }
0x9c: {  	[spmem:s2] =	stream.indirect.scatter.add.bf16 [tilespmem:s19], [sflag:$0x2], $0x40, s18, s20, $0xb8;
	[tilespmem:$0x1B758] =	vst v63  }
0x9d: {  	_ = 	snop  }
0x9e: {  	[spmem:s3] =	stream.indirect.scatter.add.f32 [tilespmem:s23], [sflag:$0x3], $0x1, s18, s20, $0xb8;
	[tilespmem:$0x1B758] =	vst v63  }
0x9f: {  	_ =	swait.ge [sflag:s17], $0xC8  }
0xa0: {  	[sflag:s17] =	ssyncset.done $0x0  }
0xa1: {  	s12 =	simm.s32 $0x190;
	[sflag:s17] =	ssyncadd.s32 $0xFFFFFF38  }
0xa2: {  	[tilespmem:s25], [sflag:$0x1] =	stream.indirect.gather [hbm4b:s5+s20], $0x40, s12, s20, $0xb8;
	[tilespmem:$0x1B758] =	vst v63  }
0xa3: {  	_ =	swait.ge [sflag:s22], $0x3200  }
0xa4: {  	[sflag:s22] =	ssyncset.done $0x0  }
0xa5: {  	[sflag:s22] =	ssyncadd.s32 $0xFFFFCE00  }
0xa6: {  	[spmem:s2] =	stream.indirect.scatter.add.bf16 [tilespmem:s21], [sflag:$0x2], $0x40, s26, s20, $0xb8;
	[tilespmem:$0x1B758] =	vst v63  }
0xa7: {  	_ = 	snop  }
0xa8: {  	[spmem:s3] =	stream.indirect.scatter.add.f32 [tilespmem:s23], [sflag:$0x3], $0x1, s26, s20, $0xb8;
	[tilespmem:$0x1B758] =	vst v63  }
0xa9: {  	_ =	swait.ge [sflag:s17], $0xC8  }
0xaa: {  	[sflag:s17] =	ssyncset.done $0x0  }
0xab: {  	s11 =	simm.s32 $0x258;
	[sflag:s17] =	ssyncadd.s32 $0xFFFFFF38  }
0xac: {  	[tilespmem:s29], [sflag:$0x1] =	stream.indirect.gather [hbm4b:s5+s20], $0x40, s11, s20, $0xb8;
	[tilespmem:$0x1B758] =	vst v63  }
0xad: {  	_ =	swait.ge [sflag:s22], $0x3200  }
0xae: {  	[sflag:s22] =	ssyncset.done $0x0  }
0xaf: {  	[sflag:s22] =	ssyncadd.s32 $0xFFFFCE00  }
0xb0: {  	_ =	swait.ge [sflag:s30], $0x3200  }
0xb1: {  	[sflag:s30] =	ssyncset.done $0x0  }
0xb2: {  	[sflag:s30] =	ssyncadd.s32 $0xFFFFCE00  }
0xb3: {  	[spmem:s2] =	stream.indirect.scatter.add.bf16 [tilespmem:s25], [sflag:$0x2], $0x40, s31, s20, $0xb8;
	[tilespmem:$0x1B758] =	vst v63  }
0xb4: {  	_ = 	snop  }
0xb5: {  	[spmem:s3] =	stream.indirect.scatter.add.f32 [tilespmem:s23], [sflag:$0x3], $0x1, s31, s20, $0xb8;
	[tilespmem:$0x1B758] =	vst v63  }
0xb6: {  	_ =	swait.ge [sflag:s17], $0xC8  }
0xb7: {  	[sflag:s17] =	ssyncset.done $0x0  }
0xb8: {  	s12 =	simm.s32 $0x320;
	[sflag:s17] =	ssyncadd.s32 $0xFFFFFF38  }
0xb9: {  	[tilespmem:s19], [sflag:$0x1] =	stream.indirect.gather [hbm4b:s5+s20], $0x40, s12, s20, $0xb8;
	[tilespmem:$0x1B758] =	vst v63  }
0xba: {  	_ =	swait.ge [sflag:s22], $0x3200  }
0xbb: {  	[sflag:s22] =	ssyncset.done $0x0  }
0xbc: {  	[sflag:s22] =	ssyncadd.s32 $0xFFFFCE00  }
0xbd: {  	_ =	swait.ge [sflag:s30], $0x3200  }
0xbe: {  	[sflag:s30] =	ssyncset.done $0x0  }
0xbf: {  	[sflag:s30] =	ssyncadd.s32 $0xFFFFCE00  }
0xc0: {  	[spmem:s2] =	stream.indirect.scatter.add.bf16 [tilespmem:s29], [sflag:$0x2], $0x40, s24, s20, $0xb8;
	[tilespmem:$0x1B758] =	vst v63  }
0xc1: {  	_ = 	snop  }
0xc2: {  	[spmem:s3] =	stream.indirect.scatter.add.f32 [tilespmem:s23], [sflag:$0x3], $0x1, s24, s20, $0xb8;
	[tilespmem:$0x1B758] =	vst v63  }
0xc3: {  	_ =	swait.ge [sflag:s17], $0xC8  }
0xc4: {  	[sflag:s17] =	ssyncset.done $0x0  }
0xc5: {  	s11 =	simm.s32 $0x3E8;
	[sflag:s17] =	ssyncadd.s32 $0xFFFFFF38  }
0xc6: {  	[tilespmem:s21], [sflag:$0x1] =	stream.indirect.gather [hbm4b:s5+s20], $0x40, s11, s20, $0xb8;
	[tilespmem:$0x1B758] =	vst v63  }
0xc7: {  	_ =	swait.ge [sflag:s22], $0x3200  }
0xc8: {  	[sflag:s22] =	ssyncset.done $0x0  }
0xc9: {  	[sflag:s22] =	ssyncadd.s32 $0xFFFFCE00  }
0xca: {  	_ =	swait.ge [sflag:s30], $0x3200  }
0xcb: {  	[sflag:s30] =	ssyncset.done $0x0  }
0xcc: {  	s12 =	simm.s32 $0x2A30;
	[sflag:s30] =	ssyncadd.s32 $0xFFFFCE00  }
0xcd: {  	[spmem:s2] =	stream.indirect.scatter.add.bf16 [tilespmem:s19], [sflag:$0x2], $0x40, s12, s20, $0xb8;
	[tilespmem:$0x1B758] =	vst v63  }
0xce: {  	_ = 	snop  }
0xcf: {  	[spmem:s3] =	stream.indirect.scatter.add.f32 [tilespmem:s23], [sflag:$0x3], $0x1, s12, s20, $0xb8;
	[tilespmem:$0x1B758] =	vst v63  }
0xd0: {  	_ =	swait.ge [sflag:s17], $0xC8  }
0xd1: {  	[sflag:s17] =	ssyncset.done $0x0  }
0xd2: {  	s11 =	simm.s32 $0x4B0;
	[sflag:s17] =	ssyncadd.s32 $0xFFFFFF38  }
0xd3: {  	[tilespmem:s25], [sflag:$0x1] =	stream.indirect.gather [hbm4b:s5+s20], $0x40, s11, s20, $0xb8;
	[tilespmem:$0x1B758] =	vst v63  }
0xd4: {  	_ =	swait.ge [sflag:s22], $0x3200  }
0xd5: {  	[sflag:s22] =	ssyncset.done $0x0  }
0xd6: {  	[sflag:s22] =	ssyncadd.s32 $0xFFFFCE00  }
0xd7: {  	_ =	swait.ge [sflag:s30], $0x3200  }
0xd8: {  	[sflag:s30] =	ssyncset.done $0x0  }
0xd9: {  	s12 =	simm.s32 $0x2AF8;
	[sflag:s30] =	ssyncadd.s32 $0xFFFFCE00  }
0xda: {  	[spmem:s2] =	stream.indirect.scatter.add.bf16 [tilespmem:s21], [sflag:$0x2], $0x40, s12, s20, $0xb8;
	[tilespmem:$0x1B758] =	vst v63  }
0xdb: {  	_ = 	snop  }
0xdc: {  	[spmem:s3] =	stream.indirect.scatter.add.f32 [tilespmem:s23], [sflag:$0x3], $0x1, s12, s20, $0xb8;
	[tilespmem:$0x1B758] =	vst v63  }
0xdd: {  	_ =	swait.ge [sflag:s17], $0xC8  }
0xde: {  	[sflag:s17] =	ssyncset.done $0x0  }
0xdf: {  	s11 =	simm.s32 $0x578;
	[sflag:s17] =	ssyncadd.s32 $0xFFFFFF38  }
0xe0: {  	[tilespmem:s29], [sflag:$0x1] =	stream.indirect.gather [hbm4b:s5+s20], $0x40, s11, s20, $0xb8;
	[tilespmem:$0x1B758] =	vst v63  }
0xe1: {  	_ =	swait.ge [sflag:s22], $0x3200  }
0xe2: {  	[sflag:s22] =	ssyncset.done $0x0  }
0xe3: {  	[sflag:s22] =	ssyncadd.s32 $0xFFFFCE00  }
0xe4: {  	_ =	swait.ge [sflag:s30], $0x3200  }
0xe5: {  	[sflag:s30] =	ssyncset.done $0x0  }
0xe6: {  	s12 =	simm.s32 $0x2BC0;
	[sflag:s30] =	ssyncadd.s32 $0xFFFFCE00  }
0xe7: {  	[spmem:s2] =	stream.indirect.scatter.add.bf16 [tilespmem:s25], [sflag:$0x2], $0x40, s12, s20, $0xb8;
	[tilespmem:$0x1B758] =	vst v63  }
0xe8: {  	_ = 	snop  }
0xe9: {  	[spmem:s3] =	stream.indirect.scatter.add.f32 [tilespmem:s23], [sflag:$0x3], $0x1, s12, s20, $0xb8;
	[tilespmem:$0x1B758] =	vst v63  }
0xea: {  	_ =	swait.ge [sflag:s17], $0xC8  }
0xeb: {  	[sflag:s17] =	ssyncset.done $0x0  }
0xec: {  	s11 =	simm.s32 $0x640;
	[sflag:s17] =	ssyncadd.s32 $0xFFFFFF38  }
0xed: {  	[tilespmem:s19], [sflag:$0x1] =	stream.indirect.gather [hbm4b:s5+s20], $0x40, s11, s20, $0xb8;
	[tilespmem:$0x1B758] =	vst v63  }
0xee: {  	_ =	swait.ge [sflag:s22], $0x3200  }
0xef: {  	[sflag:s22] =	ssyncset.done $0x0  }
0xf0: {  	[sflag:s22] =	ssyncadd.s32 $0xFFFFCE00  }
0xf1: {  	_ =	swait.ge [sflag:s30], $0x3200  }
0xf2: {  	[sflag:s30] =	ssyncset.done $0x0  }
0xf3: {  	s12 =	simm.s32 $0x2C88;
	[sflag:s30] =	ssyncadd.s32 $0xFFFFCE00  }
0xf4: {  	[spmem:s2] =	stream.indirect.scatter.add.bf16 [tilespmem:s29], [sflag:$0x2], $0x40, s12, s20, $0xb8;
	[tilespmem:$0x1B758] =	vst v63  }
0xf5: {  	_ = 	snop  }
0xf6: {  	[spmem:s3] =	stream.indirect.scatter.add.f32 [tilespmem:s23], [sflag:$0x3], $0x1, s12, s20, $0xb8;
	[tilespmem:$0x1B758] =	vst v63  }
0xf7: {  	_ =	swait.ge [sflag:s17], $0xC8  }
0xf8: {  	[sflag:s17] =	ssyncset.done $0x0  }
0xf9: {  	s10 =	simm.s32 $0xC80;
	s11 =	simm.s32 $0x708;
	[sflag:s17] =	ssyncadd.s32 $0xFFFFFF38  }
.LBB2_4:
0xfa: {  	[tilespmem:s21], [sflag:$0x1] =	stream.indirect.gather [hbm4b:s5+s20], $0x40, s11, s20, $0xb8;
	[tilespmem:$0x1B758] =	vst v63  }
0xfb: {  	s11 =	smov.u32 s10  }
0xfc: {  	p2 =	sne.s32 s10, $0x7080;
	s10 =	sadd.s32 $0xC80, s10;
	_ =	swait.ge [sflag:s22], $0x3200  }
0xfd: {  	[sflag:s22] =	ssyncset.done $0x0  }
0xfe: {  	[sflag:s22] =	ssyncadd.s32 $0xFFFFCE00  }
0xff: {  	_ =	swait.ge [sflag:s30], $0x3200  }
0x100: {  	s11 =	sshra.s32 s11, $0x2;
	[sflag:s30] =	ssyncset.done $0x0  }
0x101: {  	s12 =	sadd.s32 $0x2A30, s11;
	[sflag:s30] =	ssyncadd.s32 $0xFFFFCE00  }
0x102: {  	[spmem:s2] =	stream.indirect.scatter.add.bf16 [tilespmem:s19], [sflag:$0x2], $0x40, s12, s20, $0xb8;
	[tilespmem:$0x1B758] =	vst v63  }
0x103: {  	_ = 	snop  }
0x104: {  	[spmem:s3] =	stream.indirect.scatter.add.f32 [tilespmem:s23], [sflag:$0x3], $0x1, s12, s20, $0xb8;
	[tilespmem:$0x1B758] =	vst v63  }
0x105: {  	_ =	swait.ge [sflag:s17], $0xC8  }
0x106: {  	[sflag:s17] =	ssyncset.done $0x0  }
0x107: {  	s12 =	sadd.s32 $0x4B0, s11;
	[sflag:s17] =	ssyncadd.s32 $0xFFFFFF38  }
0x108: {  	[tilespmem:s25], [sflag:$0x1] =	stream.indirect.gather [hbm4b:s5+s20], $0x40, s12, s20, $0xb8;
	[tilespmem:$0x1B758] =	vst v63  }
0x109: {  	_ =	swait.ge [sflag:s22], $0x3200  }
0x10a: {  	[sflag:s22] =	ssyncset.done $0x0  }
0x10b: {  	[sflag:s22] =	ssyncadd.s32 $0xFFFFCE00  }
0x10c: {  	_ =	swait.ge [sflag:s30], $0x3200  }
0x10d: {  	[sflag:s30] =	ssyncset.done $0x0  }
0x10e: {  	s12 =	sadd.s32 $0x2AF8, s11;
	[sflag:s30] =	ssyncadd.s32 $0xFFFFCE00  }
0x10f: {  	[spmem:s2] =	stream.indirect.scatter.add.bf16 [tilespmem:s21], [sflag:$0x2], $0x40, s12, s20, $0xb8;
	[tilespmem:$0x1B758] =	vst v63  }
0x110: {  	_ = 	snop  }
0x111: {  	[spmem:s3] =	stream.indirect.scatter.add.f32 [tilespmem:s23], [sflag:$0x3], $0x1, s12, s20, $0xb8;
	[tilespmem:$0x1B758] =	vst v63  }
0x112: {  	_ =	swait.ge [sflag:s17], $0xC8  }
0x113: {  	[sflag:s17] =	ssyncset.done $0x0  }
0x114: {  	s12 =	sadd.s32 $0x578, s11;
	[sflag:s17] =	ssyncadd.s32 $0xFFFFFF38  }
0x115: {  	[tilespmem:s29], [sflag:$0x1] =	stream.indirect.gather [hbm4b:s5+s20], $0x40, s12, s20, $0xb8;
	[tilespmem:$0x1B758] =	vst v63  }
0x116: {  	_ =	swait.ge [sflag:s22], $0x3200  }
0x117: {  	[sflag:s22] =	ssyncset.done $0x0  }
0x118: {  	[sflag:s22] =	ssyncadd.s32 $0xFFFFCE00  }
0x119: {  	_ =	swait.ge [sflag:s30], $0x3200  }
0x11a: {  	[sflag:s30] =	ssyncset.done $0x0  }
0x11b: {  	s12 =	sadd.s32 $0x2BC0, s11;
	[sflag:s30] =	ssyncadd.s32 $0xFFFFCE00  }
0x11c: {  	[spmem:s2] =	stream.indirect.scatter.add.bf16 [tilespmem:s25], [sflag:$0x2], $0x40, s12, s20, $0xb8;
	[tilespmem:$0x1B758] =	vst v63  }
0x11d: {  	_ = 	snop  }
0x11e: {  	[spmem:s3] =	stream.indirect.scatter.add.f32 [tilespmem:s23], [sflag:$0x3], $0x1, s12, s20, $0xb8;
	[tilespmem:$0x1B758] =	vst v63  }
0x11f: {  	_ =	swait.ge [sflag:s17], $0xC8  }
0x120: {  	[sflag:s17] =	ssyncset.done $0x0  }
0x121: {  	s12 =	sadd.s32 $0x640, s11;
	[sflag:s17] =	ssyncadd.s32 $0xFFFFFF38  }
0x122: {  	[tilespmem:s19], [sflag:$0x1] =	stream.indirect.gather [hbm4b:s5+s20], $0x40, s12, s20, $0xb8;
	[tilespmem:$0x1B758] =	vst v63  }
0x123: {  	_ =	swait.ge [sflag:s22], $0x3200  }
0x124: {  	[sflag:s22] =	ssyncset.done $0x0  }
0x125: {  	[sflag:s22] =	ssyncadd.s32 $0xFFFFCE00  }
0x126: {  	_ =	swait.ge [sflag:s30], $0x3200  }
0x127: {  	[sflag:s30] =	ssyncset.done $0x0  }
0x128: {  	s12 =	sadd.s32 $0x2C88, s11;
	[sflag:s30] =	ssyncadd.s32 $0xFFFFCE00  }
0x129: {  	[spmem:s2] =	stream.indirect.scatter.add.bf16 [tilespmem:s29], [sflag:$0x2], $0x40, s12, s20, $0xb8;
	[tilespmem:$0x1B758] =	vst v63  }
.Ltmp1:
0x12a: {  	(pc) =	sbr.rel @p2 .LBB2_4-.Ltmp1, $4  }
0x12b: {  	[spmem:s3] =	stream.indirect.scatter.add.f32 [tilespmem:s23], [sflag:$0x3], $0x1, s12, s20, $0xb8;
	[tilespmem:$0x1B758] =	vst v63  }
0x12c: {  	_ =	swait.ge [sflag:s17], $0xC8  }
0x12d: {  	[sflag:s17] =	ssyncset.done $0x0  }
0x12e: {  	s11 =	sadd.s32 $0x708, s11;
	[sflag:s17] =	ssyncadd.s32 $0xFFFFFF38  }
0x12f: {  	[tilespmem:s21], [sflag:$0x1] =	stream.indirect.gather [hbm4b:s5+s20], $0x40, s11, s20, $0xb8;
	[tilespmem:$0x1B758] =	vst v63  }
0x130: {  	_ =	swait.ge [sflag:s22], $0x3200  }
0x131: {  	[sflag:s22] =	ssyncset.done $0x0  }
0x132: {  	[sflag:s22] =	ssyncadd.s32 $0xFFFFCE00  }
0x133: {  	_ =	swait.ge [sflag:s30], $0x3200  }
0x134: {  	[sflag:s30] =	ssyncset.done $0x0  }
0x135: {  	[sflag:s30] =	ssyncadd.s32 $0xFFFFCE00  }
0x136: {  	[spmem:s2] =	stream.indirect.scatter.add.bf16 [tilespmem:s19], [sflag:$0x2], $0x40, s1, s20, $0xb8;
	[tilespmem:$0x1B758] =	vst v63  }
0x137: {  	_ = 	snop  }
0x138: {  	[spmem:s3] =	stream.indirect.scatter.add.f32 [tilespmem:s23], [sflag:$0x3], $0x1, s1, s20, $0xb8;
	[tilespmem:$0x1B758] =	vst v63  }
0x139: {  	_ =	swait.ge [sflag:s17], $0xC8  }
0x13a: {  	[sflag:s17] =	ssyncset.done $0x0  }
0x13b: {  	s10 =	simm.s32 $0x23F0;
	[sflag:s17] =	ssyncadd.s32 $0xFFFFFF38  }
0x13c: {  	[tilespmem:s25], [sflag:$0x1] =	stream.indirect.gather [hbm4b:s5+s20], $0x40, s10, s20, $0xb8;
	[tilespmem:$0x1B758] =	vst v63  }
0x13d: {  	_ =	swait.ge [sflag:s22], $0x3200  }
0x13e: {  	[sflag:s22] =	ssyncset.done $0x0  }
0x13f: {  	[sflag:s22] =	ssyncadd.s32 $0xFFFFCE00  }
0x140: {  	_ =	swait.ge [sflag:s30], $0x3200  }
0x141: {  	[sflag:s30] =	ssyncset.done $0x0  }
0x142: {  	[sflag:s30] =	ssyncadd.s32 $0xFFFFCE00  }
0x143: {  	[spmem:s2] =	stream.indirect.scatter.add.bf16 [tilespmem:s21], [sflag:$0x2], $0x40, s28, s20, $0xb8;
	[tilespmem:$0x1B758] =	vst v63  }
0x144: {  	_ = 	snop  }
0x145: {  	[spmem:s3] =	stream.indirect.scatter.add.f32 [tilespmem:s23], [sflag:$0x3], $0x1, s28, s20, $0xb8;
	[tilespmem:$0x1B758] =	vst v63  }
0x146: {  	_ =	swait.ge [sflag:s17], $0xC8  }
0x147: {  	[sflag:s17] =	ssyncset.done $0x0  }
0x148: {  	s12 =	simm.s32 $0x24B8;
	[sflag:s17] =	ssyncadd.s32 $0xFFFFFF38  }
0x149: {  	[tilespmem:s29], [sflag:$0x1] =	stream.indirect.gather [hbm4b:s5+s20], $0x40, s12, s20, $0xb8;
	[tilespmem:$0x1B758] =	vst v63  }
0x14a: {  	_ =	swait.ge [sflag:s22], $0x3200  }
0x14b: {  	[sflag:s22] =	ssyncset.done $0x0  }
0x14c: {  	[sflag:s22] =	ssyncadd.s32 $0xFFFFCE00  }
0x14d: {  	_ =	swait.ge [sflag:s30], $0x3200  }
0x14e: {  	[sflag:s30] =	ssyncset.done $0x0  }
0x14f: {  	[sflag:s30] =	ssyncadd.s32 $0xFFFFCE00  }
0x150: {  	[spmem:s2] =	stream.indirect.scatter.add.bf16 [tilespmem:s25], [sflag:$0x2], $0x40, s0, s20, $0xb8;
	[tilespmem:$0x1B758] =	vst v63  }
0x151: {  	_ = 	snop  }
0x152: {  	[spmem:s3] =	stream.indirect.scatter.add.f32 [tilespmem:s23], [sflag:$0x3], $0x1, s0, s20, $0xb8;
	[tilespmem:$0x1B758] =	vst v63  }
0x153: {  	_ =	swait.ge [sflag:s17], $0xC8  }
0x154: {  	[sflag:s17] =	ssyncset.done $0x0  }
0x155: {  	s11 =	simm.s32 $0x2580;
	[sflag:s17] =	ssyncadd.s32 $0xFFFFFF38  }
0x156: {  	[tilespmem:s19], [sflag:$0x1] =	stream.indirect.gather [hbm4b:s5+s20], $0x40, s11, s20, $0xb8;
	[tilespmem:$0x1B758] =	vst v63  }
0x157: {  	_ =	swait.ge [sflag:s22], $0x3200  }
0x158: {  	[sflag:s22] =	ssyncset.done $0x0  }
0x159: {  	[sflag:s22] =	ssyncadd.s32 $0xFFFFCE00  }
0x15a: {  	_ =	swait.ge [sflag:s30], $0x3200  }
0x15b: {  	[sflag:s30] =	ssyncset.done $0x0  }
0x15c: {  	[sflag:s30] =	ssyncadd.s32 $0xFFFFCE00  }
0x15d: {  	[spmem:s2] =	stream.indirect.scatter.add.bf16 [tilespmem:s29], [sflag:$0x2], $0x40, s4, s20, $0xb8;
	[tilespmem:$0x1B758] =	vst v63  }
0x15e: {  	_ = 	snop  }
0x15f: {  	[spmem:s3] =	stream.indirect.scatter.add.f32 [tilespmem:s23], [sflag:$0x3], $0x1, s4, s20, $0xb8;
	[tilespmem:$0x1B758] =	vst v63  }
0x160: {  	_ =	swait.ge [sflag:s17], $0xC8  }
0x161: {  	[sflag:s17] =	ssyncset.done $0x0  }
0x162: {  	s12 =	simm.s32 $0x2648;
	[sflag:s17] =	ssyncadd.s32 $0xFFFFFF38  }
0x163: {  	[tilespmem:s21], [sflag:$0x1] =	stream.indirect.gather [hbm4b:s5+s20], $0x40, s12, s20, $0xb8;
	[tilespmem:$0x1B758] =	vst v63  }
0x164: {  	_ =	swait.ge [sflag:s22], $0x3200  }
0x165: {  	[sflag:s22] =	ssyncset.done $0x0  }
0x166: {  	[sflag:s22] =	ssyncadd.s32 $0xFFFFCE00  }
0x167: {  	_ =	swait.ge [sflag:s30], $0x3200  }
0x168: {  	[sflag:s30] =	ssyncset.done $0x0  }
0x169: {  	[sflag:s30] =	ssyncadd.s32 $0xFFFFCE00  }
0x16a: {  	[spmem:s2] =	stream.indirect.scatter.add.bf16 [tilespmem:s19], [sflag:$0x2], $0x40, s6, s20, $0xb8;
	[tilespmem:$0x1B758] =	vst v63  }
0x16b: {  	_ = 	snop  }
0x16c: {  	[spmem:s3] =	stream.indirect.scatter.add.f32 [tilespmem:s23], [sflag:$0x3], $0x1, s6, s20, $0xb8;
	[tilespmem:$0x1B758] =	vst v63  }
0x16d: {  	_ =	swait.ge [sflag:s17], $0xC8  }
0x16e: {  	[sflag:s17] =	ssyncset.done $0x0  }
0x16f: {  	[sflag:s17] =	ssyncadd.s32 $0xFFFFFF38  }
0x170: {  	_ =	swait.ge [sflag:s22], $0x3200  }
0x171: {  	[sflag:s22] =	ssyncset.done $0x0  }
0x172: {  	[sflag:s22] =	ssyncadd.s32 $0xFFFFCE00  }
0x173: {  	_ =	swait.ge [sflag:s30], $0x3200  }
0x174: {  	[sflag:s30] =	ssyncset.done $0x0  }
0x175: {  	[sflag:s30] =	ssyncadd.s32 $0xFFFFCE00  }
0x176: {  	[spmem:s2] =	stream.indirect.scatter.add.bf16 [tilespmem:s21], [sflag:$0x2], $0x40, s7, s20, $0xb8;
	[tilespmem:$0x1B758] =	vst v63  }
0x177: {  	_ = 	snop  }
0x178: {  	[spmem:s3] =	stream.indirect.scatter.add.f32 [tilespmem:s23], [sflag:$0x3], $0x1, s7, s20, $0xb8;
	[tilespmem:$0x1B758] =	vst v63  }
0x179: {  	_ =	swait.ge [sflag:s17], $0xC8  }
0x17a: {  	[sflag:s17] =	ssyncset.done $0x0  }
0x17b: {  	[sflag:s17] =	ssyncadd.s32 $0xFFFFFF38  }
0x17c: {  	_ =	swait.ge [sflag:s30], $0x3200  }
0x17d: {  	[sflag:s30] =	ssyncset.done $0x0  }
0x17e: {  	[sflag:s30] =	ssyncadd.s32 $0xFFFFCE00  }
0x17f: {  	_ =	swait.ge [sflag:s30], $0x3200  }
0x180: {  	s11 =	stileid.u32;
	[sflag:s30] =	ssyncset.done $0x0  }
0x181: {  	s10 =	sshll.u32 s11, $0x6;
	[sflag:s30] =	ssyncadd.s32 $0xFFFFCE00  }
0x182: {  	s10 =	sor.u32 $0x1C03, s10;
	s12 =	sshrl.u32 s8, $0x3;
	[bflag:$0x0] =	sbarrier.arrive $0xFFFF  }
0x183: {  	[hbm:s14], [sflag:s10] =	dma.local [spmem:s12], $0x1388  }
0x184: {  	_ =	swait.ge [sflag:s17], $0x1388  }
0x185: {  	s9 =	sadd.s32 $0x1, s9;
	[sflag:s17] =	ssyncset.done $0x0  }
0x186: {  	p2 =	sne.s32 s9, s16;
	s11 =	sshrl.u32 @!p1 s3, $0x3;
	[sflag:s17] =	ssyncadd.s32 $0xFFFFEC78  }
0x187: {  	[hbm:s15], [sflag:s10] =	dma.local @!p1 [spmem:s11], $0x4E2  }
.Ltmp2:
0x188: {  	_ = 	snop;
	(pc) =	sbr.rel @p2 .LBB2_1-.Ltmp2, $4  }
0x189: {  	s10 =	simm.s32 @!p1 $0x3  }
0x18a: {  	_ =	swait.ge @!p1 [sflag:s10], $0x4E2  }
0x18b: {  	[sflag:s10] =	ssyncset.done @!p1 $0x0  }
0x18c: {  	[sflag:s10] =	ssyncadd.s32 @!p1 $0xFFFFFB1E  }
0x18d: {  	_ =	sfence.sel $0x180000  }
0x18e: {  	[bflag:$0x0] =	sbarrier.arrive $0xFFFF  }
0x18f: {  	_ =	strace $0x90000047  }
0x190: {  	[bflag:$0x2] =	sbarrier.arrive $0xFFFF  }
0x191: {  	s0 =	rddreg [dreg:$0x4]  }
0x192: {  	s0 =	sadd.s32 @!p1 $0x100000, s0  }
0x193: {  	[sflag:s0] =	ssyncadd.tile.s32 @!p1 $0x1;
	_ =	shalt  }
.Lfunc_end2:
_tile_overlayer_lowered:
.L_overlay_start_2:
0x194: {  	(tag) =	ssettag $0x2  }
0x195: {  	s0 =	rddreg [dreg:$0x0];
	s2 =	stileid.u32  }
0x196: {  	s1 =	rddreg [dreg:$0x1];
	p0 =	sne.s32 s2, $0x0  }
0x197: {  	s3 =	rddreg [dreg:$0x2];
	[bflag:$0x3] =	sbarrier.arrive $0xFFFF;
	s2 =	simm.s32 @!p0 $0x1C03  }
0x198: {  	[timem:s3], [sflag:s2] =	dma.local @!p0 [hbm:s0], s1  }
0x199: {  	s0 =	simm.s32 @!p0 $0x3  }
0x19a: {  	_ =	swait.ge @!p0 [sflag:s0], s1  }
0x19b: {  	s1 =	ssub.s32 @!p0 $0x0, s1;
	[sflag:s0] =	ssyncset.done @!p0 $0x0  }
0x19c: {  	[sflag:s0] =	ssyncadd.s32 @!p0 s1  }
0x19d: {  	[bflag:$0x3] =	sbarrier.arrive $0xFFFF  }
0x19e: {  	_ =	shalt  }

</sc_bundles>
